<compile_context>
chip_gen: v7x
topology: tpu7x:2x2x1
jax: 0.10.2.dev20260603
libtpu: 0.0.44.dev20260713+nightly
codegen_flags: <defaults>
</compile_context>

<pallas_src>
import functools
import jax
import jax.numpy as jnp
from jax import lax
from jax.experimental import pallas as pl
from jax.experimental.pallas import tpu as pltpu
from jax.experimental.pallas import tpu_sc as plsc

B, M, D, E = 2, 2048, 768, 8
T = B * M
TB = 2048
NB = T // TB
BPB = max(NB // B, 1)
BLK = 256
NR = 2 * T + E * BLK
NBLK = NR // BLK
NBLKP = 48
NW = 32
IPW = 2 * T // 16
OPW = NR // NW
ZPW = NR // 16
GCH = 64
HIGH = lax.Precision.HIGHEST
DEF = lax.Precision.DEFAULT


def _cv2(v):
    mean = jnp.mean(v)
    var1 = jnp.sum((v - mean) ** 2) / (E - 1)
    return var1 / (mean * mean + 1e-10)


def _gate_body(x_ref, wg_ref, eg_ref, gg_ref, pg_ref, cnt_ref, bexp_ref,
               imp_ref, load_ref, run_scr):
    i = pl.program_id(0)
    xb = x_ref[...].astype(jnp.bfloat16)
    logits = jnp.dot(xb, wg_ref[...].astype(jnp.bfloat16),
                     preferred_element_type=jnp.float32)
    eidx = lax.broadcasted_iota(jnp.int32, (TB, E), 1)
    m1 = jnp.max(logits, axis=1, keepdims=True)
    a1 = jnp.min(jnp.where(logits == m1, eidx, E), axis=1, keepdims=True)
    masked = jnp.where(eidx == a1, -jnp.inf, logits)
    m2 = jnp.max(masked, axis=1, keepdims=True)
    a2 = jnp.min(jnp.where(masked == m2, eidx, E), axis=1, keepdims=True)
    ed = jnp.exp(m2 - m1)
    g1 = 1.0 / (1.0 + ed)
    g2 = ed / (1.0 + ed)
    gates = (jnp.where(eidx == a1, g1, 0.0)
             + jnp.where(eidx == a2, g2, 0.0))
    imp_ref[0, 0, :] = jnp.sum(gates, axis=0)
    load_ref[0, 0, :] = jnp.sum((gates > 0.0).astype(jnp.float32), axis=0)

    @pl.when(i == 0)
    def _():
        run_scr[...] = jnp.zeros_like(run_scr)

    n = ((eidx == a1) | (eidx == a2)).astype(jnp.int32)
    c = n
    sh = 1
    while sh < TB:
        c = c + jnp.concatenate(
            [jnp.zeros((sh, E), jnp.int32), c[:TB - sh, :]], axis=0)
        sh *= 2
    cex = c - n + run_scr[...]
    p1 = jnp.sum(jnp.where(eidx == a1, cex, 0), axis=1, keepdims=True)
    p2 = jnp.sum(jnp.where(eidx == a2, cex, 0), axis=1, keepdims=True)
    eg_ref[...] = jnp.concatenate([a1, a2], axis=1)
    gg_ref[...] = jnp.concatenate([g1, g2], axis=1)
    pg_ref[...] = jnp.concatenate([p1, p2], axis=1)
    new_run = run_scr[...] + jnp.sum(n, axis=0, keepdims=True)
    run_scr[...] = new_run

    @pl.when(i == NB - 1)
    def _():
        cnt_ref[...] = jnp.concatenate(
            [new_run, jnp.zeros((1, 16 - E), jnp.int32)], axis=1)
        lgb = BLK.bit_length() - 1
        padded = jnp.maximum(
            jnp.left_shift(jnp.right_shift(new_run + (BLK - 1), lgb), lgb),
            BLK)
        ends = jnp.concatenate(
            [jnp.sum(padded[:, :e2 + 1], axis=1, keepdims=True)
             for e2 in range(E)], axis=1)
        jpos = lax.broadcasted_iota(jnp.int32, (NBLKP, E), 0) * BLK
        cmp = (jpos >= ends).astype(jnp.int32)
        bexp_ref[...] = jnp.minimum(jnp.sum(cmp, axis=1, keepdims=True),
                                    E - 1)


def _sc_route(ecat, gcat, pcat, cnt16, x_hbm,
              src_o, wrow_o, xs_o,
              cnt_v, ebuf, gbuf, pbuf, posbuf, tvalbuf,
              sidxbuf, wbuf, sidxc, rows_v, zbi, zbf,
              src_sh, w_sh, sem):
    wid = lax.axis_index("s") * 2 + lax.axis_index("c")
    pltpu.sync_copy(cnt16, cnt_v)
    cv = cnt_v[...]
    lgb = BLK.bit_length() - 1
    padded = jnp.maximum(
        jnp.left_shift(jnp.right_shift(cv + (BLK - 1), lgb), lgb), BLK)
    lane = lax.broadcasted_iota(jnp.int32, (16,), 0)
    c = padded
    for shl in (1, 2, 4, 8):
        shifted = c.at[jnp.maximum(lane - shl, 0)].get(
            mode="promise_in_bounds")
        c = c + jnp.where(lane >= shl, shifted, 0)
    offs = c - padded

    sid = lax.axis_index("s")
    for k2 in range(ZPW // 16):
        zbi[pl.ds(k2 * 16, 16)] = jnp.zeros((16,), jnp.int32)
        zbf[pl.ds(k2 * 16, 16)] = jnp.zeros((16,), jnp.float32)
    pltpu.sync_copy(zbi, src_sh.at[pl.ds(sid * ZPW, ZPW)])
    pltpu.sync_copy(zbf, w_sh.at[pl.ds(sid * ZPW, ZPW)])
    plsc.subcore_barrier()

    ibase = sid * IPW
    pltpu.sync_copy(ecat.at[pl.ds(ibase, IPW)], ebuf)
    pltpu.sync_copy(pcat.at[pl.ds(ibase, IPW)], pbuf)
    for j in range(IPW // 128):
        pltpu.sync_copy(gcat.at[pl.ds(ibase + j * 128, 128)], gbuf.at[j])
    for cch in range(IPW // 16):
        ev = ebuf[pl.ds(cch * 16, 16)]
        pv = pbuf[pl.ds(cch * 16, 16)]
        ov = offs.at[ev].get(mode="promise_in_bounds")
        row = cch // 8
        col = (cch % 8) * 16
        posbuf[row, pl.ds(col, 16)] = pv + ov
        tbase = jnp.full((16,), ibase + cch * 16, jnp.int32)
        tvalbuf[row, pl.ds(col, 16)] = jnp.right_shift(tbase + lane, 1)
    for j in range(IPW // 128):
        pltpu.sync_copy(tvalbuf.at[j], src_sh.at[posbuf.at[j]])
        pltpu.sync_copy(gbuf.at[j], w_sh.at[posbuf.at[j]])
    plsc.subcore_barrier()

    base = wid * OPW
    pltpu.sync_copy(src_sh.at[pl.ds(base, OPW)], sidxbuf)
    pltpu.sync_copy(w_sh.at[pl.ds(base, OPW)], wbuf)
    pltpu.sync_copy(sidxbuf, src_o.at[pl.ds(base, OPW)])
    pltpu.sync_copy(wbuf, wrow_o.at[pl.ds(base, OPW)])
    for ch in range(OPW // GCH):
        pltpu.sync_copy(src_sh.at[pl.ds(base + ch * GCH, GCH)], sidxc)
        pltpu.async_copy(x_hbm.at[sidxc], rows_v, sem).wait()
        pltpu.sync_copy(rows_v, xs_o.at[pl.ds(base + ch * GCH, GCH)])


def _group_fc1_body(s_ref, xs_ref, w1_ref, b1_ref, src_ref, w_ref, gh_ref):
    j = pl.program_id(0)
    prev = s_ref[jnp.maximum(j - 1, 0)]
    first = jnp.logical_or(j == 0, s_ref[j] != prev)
    h = jnp.dot(xs_ref[...], w1_ref[0], preferred_element_type=jnp.float32,
                precision=DEF)
    h = jnp.maximum(h + b1_ref[0], 0.0)
    w = w_ref[...]
    bflag = src_ref[...] >= M
    wb0 = jnp.where(bflag, 0.0, w)
    wb1 = jnp.where(bflag, w, 0.0)
    v0 = jnp.sum(h * wb0, axis=0)
    v1 = jnp.sum(h * wb1, axis=0)
    val = jnp.concatenate([v0[None, :], v1[None, :]], axis=0)[None]

    @pl.when(first)
    def _():
        gh_ref[...] = val

    @pl.when(jnp.logical_not(first))
    def _():
        gh_ref[...] += val


def _final_body(gh_ref, w2_ref, b2_ref, imp_ref, load_ref, yt_ref, hw_ref,
                hb_ref, lng_ref, lnb_ref, scores_ref, aux_ref, pred_ref,
                acc_ref):
    e = pl.program_id(0)

    @pl.when(e == 0)
    def _():
        acc_ref[...] = jnp.zeros_like(acc_ref)

    acc_ref[0:B, :] += jnp.dot(gh_ref[0], w2_ref[0],
                               preferred_element_type=jnp.float32,
                               precision=DEF)

    @pl.when(e == E - 1)
    def _():
        imp_blk = imp_ref[:, 0, :]
        load_blk = load_ref[:, 0, :]
        imp_b = jnp.reshape(imp_blk, (B, BPB, E)).sum(axis=1)
        importance = jnp.sum(imp_blk, axis=0)
        load = jnp.sum(load_blk, axis=0)
        aux = (_cv2(importance) + _cv2(load)) * 0.01
        aux_ref[...] = jnp.reshape(aux, (1, 1))

        mm = acc_ref[0:B, :] + jnp.dot(imp_b, b2_ref[...],
                                       preferred_element_type=jnp.float32,
                                       precision=HIGH)
        mu = jnp.mean(mm, axis=1, keepdims=True)
        var = jnp.mean((mm - mu) ** 2, axis=1, keepdims=True)
        fin = (mm - mu) * lax.rsqrt(var + 1e-5) * lng_ref[...] + lnb_ref[...]
        out = jnp.dot(fin, hw_ref[...], preferred_element_type=jnp.float32,
                      precision=HIGH) + hb_ref[...]
        scores = jax.nn.sigmoid(out)
        scores_ref[...] = scores
        pred_ref[...] = jnp.reshape(
            jnp.mean((scores - yt_ref[...]) ** 2), (1, 1))


def _stage1(x, w_gate):
    return pl.pallas_call(
        _gate_body,
        grid=(NB,),
        in_specs=[
            pl.BlockSpec((TB, D), lambda i: (i, 0)),
            pl.BlockSpec((D, E), lambda i: (0, 0)),
        ],
        out_specs=[
            pl.BlockSpec((TB, 2), lambda i: (i, 0)),
            pl.BlockSpec((TB, 2), lambda i: (i, 0)),
            pl.BlockSpec((TB, 2), lambda i: (i, 0)),
            pl.BlockSpec((1, 16), lambda i: (0, 0)),
            pl.BlockSpec((NBLKP, 1), lambda i: (0, 0)),
            pl.BlockSpec((1, 1, E), lambda i: (i, 0, 0)),
            pl.BlockSpec((1, 1, E), lambda i: (i, 0, 0)),
        ],
        out_shape=[
            jax.ShapeDtypeStruct((T, 2), jnp.int32),
            jax.ShapeDtypeStruct((T, 2), jnp.float32),
            jax.ShapeDtypeStruct((T, 2), jnp.int32),
            jax.ShapeDtypeStruct((1, 16), jnp.int32),
            jax.ShapeDtypeStruct((NBLKP, 1), jnp.int32),
            jax.ShapeDtypeStruct((NB, 1, E), jnp.float32),
            jax.ShapeDtypeStruct((NB, 1, E), jnp.float32),
        ],
        scratch_shapes=[pltpu.VMEM((1, E), jnp.int32)],
    )(x, w_gate)


@functools.lru_cache(maxsize=1)
def _make_stage2():
    @functools.partial(
        pl.kernel,
        mesh=plsc.VectorSubcoreMesh(core_axis_name="c", subcore_axis_name="s"),
        out_type=[
            jax.ShapeDtypeStruct((NR,), jnp.int32),
            jax.ShapeDtypeStruct((NR,), jnp.float32),
            jax.ShapeDtypeStruct((NR, D), jnp.float32),
        ],
        scratch_types=[
            pltpu.VMEM((16,), jnp.int32),
            pltpu.VMEM((IPW,), jnp.int32),
            pltpu.VMEM((IPW // 128, 128), jnp.float32),
            pltpu.VMEM((IPW,), jnp.int32),
            pltpu.VMEM((IPW // 128, 128), jnp.int32),
            pltpu.VMEM((IPW // 128, 128), jnp.int32),
            pltpu.VMEM((OPW,), jnp.int32),
            pltpu.VMEM((OPW,), jnp.float32),
            pltpu.VMEM((GCH,), jnp.int32),
            pltpu.VMEM((GCH, D), jnp.float32),
            pltpu.VMEM((ZPW,), jnp.int32),
            pltpu.VMEM((ZPW,), jnp.float32),
            pltpu.VMEM_SHARED((NR,), jnp.int32),
            pltpu.VMEM_SHARED((NR,), jnp.float32),
            pltpu.SemaphoreType.DMA,
        ],
    )
    def _stage2_kernel(ecat, gcat, pcat, cnt16, x_hbm,
                       src_o, wrow_o, xs_o, *scratch):
        _sc_route(ecat, gcat, pcat, cnt16, x_hbm, src_o, wrow_o, xs_o,
                  *scratch)

    return _stage2_kernel


def _stage2(ecat, gcat, pcat, cnt16, x_hbm):
    return _make_stage2()(ecat, gcat, pcat, cnt16, x_hbm)


def _stage3(bexp, xs, fc1_w, fc1_b3, srcc, wcol):
    grid_spec = pltpu.PrefetchScalarGridSpec(
        num_scalar_prefetch=1,
        grid=(NBLK,),
        in_specs=[
            pl.BlockSpec((BLK, D), lambda j, s: (j, 0)),
            pl.BlockSpec((1, D, D), lambda j, s: (s[j], 0, 0)),
            pl.BlockSpec((1, 1, D), lambda j, s: (s[j], 0, 0)),
            pl.BlockSpec((BLK, 1), lambda j, s: (j, 0)),
            pl.BlockSpec((BLK, 1), lambda j, s: (j, 0)),
        ],
        out_specs=pl.BlockSpec((1, B, D), lambda j, s: (s[j], 0, 0)),
    )
    return pl.pallas_call(
        _group_fc1_body,
        grid_spec=grid_spec,
        out_shape=jax.ShapeDtypeStruct((E, B, D), jnp.float32),
    )(bexp, xs, fc1_w, fc1_b3, srcc, wcol)


def _stage4(gh, fc2_w, fc2_b, imp_blk, load_blk, true_y, head_w, head_b,
            ln_g, ln_b):
    return pl.pallas_call(
        _final_body,
        grid=(E,),
        in_specs=[
            pl.BlockSpec((1, B, D), lambda e: (e, 0, 0)),
            pl.BlockSpec((1, D, D), lambda e: (e, 0, 0)),
            pl.BlockSpec((E, D), lambda e: (0, 0)),
            pl.BlockSpec((NB, 1, E), lambda e: (0, 0, 0)),
            pl.BlockSpec((NB, 1, E), lambda e: (0, 0, 0)),
            pl.BlockSpec((B, 1), lambda e: (0, 0)),
            pl.BlockSpec((D, 1), lambda e: (0, 0)),
            pl.BlockSpec((1, 1), lambda e: (0, 0)),
            pl.BlockSpec((1, D), lambda e: (0, 0)),
            pl.BlockSpec((1, D), lambda e: (0, 0)),
        ],
        out_specs=[
            pl.BlockSpec((B, 1), lambda e: (0, 0)),
            pl.BlockSpec((1, 1), lambda e: (0, 0)),
            pl.BlockSpec((1, 1), lambda e: (0, 0)),
        ],
        out_shape=[
            jax.ShapeDtypeStruct((B, 1), jnp.float32),
            jax.ShapeDtypeStruct((1, 1), jnp.float32),
            jax.ShapeDtypeStruct((1, 1), jnp.float32),
        ],
        scratch_shapes=[pltpu.VMEM((8, D), jnp.float32)],
    )(gh, fc2_w, fc2_b, imp_blk, load_blk, true_y,
      head_w, head_b, ln_g, ln_b)


def kernel(mm_embed, task_index, true_y, w_gate, fc1_w, fc1_b, fc2_w, fc2_b,
           head_w, head_b, ln_g, ln_b):
    x = mm_embed.reshape(T, D)
    eg, gg, pg, cnt16, bexp, imp_blk, load_blk = _stage1(x, w_gate)
    src, wrow, xs = _stage2(
        eg.reshape(2 * T), gg.reshape(2 * T), pg.reshape(2 * T),
        cnt16.reshape(16), x)
    gh = _stage3(bexp.reshape(NBLKP)[:NBLK], xs, fc1_w,
                 fc1_b.reshape(E, 1, D),
                 src.reshape(NR, 1), wrow.reshape(NR, 1))
    scores, aux, pred = _stage4(
        gh, fc2_w, fc2_b, imp_blk, load_blk, true_y,
        head_w, head_b.reshape(1, 1), ln_g.reshape(1, D), ln_b.reshape(1, D))
    return (scores, aux.reshape(()), pred.reshape(()))

# --- scband reference (transcript-rebuilt; emitter-appended) ---
"""Pipeline reference for scband-mo-e-60112362275422 (READ-ONLY COPY).

The authoritative reference and input builder live on the scoring server;
editing this copy changes nothing except your own understanding.
"""

import jax, jax.numpy as jnp
import numpy as np

B, M, D, E, K = 2, 2048, 768, 8, 2


def setup_inputs(seed: int = 0) -> dict:
    key = jax.random.key(seed)
    ks = jax.random.split(key, 8)
    return {
        "mm_embed": jax.random.normal(ks[0], (B, M, D), dtype=jnp.float32),
        "task_index": jnp.zeros((1,), dtype=jnp.int32),
        "true_y": jax.random.uniform(ks[1], (B, 1), dtype=jnp.float32),
        "w_gate": jax.random.normal(ks[2], (D, E), dtype=jnp.float32) * 0.02,
        "fc1_w": jax.random.normal(ks[3], (E, D, D), dtype=jnp.float32) * 0.02,
        "fc1_b": jnp.zeros((E, D), dtype=jnp.float32),
        "fc2_w": jax.random.normal(ks[4], (E, D, D), dtype=jnp.float32) * 0.02,
        "fc2_b": jnp.zeros((E, D), dtype=jnp.float32),
        "head_w": jax.random.normal(ks[5], (D, 1), dtype=jnp.float32) * 0.02,
        "head_b": jnp.zeros((1,), dtype=jnp.float32),
        "ln_g": jnp.ones((D,), dtype=jnp.float32),
        "ln_b": jnp.zeros((D,), dtype=jnp.float32),
    }


def _cv_squared(x):
    eps = 1e-10
    x = x.astype(jnp.float32)
    return jnp.var(x, ddof=1) / (jnp.mean(x) ** 2 + eps)


def reference(mm_embed, task_index, true_y, w_gate, fc1_w, fc1_b, fc2_w, fc2_b, head_w, head_b, ln_g, ln_b):
    # eval-mode forward (self.training == False => clean logits, load via _gates_to_load)
    x = mm_embed.reshape(-1, mm_embed.shape[2])  # [T, D]
    T = x.shape[0]
    logits = x @ w_gate  # [T, E]
    # noisy_top_k_gating (clean path)
    top_logits, top_indices = jax.lax.top_k(logits, min(K + 1, E))
    top_k_logits = top_logits[:, :K]
    top_k_indices = top_indices[:, :K]
    top_k_gates = jax.nn.softmax(top_k_logits, axis=1)
    gates = jnp.zeros_like(logits).at[jnp.arange(T)[:, None], top_k_indices].set(top_k_gates)
    importance = gates.sum(0)
    load = (gates > 0).sum(0).astype(jnp.float32)
    aux_loss = (_cv_squared(importance) + _cv_squared(load)) * 0.01
    # experts (dense-equivalent of SparseDispatcher dispatch/combine):
    # MLP per expert: fc1 -> relu -> fc2, then weighted sum by gates
    h = jnp.einsum('td,edh->teh', x, fc1_w) + fc1_b[None, :, :]
    h = jax.nn.relu(h)
    o = jnp.einsum('teh,eho->teo', h, fc2_w) + fc2_b[None, :, :]
    y = jnp.einsum('teo,te->to', o, gates)  # combine; zero-gate experts contribute 0
    mm_moe = y.reshape(B, M, D).sum(axis=1)  # [B, D]
    # LayerNorm (biased variance, eps=1e-5)
    mu = mm_moe.mean(axis=-1, keepdims=True)
    var = mm_moe.var(axis=-1, keepdims=True)
    final_mm_embed = (mm_moe - mu) / jnp.sqrt(var + 1e-5) * ln_g + ln_b
    # task_index[0] == 0 -> mortality head + sigmoid
    out = final_mm_embed @ head_w + head_b
    scores = jax.nn.sigmoid(out)
    # criterion: MSE (callable criterion replaced by explicit MSE)
    pred_loss = jnp.mean((scores - true_y) ** 2)
    return (scores, aux_loss, pred_loss)

if __name__ == "__main__":
    import jax
    _d = setup_inputs()
    print(jax.jit(kernel)(*tuple(_d.values())))

</pallas_src>

<mosaic_0001>
#map = affine_map<(d0, d1) -> (0)>
#map1 = affine_map<(d0, d1) -> (0, 0)>
module attributes {stable_mosaic.version = 14 : i64} {
  func.func @_stage2_kernel(%arg0: i32, %arg1: i32, %arg2: memref<8192xi32, #tpu.memory_space<hbm>>, %arg3: memref<8192xf32, #tpu.memory_space<hbm>>, %arg4: memref<8192xi32, #tpu.memory_space<hbm>>, %arg5: memref<16xi32, #tpu.memory_space<hbm>>, %arg6: memref<4096x768xf32, #tpu.memory_space<hbm>>, %arg7: memref<10240xi32, #tpu.memory_space<hbm>>, %arg8: memref<10240xf32, #tpu.memory_space<hbm>>, %arg9: memref<10240x768xf32, #tpu.memory_space<hbm>>, %arg10: memref<16xi32, #tpu.memory_space<vmem>>, %arg11: memref<512xi32, #tpu.memory_space<vmem>>, %arg12: memref<4x128xf32, #tpu.memory_space<vmem>>, %arg13: memref<512xi32, #tpu.memory_space<vmem>>, %arg14: memref<4x128xi32, #tpu.memory_space<vmem>>, %arg15: memref<4x128xi32, #tpu.memory_space<vmem>>, %arg16: memref<320xi32, #tpu.memory_space<vmem>>, %arg17: memref<320xf32, #tpu.memory_space<vmem>>, %arg18: memref<64xi32, #tpu.memory_space<vmem>>, %arg19: memref<64x768xf32, #tpu.memory_space<vmem>>, %arg20: memref<640xi32, #tpu.memory_space<vmem>>, %arg21: memref<640xf32, #tpu.memory_space<vmem>>, %arg22: memref<10240xi32, #tpu.memory_space<vmem_shared>>, %arg23: memref<10240xf32, #tpu.memory_space<vmem_shared>>, %arg24: memref<!tpu.dma_semaphore, #tpu.memory_space<semaphore_mem>>) attributes {dimension_semantics = [#tpu.dimension_semantics<core_parallel>, #tpu.dimension_semantics<subcore_parallel>], iteration_bounds = array<i64: 2, 16>, scalar_prefetch = 0 : i64, scratch_operands = 15 : i64, tpu.core_type = #tpu.core_type<sc_vector_subcore>, window_params = [{transform_indices = #map}, {transform_indices = #map}, {transform_indices = #map}, {transform_indices = #map}, {transform_indices = #map1}, {transform_indices = #map}, {transform_indices = #map}, {transform_indices = #map1}]} {
    %mul3A = arith.constant 2 : i32
    %mul3A_0 = arith.muli %arg1, %mul3A : i32
    %add3A = arith.addi %mul3A_0, %arg0 : i32
    "tpu.region"() ({
      %run_scoped3A_1813 = tpu.sem_alloc : memref<!tpu.dma_semaphore, #tpu.memory_space<semaphore_mem>>
      tpu.enqueue_dma source(%arg5 : memref<16xi32, #tpu.memory_space<hbm>>) target(%arg10 : memref<16xi32, #tpu.memory_space<vmem>>) target_semaphore(%run_scoped3A_1813 : memref<!tpu.dma_semaphore, #tpu.memory_space<semaphore_mem>>)
      tpu.wait_dma2 semaphore(%run_scoped3A_1813 : memref<!tpu.dma_semaphore, #tpu.memory_space<semaphore_mem>>) src(%arg5 : memref<16xi32, #tpu.memory_space<hbm>>) dst(%arg10 : memref<16xi32, #tpu.memory_space<vmem>>)
      tpu.yield
    }) : () -> ()
    %get3A = arith.constant 0 : index
    %get3A_1 = tpu.vector_load %arg10[%get3A] {strides = array<i32>} : memref<16xi32, #tpu.memory_space<vmem>>, vector<16xi32>,
    %get3A_2 = vector.shape_cast %get3A_1 : vector<16xi32> to vector<16xi32>
    %add3A_3 = arith.constant 255 : i32
    %add3A_4 = vector.broadcast %add3A_3 : i32 to vector<16xi32>
    %add3A_5 = arith.addi %get3A_2, %add3A_4 : vector<16xi32>
    %shift_right_arithmetic3A = arith.constant 8 : i32
    %shift_right_arithmetic3A_6 = vector.broadcast %shift_right_arithmetic3A : i32 to vector<16xi32>
    %shift_right_arithmetic3A_7 = arith.shrsi %add3A_5, %shift_right_arithmetic3A_6 : vector<16xi32>
    %shift_left3A = arith.constant 8 : i32
    %shift_left3A_8 = vector.broadcast %shift_left3A : i32 to vector<16xi32>
    %shift_left3A_9 = arith.shli %shift_right_arithmetic3A_7, %shift_left3A_8 : vector<16xi32>
    %max3A = arith.constant 256 : i32
    %max3A_10 = vector.broadcast %max3A : i32 to vector<16xi32>
    %max3A_11 = arith.maxsi %shift_left3A_9, %max3A_10 : vector<16xi32>
    %iota3A = tpu.iota {dimensions = array<i32: 0>} : vector<16xi32>
    %sub3A = arith.constant 1 : i32
    %sub3A_12 = vector.broadcast %sub3A : i32 to vector<16xi32>
    %sub3A_13 = arith.subi %iota3A, %sub3A_12 : vector<16xi32>
    %max3A_14 = arith.constant 0 : i32
    %max3A_15 = vector.broadcast %max3A_14 : i32 to vector<16xi32>
    %max3A_16 = arith.maxsi %sub3A_13, %max3A_15 : vector<16xi32>
    %lt3A = arith.constant 0 : i32
    %lt3A_17 = vector.broadcast %lt3A : i32 to vector<16xi32>
    %lt3A_18 = arith.cmpi slt, %max3A_16, %lt3A_17 : vector<16xi32>
    %add3A_19 = arith.constant 16 : i32
    %add3A_20 = vector.broadcast %add3A_19 : i32 to vector<16xi32>
    %add3A_21 = arith.addi %max3A_16, %add3A_20 : vector<16xi32>
    %select_n3A = arith.select %lt3A_18, %add3A_21, %max3A_16 : vector<16xi1>, vector<16xi32>
    %broadcast_in_dim3A = vector.shape_cast %select_n3A : vector<16xi32> to vector<16x1xi32>
    %gather3A = vector.shape_cast %broadcast_in_dim3A : vector<16x1xi32> to vector<16xi32>
    %gather3A_22 = tpu.dynamic_gather %max3A_11[%gather3A] in [0] : vector<16xi32>, vector<16xi32> -> vector<16xi32>
    %ge3A = arith.constant 1 : i32
    %ge3A_23 = vector.broadcast %ge3A : i32 to vector<16xi32>
    %ge3A_24 = arith.cmpi sge, %iota3A, %ge3A_23 : vector<16xi32>
    %jit3A = arith.constant 0 : i32
    %broadcast_in_dim3A_25 = vector.broadcast %jit3A : i32 to vector<16xi32>
    %select_n3A_26 = arith.select %ge3A_24, %gather3A_22, %broadcast_in_dim3A_25 : vector<16xi1>, vector<16xi32>
    %add3A_27 = arith.addi %max3A_11, %select_n3A_26 : vector<16xi32>
    %sub3A_28 = arith.constant 2 : i32
    %sub3A_29 = vector.broadcast %sub3A_28 : i32 to vector<16xi32>
    %sub3A_30 = arith.subi %iota3A, %sub3A_29 : vector<16xi32>
    %max3A_31 = arith.constant 0 : i32
    %max3A_32 = vector.broadcast %max3A_31 : i32 to vector<16xi32>
    %max3A_33 = arith.maxsi %sub3A_30, %max3A_32 : vector<16xi32>
    %lt3A_34 = arith.constant 0 : i32
    %lt3A_35 = vector.broadcast %lt3A_34 : i32 to vector<16xi32>
    %lt3A_36 = arith.cmpi slt, %max3A_33, %lt3A_35 : vector<16xi32>
    %add3A_37 = arith.constant 16 : i32
    %add3A_38 = vector.broadcast %add3A_37 : i32 to vector<16xi32>
    %add3A_39 = arith.addi %max3A_33, %add3A_38 : vector<16xi32>
    %select_n3A_40 = arith.select %lt3A_36, %add3A_39, %max3A_33 : vector<16xi1>, vector<16xi32>
    %broadcast_in_dim3A_41 = vector.shape_cast %select_n3A_40 : vector<16xi32> to vector<16x1xi32>
    %gather3A_42 = vector.shape_cast %broadcast_in_dim3A_41 : vector<16x1xi32> to vector<16xi32>
    %gather3A_43 = tpu.dynamic_gather %add3A_27[%gather3A_42] in [0] : vector<16xi32>, vector<16xi32> -> vector<16xi32>
    %ge3A_44 = arith.constant 2 : i32
    %ge3A_45 = vector.broadcast %ge3A_44 : i32 to vector<16xi32>
    %ge3A_46 = arith.cmpi sge, %iota3A, %ge3A_45 : vector<16xi32>
    %jit3A_47 = arith.constant 0 : i32
    %broadcast_in_dim3A_48 = vector.broadcast %jit3A_47 : i32 to vector<16xi32>
    %select_n3A_49 = arith.select %ge3A_46, %gather3A_43, %broadcast_in_dim3A_48 : vector<16xi1>, vector<16xi32>
    %add3A_50 = arith.addi %add3A_27, %select_n3A_49 : vector<16xi32>
    %sub3A_51 = arith.constant 4 : i32
    %sub3A_52 = vector.broadcast %sub3A_51 : i32 to vector<16xi32>
    %sub3A_53 = arith.subi %iota3A, %sub3A_52 : vector<16xi32>
    %max3A_54 = arith.constant 0 : i32
    %max3A_55 = vector.broadcast %max3A_54 : i32 to vector<16xi32>
    %max3A_56 = arith.maxsi %sub3A_53, %max3A_55 : vector<16xi32>
    %lt3A_57 = arith.constant 0 : i32
    %lt3A_58 = vector.broadcast %lt3A_57 : i32 to vector<16xi32>
    %lt3A_59 = arith.cmpi slt, %max3A_56, %lt3A_58 : vector<16xi32>
    %add3A_60 = arith.constant 16 : i32
    %add3A_61 = vector.broadcast %add3A_60 : i32 to vector<16xi32>
    %add3A_62 = arith.addi %max3A_56, %add3A_61 : vector<16xi32>
    %select_n3A_63 = arith.select %lt3A_59, %add3A_62, %max3A_56 : vector<16xi1>, vector<16xi32>
    %broadcast_in_dim3A_64 = vector.shape_cast %select_n3A_63 : vector<16xi32> to vector<16x1xi32>
    %gather3A_65 = vector.shape_cast %broadcast_in_dim3A_64 : vector<16x1xi32> to vector<16xi32>
    %gather3A_66 = tpu.dynamic_gather %add3A_50[%gather3A_65] in [0] : vector<16xi32>, vector<16xi32> -> vector<16xi32>
    %ge3A_67 = arith.constant 4 : i32
    %ge3A_68 = vector.broadcast %ge3A_67 : i32 to vector<16xi32>
    %ge3A_69 = arith.cmpi sge, %iota3A, %ge3A_68 : vector<16xi32>
    %jit3A_70 = arith.constant 0 : i32
    %broadcast_in_dim3A_71 = vector.broadcast %jit3A_70 : i32 to vector<16xi32>
    %select_n3A_72 = arith.select %ge3A_69, %gather3A_66, %broadcast_in_dim3A_71 : vector<16xi1>, vector<16xi32>
    %add3A_73 = arith.addi %add3A_50, %select_n3A_72 : vector<16xi32>
    %sub3A_74 = arith.constant 8 : i32
    %sub3A_75 = vector.broadcast %sub3A_74 : i32 to vector<16xi32>
    %sub3A_76 = arith.subi %iota3A, %sub3A_75 : vector<16xi32>
    %max3A_77 = arith.constant 0 : i32
    %max3A_78 = vector.broadcast %max3A_77 : i32 to vector<16xi32>
    %max3A_79 = arith.maxsi %sub3A_76, %max3A_78 : vector<16xi32>
    %lt3A_80 = arith.constant 0 : i32
    %lt3A_81 = vector.broadcast %lt3A_80 : i32 to vector<16xi32>
    %lt3A_82 = arith.cmpi slt, %max3A_79, %lt3A_81 : vector<16xi32>
    %add3A_83 = arith.constant 16 : i32
    %add3A_84 = vector.broadcast %add3A_83 : i32 to vector<16xi32>
    %add3A_85 = arith.addi %max3A_79, %add3A_84 : vector<16xi32>
    %select_n3A_86 = arith.select %lt3A_82, %add3A_85, %max3A_79 : vector<16xi1>, vector<16xi32>
    %broadcast_in_dim3A_87 = vector.shape_cast %select_n3A_86 : vector<16xi32> to vector<16x1xi32>
    %gather3A_88 = vector.shape_cast %broadcast_in_dim3A_87 : vector<16x1xi32> to vector<16xi32>
    %gather3A_89 = tpu.dynamic_gather %add3A_73[%gather3A_88] in [0] : vector<16xi32>, vector<16xi32> -> vector<16xi32>
    %ge3A_90 = arith.constant 8 : i32
    %ge3A_91 = vector.broadcast %ge3A_90 : i32 to vector<16xi32>
    %ge3A_92 = arith.cmpi sge, %iota3A, %ge3A_91 : vector<16xi32>
    %jit3A_93 = arith.constant 0 : i32
    %broadcast_in_dim3A_94 = vector.broadcast %jit3A_93 : i32 to vector<16xi32>
    %select_n3A_95 = arith.select %ge3A_92, %gather3A_89, %broadcast_in_dim3A_94 : vector<16xi1>, vector<16xi32>
    %add3A_96 = arith.addi %add3A_73, %select_n3A_95 : vector<16xi32>
    %sub3A_97 = arith.subi %add3A_96, %max3A_11 : vector<16xi32>
    %broadcast_in_dim3A_98 = arith.constant 0 : i32
    %broadcast_in_dim3A_99 = vector.broadcast %broadcast_in_dim3A_98 : i32 to vector<16xi32>
    %swap3A = arith.constant 0 : index
    %swap3A_100 = tpu.vector_load %arg20[%swap3A] {strides = array<i32>} : memref<640xi32, #tpu.memory_space<vmem>>, vector<16xi32>,
    %swap3A_101 = vector.shape_cast %swap3A_100 : vector<16xi32> to vector<16xi32>
    %swap3A_102 = vector.shape_cast %broadcast_in_dim3A_99 : vector<16xi32> to vector<16xi32>
    tpu.vector_store %arg20[%swap3A], %swap3A_102 {strides = array<i32>} : memref<640xi32, #tpu.memory_space<vmem>>, vector<16xi32>,
    %broadcast_in_dim3A_103 = arith.constant 0.000000e+00 : f32
    %broadcast_in_dim3A_104 = vector.broadcast %broadcast_in_dim3A_103 : f32 to vector<16xf32>
    %swap3A_105 = arith.constant 0 : index
    %swap3A_106 = tpu.vector_load %arg21[%swap3A_105] {strides = array<i32>} : memref<640xf32, #tpu.memory_space<vmem>>, vector<16xf32>,
    %swap3A_107 = vector.shape_cast %swap3A_106 : vector<16xf32> to vector<16xf32>
    %swap3A_108 = vector.shape_cast %broadcast_in_dim3A_104 : vector<16xf32> to vector<16xf32>
    tpu.vector_store %arg21[%swap3A_105], %swap3A_108 {strides = array<i32>} : memref<640xf32, #tpu.memory_space<vmem>>, vector<16xf32>,
    %broadcast_in_dim3A_109 = arith.constant 0 : i32
    %broadcast_in_dim3A_110 = vector.broadcast %broadcast_in_dim3A_109 : i32 to vector<16xi32>
    %swap3A_111 = arith.constant 16 : index
    %swap3A_112 = tpu.vector_load %arg20[%swap3A_111] {strides = array<i32>} : memref<640xi32, #tpu.memory_space<vmem>>, vector<16xi32>,
    %swap3A_113 = vector.shape_cast %swap3A_112 : vector<16xi32> to vector<16xi32>
    %swap3A_114 = vector.shape_cast %broadcast_in_dim3A_110 : vector<16xi32> to vector<16xi32>
    tpu.vector_store %arg20[%swap3A_111], %swap3A_114 {strides = array<i32>} : memref<640xi32, #tpu.memory_space<vmem>>, vector<16xi32>,
    %broadcast_in_dim3A_115 = arith.constant 0.000000e+00 : f32
    %broadcast_in_dim3A_116 = vector.broadcast %broadcast_in_dim3A_115 : f32 to vector<16xf32>
    %swap3A_117 = arith.constant 16 : index
    %swap3A_118 = tpu.vector_load %arg21[%swap3A_117] {strides = array<i32>} : memref<640xf32, #tpu.memory_space<vmem>>, vector<16xf32>,
    %swap3A_119 = vector.shape_cast %swap3A_118 : vector<16xf32> to vector<16xf32>
    %swap3A_120 = vector.shape_cast %broadcast_in_dim3A_116 : vector<16xf32> to vector<16xf32>
    tpu.vector_store %arg21[%swap3A_117], %swap3A_120 {strides = array<i32>} : memref<640xf32, #tpu.memory_space<vmem>>, vector<16xf32>,
    %broadcast_in_dim3A_121 = arith.constant 0 : i32
    %broadcast_in_dim3A_122 = vector.broadcast %broadcast_in_dim3A_121 : i32 to vector<16xi32>
    %swap3A_123 = arith.constant 32 : index
    %swap3A_124 = tpu.vector_load %arg20[%swap3A_123] {strides = array<i32>} : memref<640xi32, #tpu.memory_space<vmem>>, vector<16xi32>,
    %swap3A_125 = vector.shape_cast %swap3A_124 : vector<16xi32> to vector<16xi32>
    %swap3A_126 = vector.shape_cast %broadcast_in_dim3A_122 : vector<16xi32> to vector<16xi32>
    tpu.vector_store %arg20[%swap3A_123], %swap3A_126 {strides = array<i32>} : memref<640xi32, #tpu.memory_space<vmem>>, vector<16xi32>,
    %broadcast_in_dim3A_127 = arith.constant 0.000000e+00 : f32
    %broadcast_in_dim3A_128 = vector.broadcast %broadcast_in_dim3A_127 : f32 to vector<16xf32>
    %swap3A_129 = arith.constant 32 : index
    %swap3A_130 = tpu.vector_load %arg21[%swap3A_129] {strides = array<i32>} : memref<640xf32, #tpu.memory_space<vmem>>, vector<16xf32>,
    %swap3A_131 = vector.shape_cast %swap3A_130 : vector<16xf32> to vector<16xf32>
    %swap3A_132 = vector.shape_cast %broadcast_in_dim3A_128 : vector<16xf32> to vector<16xf32>
    tpu.vector_store %arg21[%swap3A_129], %swap3A_132 {strides = array<i32>} : memref<640xf32, #tpu.memory_space<vmem>>, vector<16xf32>,
    %broadcast_in_dim3A_133 = arith.constant 0 : i32
    %broadcast_in_dim3A_134 = vector.broadcast %broadcast_in_dim3A_133 : i32 to vector<16xi32>
    %swap3A_135 = arith.constant 48 : index
    %swap3A_136 = tpu.vector_load %arg20[%swap3A_135] {strides = array<i32>} : memref<640xi32, #tpu.memory_space<vmem>>, vector<16xi32>,
    %swap3A_137 = vector.shape_cast %swap3A_136 : vector<16xi32> to vector<16xi32>
    %swap3A_138 = vector.shape_cast %broadcast_in_dim3A_134 : vector<16xi32> to vector<16xi32>
    tpu.vector_store %arg20[%swap3A_135], %swap3A_138 {strides = array<i32>} : memref<640xi32, #tpu.memory_space<vmem>>, vector<16xi32>,
    %broadcast_in_dim3A_139 = arith.constant 0.000000e+00 : f32
    %broadcast_in_dim3A_140 = vector.broadcast %broadcast_in_dim3A_139 : f32 to vector<16xf32>
    %swap3A_141 = arith.constant 48 : index
    %swap3A_142 = tpu.vector_load %arg21[%swap3A_141] {strides = array<i32>} : memref<640xf32, #tpu.memory_space<vmem>>, vector<16xf32>,
    %swap3A_143 = vector.shape_cast %swap3A_142 : vector<16xf32> to vector<16xf32>
    %swap3A_144 = vector.shape_cast %broadcast_in_dim3A_140 : vector<16xf32> to vector<16xf32>
    tpu.vector_store %arg21[%swap3A_141], %swap3A_144 {strides = array<i32>} : memref<640xf32, #tpu.memory_space<vmem>>, vector<16xf32>,
    %broadcast_in_dim3A_145 = arith.constant 0 : i32
    %broadcast_in_dim3A_146 = vector.broadcast %broadcast_in_dim3A_145 : i32 to vector<16xi32>
    %swap3A_147 = arith.constant 64 : index
    %swap3A_148 = tpu.vector_load %arg20[%swap3A_147] {strides = array<i32>} : memref<640xi32, #tpu.memory_space<vmem>>, vector<16xi32>,
    %swap3A_149 = vector.shape_cast %swap3A_148 : vector<16xi32> to vector<16xi32>
    %swap3A_150 = vector.shape_cast %broadcast_in_dim3A_146 : vector<16xi32> to vector<16xi32>
    tpu.vector_store %arg20[%swap3A_147], %swap3A_150 {strides = array<i32>} : memref<640xi32, #tpu.memory_space<vmem>>, vector<16xi32>,
    %broadcast_in_dim3A_151 = arith.constant 0.000000e+00 : f32
    %broadcast_in_dim3A_152 = vector.broadcast %broadcast_in_dim3A_151 : f32 to vector<16xf32>
    %swap3A_153 = arith.constant 64 : index
    %swap3A_154 = tpu.vector_load %arg21[%swap3A_153] {strides = array<i32>} : memref<640xf32, #tpu.memory_space<vmem>>, vector<16xf32>,
    %swap3A_155 = vector.shape_cast %swap3A_154 : vector<16xf32> to vector<16xf32>
    %swap3A_156 = vector.shape_cast %broadcast_in_dim3A_152 : vector<16xf32> to vector<16xf32>
    tpu.vector_store %arg21[%swap3A_153], %swap3A_156 {strides = array<i32>} : memref<640xf32, #tpu.memory_space<vmem>>, vector<16xf32>,
    %broadcast_in_dim3A_157 = arith.constant 0 : i32
    %broadcast_in_dim3A_158 = vector.broadcast %broadcast_in_dim3A_157 : i32 to vector<16xi32>
    %swap3A_159 = arith.constant 80 : index
    %swap3A_160 = tpu.vector_load %arg20[%swap3A_159] {strides = array<i32>} : memref<640xi32, #tpu.memory_space<vmem>>, vector<16xi32>,
    %swap3A_161 = vector.shape_cast %swap3A_160 : vector<16xi32> to vector<16xi32>
    %swap3A_162 = vector.shape_cast %broadcast_in_dim3A_158 : vector<16xi32> to vector<16xi32>
    tpu.vector_store %arg20[%swap3A_159], %swap3A_162 {strides = array<i32>} : memref<640xi32, #tpu.memory_space<vmem>>, vector<16xi32>,
    %broadcast_in_dim3A_163 = arith.constant 0.000000e+00 : f32
    %broadcast_in_dim3A_164 = vector.broadcast %broadcast_in_dim3A_163 : f32 to vector<16xf32>
    %swap3A_165 = arith.constant 80 : index
    %swap3A_166 = tpu.vector_load %arg21[%swap3A_165] {strides = array<i32>} : memref<640xf32, #tpu.memory_space<vmem>>, vector<16xf32>,
    %swap3A_167 = vector.shape_cast %swap3A_166 : vector<16xf32> to vector<16xf32>
    %swap3A_168 = vector.shape_cast %broadcast_in_dim3A_164 : vector<16xf32> to vector<16xf32>
    tpu.vector_store %arg21[%swap3A_165], %swap3A_168 {strides = array<i32>} : memref<640xf32, #tpu.memory_space<vmem>>, vector<16xf32>,
    %broadcast_in_dim3A_169 = arith.constant 0 : i32
    %broadcast_in_dim3A_170 = vector.broadcast %broadcast_in_dim3A_169 : i32 to vector<16xi32>
    %swap3A_171 = arith.constant 96 : index
    %swap3A_172 = tpu.vector_load %arg20[%swap3A_171] {strides = array<i32>} : memref<640xi32, #tpu.memory_space<vmem>>, vector<16xi32>,
    %swap3A_173 = vector.shape_cast %swap3A_172 : vector<16xi32> to vector<16xi32>
    %swap3A_174 = vector.shape_cast %broadcast_in_dim3A_170 : vector<16xi32> to vector<16xi32>
    tpu.vector_store %arg20[%swap3A_171], %swap3A_174 {strides = array<i32>} : memref<640xi32, #tpu.memory_space<vmem>>, vector<16xi32>,
    %broadcast_in_dim3A_175 = arith.constant 0.000000e+00 : f32
    %broadcast_in_dim3A_176 = vector.broadcast %broadcast_in_dim3A_175 : f32 to vector<16xf32>
    %swap3A_177 = arith.constant 96 : index
    %swap3A_178 = tpu.vector_load %arg21[%swap3A_177] {strides = array<i32>} : memref<640xf32, #tpu.memory_space<vmem>>, vector<16xf32>,
    %swap3A_179 = vector.shape_cast %swap3A_178 : vector<16xf32> to vector<16xf32>
    %swap3A_180 = vector.shape_cast %broadcast_in_dim3A_176 : vector<16xf32> to vector<16xf32>
    tpu.vector_store %arg21[%swap3A_177], %swap3A_180 {strides = array<i32>} : memref<640xf32, #tpu.memory_space<vmem>>, vector<16xf32>,
    %broadcast_in_dim3A_181 = arith.constant 0 : i32
    %broadcast_in_dim3A_182 = vector.broadcast %broadcast_in_dim3A_181 : i32 to vector<16xi32>
    %swap3A_183 = arith.constant 112 : index
    %swap3A_184 = tpu.vector_load %arg20[%swap3A_183] {strides = array<i32>} : memref<640xi32, #tpu.memory_space<vmem>>, vector<16xi32>,
    %swap3A_185 = vector.shape_cast %swap3A_184 : vector<16xi32> to vector<16xi32>
    %swap3A_186 = vector.shape_cast %broadcast_in_dim3A_182 : vector<16xi32> to vector<16xi32>
    tpu.vector_store %arg20[%swap3A_183], %swap3A_186 {strides = array<i32>} : memref<640xi32, #tpu.memory_space<vmem>>, vector<16xi32>,
    %broadcast_in_dim3A_187 = arith.constant 0.000000e+00 : f32
    %broadcast_in_dim3A_188 = vector.broadcast %broadcast_in_dim3A_187 : f32 to vector<16xf32>
    %swap3A_189 = arith.constant 112 : index
    %swap3A_190 = tpu.vector_load %arg21[%swap3A_189] {strides = array<i32>} : memref<640xf32, #tpu.memory_space<vmem>>, vector<16xf32>,
    %swap3A_191 = vector.shape_cast %swap3A_190 : vector<16xf32> to vector<16xf32>
    %swap3A_192 = vector.shape_cast %broadcast_in_dim3A_188 : vector<16xf32> to vector<16xf32>
    tpu.vector_store %arg21[%swap3A_189], %swap3A_192 {strides = array<i32>} : memref<640xf32, #tpu.memory_space<vmem>>, vector<16xf32>,
    %broadcast_in_dim3A_193 = arith.constant 0 : i32
    %broadcast_in_dim3A_194 = vector.broadcast %broadcast_in_dim3A_193 : i32 to vector<16xi32>
    %swap3A_195 = arith.constant 128 : index
    %swap3A_196 = tpu.vector_load %arg20[%swap3A_195] {strides = array<i32>} : memref<640xi32, #tpu.memory_space<vmem>>, vector<16xi32>,
    %swap3A_197 = vector.shape_cast %swap3A_196 : vector<16xi32> to vector<16xi32>
    %swap3A_198 = vector.shape_cast %broadcast_in_dim3A_194 : vector<16xi32> to vector<16xi32>
    tpu.vector_store %arg20[%swap3A_195], %swap3A_198 {strides = array<i32>} : memref<640xi32, #tpu.memory_space<vmem>>, vector<16xi32>,
    %broadcast_in_dim3A_199 = arith.constant 0.000000e+00 : f32
    %broadcast_in_dim3A_200 = vector.broadcast %broadcast_in_dim3A_199 : f32 to vector<16xf32>
    %swap3A_201 = arith.constant 128 : index
    %swap3A_202 = tpu.vector_load %arg21[%swap3A_201] {strides = array<i32>} : memref<640xf32, #tpu.memory_space<vmem>>, vector<16xf32>,
    %swap3A_203 = vector.shape_cast %swap3A_202 : vector<16xf32> to vector<16xf32>
    %swap3A_204 = vector.shape_cast %broadcast_in_dim3A_200 : vector<16xf32> to vector<16xf32>
    tpu.vector_store %arg21[%swap3A_201], %swap3A_204 {strides = array<i32>} : memref<640xf32, #tpu.memory_space<vmem>>, vector<16xf32>,
    %broadcast_in_dim3A_205 = arith.constant 0 : i32
    %broadcast_in_dim3A_206 = vector.broadcast %broadcast_in_dim3A_205 : i32 to vector<16xi32>
    %swap3A_207 = arith.constant 144 : index
    %swap3A_208 = tpu.vector_load %arg20[%swap3A_207] {strides = array<i32>} : memref<640xi32, #tpu.memory_space<vmem>>, vector<16xi32>,
    %swap3A_209 = vector.shape_cast %swap3A_208 : vector<16xi32> to vector<16xi32>
    %swap3A_210 = vector.shape_cast %broadcast_in_dim3A_206 : vector<16xi32> to vector<16xi32>
    tpu.vector_store %arg20[%swap3A_207], %swap3A_210 {strides = array<i32>} : memref<640xi32, #tpu.memory_space<vmem>>, vector<16xi32>,
    %broadcast_in_dim3A_211 = arith.constant 0.000000e+00 : f32
    %broadcast_in_dim3A_212 = vector.broadcast %broadcast_in_dim3A_211 : f32 to vector<16xf32>
    %swap3A_213 = arith.constant 144 : index
    %swap3A_214 = tpu.vector_load %arg21[%swap3A_213] {strides = array<i32>} : memref<640xf32, #tpu.memory_space<vmem>>, vector<16xf32>,
    %swap3A_215 = vector.shape_cast %swap3A_214 : vector<16xf32> to vector<16xf32>
    %swap3A_216 = vector.shape_cast %broadcast_in_dim3A_212 : vector<16xf32> to vector<16xf32>
    tpu.vector_store %arg21[%swap3A_213], %swap3A_216 {strides = array<i32>} : memref<640xf32, #tpu.memory_space<vmem>>, vector<16xf32>,
    %broadcast_in_dim3A_217 = arith.constant 0 : i32
    %broadcast_in_dim3A_218 = vector.broadcast %broadcast_in_dim3A_217 : i32 to vector<16xi32>
    %swap3A_219 = arith.constant 160 : index
    %swap3A_220 = tpu.vector_load %arg20[%swap3A_219] {strides = array<i32>} : memref<640xi32, #tpu.memory_space<vmem>>, vector<16xi32>,
    %swap3A_221 = vector.shape_cast %swap3A_220 : vector<16xi32> to vector<16xi32>
    %swap3A_222 = vector.shape_cast %broadcast_in_dim3A_218 : vector<16xi32> to vector<16xi32>
    tpu.vector_store %arg20[%swap3A_219], %swap3A_222 {strides = array<i32>} : memref<640xi32, #tpu.memory_space<vmem>>, vector<16xi32>,
    %broadcast_in_dim3A_223 = arith.constant 0.000000e+00 : f32
    %broadcast_in_dim3A_224 = vector.broadcast %broadcast_in_dim3A_223 : f32 to vector<16xf32>
    %swap3A_225 = arith.constant 160 : index
    %swap3A_226 = tpu.vector_load %arg21[%swap3A_225] {strides = array<i32>} : memref<640xf32, #tpu.memory_space<vmem>>, vector<16xf32>,
    %swap3A_227 = vector.shape_cast %swap3A_226 : vector<16xf32> to vector<16xf32>
    %swap3A_228 = vector.shape_cast %broadcast_in_dim3A_224 : vector<16xf32> to vector<16xf32>
    tpu.vector_store %arg21[%swap3A_225], %swap3A_228 {strides = array<i32>} : memref<640xf32, #tpu.memory_space<vmem>>, vector<16xf32>,
    %broadcast_in_dim3A_229 = arith.constant 0 : i32
    %broadcast_in_dim3A_230 = vector.broadcast %broadcast_in_dim3A_229 : i32 to vector<16xi32>
    %swap3A_231 = arith.constant 176 : index
    %swap3A_232 = tpu.vector_load %arg20[%swap3A_231] {strides = array<i32>} : memref<640xi32, #tpu.memory_space<vmem>>, vector<16xi32>,
    %swap3A_233 = vector.shape_cast %swap3A_232 : vector<16xi32> to vector<16xi32>
    %swap3A_234 = vector.shape_cast %broadcast_in_dim3A_230 : vector<16xi32> to vector<16xi32>
    tpu.vector_store %arg20[%swap3A_231], %swap3A_234 {strides = array<i32>} : memref<640xi32, #tpu.memory_space<vmem>>, vector<16xi32>,
    %broadcast_in_dim3A_235 = arith.constant 0.000000e+00 : f32
    %broadcast_in_dim3A_236 = vector.broadcast %broadcast_in_dim3A_235 : f32 to vector<16xf32>
    %swap3A_237 = arith.constant 176 : index
    %swap3A_238 = tpu.vector_load %arg21[%swap3A_237] {strides = array<i32>} : memref<640xf32, #tpu.memory_space<vmem>>, vector<16xf32>,
    %swap3A_239 = vector.shape_cast %swap3A_238 : vector<16xf32> to vector<16xf32>
    %swap3A_240 = vector.shape_cast %broadcast_in_dim3A_236 : vector<16xf32> to vector<16xf32>
    tpu.vector_store %arg21[%swap3A_237], %swap3A_240 {strides = array<i32>} : memref<640xf32, #tpu.memory_space<vmem>>, vector<16xf32>,
    %broadcast_in_dim3A_241 = arith.constant 0 : i32
    %broadcast_in_dim3A_242 = vector.broadcast %broadcast_in_dim3A_241 : i32 to vector<16xi32>
    %swap3A_243 = arith.constant 192 : index
    %swap3A_244 = tpu.vector_load %arg20[%swap3A_243] {strides = array<i32>} : memref<640xi32, #tpu.memory_space<vmem>>, vector<16xi32>,
    %swap3A_245 = vector.shape_cast %swap3A_244 : vector<16xi32> to vector<16xi32>
    %swap3A_246 = vector.shape_cast %broadcast_in_dim3A_242 : vector<16xi32> to vector<16xi32>
    tpu.vector_store %arg20[%swap3A_243], %swap3A_246 {strides = array<i32>} : memref<640xi32, #tpu.memory_space<vmem>>, vector<16xi32>,
    %broadcast_in_dim3A_247 = arith.constant 0.000000e+00 : f32
    %broadcast_in_dim3A_248 = vector.broadcast %broadcast_in_dim3A_247 : f32 to vector<16xf32>
    %swap3A_249 = arith.constant 192 : index
    %swap3A_250 = tpu.vector_load %arg21[%swap3A_249] {strides = array<i32>} : memref<640xf32, #tpu.memory_space<vmem>>, vector<16xf32>,
    %swap3A_251 = vector.shape_cast %swap3A_250 : vector<16xf32> to vector<16xf32>
    %swap3A_252 = vector.shape_cast %broadcast_in_dim3A_248 : vector<16xf32> to vector<16xf32>
    tpu.vector_store %arg21[%swap3A_249], %swap3A_252 {strides = array<i32>} : memref<640xf32, #tpu.memory_space<vmem>>, vector<16xf32>,
    %broadcast_in_dim3A_253 = arith.constant 0 : i32
    %broadcast_in_dim3A_254 = vector.broadcast %broadcast_in_dim3A_253 : i32 to vector<16xi32>
    %swap3A_255 = arith.constant 208 : index
    %swap3A_256 = tpu.vector_load %arg20[%swap3A_255] {strides = array<i32>} : memref<640xi32, #tpu.memory_space<vmem>>, vector<16xi32>,
    %swap3A_257 = vector.shape_cast %swap3A_256 : vector<16xi32> to vector<16xi32>
    %swap3A_258 = vector.shape_cast %broadcast_in_dim3A_254 : vector<16xi32> to vector<16xi32>
    tpu.vector_store %arg20[%swap3A_255], %swap3A_258 {strides = array<i32>} : memref<640xi32, #tpu.memory_space<vmem>>, vector<16xi32>,
    %broadcast_in_dim3A_259 = arith.constant 0.000000e+00 : f32
    %broadcast_in_dim3A_260 = vector.broadcast %broadcast_in_dim3A_259 : f32 to vector<16xf32>
    %swap3A_261 = arith.constant 208 : index
    %swap3A_262 = tpu.vector_load %arg21[%swap3A_261] {strides = array<i32>} : memref<640xf32, #tpu.memory_space<vmem>>, vector<16xf32>,
    %swap3A_263 = vector.shape_cast %swap3A_262 : vector<16xf32> to vector<16xf32>
    %swap3A_264 = vector.shape_cast %broadcast_in_dim3A_260 : vector<16xf32> to vector<16xf32>
    tpu.vector_store %arg21[%swap3A_261], %swap3A_264 {strides = array<i32>} : memref<640xf32, #tpu.memory_space<vmem>>, vector<16xf32>,
    %broadcast_in_dim3A_265 = arith.constant 0 : i32
    %broadcast_in_dim3A_266 = vector.broadcast %broadcast_in_dim3A_265 : i32 to vector<16xi32>
    %swap3A_267 = arith.constant 224 : index
    %swap3A_268 = tpu.vector_load %arg20[%swap3A_267] {strides = array<i32>} : memref<640xi32, #tpu.memory_space<vmem>>, vector<16xi32>,
    %swap3A_269 = vector.shape_cast %swap3A_268 : vector<16xi32> to vector<16xi32>
    %swap3A_270 = vector.shape_cast %broadcast_in_dim3A_266 : vector<16xi32> to vector<16xi32>
    tpu.vector_store %arg20[%swap3A_267], %swap3A_270 {strides = array<i32>} : memref<640xi32, #tpu.memory_space<vmem>>, vector<16xi32>,
    %broadcast_in_dim3A_271 = arith.constant 0.000000e+00 : f32
    %broadcast_in_dim3A_272 = vector.broadcast %broadcast_in_dim3A_271 : f32 to vector<16xf32>
    %swap3A_273 = arith.constant 224 : index
    %swap3A_274 = tpu.vector_load %arg21[%swap3A_273] {strides = array<i32>} : memref<640xf32, #tpu.memory_space<vmem>>, vector<16xf32>,
    %swap3A_275 = vector.shape_cast %swap3A_274 : vector<16xf32> to vector<16xf32>
    %swap3A_276 = vector.shape_cast %broadcast_in_dim3A_272 : vector<16xf32> to vector<16xf32>
    tpu.vector_store %arg21[%swap3A_273], %swap3A_276 {strides = array<i32>} : memref<640xf32, #tpu.memory_space<vmem>>, vector<16xf32>,
    %broadcast_in_dim3A_277 = arith.constant 0 : i32
    %broadcast_in_dim3A_278 = vector.broadcast %broadcast_in_dim3A_277 : i32 to vector<16xi32>
    %swap3A_279 = arith.constant 240 : index
    %swap3A_280 = tpu.vector_load %arg20[%swap3A_279] {strides = array<i32>} : memref<640xi32, #tpu.memory_space<vmem>>, vector<16xi32>,
    %swap3A_281 = vector.shape_cast %swap3A_280 : vector<16xi32> to vector<16xi32>
    %swap3A_282 = vector.shape_cast %broadcast_in_dim3A_278 : vector<16xi32> to vector<16xi32>
    tpu.vector_store %arg20[%swap3A_279], %swap3A_282 {strides = array<i32>} : memref<640xi32, #tpu.memory_space<vmem>>, vector<16xi32>,
    %broadcast_in_dim3A_283 = arith.constant 0.000000e+00 : f32
    %broadcast_in_dim3A_284 = vector.broadcast %broadcast_in_dim3A_283 : f32 to vector<16xf32>
    %swap3A_285 = arith.constant 240 : index
    %swap3A_286 = tpu.vector_load %arg21[%swap3A_285] {strides = array<i32>} : memref<640xf32, #tpu.memory_space<vmem>>, vector<16xf32>,
    %swap3A_287 = vector.shape_cast %swap3A_286 : vector<16xf32> to vector<16xf32>
    %swap3A_288 = vector.shape_cast %broadcast_in_dim3A_284 : vector<16xf32> to vector<16xf32>
    tpu.vector_store %arg21[%swap3A_285], %swap3A_288 {strides = array<i32>} : memref<640xf32, #tpu.memory_space<vmem>>, vector<16xf32>,
    %broadcast_in_dim3A_289 = arith.constant 0 : i32
    %broadcast_in_dim3A_290 = vector.broadcast %broadcast_in_dim3A_289 : i32 to vector<16xi32>
    %swap3A_291 = arith.constant 256 : index
    %swap3A_292 = tpu.vector_load %arg20[%swap3A_291] {strides = array<i32>} : memref<640xi32, #tpu.memory_space<vmem>>, vector<16xi32>,
    %swap3A_293 = vector.shape_cast %swap3A_292 : vector<16xi32> to vector<16xi32>
    %swap3A_294 = vector.shape_cast %broadcast_in_dim3A_290 : vector<16xi32> to vector<16xi32>
    tpu.vector_store %arg20[%swap3A_291], %swap3A_294 {strides = array<i32>} : memref<640xi32, #tpu.memory_space<vmem>>, vector<16xi32>,
    %broadcast_in_dim3A_295 = arith.constant 0.000000e+00 : f32
    %broadcast_in_dim3A_296 = vector.broadcast %broadcast_in_dim3A_295 : f32 to vector<16xf32>
    %swap3A_297 = arith.constant 256 : index
    %swap3A_298 = tpu.vector_load %arg21[%swap3A_297] {strides = array<i32>} : memref<640xf32, #tpu.memory_space<vmem>>, vector<16xf32>,
    %swap3A_299 = vector.shape_cast %swap3A_298 : vector<16xf32> to vector<16xf32>
    %swap3A_300 = vector.shape_cast %broadcast_in_dim3A_296 : vector<16xf32> to vector<16xf32>
    tpu.vector_store %arg21[%swap3A_297], %swap3A_300 {strides = array<i32>} : memref<640xf32, #tpu.memory_space<vmem>>, vector<16xf32>,
    %broadcast_in_dim3A_301 = arith.constant 0 : i32
    %broadcast_in_dim3A_302 = vector.broadcast %broadcast_in_dim3A_301 : i32 to vector<16xi32>
    %swap3A_303 = arith.constant 272 : index
    %swap3A_304 = tpu.vector_load %arg20[%swap3A_303] {strides = array<i32>} : memref<640xi32, #tpu.memory_space<vmem>>, vector<16xi32>,
    %swap3A_305 = vector.shape_cast %swap3A_304 : vector<16xi32> to vector<16xi32>
    %swap3A_306 = vector.shape_cast %broadcast_in_dim3A_302 : vector<16xi32> to vector<16xi32>
    tpu.vector_store %arg20[%swap3A_303], %swap3A_306 {strides = array<i32>} : memref<640xi32, #tpu.memory_space<vmem>>, vector<16xi32>,
    %broadcast_in_dim3A_307 = arith.constant 0.000000e+00 : f32
    %broadcast_in_dim3A_308 = vector.broadcast %broadcast_in_dim3A_307 : f32 to vector<16xf32>
    %swap3A_309 = arith.constant 272 : index
    %swap3A_310 = tpu.vector_load %arg21[%swap3A_309] {strides = array<i32>} : memref<640xf32, #tpu.memory_space<vmem>>, vector<16xf32>,
    %swap3A_311 = vector.shape_cast %swap3A_310 : vector<16xf32> to vector<16xf32>
    %swap3A_312 = vector.shape_cast %broadcast_in_dim3A_308 : vector<16xf32> to vector<16xf32>
    tpu.vector_store %arg21[%swap3A_309], %swap3A_312 {strides = array<i32>} : memref<640xf32, #tpu.memory_space<vmem>>, vector<16xf32>,
    %broadcast_in_dim3A_313 = arith.constant 0 : i32
    %broadcast_in_dim3A_314 = vector.broadcast %broadcast_in_dim3A_313 : i32 to vector<16xi32>
    %swap3A_315 = arith.constant 288 : index
    %swap3A_316 = tpu.vector_load %arg20[%swap3A_315] {strides = array<i32>} : memref<640xi32, #tpu.memory_space<vmem>>, vector<16xi32>,
    %swap3A_317 = vector.shape_cast %swap3A_316 : vector<16xi32> to vector<16xi32>
    %swap3A_318 = vector.shape_cast %broadcast_in_dim3A_314 : vector<16xi32> to vector<16xi32>
    tpu.vector_store %arg20[%swap3A_315], %swap3A_318 {strides = array<i32>} : memref<640xi32, #tpu.memory_space<vmem>>, vector<16xi32>,
    %broadcast_in_dim3A_319 = arith.constant 0.000000e+00 : f32
    %broadcast_in_dim3A_320 = vector.broadcast %broadcast_in_dim3A_319 : f32 to vector<16xf32>
    %swap3A_321 = arith.constant 288 : index
    %swap3A_322 = tpu.vector_load %arg21[%swap3A_321] {strides = array<i32>} : memref<640xf32, #tpu.memory_space<vmem>>, vector<16xf32>,
    %swap3A_323 = vector.shape_cast %swap3A_322 : vector<16xf32> to vector<16xf32>
    %swap3A_324 = vector.shape_cast %broadcast_in_dim3A_320 : vector<16xf32> to vector<16xf32>
    tpu.vector_store %arg21[%swap3A_321], %swap3A_324 {strides = array<i32>} : memref<640xf32, #tpu.memory_space<vmem>>, vector<16xf32>,
    %broadcast_in_dim3A_325 = arith.constant 0 : i32
    %broadcast_in_dim3A_326 = vector.broadcast %broadcast_in_dim3A_325 : i32 to vector<16xi32>
    %swap3A_327 = arith.constant 304 : index
    %swap3A_328 = tpu.vector_load %arg20[%swap3A_327] {strides = array<i32>} : memref<640xi32, #tpu.memory_space<vmem>>, vector<16xi32>,
    %swap3A_329 = vector.shape_cast %swap3A_328 : vector<16xi32> to vector<16xi32>
    %swap3A_330 = vector.shape_cast %broadcast_in_dim3A_326 : vector<16xi32> to vector<16xi32>
    tpu.vector_store %arg20[%swap3A_327], %swap3A_330 {strides = array<i32>} : memref<640xi32, #tpu.memory_space<vmem>>, vector<16xi32>,
    %broadcast_in_dim3A_331 = arith.constant 0.000000e+00 : f32
    %broadcast_in_dim3A_332 = vector.broadcast %broadcast_in_dim3A_331 : f32 to vector<16xf32>
    %swap3A_333 = arith.constant 304 : index
    %swap3A_334 = tpu.vector_load %arg21[%swap3A_333] {strides = array<i32>} : memref<640xf32, #tpu.memory_space<vmem>>, vector<16xf32>,
    %swap3A_335 = vector.shape_cast %swap3A_334 : vector<16xf32> to vector<16xf32>
    %swap3A_336 = vector.shape_cast %broadcast_in_dim3A_332 : vector<16xf32> to vector<16xf32>
    tpu.vector_store %arg21[%swap3A_333], %swap3A_336 {strides = array<i32>} : memref<640xf32, #tpu.memory_space<vmem>>, vector<16xf32>,
    %broadcast_in_dim3A_337 = arith.constant 0 : i32
    %broadcast_in_dim3A_338 = vector.broadcast %broadcast_in_dim3A_337 : i32 to vector<16xi32>
    %swap3A_339 = arith.constant 320 : index
    %swap3A_340 = tpu.vector_load %arg20[%swap3A_339] {strides = array<i32>} : memref<640xi32, #tpu.memory_space<vmem>>, vector<16xi32>,
    %swap3A_341 = vector.shape_cast %swap3A_340 : vector<16xi32> to vector<16xi32>
    %swap3A_342 = vector.shape_cast %broadcast_in_dim3A_338 : vector<16xi32> to vector<16xi32>
    tpu.vector_store %arg20[%swap3A_339], %swap3A_342 {strides = array<i32>} : memref<640xi32, #tpu.memory_space<vmem>>, vector<16xi32>,
    %broadcast_in_dim3A_343 = arith.constant 0.000000e+00 : f32
    %broadcast_in_dim3A_344 = vector.broadcast %broadcast_in_dim3A_343 : f32 to vector<16xf32>
    %swap3A_345 = arith.constant 320 : index
    %swap3A_346 = tpu.vector_load %arg21[%swap3A_345] {strides = array<i32>} : memref<640xf32, #tpu.memory_space<vmem>>, vector<16xf32>,
    %swap3A_347 = vector.shape_cast %swap3A_346 : vector<16xf32> to vector<16xf32>
    %swap3A_348 = vector.shape_cast %broadcast_in_dim3A_344 : vector<16xf32> to vector<16xf32>
    tpu.vector_store %arg21[%swap3A_345], %swap3A_348 {strides = array<i32>} : memref<640xf32, #tpu.memory_space<vmem>>, vector<16xf32>,
    %broadcast_in_dim3A_349 = arith.constant 0 : i32
    %broadcast_in_dim3A_350 = vector.broadcast %broadcast_in_dim3A_349 : i32 to vector<16xi32>
    %swap3A_351 = arith.constant 336 : index
    %swap3A_352 = tpu.vector_load %arg20[%swap3A_351] {strides = array<i32>} : memref<640xi32, #tpu.memory_space<vmem>>, vector<16xi32>,
    %swap3A_353 = vector.shape_cast %swap3A_352 : vector<16xi32> to vector<16xi32>
    %swap3A_354 = vector.shape_cast %broadcast_in_dim3A_350 : vector<16xi32> to vector<16xi32>
    tpu.vector_store %arg20[%swap3A_351], %swap3A_354 {strides = array<i32>} : memref<640xi32, #tpu.memory_space<vmem>>, vector<16xi32>,
    %broadcast_in_dim3A_355 = arith.constant 0.000000e+00 : f32
    %broadcast_in_dim3A_356 = vector.broadcast %broadcast_in_dim3A_355 : f32 to vector<16xf32>
    %swap3A_357 = arith.constant 336 : index
    %swap3A_358 = tpu.vector_load %arg21[%swap3A_357] {strides = array<i32>} : memref<640xf32, #tpu.memory_space<vmem>>, vector<16xf32>,
    %swap3A_359 = vector.shape_cast %swap3A_358 : vector<16xf32> to vector<16xf32>
    %swap3A_360 = vector.shape_cast %broadcast_in_dim3A_356 : vector<16xf32> to vector<16xf32>
    tpu.vector_store %arg21[%swap3A_357], %swap3A_360 {strides = array<i32>} : memref<640xf32, #tpu.memory_space<vmem>>, vector<16xf32>,
    %broadcast_in_dim3A_361 = arith.constant 0 : i32
    %broadcast_in_dim3A_362 = vector.broadcast %broadcast_in_dim3A_361 : i32 to vector<16xi32>
    %swap3A_363 = arith.constant 352 : index
    %swap3A_364 = tpu.vector_load %arg20[%swap3A_363] {strides = array<i32>} : memref<640xi32, #tpu.memory_space<vmem>>, vector<16xi32>,
    %swap3A_365 = vector.shape_cast %swap3A_364 : vector<16xi32> to vector<16xi32>
    %swap3A_366 = vector.shape_cast %broadcast_in_dim3A_362 : vector<16xi32> to vector<16xi32>
    tpu.vector_store %arg20[%swap3A_363], %swap3A_366 {strides = array<i32>} : memref<640xi32, #tpu.memory_space<vmem>>, vector<16xi32>,
    %broadcast_in_dim3A_367 = arith.constant 0.000000e+00 : f32
    %broadcast_in_dim3A_368 = vector.broadcast %broadcast_in_dim3A_367 : f32 to vector<16xf32>
    %swap3A_369 = arith.constant 352 : index
    %swap3A_370 = tpu.vector_load %arg21[%swap3A_369] {strides = array<i32>} : memref<640xf32, #tpu.memory_space<vmem>>, vector<16xf32>,
    %swap3A_371 = vector.shape_cast %swap3A_370 : vector<16xf32> to vector<16xf32>
    %swap3A_372 = vector.shape_cast %broadcast_in_dim3A_368 : vector<16xf32> to vector<16xf32>
    tpu.vector_store %arg21[%swap3A_369], %swap3A_372 {strides = array<i32>} : memref<640xf32, #tpu.memory_space<vmem>>, vector<16xf32>,
    %broadcast_in_dim3A_373 = arith.constant 0 : i32
    %broadcast_in_dim3A_374 = vector.broadcast %broadcast_in_dim3A_373 : i32 to vector<16xi32>
    %swap3A_375 = arith.constant 368 : index
    %swap3A_376 = tpu.vector_load %arg20[%swap3A_375] {strides = array<i32>} : memref<640xi32, #tpu.memory_space<vmem>>, vector<16xi32>,
    %swap3A_377 = vector.shape_cast %swap3A_376 : vector<16xi32> to vector<16xi32>
    %swap3A_378 = vector.shape_cast %broadcast_in_dim3A_374 : vector<16xi32> to vector<16xi32>
    tpu.vector_store %arg20[%swap3A_375], %swap3A_378 {strides = array<i32>} : memref<640xi32, #tpu.memory_space<vmem>>, vector<16xi32>,
    %broadcast_in_dim3A_379 = arith.constant 0.000000e+00 : f32
    %broadcast_in_dim3A_380 = vector.broadcast %broadcast_in_dim3A_379 : f32 to vector<16xf32>
    %swap3A_381 = arith.constant 368 : index
    %swap3A_382 = tpu.vector_load %arg21[%swap3A_381] {strides = array<i32>} : memref<640xf32, #tpu.memory_space<vmem>>, vector<16xf32>,
    %swap3A_383 = vector.shape_cast %swap3A_382 : vector<16xf32> to vector<16xf32>
    %swap3A_384 = vector.shape_cast %broadcast_in_dim3A_380 : vector<16xf32> to vector<16xf32>
    tpu.vector_store %arg21[%swap3A_381], %swap3A_384 {strides = array<i32>} : memref<640xf32, #tpu.memory_space<vmem>>, vector<16xf32>,
    %broadcast_in_dim3A_385 = arith.constant 0 : i32
    %broadcast_in_dim3A_386 = vector.broadcast %broadcast_in_dim3A_385 : i32 to vector<16xi32>
    %swap3A_387 = arith.constant 384 : index
    %swap3A_388 = tpu.vector_load %arg20[%swap3A_387] {strides = array<i32>} : memref<640xi32, #tpu.memory_space<vmem>>, vector<16xi32>,
    %swap3A_389 = vector.shape_cast %swap3A_388 : vector<16xi32> to vector<16xi32>
    %swap3A_390 = vector.shape_cast %broadcast_in_dim3A_386 : vector<16xi32> to vector<16xi32>
    tpu.vector_store %arg20[%swap3A_387], %swap3A_390 {strides = array<i32>} : memref<640xi32, #tpu.memory_space<vmem>>, vector<16xi32>,
    %broadcast_in_dim3A_391 = arith.constant 0.000000e+00 : f32
    %broadcast_in_dim3A_392 = vector.broadcast %broadcast_in_dim3A_391 : f32 to vector<16xf32>
    %swap3A_393 = arith.constant 384 : index
    %swap3A_394 = tpu.vector_load %arg21[%swap3A_393] {strides = array<i32>} : memref<640xf32, #tpu.memory_space<vmem>>, vector<16xf32>,
    %swap3A_395 = vector.shape_cast %swap3A_394 : vector<16xf32> to vector<16xf32>
    %swap3A_396 = vector.shape_cast %broadcast_in_dim3A_392 : vector<16xf32> to vector<16xf32>
    tpu.vector_store %arg21[%swap3A_393], %swap3A_396 {strides = array<i32>} : memref<640xf32, #tpu.memory_space<vmem>>, vector<16xf32>,
    %broadcast_in_dim3A_397 = arith.constant 0 : i32
    %broadcast_in_dim3A_398 = vector.broadcast %broadcast_in_dim3A_397 : i32 to vector<16xi32>
    %swap3A_399 = arith.constant 400 : index
    %swap3A_400 = tpu.vector_load %arg20[%swap3A_399] {strides = array<i32>} : memref<640xi32, #tpu.memory_space<vmem>>, vector<16xi32>,
    %swap3A_401 = vector.shape_cast %swap3A_400 : vector<16xi32> to vector<16xi32>
    %swap3A_402 = vector.shape_cast %broadcast_in_dim3A_398 : vector<16xi32> to vector<16xi32>
    tpu.vector_store %arg20[%swap3A_399], %swap3A_402 {strides = array<i32>} : memref<640xi32, #tpu.memory_space<vmem>>, vector<16xi32>,
    %broadcast_in_dim3A_403 = arith.constant 0.000000e+00 : f32
    %broadcast_in_dim3A_404 = vector.broadcast %broadcast_in_dim3A_403 : f32 to vector<16xf32>
    %swap3A_405 = arith.constant 400 : index
    %swap3A_406 = tpu.vector_load %arg21[%swap3A_405] {strides = array<i32>} : memref<640xf32, #tpu.memory_space<vmem>>, vector<16xf32>,
    %swap3A_407 = vector.shape_cast %swap3A_406 : vector<16xf32> to vector<16xf32>
    %swap3A_408 = vector.shape_cast %broadcast_in_dim3A_404 : vector<16xf32> to vector<16xf32>
    tpu.vector_store %arg21[%swap3A_405], %swap3A_408 {strides = array<i32>} : memref<640xf32, #tpu.memory_space<vmem>>, vector<16xf32>,
    %broadcast_in_dim3A_409 = arith.constant 0 : i32
    %broadcast_in_dim3A_410 = vector.broadcast %broadcast_in_dim3A_409 : i32 to vector<16xi32>
    %swap3A_411 = arith.constant 416 : index
    %swap3A_412 = tpu.vector_load %arg20[%swap3A_411] {strides = array<i32>} : memref<640xi32, #tpu.memory_space<vmem>>, vector<16xi32>,
    %swap3A_413 = vector.shape_cast %swap3A_412 : vector<16xi32> to vector<16xi32>
    %swap3A_414 = vector.shape_cast %broadcast_in_dim3A_410 : vector<16xi32> to vector<16xi32>
    tpu.vector_store %arg20[%swap3A_411], %swap3A_414 {strides = array<i32>} : memref<640xi32, #tpu.memory_space<vmem>>, vector<16xi32>,
    %broadcast_in_dim3A_415 = arith.constant 0.000000e+00 : f32
    %broadcast_in_dim3A_416 = vector.broadcast %broadcast_in_dim3A_415 : f32 to vector<16xf32>
    %swap3A_417 = arith.constant 416 : index
    %swap3A_418 = tpu.vector_load %arg21[%swap3A_417] {strides = array<i32>} : memref<640xf32, #tpu.memory_space<vmem>>, vector<16xf32>,
    %swap3A_419 = vector.shape_cast %swap3A_418 : vector<16xf32> to vector<16xf32>
    %swap3A_420 = vector.shape_cast %broadcast_in_dim3A_416 : vector<16xf32> to vector<16xf32>
    tpu.vector_store %arg21[%swap3A_417], %swap3A_420 {strides = array<i32>} : memref<640xf32, #tpu.memory_space<vmem>>, vector<16xf32>,
    %broadcast_in_dim3A_421 = arith.constant 0 : i32
    %broadcast_in_dim3A_422 = vector.broadcast %broadcast_in_dim3A_421 : i32 to vector<16xi32>
    %swap3A_423 = arith.constant 432 : index
    %swap3A_424 = tpu.vector_load %arg20[%swap3A_423] {strides = array<i32>} : memref<640xi32, #tpu.memory_space<vmem>>, vector<16xi32>,
    %swap3A_425 = vector.shape_cast %swap3A_424 : vector<16xi32> to vector<16xi32>
    %swap3A_426 = vector.shape_cast %broadcast_in_dim3A_422 : vector<16xi32> to vector<16xi32>
    tpu.vector_store %arg20[%swap3A_423], %swap3A_426 {strides = array<i32>} : memref<640xi32, #tpu.memory_space<vmem>>, vector<16xi32>,
    %broadcast_in_dim3A_427 = arith.constant 0.000000e+00 : f32
    %broadcast_in_dim3A_428 = vector.broadcast %broadcast_in_dim3A_427 : f32 to vector<16xf32>
    %swap3A_429 = arith.constant 432 : index
    %swap3A_430 = tpu.vector_load %arg21[%swap3A_429] {strides = array<i32>} : memref<640xf32, #tpu.memory_space<vmem>>, vector<16xf32>,
    %swap3A_431 = vector.shape_cast %swap3A_430 : vector<16xf32> to vector<16xf32>
    %swap3A_432 = vector.shape_cast %broadcast_in_dim3A_428 : vector<16xf32> to vector<16xf32>
    tpu.vector_store %arg21[%swap3A_429], %swap3A_432 {strides = array<i32>} : memref<640xf32, #tpu.memory_space<vmem>>, vector<16xf32>,
    %broadcast_in_dim3A_433 = arith.constant 0 : i32
    %broadcast_in_dim3A_434 = vector.broadcast %broadcast_in_dim3A_433 : i32 to vector<16xi32>
    %swap3A_435 = arith.constant 448 : index
    %swap3A_436 = tpu.vector_load %arg20[%swap3A_435] {strides = array<i32>} : memref<640xi32, #tpu.memory_space<vmem>>, vector<16xi32>,
    %swap3A_437 = vector.shape_cast %swap3A_436 : vector<16xi32> to vector<16xi32>
    %swap3A_438 = vector.shape_cast %broadcast_in_dim3A_434 : vector<16xi32> to vector<16xi32>
    tpu.vector_store %arg20[%swap3A_435], %swap3A_438 {strides = array<i32>} : memref<640xi32, #tpu.memory_space<vmem>>, vector<16xi32>,
    %broadcast_in_dim3A_439 = arith.constant 0.000000e+00 : f32
    %broadcast_in_dim3A_440 = vector.broadcast %broadcast_in_dim3A_439 : f32 to vector<16xf32>
    %swap3A_441 = arith.constant 448 : index
    %swap3A_442 = tpu.vector_load %arg21[%swap3A_441] {strides = array<i32>} : memref<640xf32, #tpu.memory_space<vmem>>, vector<16xf32>,
    %swap3A_443 = vector.shape_cast %swap3A_442 : vector<16xf32> to vector<16xf32>
    %swap3A_444 = vector.shape_cast %broadcast_in_dim3A_440 : vector<16xf32> to vector<16xf32>
    tpu.vector_store %arg21[%swap3A_441], %swap3A_444 {strides = array<i32>} : memref<640xf32, #tpu.memory_space<vmem>>, vector<16xf32>,
    %broadcast_in_dim3A_445 = arith.constant 0 : i32
    %broadcast_in_dim3A_446 = vector.broadcast %broadcast_in_dim3A_445 : i32 to vector<16xi32>
    %swap3A_447 = arith.constant 464 : index
    %swap3A_448 = tpu.vector_load %arg20[%swap3A_447] {strides = array<i32>} : memref<640xi32, #tpu.memory_space<vmem>>, vector<16xi32>,
    %swap3A_449 = vector.shape_cast %swap3A_448 : vector<16xi32> to vector<16xi32>
    %swap3A_450 = vector.shape_cast %broadcast_in_dim3A_446 : vector<16xi32> to vector<16xi32>
    tpu.vector_store %arg20[%swap3A_447], %swap3A_450 {strides = array<i32>} : memref<640xi32, #tpu.memory_space<vmem>>, vector<16xi32>,
    %broadcast_in_dim3A_451 = arith.constant 0.000000e+00 : f32
    %broadcast_in_dim3A_452 = vector.broadcast %broadcast_in_dim3A_451 : f32 to vector<16xf32>
    %swap3A_453 = arith.constant 464 : index
    %swap3A_454 = tpu.vector_load %arg21[%swap3A_453] {strides = array<i32>} : memref<640xf32, #tpu.memory_space<vmem>>, vector<16xf32>,
    %swap3A_455 = vector.shape_cast %swap3A_454 : vector<16xf32> to vector<16xf32>
    %swap3A_456 = vector.shape_cast %broadcast_in_dim3A_452 : vector<16xf32> to vector<16xf32>
    tpu.vector_store %arg21[%swap3A_453], %swap3A_456 {strides = array<i32>} : memref<640xf32, #tpu.memory_space<vmem>>, vector<16xf32>,
    %broadcast_in_dim3A_457 = arith.constant 0 : i32
    %broadcast_in_dim3A_458 = vector.broadcast %broadcast_in_dim3A_457 : i32 to vector<16xi32>
    %swap3A_459 = arith.constant 480 : index
    %swap3A_460 = tpu.vector_load %arg20[%swap3A_459] {strides = array<i32>} : memref<640xi32, #tpu.memory_space<vmem>>, vector<16xi32>,
    %swap3A_461 = vector.shape_cast %swap3A_460 : vector<16xi32> to vector<16xi32>
    %swap3A_462 = vector.shape_cast %broadcast_in_dim3A_458 : vector<16xi32> to vector<16xi32>
    tpu.vector_store %arg20[%swap3A_459], %swap3A_462 {strides = array<i32>} : memref<640xi32, #tpu.memory_space<vmem>>, vector<16xi32>,
    %broadcast_in_dim3A_463 = arith.constant 0.000000e+00 : f32
    %broadcast_in_dim3A_464 = vector.broadcast %broadcast_in_dim3A_463 : f32 to vector<16xf32>
    %swap3A_465 = arith.constant 480 : index
    %swap3A_466 = tpu.vector_load %arg21[%swap3A_465] {strides = array<i32>} : memref<640xf32, #tpu.memory_space<vmem>>, vector<16xf32>,
    %swap3A_467 = vector.shape_cast %swap3A_466 : vector<16xf32> to vector<16xf32>
    %swap3A_468 = vector.shape_cast %broadcast_in_dim3A_464 : vector<16xf32> to vector<16xf32>
    tpu.vector_store %arg21[%swap3A_465], %swap3A_468 {strides = array<i32>} : memref<640xf32, #tpu.memory_space<vmem>>, vector<16xf32>,
    %broadcast_in_dim3A_469 = arith.constant 0 : i32
    %broadcast_in_dim3A_470 = vector.broadcast %broadcast_in_dim3A_469 : i32 to vector<16xi32>
    %swap3A_471 = arith.constant 496 : index
    %swap3A_472 = tpu.vector_load %arg20[%swap3A_471] {strides = array<i32>} : memref<640xi32, #tpu.memory_space<vmem>>, vector<16xi32>,
    %swap3A_473 = vector.shape_cast %swap3A_472 : vector<16xi32> to vector<16xi32>
    %swap3A_474 = vector.shape_cast %broadcast_in_dim3A_470 : vector<16xi32> to vector<16xi32>
    tpu.vector_store %arg20[%swap3A_471], %swap3A_474 {strides = array<i32>} : memref<640xi32, #tpu.memory_space<vmem>>, vector<16xi32>,
    %broadcast_in_dim3A_475 = arith.constant 0.000000e+00 : f32
    %broadcast_in_dim3A_476 = vector.broadcast %broadcast_in_dim3A_475 : f32 to vector<16xf32>
    %swap3A_477 = arith.constant 496 : index
    %swap3A_478 = tpu.vector_load %arg21[%swap3A_477] {strides = array<i32>} : memref<640xf32, #tpu.memory_space<vmem>>, vector<16xf32>,
    %swap3A_479 = vector.shape_cast %swap3A_478 : vector<16xf32> to vector<16xf32>
    %swap3A_480 = vector.shape_cast %broadcast_in_dim3A_476 : vector<16xf32> to vector<16xf32>
    tpu.vector_store %arg21[%swap3A_477], %swap3A_480 {strides = array<i32>} : memref<640xf32, #tpu.memory_space<vmem>>, vector<16xf32>,
    %broadcast_in_dim3A_481 = arith.constant 0 : i32
    %broadcast_in_dim3A_482 = vector.broadcast %broadcast_in_dim3A_481 : i32 to vector<16xi32>
    %swap3A_483 = arith.constant 512 : index
    %swap3A_484 = tpu.vector_load %arg20[%swap3A_483] {strides = array<i32>} : memref<640xi32, #tpu.memory_space<vmem>>, vector<16xi32>,
    %swap3A_485 = vector.shape_cast %swap3A_484 : vector<16xi32> to vector<16xi32>
    %swap3A_486 = vector.shape_cast %broadcast_in_dim3A_482 : vector<16xi32> to vector<16xi32>
    tpu.vector_store %arg20[%swap3A_483], %swap3A_486 {strides = array<i32>} : memref<640xi32, #tpu.memory_space<vmem>>, vector<16xi32>,
    %broadcast_in_dim3A_487 = arith.constant 0.000000e+00 : f32
    %broadcast_in_dim3A_488 = vector.broadcast %broadcast_in_dim3A_487 : f32 to vector<16xf32>
    %swap3A_489 = arith.constant 512 : index
    %swap3A_490 = tpu.vector_load %arg21[%swap3A_489] {strides = array<i32>} : memref<640xf32, #tpu.memory_space<vmem>>, vector<16xf32>,
    %swap3A_491 = vector.shape_cast %swap3A_490 : vector<16xf32> to vector<16xf32>
    %swap3A_492 = vector.shape_cast %broadcast_in_dim3A_488 : vector<16xf32> to vector<16xf32>
    tpu.vector_store %arg21[%swap3A_489], %swap3A_492 {strides = array<i32>} : memref<640xf32, #tpu.memory_space<vmem>>, vector<16xf32>,
    %broadcast_in_dim3A_493 = arith.constant 0 : i32
    %broadcast_in_dim3A_494 = vector.broadcast %broadcast_in_dim3A_493 : i32 to vector<16xi32>
    %swap3A_495 = arith.constant 528 : index
    %swap3A_496 = tpu.vector_load %arg20[%swap3A_495] {strides = array<i32>} : memref<640xi32, #tpu.memory_space<vmem>>, vector<16xi32>,
    %swap3A_497 = vector.shape_cast %swap3A_496 : vector<16xi32> to vector<16xi32>
    %swap3A_498 = vector.shape_cast %broadcast_in_dim3A_494 : vector<16xi32> to vector<16xi32>
    tpu.vector_store %arg20[%swap3A_495], %swap3A_498 {strides = array<i32>} : memref<640xi32, #tpu.memory_space<vmem>>, vector<16xi32>,
    %broadcast_in_dim3A_499 = arith.constant 0.000000e+00 : f32
    %broadcast_in_dim3A_500 = vector.broadcast %broadcast_in_dim3A_499 : f32 to vector<16xf32>
    %swap3A_501 = arith.constant 528 : index
    %swap3A_502 = tpu.vector_load %arg21[%swap3A_501] {strides = array<i32>} : memref<640xf32, #tpu.memory_space<vmem>>, vector<16xf32>,
    %swap3A_503 = vector.shape_cast %swap3A_502 : vector<16xf32> to vector<16xf32>
    %swap3A_504 = vector.shape_cast %broadcast_in_dim3A_500 : vector<16xf32> to vector<16xf32>
    tpu.vector_store %arg21[%swap3A_501], %swap3A_504 {strides = array<i32>} : memref<640xf32, #tpu.memory_space<vmem>>, vector<16xf32>,
    %broadcast_in_dim3A_505 = arith.constant 0 : i32
    %broadcast_in_dim3A_506 = vector.broadcast %broadcast_in_dim3A_505 : i32 to vector<16xi32>
    %swap3A_507 = arith.constant 544 : index
    %swap3A_508 = tpu.vector_load %arg20[%swap3A_507] {strides = array<i32>} : memref<640xi32, #tpu.memory_space<vmem>>, vector<16xi32>,
    %swap3A_509 = vector.shape_cast %swap3A_508 : vector<16xi32> to vector<16xi32>
    %swap3A_510 = vector.shape_cast %broadcast_in_dim3A_506 : vector<16xi32> to vector<16xi32>
    tpu.vector_store %arg20[%swap3A_507], %swap3A_510 {strides = array<i32>} : memref<640xi32, #tpu.memory_space<vmem>>, vector<16xi32>,
    %broadcast_in_dim3A_511 = arith.constant 0.000000e+00 : f32
    %broadcast_in_dim3A_512 = vector.broadcast %broadcast_in_dim3A_511 : f32 to vector<16xf32>
    %swap3A_513 = arith.constant 544 : index
    %swap3A_514 = tpu.vector_load %arg21[%swap3A_513] {strides = array<i32>} : memref<640xf32, #tpu.memory_space<vmem>>, vector<16xf32>,
    %swap3A_515 = vector.shape_cast %swap3A_514 : vector<16xf32> to vector<16xf32>
    %swap3A_516 = vector.shape_cast %broadcast_in_dim3A_512 : vector<16xf32> to vector<16xf32>
    tpu.vector_store %arg21[%swap3A_513], %swap3A_516 {strides = array<i32>} : memref<640xf32, #tpu.memory_space<vmem>>, vector<16xf32>,
    %broadcast_in_dim3A_517 = arith.constant 0 : i32
    %broadcast_in_dim3A_518 = vector.broadcast %broadcast_in_dim3A_517 : i32 to vector<16xi32>
    %swap3A_519 = arith.constant 560 : index
    %swap3A_520 = tpu.vector_load %arg20[%swap3A_519] {strides = array<i32>} : memref<640xi32, #tpu.memory_space<vmem>>, vector<16xi32>,
    %swap3A_521 = vector.shape_cast %swap3A_520 : vector<16xi32> to vector<16xi32>
    %swap3A_522 = vector.shape_cast %broadcast_in_dim3A_518 : vector<16xi32> to vector<16xi32>
    tpu.vector_store %arg20[%swap3A_519], %swap3A_522 {strides = array<i32>} : memref<640xi32, #tpu.memory_space<vmem>>, vector<16xi32>,
    %broadcast_in_dim3A_523 = arith.constant 0.000000e+00 : f32
    %broadcast_in_dim3A_524 = vector.broadcast %broadcast_in_dim3A_523 : f32 to vector<16xf32>
    %swap3A_525 = arith.constant 560 : index
    %swap3A_526 = tpu.vector_load %arg21[%swap3A_525] {strides = array<i32>} : memref<640xf32, #tpu.memory_space<vmem>>, vector<16xf32>,
    %swap3A_527 = vector.shape_cast %swap3A_526 : vector<16xf32> to vector<16xf32>
    %swap3A_528 = vector.shape_cast %broadcast_in_dim3A_524 : vector<16xf32> to vector<16xf32>
    tpu.vector_store %arg21[%swap3A_525], %swap3A_528 {strides = array<i32>} : memref<640xf32, #tpu.memory_space<vmem>>, vector<16xf32>,
    %broadcast_in_dim3A_529 = arith.constant 0 : i32
    %broadcast_in_dim3A_530 = vector.broadcast %broadcast_in_dim3A_529 : i32 to vector<16xi32>
    %swap3A_531 = arith.constant 576 : index
    %swap3A_532 = tpu.vector_load %arg20[%swap3A_531] {strides = array<i32>} : memref<640xi32, #tpu.memory_space<vmem>>, vector<16xi32>,
    %swap3A_533 = vector.shape_cast %swap3A_532 : vector<16xi32> to vector<16xi32>
    %swap3A_534 = vector.shape_cast %broadcast_in_dim3A_530 : vector<16xi32> to vector<16xi32>
    tpu.vector_store %arg20[%swap3A_531], %swap3A_534 {strides = array<i32>} : memref<640xi32, #tpu.memory_space<vmem>>, vector<16xi32>,
    %broadcast_in_dim3A_535 = arith.constant 0.000000e+00 : f32
    %broadcast_in_dim3A_536 = vector.broadcast %broadcast_in_dim3A_535 : f32 to vector<16xf32>
    %swap3A_537 = arith.constant 576 : index
    %swap3A_538 = tpu.vector_load %arg21[%swap3A_537] {strides = array<i32>} : memref<640xf32, #tpu.memory_space<vmem>>, vector<16xf32>,
    %swap3A_539 = vector.shape_cast %swap3A_538 : vector<16xf32> to vector<16xf32>
    %swap3A_540 = vector.shape_cast %broadcast_in_dim3A_536 : vector<16xf32> to vector<16xf32>
    tpu.vector_store %arg21[%swap3A_537], %swap3A_540 {strides = array<i32>} : memref<640xf32, #tpu.memory_space<vmem>>, vector<16xf32>,
    %broadcast_in_dim3A_541 = arith.constant 0 : i32
    %broadcast_in_dim3A_542 = vector.broadcast %broadcast_in_dim3A_541 : i32 to vector<16xi32>
    %swap3A_543 = arith.constant 592 : index
    %swap3A_544 = tpu.vector_load %arg20[%swap3A_543] {strides = array<i32>} : memref<640xi32, #tpu.memory_space<vmem>>, vector<16xi32>,
    %swap3A_545 = vector.shape_cast %swap3A_544 : vector<16xi32> to vector<16xi32>
    %swap3A_546 = vector.shape_cast %broadcast_in_dim3A_542 : vector<16xi32> to vector<16xi32>
    tpu.vector_store %arg20[%swap3A_543], %swap3A_546 {strides = array<i32>} : memref<640xi32, #tpu.memory_space<vmem>>, vector<16xi32>,
    %broadcast_in_dim3A_547 = arith.constant 0.000000e+00 : f32
    %broadcast_in_dim3A_548 = vector.broadcast %broadcast_in_dim3A_547 : f32 to vector<16xf32>
    %swap3A_549 = arith.constant 592 : index
    %swap3A_550 = tpu.vector_load %arg21[%swap3A_549] {strides = array<i32>} : memref<640xf32, #tpu.memory_space<vmem>>, vector<16xf32>,
    %swap3A_551 = vector.shape_cast %swap3A_550 : vector<16xf32> to vector<16xf32>
    %swap3A_552 = vector.shape_cast %broadcast_in_dim3A_548 : vector<16xf32> to vector<16xf32>
    tpu.vector_store %arg21[%swap3A_549], %swap3A_552 {strides = array<i32>} : memref<640xf32, #tpu.memory_space<vmem>>, vector<16xf32>,
    %broadcast_in_dim3A_553 = arith.constant 0 : i32
    %broadcast_in_dim3A_554 = vector.broadcast %broadcast_in_dim3A_553 : i32 to vector<16xi32>
    %swap3A_555 = arith.constant 608 : index
    %swap3A_556 = tpu.vector_load %arg20[%swap3A_555] {strides = array<i32>} : memref<640xi32, #tpu.memory_space<vmem>>, vector<16xi32>,
    %swap3A_557 = vector.shape_cast %swap3A_556 : vector<16xi32> to vector<16xi32>
    %swap3A_558 = vector.shape_cast %broadcast_in_dim3A_554 : vector<16xi32> to vector<16xi32>
    tpu.vector_store %arg20[%swap3A_555], %swap3A_558 {strides = array<i32>} : memref<640xi32, #tpu.memory_space<vmem>>, vector<16xi32>,
    %broadcast_in_dim3A_559 = arith.constant 0.000000e+00 : f32
    %broadcast_in_dim3A_560 = vector.broadcast %broadcast_in_dim3A_559 : f32 to vector<16xf32>
    %swap3A_561 = arith.constant 608 : index
    %swap3A_562 = tpu.vector_load %arg21[%swap3A_561] {strides = array<i32>} : memref<640xf32, #tpu.memory_space<vmem>>, vector<16xf32>,
    %swap3A_563 = vector.shape_cast %swap3A_562 : vector<16xf32> to vector<16xf32>
    %swap3A_564 = vector.shape_cast %broadcast_in_dim3A_560 : vector<16xf32> to vector<16xf32>
    tpu.vector_store %arg21[%swap3A_561], %swap3A_564 {strides = array<i32>} : memref<640xf32, #tpu.memory_space<vmem>>, vector<16xf32>,
    %broadcast_in_dim3A_565 = arith.constant 0 : i32
    %broadcast_in_dim3A_566 = vector.broadcast %broadcast_in_dim3A_565 : i32 to vector<16xi32>
    %swap3A_567 = arith.constant 624 : index
    %swap3A_568 = tpu.vector_load %arg20[%swap3A_567] {strides = array<i32>} : memref<640xi32, #tpu.memory_space<vmem>>, vector<16xi32>,
    %swap3A_569 = vector.shape_cast %swap3A_568 : vector<16xi32> to vector<16xi32>
    %swap3A_570 = vector.shape_cast %broadcast_in_dim3A_566 : vector<16xi32> to vector<16xi32>
    tpu.vector_store %arg20[%swap3A_567], %swap3A_570 {strides = array<i32>} : memref<640xi32, #tpu.memory_space<vmem>>, vector<16xi32>,
    %broadcast_in_dim3A_571 = arith.constant 0.000000e+00 : f32
    %broadcast_in_dim3A_572 = vector.broadcast %broadcast_in_dim3A_571 : f32 to vector<16xf32>
    %swap3A_573 = arith.constant 624 : index
    %swap3A_574 = tpu.vector_load %arg21[%swap3A_573] {strides = array<i32>} : memref<640xf32, #tpu.memory_space<vmem>>, vector<16xf32>,
    %swap3A_575 = vector.shape_cast %swap3A_574 : vector<16xf32> to vector<16xf32>
    %swap3A_576 = vector.shape_cast %broadcast_in_dim3A_572 : vector<16xf32> to vector<16xf32>
    tpu.vector_store %arg21[%swap3A_573], %swap3A_576 {strides = array<i32>} : memref<640xf32, #tpu.memory_space<vmem>>, vector<16xf32>,
    %mul3A_577 = arith.constant 640 : i32
    %mul3A_578 = arith.muli %arg1, %mul3A_577 : i32
    "tpu.region"() ({
      %run_scoped3A_1813 = tpu.sem_alloc : memref<!tpu.dma_semaphore, #tpu.memory_space<semaphore_mem>>
      %dma_start3A_1814 = tpu.memref_slice %arg22[%mul3A_578] : memref<10240xi32, #tpu.memory_space<vmem_shared>> -> memref<640xi32, #tpu.memory_space<vmem_shared>>
      %dma_start3A_1815 = tpu.memref_slice %arg22[%mul3A_578] : memref<10240xi32, #tpu.memory_space<vmem_shared>> -> memref<640xi32, #tpu.memory_space<vmem_shared>>
      tpu.enqueue_dma source(%arg20 : memref<640xi32, #tpu.memory_space<vmem>>) target(%dma_start3A_1815 : memref<640xi32, #tpu.memory_space<vmem_shared>>) target_semaphore(%run_scoped3A_1813 : memref<!tpu.dma_semaphore, #tpu.memory_space<semaphore_mem>>)
      %dma_wait3A_1816 = tpu.memref_slice %arg22[%mul3A_578] : memref<10240xi32, #tpu.memory_space<vmem_shared>> -> memref<640xi32, #tpu.memory_space<vmem_shared>>
      %dma_wait3A_1817 = tpu.memref_slice %arg22[%mul3A_578] : memref<10240xi32, #tpu.memory_space<vmem_shared>> -> memref<640xi32, #tpu.memory_space<vmem_shared>>
      tpu.wait_dma2 semaphore(%run_scoped3A_1813 : memref<!tpu.dma_semaphore, #tpu.memory_space<semaphore_mem>>) src(%arg20 : memref<640xi32, #tpu.memory_space<vmem>>) dst(%dma_wait3A_1817 : memref<640xi32, #tpu.memory_space<vmem_shared>>)
      tpu.yield
    }) : () -> ()
    %mul3A_579 = arith.constant 640 : i32
    %mul3A_580 = arith.muli %arg1, %mul3A_579 : i32
    "tpu.region"() ({
      %run_scoped3A_1813 = tpu.sem_alloc : memref<!tpu.dma_semaphore, #tpu.memory_space<semaphore_mem>>
      %dma_start3A_1814 = tpu.memref_slice %arg23[%mul3A_580] : memref<10240xf32, #tpu.memory_space<vmem_shared>> -> memref<640xf32, #tpu.memory_space<vmem_shared>>
      %dma_start3A_1815 = tpu.memref_slice %arg23[%mul3A_580] : memref<10240xf32, #tpu.memory_space<vmem_shared>> -> memref<640xf32, #tpu.memory_space<vmem_shared>>
      tpu.enqueue_dma source(%arg21 : memref<640xf32, #tpu.memory_space<vmem>>) target(%dma_start3A_1815 : memref<640xf32, #tpu.memory_space<vmem_shared>>) target_semaphore(%run_scoped3A_1813 : memref<!tpu.dma_semaphore, #tpu.memory_space<semaphore_mem>>)
      %dma_wait3A_1816 = tpu.memref_slice %arg23[%mul3A_580] : memref<10240xf32, #tpu.memory_space<vmem_shared>> -> memref<640xf32, #tpu.memory_space<vmem_shared>>
      %dma_wait3A_1817 = tpu.memref_slice %arg23[%mul3A_580] : memref<10240xf32, #tpu.memory_space<vmem_shared>> -> memref<640xf32, #tpu.memory_space<vmem_shared>>
      tpu.wait_dma2 semaphore(%run_scoped3A_1813 : memref<!tpu.dma_semaphore, #tpu.memory_space<semaphore_mem>>) src(%arg21 : memref<640xf32, #tpu.memory_space<vmem>>) dst(%dma_wait3A_1817 : memref<640xf32, #tpu.memory_space<vmem_shared>>)
      tpu.yield
    }) : () -> ()
    %barrier3A = arith.constant 0 : index
    tpu.barrier barrier_id(%barrier3A)
    %mul3A_581 = arith.constant 512 : i32
    %mul3A_582 = arith.muli %arg1, %mul3A_581 : i32
    "tpu.region"() ({
      %run_scoped3A_1813 = tpu.sem_alloc : memref<!tpu.dma_semaphore, #tpu.memory_space<semaphore_mem>>
      %dma_start3A_1814 = tpu.memref_slice %arg2[%mul3A_582] : memref<8192xi32, #tpu.memory_space<hbm>> -> memref<512xi32, #tpu.memory_space<hbm>>
      %dma_start3A_1815 = tpu.memref_slice %arg2[%mul3A_582] : memref<8192xi32, #tpu.memory_space<hbm>> -> memref<512xi32, #tpu.memory_space<hbm>>
      tpu.enqueue_dma source(%dma_start3A_1815 : memref<512xi32, #tpu.memory_space<hbm>>) target(%arg11 : memref<512xi32, #tpu.memory_space<vmem>>) target_semaphore(%run_scoped3A_1813 : memref<!tpu.dma_semaphore, #tpu.memory_space<semaphore_mem>>)
      %dma_wait3A_1816 = tpu.memref_slice %arg2[%mul3A_582] : memref<8192xi32, #tpu.memory_space<hbm>> -> memref<512xi32, #tpu.memory_space<hbm>>
      %dma_wait3A_1817 = tpu.memref_slice %arg2[%mul3A_582] : memref<8192xi32, #tpu.memory_space<hbm>> -> memref<512xi32, #tpu.memory_space<hbm>>
      tpu.wait_dma2 semaphore(%run_scoped3A_1813 : memref<!tpu.dma_semaphore, #tpu.memory_space<semaphore_mem>>) src(%dma_wait3A_1817 : memref<512xi32, #tpu.memory_space<hbm>>) dst(%arg11 : memref<512xi32, #tpu.memory_space<vmem>>)
      tpu.yield
    }) : () -> ()
    "tpu.region"() ({
      %run_scoped3A_1813 = tpu.sem_alloc : memref<!tpu.dma_semaphore, #tpu.memory_space<semaphore_mem>>
      %dma_start3A_1814 = tpu.memref_slice %arg4[%mul3A_582] : memref<8192xi32, #tpu.memory_space<hbm>> -> memref<512xi32, #tpu.memory_space<hbm>>
      %dma_start3A_1815 = tpu.memref_slice %arg4[%mul3A_582] : memref<8192xi32, #tpu.memory_space<hbm>> -> memref<512xi32, #tpu.memory_space<hbm>>
      tpu.enqueue_dma source(%dma_start3A_1815 : memref<512xi32, #tpu.memory_space<hbm>>) target(%arg13 : memref<512xi32, #tpu.memory_space<vmem>>) target_semaphore(%run_scoped3A_1813 : memref<!tpu.dma_semaphore, #tpu.memory_space<semaphore_mem>>)
      %dma_wait3A_1816 = tpu.memref_slice %arg4[%mul3A_582] : memref<8192xi32, #tpu.memory_space<hbm>> -> memref<512xi32, #tpu.memory_space<hbm>>
      %dma_wait3A_1817 = tpu.memref_slice %arg4[%mul3A_582] : memref<8192xi32, #tpu.memory_space<hbm>> -> memref<512xi32, #tpu.memory_space<hbm>>
      tpu.wait_dma2 semaphore(%run_scoped3A_1813 : memref<!tpu.dma_semaphore, #tpu.memory_space<semaphore_mem>>) src(%dma_wait3A_1817 : memref<512xi32, #tpu.memory_space<hbm>>) dst(%arg13 : memref<512xi32, #tpu.memory_space<vmem>>)
      tpu.yield
    }) : () -> ()
    %add3A_583 = arith.constant 0 : i32
    %add3A_584 = arith.addi %mul3A_582, %add3A_583 : i32
    %run_scoped3A = arith.constant 0 : i32
    "tpu.region"() ({
      %run_scoped3A_1813 = tpu.sem_alloc : memref<!tpu.dma_semaphore, #tpu.memory_space<semaphore_mem>>
      %dma_start3A_1814 = arith.constant 0 : i32
      %dma_start3A_1815 = tpu.memref_slice %arg12[%run_scoped3A, %dma_start3A_1814] : memref<4x128xf32, #tpu.memory_space<vmem>> -> memref<1x128xf32, #tpu.memory_space<vmem>>
      %dma_start3A_1816 = tpu.memref_squeeze %dma_start3A_1815 : memref<1x128xf32, #tpu.memory_space<vmem>> -> memref<128xf32, #tpu.memory_space<vmem>>
      %dma_start3A_1817 = tpu.memref_slice %arg3[%add3A_584] : memref<8192xf32, #tpu.memory_space<hbm>> -> memref<128xf32, #tpu.memory_space<hbm>>
      %dma_start3A_1818 = arith.constant 0 : i32
      %dma_start3A_1819 = tpu.memref_slice %arg12[%run_scoped3A, %dma_start3A_1818] : memref<4x128xf32, #tpu.memory_space<vmem>> -> memref<1x128xf32, #tpu.memory_space<vmem>>
      %dma_start3A_1820 = tpu.memref_squeeze %dma_start3A_1819 : memref<1x128xf32, #tpu.memory_space<vmem>> -> memref<128xf32, #tpu.memory_space<vmem>>
      %dma_start3A_1821 = tpu.memref_slice %arg3[%add3A_584] : memref<8192xf32, #tpu.memory_space<hbm>> -> memref<128xf32, #tpu.memory_space<hbm>>
      tpu.enqueue_dma source(%dma_start3A_1821 : memref<128xf32, #tpu.memory_space<hbm>>) target(%dma_start3A_1820 : memref<128xf32, #tpu.memory_space<vmem>>) target_semaphore(%run_scoped3A_1813 : memref<!tpu.dma_semaphore, #tpu.memory_space<semaphore_mem>>)
      %dma_wait3A_1822 = arith.constant 0 : i32
      %dma_wait3A_1823 = tpu.memref_slice %arg12[%run_scoped3A, %dma_wait3A_1822] : memref<4x128xf32, #tpu.memory_space<vmem>> -> memref<1x128xf32, #tpu.memory_space<vmem>>
      %dma_wait3A_1824 = tpu.memref_squeeze %dma_wait3A_1823 : memref<1x128xf32, #tpu.memory_space<vmem>> -> memref<128xf32, #tpu.memory_space<vmem>>
      %dma_wait3A_1825 = tpu.memref_slice %arg3[%add3A_584] : memref<8192xf32, #tpu.memory_space<hbm>> -> memref<128xf32, #tpu.memory_space<hbm>>
      %dma_wait3A_1826 = arith.constant 0 : i32
      %dma_wait3A_1827 = tpu.memref_slice %arg12[%run_scoped3A, %dma_wait3A_1826] : memref<4x128xf32, #tpu.memory_space<vmem>> -> memref<1x128xf32, #tpu.memory_space<vmem>>
      %dma_wait3A_1828 = tpu.memref_squeeze %dma_wait3A_1827 : memref<1x128xf32, #tpu.memory_space<vmem>> -> memref<128xf32, #tpu.memory_space<vmem>>
      %dma_wait3A_1829 = tpu.memref_slice %arg3[%add3A_584] : memref<8192xf32, #tpu.memory_space<hbm>> -> memref<128xf32, #tpu.memory_space<hbm>>
      tpu.wait_dma2 semaphore(%run_scoped3A_1813 : memref<!tpu.dma_semaphore, #tpu.memory_space<semaphore_mem>>) src(%dma_wait3A_1829 : memref<128xf32, #tpu.memory_space<hbm>>) dst(%dma_wait3A_1828 : memref<128xf32, #tpu.memory_space<vmem>>)
      tpu.yield
    }) : () -> ()
    %add3A_585 = arith.constant 128 : i32
    %add3A_586 = arith.addi %mul3A_582, %add3A_585 : i32
    %run_scoped3A_587 = arith.constant 1 : i32
    "tpu.region"() ({
      %run_scoped3A_1813 = tpu.sem_alloc : memref<!tpu.dma_semaphore, #tpu.memory_space<semaphore_mem>>
      %dma_start3A_1814 = arith.constant 0 : i32
      %dma_start3A_1815 = tpu.memref_slice %arg12[%run_scoped3A_587, %dma_start3A_1814] : memref<4x128xf32, #tpu.memory_space<vmem>> -> memref<1x128xf32, #tpu.memory_space<vmem>>
      %dma_start3A_1816 = tpu.memref_squeeze %dma_start3A_1815 : memref<1x128xf32, #tpu.memory_space<vmem>> -> memref<128xf32, #tpu.memory_space<vmem>>
      %dma_start3A_1817 = tpu.memref_slice %arg3[%add3A_586] : memref<8192xf32, #tpu.memory_space<hbm>> -> memref<128xf32, #tpu.memory_space<hbm>>
      %dma_start3A_1818 = arith.constant 0 : i32
      %dma_start3A_1819 = tpu.memref_slice %arg12[%run_scoped3A_587, %dma_start3A_1818] : memref<4x128xf32, #tpu.memory_space<vmem>> -> memref<1x128xf32, #tpu.memory_space<vmem>>
      %dma_start3A_1820 = tpu.memref_squeeze %dma_start3A_1819 : memref<1x128xf32, #tpu.memory_space<vmem>> -> memref<128xf32, #tpu.memory_space<vmem>>
      %dma_start3A_1821 = tpu.memref_slice %arg3[%add3A_586] : memref<8192xf32, #tpu.memory_space<hbm>> -> memref<128xf32, #tpu.memory_space<hbm>>
      tpu.enqueue_dma source(%dma_start3A_1821 : memref<128xf32, #tpu.memory_space<hbm>>) target(%dma_start3A_1820 : memref<128xf32, #tpu.memory_space<vmem>>) target_semaphore(%run_scoped3A_1813 : memref<!tpu.dma_semaphore, #tpu.memory_space<semaphore_mem>>)
      %dma_wait3A_1822 = arith.constant 0 : i32
      %dma_wait3A_1823 = tpu.memref_slice %arg12[%run_scoped3A_587, %dma_wait3A_1822] : memref<4x128xf32, #tpu.memory_space<vmem>> -> memref<1x128xf32, #tpu.memory_space<vmem>>
      %dma_wait3A_1824 = tpu.memref_squeeze %dma_wait3A_1823 : memref<1x128xf32, #tpu.memory_space<vmem>> -> memref<128xf32, #tpu.memory_space<vmem>>
      %dma_wait3A_1825 = tpu.memref_slice %arg3[%add3A_586] : memref<8192xf32, #tpu.memory_space<hbm>> -> memref<128xf32, #tpu.memory_space<hbm>>
      %dma_wait3A_1826 = arith.constant 0 : i32
      %dma_wait3A_1827 = tpu.memref_slice %arg12[%run_scoped3A_587, %dma_wait3A_1826] : memref<4x128xf32, #tpu.memory_space<vmem>> -> memref<1x128xf32, #tpu.memory_space<vmem>>
      %dma_wait3A_1828 = tpu.memref_squeeze %dma_wait3A_1827 : memref<1x128xf32, #tpu.memory_space<vmem>> -> memref<128xf32, #tpu.memory_space<vmem>>
      %dma_wait3A_1829 = tpu.memref_slice %arg3[%add3A_586] : memref<8192xf32, #tpu.memory_space<hbm>> -> memref<128xf32, #tpu.memory_space<hbm>>
      tpu.wait_dma2 semaphore(%run_scoped3A_1813 : memref<!tpu.dma_semaphore, #tpu.memory_space<semaphore_mem>>) src(%dma_wait3A_1829 : memref<128xf32, #tpu.memory_space<hbm>>) dst(%dma_wait3A_1828 : memref<128xf32, #tpu.memory_space<vmem>>)
      tpu.yield
    }) : () -> ()
    %add3A_588 = arith.constant 256 : i32
    %add3A_589 = arith.addi %mul3A_582, %add3A_588 : i32
    %run_scoped3A_590 = arith.constant 2 : i32
    "tpu.region"() ({
      %run_scoped3A_1813 = tpu.sem_alloc : memref<!tpu.dma_semaphore, #tpu.memory_space<semaphore_mem>>
      %dma_start3A_1814 = arith.constant 0 : i32
      %dma_start3A_1815 = tpu.memref_slice %arg12[%run_scoped3A_590, %dma_start3A_1814] : memref<4x128xf32, #tpu.memory_space<vmem>> -> memref<1x128xf32, #tpu.memory_space<vmem>>
      %dma_start3A_1816 = tpu.memref_squeeze %dma_start3A_1815 : memref<1x128xf32, #tpu.memory_space<vmem>> -> memref<128xf32, #tpu.memory_space<vmem>>
      %dma_start3A_1817 = tpu.memref_slice %arg3[%add3A_589] : memref<8192xf32, #tpu.memory_space<hbm>> -> memref<128xf32, #tpu.memory_space<hbm>>
      %dma_start3A_1818 = arith.constant 0 : i32
      %dma_start3A_1819 = tpu.memref_slice %arg12[%run_scoped3A_590, %dma_start3A_1818] : memref<4x128xf32, #tpu.memory_space<vmem>> -> memref<1x128xf32, #tpu.memory_space<vmem>>
      %dma_start3A_1820 = tpu.memref_squeeze %dma_start3A_1819 : memref<1x128xf32, #tpu.memory_space<vmem>> -> memref<128xf32, #tpu.memory_space<vmem>>
      %dma_start3A_1821 = tpu.memref_slice %arg3[%add3A_589] : memref<8192xf32, #tpu.memory_space<hbm>> -> memref<128xf32, #tpu.memory_space<hbm>>
      tpu.enqueue_dma source(%dma_start3A_1821 : memref<128xf32, #tpu.memory_space<hbm>>) target(%dma_start3A_1820 : memref<128xf32, #tpu.memory_space<vmem>>) target_semaphore(%run_scoped3A_1813 : memref<!tpu.dma_semaphore, #tpu.memory_space<semaphore_mem>>)
      %dma_wait3A_1822 = arith.constant 0 : i32
      %dma_wait3A_1823 = tpu.memref_slice %arg12[%run_scoped3A_590, %dma_wait3A_1822] : memref<4x128xf32, #tpu.memory_space<vmem>> -> memref<1x128xf32, #tpu.memory_space<vmem>>
      %dma_wait3A_1824 = tpu.memref_squeeze %dma_wait3A_1823 : memref<1x128xf32, #tpu.memory_space<vmem>> -> memref<128xf32, #tpu.memory_space<vmem>>
      %dma_wait3A_1825 = tpu.memref_slice %arg3[%add3A_589] : memref<8192xf32, #tpu.memory_space<hbm>> -> memref<128xf32, #tpu.memory_space<hbm>>
      %dma_wait3A_1826 = arith.constant 0 : i32
      %dma_wait3A_1827 = tpu.memref_slice %arg12[%run_scoped3A_590, %dma_wait3A_1826] : memref<4x128xf32, #tpu.memory_space<vmem>> -> memref<1x128xf32, #tpu.memory_space<vmem>>
      %dma_wait3A_1828 = tpu.memref_squeeze %dma_wait3A_1827 : memref<1x128xf32, #tpu.memory_space<vmem>> -> memref<128xf32, #tpu.memory_space<vmem>>
      %dma_wait3A_1829 = tpu.memref_slice %arg3[%add3A_589] : memref<8192xf32, #tpu.memory_space<hbm>> -> memref<128xf32, #tpu.memory_space<hbm>>
      tpu.wait_dma2 semaphore(%run_scoped3A_1813 : memref<!tpu.dma_semaphore, #tpu.memory_space<semaphore_mem>>) src(%dma_wait3A_1829 : memref<128xf32, #tpu.memory_space<hbm>>) dst(%dma_wait3A_1828 : memref<128xf32, #tpu.memory_space<vmem>>)
      tpu.yield
    }) : () -> ()
    %add3A_591 = arith.constant 384 : i32
    %add3A_592 = arith.addi %mul3A_582, %add3A_591 : i32
    %run_scoped3A_593 = arith.constant 3 : i32
    "tpu.region"() ({
      %run_scoped3A_1813 = tpu.sem_alloc : memref<!tpu.dma_semaphore, #tpu.memory_space<semaphore_mem>>
      %dma_start3A_1814 = arith.constant 0 : i32
      %dma_start3A_1815 = tpu.memref_slice %arg12[%run_scoped3A_593, %dma_start3A_1814] : memref<4x128xf32, #tpu.memory_space<vmem>> -> memref<1x128xf32, #tpu.memory_space<vmem>>
      %dma_start3A_1816 = tpu.memref_squeeze %dma_start3A_1815 : memref<1x128xf32, #tpu.memory_space<vmem>> -> memref<128xf32, #tpu.memory_space<vmem>>
      %dma_start3A_1817 = tpu.memref_slice %arg3[%add3A_592] : memref<8192xf32, #tpu.memory_space<hbm>> -> memref<128xf32, #tpu.memory_space<hbm>>
      %dma_start3A_1818 = arith.constant 0 : i32
      %dma_start3A_1819 = tpu.memref_slice %arg12[%run_scoped3A_593, %dma_start3A_1818] : memref<4x128xf32, #tpu.memory_space<vmem>> -> memref<1x128xf32, #tpu.memory_space<vmem>>
      %dma_start3A_1820 = tpu.memref_squeeze %dma_start3A_1819 : memref<1x128xf32, #tpu.memory_space<vmem>> -> memref<128xf32, #tpu.memory_space<vmem>>
      %dma_start3A_1821 = tpu.memref_slice %arg3[%add3A_592] : memref<8192xf32, #tpu.memory_space<hbm>> -> memref<128xf32, #tpu.memory_space<hbm>>
      tpu.enqueue_dma source(%dma_start3A_1821 : memref<128xf32, #tpu.memory_space<hbm>>) target(%dma_start3A_1820 : memref<128xf32, #tpu.memory_space<vmem>>) target_semaphore(%run_scoped3A_1813 : memref<!tpu.dma_semaphore, #tpu.memory_space<semaphore_mem>>)
      %dma_wait3A_1822 = arith.constant 0 : i32
      %dma_wait3A_1823 = tpu.memref_slice %arg12[%run_scoped3A_593, %dma_wait3A_1822] : memref<4x128xf32, #tpu.memory_space<vmem>> -> memref<1x128xf32, #tpu.memory_space<vmem>>
      %dma_wait3A_1824 = tpu.memref_squeeze %dma_wait3A_1823 : memref<1x128xf32, #tpu.memory_space<vmem>> -> memref<128xf32, #tpu.memory_space<vmem>>
      %dma_wait3A_1825 = tpu.memref_slice %arg3[%add3A_592] : memref<8192xf32, #tpu.memory_space<hbm>> -> memref<128xf32, #tpu.memory_space<hbm>>
      %dma_wait3A_1826 = arith.constant 0 : i32
      %dma_wait3A_1827 = tpu.memref_slice %arg12[%run_scoped3A_593, %dma_wait3A_1826] : memref<4x128xf32, #tpu.memory_space<vmem>> -> memref<1x128xf32, #tpu.memory_space<vmem>>
      %dma_wait3A_1828 = tpu.memref_squeeze %dma_wait3A_1827 : memref<1x128xf32, #tpu.memory_space<vmem>> -> memref<128xf32, #tpu.memory_space<vmem>>
      %dma_wait3A_1829 = tpu.memref_slice %arg3[%add3A_592] : memref<8192xf32, #tpu.memory_space<hbm>> -> memref<128xf32, #tpu.memory_space<hbm>>
      tpu.wait_dma2 semaphore(%run_scoped3A_1813 : memref<!tpu.dma_semaphore, #tpu.memory_space<semaphore_mem>>) src(%dma_wait3A_1829 : memref<128xf32, #tpu.memory_space<hbm>>) dst(%dma_wait3A_1828 : memref<128xf32, #tpu.memory_space<vmem>>)
      tpu.yield
    }) : () -> ()
    %get3A_594 = arith.constant 0 : index
    %get3A_595 = tpu.vector_load %arg11[%get3A_594] {strides = array<i32>} : memref<512xi32, #tpu.memory_space<vmem>>, vector<16xi32>,
    %get3A_596 = vector.shape_cast %get3A_595 : vector<16xi32> to vector<16xi32>
    %get3A_597 = arith.constant 0 : index
    %get3A_598 = tpu.vector_load %arg13[%get3A_597] {strides = array<i32>} : memref<512xi32, #tpu.memory_space<vmem>>, vector<16xi32>,
    %get3A_599 = vector.shape_cast %get3A_598 : vector<16xi32> to vector<16xi32>
    %lt3A_600 = arith.constant 0 : i32
    %lt3A_601 = vector.broadcast %lt3A_600 : i32 to vector<16xi32>
    %lt3A_602 = arith.cmpi slt, %get3A_596, %lt3A_601 : vector<16xi32>
    %add3A_603 = arith.constant 16 : i32
    %add3A_604 = vector.broadcast %add3A_603 : i32 to vector<16xi32>
    %add3A_605 = arith.addi %get3A_596, %add3A_604 : vector<16xi32>
    %select_n3A_606 = arith.select %lt3A_602, %add3A_605, %get3A_596 : vector<16xi1>, vector<16xi32>
    %broadcast_in_dim3A_607 = vector.shape_cast %select_n3A_606 : vector<16xi32> to vector<16x1xi32>
    %gather3A_608 = vector.shape_cast %broadcast_in_dim3A_607 : vector<16x1xi32> to vector<16xi32>
    %gather3A_609 = tpu.dynamic_gather %sub3A_97[%gather3A_608] in [0] : vector<16xi32>, vector<16xi32> -> vector<16xi32>
    %add3A_610 = arith.addi %get3A_599, %gather3A_609 : vector<16xi32>
    %swap3A_611 = arith.constant 0 : i32
    %swap3A_612 = arith.index_cast %swap3A_611 : i32 to index
    %swap3A_613 = arith.constant 0 : index
    %swap3A_614 = tpu.vector_load %arg14[%swap3A_612, %swap3A_613] {strides = array<i32>} : memref<4x128xi32, #tpu.memory_space<vmem>>, vector<1x16xi32>,
    %swap3A_615 = vector.shape_cast %swap3A_614 : vector<1x16xi32> to vector<16xi32>
    %swap3A_616 = vector.shape_cast %add3A_610 : vector<16xi32> to vector<1x16xi32>
    tpu.vector_store %arg14[%swap3A_612, %swap3A_613], %swap3A_616 {strides = array<i32>} : memref<4x128xi32, #tpu.memory_space<vmem>>, vector<1x16xi32>,
    %add3A_617 = arith.constant 0 : i32
    %add3A_618 = arith.addi %mul3A_582, %add3A_617 : i32
    %broadcast_in_dim3A_619 = vector.broadcast %add3A_618 : i32 to vector<16xi32>
    %add3A_620 = arith.addi %broadcast_in_dim3A_619, %iota3A : vector<16xi32>
    %shift_right_arithmetic3A_621 = arith.constant 1 : i32
    %shift_right_arithmetic3A_622 = vector.broadcast %shift_right_arithmetic3A_621 : i32 to vector<16xi32>
    %shift_right_arithmetic3A_623 = arith.shrsi %add3A_620, %shift_right_arithmetic3A_622 : vector<16xi32>
    %swap3A_624 = arith.constant 0 : i32
    %swap3A_625 = arith.index_cast %swap3A_624 : i32 to index
    %swap3A_626 = arith.constant 0 : index
    %swap3A_627 = tpu.vector_load %arg15[%swap3A_625, %swap3A_626] {strides = array<i32>} : memref<4x128xi32, #tpu.memory_space<vmem>>, vector<1x16xi32>,
    %swap3A_628 = vector.shape_cast %swap3A_627 : vector<1x16xi32> to vector<16xi32>
    %swap3A_629 = vector.shape_cast %shift_right_arithmetic3A_623 : vector<16xi32> to vector<1x16xi32>
    tpu.vector_store %arg15[%swap3A_625, %swap3A_626], %swap3A_629 {strides = array<i32>} : memref<4x128xi32, #tpu.memory_space<vmem>>, vector<1x16xi32>,
    %get3A_630 = arith.constant 16 : index
    %get3A_631 = tpu.vector_load %arg11[%get3A_630] {strides = array<i32>} : memref<512xi32, #tpu.memory_space<vmem>>, vector<16xi32>,
    %get3A_632 = vector.shape_cast %get3A_631 : vector<16xi32> to vector<16xi32>
    %get3A_633 = arith.constant 16 : index
    %get3A_634 = tpu.vector_load %arg13[%get3A_633] {strides = array<i32>} : memref<512xi32, #tpu.memory_space<vmem>>, vector<16xi32>,
    %get3A_635 = vector.shape_cast %get3A_634 : vector<16xi32> to vector<16xi32>
    %lt3A_636 = arith.constant 0 : i32
    %lt3A_637 = vector.broadcast %lt3A_636 : i32 to vector<16xi32>
    %lt3A_638 = arith.cmpi slt, %get3A_632, %lt3A_637 : vector<16xi32>
    %add3A_639 = arith.constant 16 : i32
    %add3A_640 = vector.broadcast %add3A_639 : i32 to vector<16xi32>
    %add3A_641 = arith.addi %get3A_632, %add3A_640 : vector<16xi32>
    %select_n3A_642 = arith.select %lt3A_638, %add3A_641, %get3A_632 : vector<16xi1>, vector<16xi32>
    %broadcast_in_dim3A_643 = vector.shape_cast %select_n3A_642 : vector<16xi32> to vector<16x1xi32>
    %gather3A_644 = vector.shape_cast %broadcast_in_dim3A_643 : vector<16x1xi32> to vector<16xi32>
    %gather3A_645 = tpu.dynamic_gather %sub3A_97[%gather3A_644] in [0] : vector<16xi32>, vector<16xi32> -> vector<16xi32>
    %add3A_646 = arith.addi %get3A_635, %gather3A_645 : vector<16xi32>
    %swap3A_647 = arith.constant 0 : i32
    %swap3A_648 = arith.index_cast %swap3A_647 : i32 to index
    %swap3A_649 = arith.constant 16 : index
    %swap3A_650 = tpu.vector_load %arg14[%swap3A_648, %swap3A_649] {strides = array<i32>} : memref<4x128xi32, #tpu.memory_space<vmem>>, vector<1x16xi32>,
    %swap3A_651 = vector.shape_cast %swap3A_650 : vector<1x16xi32> to vector<16xi32>
    %swap3A_652 = vector.shape_cast %add3A_646 : vector<16xi32> to vector<1x16xi32>
    tpu.vector_store %arg14[%swap3A_648, %swap3A_649], %swap3A_652 {strides = array<i32>} : memref<4x128xi32, #tpu.memory_space<vmem>>, vector<1x16xi32>,
    %add3A_653 = arith.constant 16 : i32
    %add3A_654 = arith.addi %mul3A_582, %add3A_653 : i32
    %broadcast_in_dim3A_655 = vector.broadcast %add3A_654 : i32 to vector<16xi32>
    %add3A_656 = arith.addi %broadcast_in_dim3A_655, %iota3A : vector<16xi32>
    %shift_right_arithmetic3A_657 = arith.constant 1 : i32
    %shift_right_arithmetic3A_658 = vector.broadcast %shift_right_arithmetic3A_657 : i32 to vector<16xi32>
    %shift_right_arithmetic3A_659 = arith.shrsi %add3A_656, %shift_right_arithmetic3A_658 : vector<16xi32>
    %swap3A_660 = arith.constant 0 : i32
    %swap3A_661 = arith.index_cast %swap3A_660 : i32 to index
    %swap3A_662 = arith.constant 16 : index
    %swap3A_663 = tpu.vector_load %arg15[%swap3A_661, %swap3A_662] {strides = array<i32>} : memref<4x128xi32, #tpu.memory_space<vmem>>, vector<1x16xi32>,
    %swap3A_664 = vector.shape_cast %swap3A_663 : vector<1x16xi32> to vector<16xi32>
    %swap3A_665 = vector.shape_cast %shift_right_arithmetic3A_659 : vector<16xi32> to vector<1x16xi32>
    tpu.vector_store %arg15[%swap3A_661, %swap3A_662], %swap3A_665 {strides = array<i32>} : memref<4x128xi32, #tpu.memory_space<vmem>>, vector<1x16xi32>,
    %get3A_666 = arith.constant 32 : index
    %get3A_667 = tpu.vector_load %arg11[%get3A_666] {strides = array<i32>} : memref<512xi32, #tpu.memory_space<vmem>>, vector<16xi32>,
    %get3A_668 = vector.shape_cast %get3A_667 : vector<16xi32> to vector<16xi32>
    %get3A_669 = arith.constant 32 : index
    %get3A_670 = tpu.vector_load %arg13[%get3A_669] {strides = array<i32>} : memref<512xi32, #tpu.memory_space<vmem>>, vector<16xi32>,
    %get3A_671 = vector.shape_cast %get3A_670 : vector<16xi32> to vector<16xi32>
    %lt3A_672 = arith.constant 0 : i32
    %lt3A_673 = vector.broadcast %lt3A_672 : i32 to vector<16xi32>
    %lt3A_674 = arith.cmpi slt, %get3A_668, %lt3A_673 : vector<16xi32>
    %add3A_675 = arith.constant 16 : i32
    %add3A_676 = vector.broadcast %add3A_675 : i32 to vector<16xi32>
    %add3A_677 = arith.addi %get3A_668, %add3A_676 : vector<16xi32>
    %select_n3A_678 = arith.select %lt3A_674, %add3A_677, %get3A_668 : vector<16xi1>, vector<16xi32>
    %broadcast_in_dim3A_679 = vector.shape_cast %select_n3A_678 : vector<16xi32> to vector<16x1xi32>
    %gather3A_680 = vector.shape_cast %broadcast_in_dim3A_679 : vector<16x1xi32> to vector<16xi32>
    %gather3A_681 = tpu.dynamic_gather %sub3A_97[%gather3A_680] in [0] : vector<16xi32>, vector<16xi32> -> vector<16xi32>
    %add3A_682 = arith.addi %get3A_671, %gather3A_681 : vector<16xi32>
    %swap3A_683 = arith.constant 0 : i32
    %swap3A_684 = arith.index_cast %swap3A_683 : i32 to index
    %swap3A_685 = arith.constant 32 : index
    %swap3A_686 = tpu.vector_load %arg14[%swap3A_684, %swap3A_685] {strides = array<i32>} : memref<4x128xi32, #tpu.memory_space<vmem>>, vector<1x16xi32>,
    %swap3A_687 = vector.shape_cast %swap3A_686 : vector<1x16xi32> to vector<16xi32>
    %swap3A_688 = vector.shape_cast %add3A_682 : vector<16xi32> to vector<1x16xi32>
    tpu.vector_store %arg14[%swap3A_684, %swap3A_685], %swap3A_688 {strides = array<i32>} : memref<4x128xi32, #tpu.memory_space<vmem>>, vector<1x16xi32>,
    %add3A_689 = arith.constant 32 : i32
    %add3A_690 = arith.addi %mul3A_582, %add3A_689 : i32
    %broadcast_in_dim3A_691 = vector.broadcast %add3A_690 : i32 to vector<16xi32>
    %add3A_692 = arith.addi %broadcast_in_dim3A_691, %iota3A : vector<16xi32>
    %shift_right_arithmetic3A_693 = arith.constant 1 : i32
    %shift_right_arithmetic3A_694 = vector.broadcast %shift_right_arithmetic3A_693 : i32 to vector<16xi32>
    %shift_right_arithmetic3A_695 = arith.shrsi %add3A_692, %shift_right_arithmetic3A_694 : vector<16xi32>
    %swap3A_696 = arith.constant 0 : i32
    %swap3A_697 = arith.index_cast %swap3A_696 : i32 to index
    %swap3A_698 = arith.constant 32 : index
    %swap3A_699 = tpu.vector_load %arg15[%swap3A_697, %swap3A_698] {strides = array<i32>} : memref<4x128xi32, #tpu.memory_space<vmem>>, vector<1x16xi32>,
    %swap3A_700 = vector.shape_cast %swap3A_699 : vector<1x16xi32> to vector<16xi32>
    %swap3A_701 = vector.shape_cast %shift_right_arithmetic3A_695 : vector<16xi32> to vector<1x16xi32>
    tpu.vector_store %arg15[%swap3A_697, %swap3A_698], %swap3A_701 {strides = array<i32>} : memref<4x128xi32, #tpu.memory_space<vmem>>, vector<1x16xi32>,
    %get3A_702 = arith.constant 48 : index
    %get3A_703 = tpu.vector_load %arg11[%get3A_702] {strides = array<i32>} : memref<512xi32, #tpu.memory_space<vmem>>, vector<16xi32>,
    %get3A_704 = vector.shape_cast %get3A_703 : vector<16xi32> to vector<16xi32>
    %get3A_705 = arith.constant 48 : index
    %get3A_706 = tpu.vector_load %arg13[%get3A_705] {strides = array<i32>} : memref<512xi32, #tpu.memory_space<vmem>>, vector<16xi32>,
    %get3A_707 = vector.shape_cast %get3A_706 : vector<16xi32> to vector<16xi32>
    %lt3A_708 = arith.constant 0 : i32
    %lt3A_709 = vector.broadcast %lt3A_708 : i32 to vector<16xi32>
    %lt3A_710 = arith.cmpi slt, %get3A_704, %lt3A_709 : vector<16xi32>
    %add3A_711 = arith.constant 16 : i32
    %add3A_712 = vector.broadcast %add3A_711 : i32 to vector<16xi32>
    %add3A_713 = arith.addi %get3A_704, %add3A_712 : vector<16xi32>
    %select_n3A_714 = arith.select %lt3A_710, %add3A_713, %get3A_704 : vector<16xi1>, vector<16xi32>
    %broadcast_in_dim3A_715 = vector.shape_cast %select_n3A_714 : vector<16xi32> to vector<16x1xi32>
    %gather3A_716 = vector.shape_cast %broadcast_in_dim3A_715 : vector<16x1xi32> to vector<16xi32>
    %gather3A_717 = tpu.dynamic_gather %sub3A_97[%gather3A_716] in [0] : vector<16xi32>, vector<16xi32> -> vector<16xi32>
    %add3A_718 = arith.addi %get3A_707, %gather3A_717 : vector<16xi32>
    %swap3A_719 = arith.constant 0 : i32
    %swap3A_720 = arith.index_cast %swap3A_719 : i32 to index
    %swap3A_721 = arith.constant 48 : index
    %swap3A_722 = tpu.vector_load %arg14[%swap3A_720, %swap3A_721] {strides = array<i32>} : memref<4x128xi32, #tpu.memory_space<vmem>>, vector<1x16xi32>,
    %swap3A_723 = vector.shape_cast %swap3A_722 : vector<1x16xi32> to vector<16xi32>
    %swap3A_724 = vector.shape_cast %add3A_718 : vector<16xi32> to vector<1x16xi32>
    tpu.vector_store %arg14[%swap3A_720, %swap3A_721], %swap3A_724 {strides = array<i32>} : memref<4x128xi32, #tpu.memory_space<vmem>>, vector<1x16xi32>,
    %add3A_725 = arith.constant 48 : i32
    %add3A_726 = arith.addi %mul3A_582, %add3A_725 : i32
    %broadcast_in_dim3A_727 = vector.broadcast %add3A_726 : i32 to vector<16xi32>
    %add3A_728 = arith.addi %broadcast_in_dim3A_727, %iota3A : vector<16xi32>
    %shift_right_arithmetic3A_729 = arith.constant 1 : i32
    %shift_right_arithmetic3A_730 = vector.broadcast %shift_right_arithmetic3A_729 : i32 to vector<16xi32>
    %shift_right_arithmetic3A_731 = arith.shrsi %add3A_728, %shift_right_arithmetic3A_730 : vector<16xi32>
    %swap3A_732 = arith.constant 0 : i32
    %swap3A_733 = arith.index_cast %swap3A_732 : i32 to index
    %swap3A_734 = arith.constant 48 : index
    %swap3A_735 = tpu.vector_load %arg15[%swap3A_733, %swap3A_734] {strides = array<i32>} : memref<4x128xi32, #tpu.memory_space<vmem>>, vector<1x16xi32>,
    %swap3A_736 = vector.shape_cast %swap3A_735 : vector<1x16xi32> to vector<16xi32>
    %swap3A_737 = vector.shape_cast %shift_right_arithmetic3A_731 : vector<16xi32> to vector<1x16xi32>
    tpu.vector_store %arg15[%swap3A_733, %swap3A_734], %swap3A_737 {strides = array<i32>} : memref<4x128xi32, #tpu.memory_space<vmem>>, vector<1x16xi32>,
    %get3A_738 = arith.constant 64 : index
    %get3A_739 = tpu.vector_load %arg11[%get3A_738] {strides = array<i32>} : memref<512xi32, #tpu.memory_space<vmem>>, vector<16xi32>,
    %get3A_740 = vector.shape_cast %get3A_739 : vector<16xi32> to vector<16xi32>
    %get3A_741 = arith.constant 64 : index
    %get3A_742 = tpu.vector_load %arg13[%get3A_741] {strides = array<i32>} : memref<512xi32, #tpu.memory_space<vmem>>, vector<16xi32>,
    %get3A_743 = vector.shape_cast %get3A_742 : vector<16xi32> to vector<16xi32>
    %lt3A_744 = arith.constant 0 : i32
    %lt3A_745 = vector.broadcast %lt3A_744 : i32 to vector<16xi32>
    %lt3A_746 = arith.cmpi slt, %get3A_740, %lt3A_745 : vector<16xi32>
    %add3A_747 = arith.constant 16 : i32
    %add3A_748 = vector.broadcast %add3A_747 : i32 to vector<16xi32>
    %add3A_749 = arith.addi %get3A_740, %add3A_748 : vector<16xi32>
    %select_n3A_750 = arith.select %lt3A_746, %add3A_749, %get3A_740 : vector<16xi1>, vector<16xi32>
    %broadcast_in_dim3A_751 = vector.shape_cast %select_n3A_750 : vector<16xi32> to vector<16x1xi32>
    %gather3A_752 = vector.shape_cast %broadcast_in_dim3A_751 : vector<16x1xi32> to vector<16xi32>
    %gather3A_753 = tpu.dynamic_gather %sub3A_97[%gather3A_752] in [0] : vector<16xi32>, vector<16xi32> -> vector<16xi32>
    %add3A_754 = arith.addi %get3A_743, %gather3A_753 : vector<16xi32>
    %swap3A_755 = arith.constant 0 : i32
    %swap3A_756 = arith.index_cast %swap3A_755 : i32 to index
    %swap3A_757 = arith.constant 64 : index
    %swap3A_758 = tpu.vector_load %arg14[%swap3A_756, %swap3A_757] {strides = array<i32>} : memref<4x128xi32, #tpu.memory_space<vmem>>, vector<1x16xi32>,
    %swap3A_759 = vector.shape_cast %swap3A_758 : vector<1x16xi32> to vector<16xi32>
    %swap3A_760 = vector.shape_cast %add3A_754 : vector<16xi32> to vector<1x16xi32>
    tpu.vector_store %arg14[%swap3A_756, %swap3A_757], %swap3A_760 {strides = array<i32>} : memref<4x128xi32, #tpu.memory_space<vmem>>, vector<1x16xi32>,
    %add3A_761 = arith.constant 64 : i32
    %add3A_762 = arith.addi %mul3A_582, %add3A_761 : i32
    %broadcast_in_dim3A_763 = vector.broadcast %add3A_762 : i32 to vector<16xi32>
    %add3A_764 = arith.addi %broadcast_in_dim3A_763, %iota3A : vector<16xi32>
    %shift_right_arithmetic3A_765 = arith.constant 1 : i32
    %shift_right_arithmetic3A_766 = vector.broadcast %shift_right_arithmetic3A_765 : i32 to vector<16xi32>
    %shift_right_arithmetic3A_767 = arith.shrsi %add3A_764, %shift_right_arithmetic3A_766 : vector<16xi32>
    %swap3A_768 = arith.constant 0 : i32
    %swap3A_769 = arith.index_cast %swap3A_768 : i32 to index
    %swap3A_770 = arith.constant 64 : index
    %swap3A_771 = tpu.vector_load %arg15[%swap3A_769, %swap3A_770] {strides = array<i32>} : memref<4x128xi32, #tpu.memory_space<vmem>>, vector<1x16xi32>,
    %swap3A_772 = vector.shape_cast %swap3A_771 : vector<1x16xi32> to vector<16xi32>
    %swap3A_773 = vector.shape_cast %shift_right_arithmetic3A_767 : vector<16xi32> to vector<1x16xi32>
    tpu.vector_store %arg15[%swap3A_769, %swap3A_770], %swap3A_773 {strides = array<i32>} : memref<4x128xi32, #tpu.memory_space<vmem>>, vector<1x16xi32>,
    %get3A_774 = arith.constant 80 : index
    %get3A_775 = tpu.vector_load %arg11[%get3A_774] {strides = array<i32>} : memref<512xi32, #tpu.memory_space<vmem>>, vector<16xi32>,
    %get3A_776 = vector.shape_cast %get3A_775 : vector<16xi32> to vector<16xi32>
    %get3A_777 = arith.constant 80 : index
    %get3A_778 = tpu.vector_load %arg13[%get3A_777] {strides = array<i32>} : memref<512xi32, #tpu.memory_space<vmem>>, vector<16xi32>,
    %get3A_779 = vector.shape_cast %get3A_778 : vector<16xi32> to vector<16xi32>
    %lt3A_780 = arith.constant 0 : i32
    %lt3A_781 = vector.broadcast %lt3A_780 : i32 to vector<16xi32>
    %lt3A_782 = arith.cmpi slt, %get3A_776, %lt3A_781 : vector<16xi32>
    %add3A_783 = arith.constant 16 : i32
    %add3A_784 = vector.broadcast %add3A_783 : i32 to vector<16xi32>
    %add3A_785 = arith.addi %get3A_776, %add3A_784 : vector<16xi32>
    %select_n3A_786 = arith.select %lt3A_782, %add3A_785, %get3A_776 : vector<16xi1>, vector<16xi32>
    %broadcast_in_dim3A_787 = vector.shape_cast %select_n3A_786 : vector<16xi32> to vector<16x1xi32>
    %gather3A_788 = vector.shape_cast %broadcast_in_dim3A_787 : vector<16x1xi32> to vector<16xi32>
    %gather3A_789 = tpu.dynamic_gather %sub3A_97[%gather3A_788] in [0] : vector<16xi32>, vector<16xi32> -> vector<16xi32>
    %add3A_790 = arith.addi %get3A_779, %gather3A_789 : vector<16xi32>
    %swap3A_791 = arith.constant 0 : i32
    %swap3A_792 = arith.index_cast %swap3A_791 : i32 to index
    %swap3A_793 = arith.constant 80 : index
    %swap3A_794 = tpu.vector_load %arg14[%swap3A_792, %swap3A_793] {strides = array<i32>} : memref<4x128xi32, #tpu.memory_space<vmem>>, vector<1x16xi32>,
    %swap3A_795 = vector.shape_cast %swap3A_794 : vector<1x16xi32> to vector<16xi32>
    %swap3A_796 = vector.shape_cast %add3A_790 : vector<16xi32> to vector<1x16xi32>
    tpu.vector_store %arg14[%swap3A_792, %swap3A_793], %swap3A_796 {strides = array<i32>} : memref<4x128xi32, #tpu.memory_space<vmem>>, vector<1x16xi32>,
    %add3A_797 = arith.constant 80 : i32
    %add3A_798 = arith.addi %mul3A_582, %add3A_797 : i32
    %broadcast_in_dim3A_799 = vector.broadcast %add3A_798 : i32 to vector<16xi32>
    %add3A_800 = arith.addi %broadcast_in_dim3A_799, %iota3A : vector<16xi32>
    %shift_right_arithmetic3A_801 = arith.constant 1 : i32
    %shift_right_arithmetic3A_802 = vector.broadcast %shift_right_arithmetic3A_801 : i32 to vector<16xi32>
    %shift_right_arithmetic3A_803 = arith.shrsi %add3A_800, %shift_right_arithmetic3A_802 : vector<16xi32>
    %swap3A_804 = arith.constant 0 : i32
    %swap3A_805 = arith.index_cast %swap3A_804 : i32 to index
    %swap3A_806 = arith.constant 80 : index
    %swap3A_807 = tpu.vector_load %arg15[%swap3A_805, %swap3A_806] {strides = array<i32>} : memref<4x128xi32, #tpu.memory_space<vmem>>, vector<1x16xi32>,
    %swap3A_808 = vector.shape_cast %swap3A_807 : vector<1x16xi32> to vector<16xi32>
    %swap3A_809 = vector.shape_cast %shift_right_arithmetic3A_803 : vector<16xi32> to vector<1x16xi32>
    tpu.vector_store %arg15[%swap3A_805, %swap3A_806], %swap3A_809 {strides = array<i32>} : memref<4x128xi32, #tpu.memory_space<vmem>>, vector<1x16xi32>,
    %get3A_810 = arith.constant 96 : index
    %get3A_811 = tpu.vector_load %arg11[%get3A_810] {strides = array<i32>} : memref<512xi32, #tpu.memory_space<vmem>>, vector<16xi32>,
    %get3A_812 = vector.shape_cast %get3A_811 : vector<16xi32> to vector<16xi32>
    %get3A_813 = arith.constant 96 : index
    %get3A_814 = tpu.vector_load %arg13[%get3A_813] {strides = array<i32>} : memref<512xi32, #tpu.memory_space<vmem>>, vector<16xi32>,
    %get3A_815 = vector.shape_cast %get3A_814 : vector<16xi32> to vector<16xi32>
    %lt3A_816 = arith.constant 0 : i32
    %lt3A_817 = vector.broadcast %lt3A_816 : i32 to vector<16xi32>
    %lt3A_818 = arith.cmpi slt, %get3A_812, %lt3A_817 : vector<16xi32>
    %add3A_819 = arith.constant 16 : i32
    %add3A_820 = vector.broadcast %add3A_819 : i32 to vector<16xi32>
    %add3A_821 = arith.addi %get3A_812, %add3A_820 : vector<16xi32>
    %select_n3A_822 = arith.select %lt3A_818, %add3A_821, %get3A_812 : vector<16xi1>, vector<16xi32>
    %broadcast_in_dim3A_823 = vector.shape_cast %select_n3A_822 : vector<16xi32> to vector<16x1xi32>
    %gather3A_824 = vector.shape_cast %broadcast_in_dim3A_823 : vector<16x1xi32> to vector<16xi32>
    %gather3A_825 = tpu.dynamic_gather %sub3A_97[%gather3A_824] in [0] : vector<16xi32>, vector<16xi32> -> vector<16xi32>
    %add3A_826 = arith.addi %get3A_815, %gather3A_825 : vector<16xi32>
    %swap3A_827 = arith.constant 0 : i32
    %swap3A_828 = arith.index_cast %swap3A_827 : i32 to index
    %swap3A_829 = arith.constant 96 : index
    %swap3A_830 = tpu.vector_load %arg14[%swap3A_828, %swap3A_829] {strides = array<i32>} : memref<4x128xi32, #tpu.memory_space<vmem>>, vector<1x16xi32>,
    %swap3A_831 = vector.shape_cast %swap3A_830 : vector<1x16xi32> to vector<16xi32>
    %swap3A_832 = vector.shape_cast %add3A_826 : vector<16xi32> to vector<1x16xi32>
    tpu.vector_store %arg14[%swap3A_828, %swap3A_829], %swap3A_832 {strides = array<i32>} : memref<4x128xi32, #tpu.memory_space<vmem>>, vector<1x16xi32>,
    %add3A_833 = arith.constant 96 : i32
    %add3A_834 = arith.addi %mul3A_582, %add3A_833 : i32
    %broadcast_in_dim3A_835 = vector.broadcast %add3A_834 : i32 to vector<16xi32>
    %add3A_836 = arith.addi %broadcast_in_dim3A_835, %iota3A : vector<16xi32>
    %shift_right_arithmetic3A_837 = arith.constant 1 : i32
    %shift_right_arithmetic3A_838 = vector.broadcast %shift_right_arithmetic3A_837 : i32 to vector<16xi32>
    %shift_right_arithmetic3A_839 = arith.shrsi %add3A_836, %shift_right_arithmetic3A_838 : vector<16xi32>
    %swap3A_840 = arith.constant 0 : i32
    %swap3A_841 = arith.index_cast %swap3A_840 : i32 to index
    %swap3A_842 = arith.constant 96 : index
    %swap3A_843 = tpu.vector_load %arg15[%swap3A_841, %swap3A_842] {strides = array<i32>} : memref<4x128xi32, #tpu.memory_space<vmem>>, vector<1x16xi32>,
    %swap3A_844 = vector.shape_cast %swap3A_843 : vector<1x16xi32> to vector<16xi32>
    %swap3A_845 = vector.shape_cast %shift_right_arithmetic3A_839 : vector<16xi32> to vector<1x16xi32>
    tpu.vector_store %arg15[%swap3A_841, %swap3A_842], %swap3A_845 {strides = array<i32>} : memref<4x128xi32, #tpu.memory_space<vmem>>, vector<1x16xi32>,
    %get3A_846 = arith.constant 112 : index
    %get3A_847 = tpu.vector_load %arg11[%get3A_846] {strides = array<i32>} : memref<512xi32, #tpu.memory_space<vmem>>, vector<16xi32>,
    %get3A_848 = vector.shape_cast %get3A_847 : vector<16xi32> to vector<16xi32>
    %get3A_849 = arith.constant 112 : index
    %get3A_850 = tpu.vector_load %arg13[%get3A_849] {strides = array<i32>} : memref<512xi32, #tpu.memory_space<vmem>>, vector<16xi32>,
    %get3A_851 = vector.shape_cast %get3A_850 : vector<16xi32> to vector<16xi32>
    %lt3A_852 = arith.constant 0 : i32
    %lt3A_853 = vector.broadcast %lt3A_852 : i32 to vector<16xi32>
    %lt3A_854 = arith.cmpi slt, %get3A_848, %lt3A_853 : vector<16xi32>
    %add3A_855 = arith.constant 16 : i32
    %add3A_856 = vector.broadcast %add3A_855 : i32 to vector<16xi32>
    %add3A_857 = arith.addi %get3A_848, %add3A_856 : vector<16xi32>
    %select_n3A_858 = arith.select %lt3A_854, %add3A_857, %get3A_848 : vector<16xi1>, vector<16xi32>
    %broadcast_in_dim3A_859 = vector.shape_cast %select_n3A_858 : vector<16xi32> to vector<16x1xi32>
    %gather3A_860 = vector.shape_cast %broadcast_in_dim3A_859 : vector<16x1xi32> to vector<16xi32>
    %gather3A_861 = tpu.dynamic_gather %sub3A_97[%gather3A_860] in [0] : vector<16xi32>, vector<16xi32> -> vector<16xi32>
    %add3A_862 = arith.addi %get3A_851, %gather3A_861 : vector<16xi32>
    %swap3A_863 = arith.constant 0 : i32
    %swap3A_864 = arith.index_cast %swap3A_863 : i32 to index
    %swap3A_865 = arith.constant 112 : index
    %swap3A_866 = tpu.vector_load %arg14[%swap3A_864, %swap3A_865] {strides = array<i32>} : memref<4x128xi32, #tpu.memory_space<vmem>>, vector<1x16xi32>,
    %swap3A_867 = vector.shape_cast %swap3A_866 : vector<1x16xi32> to vector<16xi32>
    %swap3A_868 = vector.shape_cast %add3A_862 : vector<16xi32> to vector<1x16xi32>
    tpu.vector_store %arg14[%swap3A_864, %swap3A_865], %swap3A_868 {strides = array<i32>} : memref<4x128xi32, #tpu.memory_space<vmem>>, vector<1x16xi32>,
    %add3A_869 = arith.constant 112 : i32
    %add3A_870 = arith.addi %mul3A_582, %add3A_869 : i32
    %broadcast_in_dim3A_871 = vector.broadcast %add3A_870 : i32 to vector<16xi32>
    %add3A_872 = arith.addi %broadcast_in_dim3A_871, %iota3A : vector<16xi32>
    %shift_right_arithmetic3A_873 = arith.constant 1 : i32
    %shift_right_arithmetic3A_874 = vector.broadcast %shift_right_arithmetic3A_873 : i32 to vector<16xi32>
    %shift_right_arithmetic3A_875 = arith.shrsi %add3A_872, %shift_right_arithmetic3A_874 : vector<16xi32>
    %swap3A_876 = arith.constant 0 : i32
    %swap3A_877 = arith.index_cast %swap3A_876 : i32 to index
    %swap3A_878 = arith.constant 112 : index
    %swap3A_879 = tpu.vector_load %arg15[%swap3A_877, %swap3A_878] {strides = array<i32>} : memref<4x128xi32, #tpu.memory_space<vmem>>, vector<1x16xi32>,
    %swap3A_880 = vector.shape_cast %swap3A_879 : vector<1x16xi32> to vector<16xi32>
    %swap3A_881 = vector.shape_cast %shift_right_arithmetic3A_875 : vector<16xi32> to vector<1x16xi32>
    tpu.vector_store %arg15[%swap3A_877, %swap3A_878], %swap3A_881 {strides = array<i32>} : memref<4x128xi32, #tpu.memory_space<vmem>>, vector<1x16xi32>,
    %get3A_882 = arith.constant 128 : index
    %get3A_883 = tpu.vector_load %arg11[%get3A_882] {strides = array<i32>} : memref<512xi32, #tpu.memory_space<vmem>>, vector<16xi32>,
    %get3A_884 = vector.shape_cast %get3A_883 : vector<16xi32> to vector<16xi32>
    %get3A_885 = arith.constant 128 : index
    %get3A_886 = tpu.vector_load %arg13[%get3A_885] {strides = array<i32>} : memref<512xi32, #tpu.memory_space<vmem>>, vector<16xi32>,
    %get3A_887 = vector.shape_cast %get3A_886 : vector<16xi32> to vector<16xi32>
    %lt3A_888 = arith.constant 0 : i32
    %lt3A_889 = vector.broadcast %lt3A_888 : i32 to vector<16xi32>
    %lt3A_890 = arith.cmpi slt, %get3A_884, %lt3A_889 : vector<16xi32>
    %add3A_891 = arith.constant 16 : i32
    %add3A_892 = vector.broadcast %add3A_891 : i32 to vector<16xi32>
    %add3A_893 = arith.addi %get3A_884, %add3A_892 : vector<16xi32>
    %select_n3A_894 = arith.select %lt3A_890, %add3A_893, %get3A_884 : vector<16xi1>, vector<16xi32>
    %broadcast_in_dim3A_895 = vector.shape_cast %select_n3A_894 : vector<16xi32> to vector<16x1xi32>
    %gather3A_896 = vector.shape_cast %broadcast_in_dim3A_895 : vector<16x1xi32> to vector<16xi32>
    %gather3A_897 = tpu.dynamic_gather %sub3A_97[%gather3A_896] in [0] : vector<16xi32>, vector<16xi32> -> vector<16xi32>
    %add3A_898 = arith.addi %get3A_887, %gather3A_897 : vector<16xi32>
    %swap3A_899 = arith.constant 1 : i32
    %swap3A_900 = arith.index_cast %swap3A_899 : i32 to index
    %swap3A_901 = arith.constant 0 : index
    %swap3A_902 = tpu.vector_load %arg14[%swap3A_900, %swap3A_901] {strides = array<i32>} : memref<4x128xi32, #tpu.memory_space<vmem>>, vector<1x16xi32>,
    %swap3A_903 = vector.shape_cast %swap3A_902 : vector<1x16xi32> to vector<16xi32>
    %swap3A_904 = vector.shape_cast %add3A_898 : vector<16xi32> to vector<1x16xi32>
    tpu.vector_store %arg14[%swap3A_900, %swap3A_901], %swap3A_904 {strides = array<i32>} : memref<4x128xi32, #tpu.memory_space<vmem>>, vector<1x16xi32>,
    %add3A_905 = arith.constant 128 : i32
    %add3A_906 = arith.addi %mul3A_582, %add3A_905 : i32
    %broadcast_in_dim3A_907 = vector.broadcast %add3A_906 : i32 to vector<16xi32>
    %add3A_908 = arith.addi %broadcast_in_dim3A_907, %iota3A : vector<16xi32>
    %shift_right_arithmetic3A_909 = arith.constant 1 : i32
    %shift_right_arithmetic3A_910 = vector.broadcast %shift_right_arithmetic3A_909 : i32 to vector<16xi32>
    %shift_right_arithmetic3A_911 = arith.shrsi %add3A_908, %shift_right_arithmetic3A_910 : vector<16xi32>
    %swap3A_912 = arith.constant 1 : i32
    %swap3A_913 = arith.index_cast %swap3A_912 : i32 to index
    %swap3A_914 = arith.constant 0 : index
    %swap3A_915 = tpu.vector_load %arg15[%swap3A_913, %swap3A_914] {strides = array<i32>} : memref<4x128xi32, #tpu.memory_space<vmem>>, vector<1x16xi32>,
    %swap3A_916 = vector.shape_cast %swap3A_915 : vector<1x16xi32> to vector<16xi32>
    %swap3A_917 = vector.shape_cast %shift_right_arithmetic3A_911 : vector<16xi32> to vector<1x16xi32>
    tpu.vector_store %arg15[%swap3A_913, %swap3A_914], %swap3A_917 {strides = array<i32>} : memref<4x128xi32, #tpu.memory_space<vmem>>, vector<1x16xi32>,
    %get3A_918 = arith.constant 144 : index
    %get3A_919 = tpu.vector_load %arg11[%get3A_918] {strides = array<i32>} : memref<512xi32, #tpu.memory_space<vmem>>, vector<16xi32>,
    %get3A_920 = vector.shape_cast %get3A_919 : vector<16xi32> to vector<16xi32>
    %get3A_921 = arith.constant 144 : index
    %get3A_922 = tpu.vector_load %arg13[%get3A_921] {strides = array<i32>} : memref<512xi32, #tpu.memory_space<vmem>>, vector<16xi32>,
    %get3A_923 = vector.shape_cast %get3A_922 : vector<16xi32> to vector<16xi32>
    %lt3A_924 = arith.constant 0 : i32
    %lt3A_925 = vector.broadcast %lt3A_924 : i32 to vector<16xi32>
    %lt3A_926 = arith.cmpi slt, %get3A_920, %lt3A_925 : vector<16xi32>
    %add3A_927 = arith.constant 16 : i32
    %add3A_928 = vector.broadcast %add3A_927 : i32 to vector<16xi32>
    %add3A_929 = arith.addi %get3A_920, %add3A_928 : vector<16xi32>
    %select_n3A_930 = arith.select %lt3A_926, %add3A_929, %get3A_920 : vector<16xi1>, vector<16xi32>
    %broadcast_in_dim3A_931 = vector.shape_cast %select_n3A_930 : vector<16xi32> to vector<16x1xi32>
    %gather3A_932 = vector.shape_cast %broadcast_in_dim3A_931 : vector<16x1xi32> to vector<16xi32>
    %gather3A_933 = tpu.dynamic_gather %sub3A_97[%gather3A_932] in [0] : vector<16xi32>, vector<16xi32> -> vector<16xi32>
    %add3A_934 = arith.addi %get3A_923, %gather3A_933 : vector<16xi32>
    %swap3A_935 = arith.constant 1 : i32
    %swap3A_936 = arith.index_cast %swap3A_935 : i32 to index
    %swap3A_937 = arith.constant 16 : index
    %swap3A_938 = tpu.vector_load %arg14[%swap3A_936, %swap3A_937] {strides = array<i32>} : memref<4x128xi32, #tpu.memory_space<vmem>>, vector<1x16xi32>,
    %swap3A_939 = vector.shape_cast %swap3A_938 : vector<1x16xi32> to vector<16xi32>
    %swap3A_940 = vector.shape_cast %add3A_934 : vector<16xi32> to vector<1x16xi32>
    tpu.vector_store %arg14[%swap3A_936, %swap3A_937], %swap3A_940 {strides = array<i32>} : memref<4x128xi32, #tpu.memory_space<vmem>>, vector<1x16xi32>,
    %add3A_941 = arith.constant 144 : i32
    %add3A_942 = arith.addi %mul3A_582, %add3A_941 : i32
    %broadcast_in_dim3A_943 = vector.broadcast %add3A_942 : i32 to vector<16xi32>
    %add3A_944 = arith.addi %broadcast_in_dim3A_943, %iota3A : vector<16xi32>
    %shift_right_arithmetic3A_945 = arith.constant 1 : i32
    %shift_right_arithmetic3A_946 = vector.broadcast %shift_right_arithmetic3A_945 : i32 to vector<16xi32>
    %shift_right_arithmetic3A_947 = arith.shrsi %add3A_944, %shift_right_arithmetic3A_946 : vector<16xi32>
    %swap3A_948 = arith.constant 1 : i32
    %swap3A_949 = arith.index_cast %swap3A_948 : i32 to index
    %swap3A_950 = arith.constant 16 : index
    %swap3A_951 = tpu.vector_load %arg15[%swap3A_949, %swap3A_950] {strides = array<i32>} : memref<4x128xi32, #tpu.memory_space<vmem>>, vector<1x16xi32>,
    %swap3A_952 = vector.shape_cast %swap3A_951 : vector<1x16xi32> to vector<16xi32>
    %swap3A_953 = vector.shape_cast %shift_right_arithmetic3A_947 : vector<16xi32> to vector<1x16xi32>
    tpu.vector_store %arg15[%swap3A_949, %swap3A_950], %swap3A_953 {strides = array<i32>} : memref<4x128xi32, #tpu.memory_space<vmem>>, vector<1x16xi32>,
    %get3A_954 = arith.constant 160 : index
    %get3A_955 = tpu.vector_load %arg11[%get3A_954] {strides = array<i32>} : memref<512xi32, #tpu.memory_space<vmem>>, vector<16xi32>,
    %get3A_956 = vector.shape_cast %get3A_955 : vector<16xi32> to vector<16xi32>
    %get3A_957 = arith.constant 160 : index
    %get3A_958 = tpu.vector_load %arg13[%get3A_957] {strides = array<i32>} : memref<512xi32, #tpu.memory_space<vmem>>, vector<16xi32>,
    %get3A_959 = vector.shape_cast %get3A_958 : vector<16xi32> to vector<16xi32>
    %lt3A_960 = arith.constant 0 : i32
    %lt3A_961 = vector.broadcast %lt3A_960 : i32 to vector<16xi32>
    %lt3A_962 = arith.cmpi slt, %get3A_956, %lt3A_961 : vector<16xi32>
    %add3A_963 = arith.constant 16 : i32
    %add3A_964 = vector.broadcast %add3A_963 : i32 to vector<16xi32>
    %add3A_965 = arith.addi %get3A_956, %add3A_964 : vector<16xi32>
    %select_n3A_966 = arith.select %lt3A_962, %add3A_965, %get3A_956 : vector<16xi1>, vector<16xi32>
    %broadcast_in_dim3A_967 = vector.shape_cast %select_n3A_966 : vector<16xi32> to vector<16x1xi32>
    %gather3A_968 = vector.shape_cast %broadcast_in_dim3A_967 : vector<16x1xi32> to vector<16xi32>
    %gather3A_969 = tpu.dynamic_gather %sub3A_97[%gather3A_968] in [0] : vector<16xi32>, vector<16xi32> -> vector<16xi32>
    %add3A_970 = arith.addi %get3A_959, %gather3A_969 : vector<16xi32>
    %swap3A_971 = arith.constant 1 : i32
    %swap3A_972 = arith.index_cast %swap3A_971 : i32 to index
    %swap3A_973 = arith.constant 32 : index
    %swap3A_974 = tpu.vector_load %arg14[%swap3A_972, %swap3A_973] {strides = array<i32>} : memref<4x128xi32, #tpu.memory_space<vmem>>, vector<1x16xi32>,
    %swap3A_975 = vector.shape_cast %swap3A_974 : vector<1x16xi32> to vector<16xi32>
    %swap3A_976 = vector.shape_cast %add3A_970 : vector<16xi32> to vector<1x16xi32>
    tpu.vector_store %arg14[%swap3A_972, %swap3A_973], %swap3A_976 {strides = array<i32>} : memref<4x128xi32, #tpu.memory_space<vmem>>, vector<1x16xi32>,
    %add3A_977 = arith.constant 160 : i32
    %add3A_978 = arith.addi %mul3A_582, %add3A_977 : i32
    %broadcast_in_dim3A_979 = vector.broadcast %add3A_978 : i32 to vector<16xi32>
    %add3A_980 = arith.addi %broadcast_in_dim3A_979, %iota3A : vector<16xi32>
    %shift_right_arithmetic3A_981 = arith.constant 1 : i32
    %shift_right_arithmetic3A_982 = vector.broadcast %shift_right_arithmetic3A_981 : i32 to vector<16xi32>
    %shift_right_arithmetic3A_983 = arith.shrsi %add3A_980, %shift_right_arithmetic3A_982 : vector<16xi32>
    %swap3A_984 = arith.constant 1 : i32
    %swap3A_985 = arith.index_cast %swap3A_984 : i32 to index
    %swap3A_986 = arith.constant 32 : index
    %swap3A_987 = tpu.vector_load %arg15[%swap3A_985, %swap3A_986] {strides = array<i32>} : memref<4x128xi32, #tpu.memory_space<vmem>>, vector<1x16xi32>,
    %swap3A_988 = vector.shape_cast %swap3A_987 : vector<1x16xi32> to vector<16xi32>
    %swap3A_989 = vector.shape_cast %shift_right_arithmetic3A_983 : vector<16xi32> to vector<1x16xi32>
    tpu.vector_store %arg15[%swap3A_985, %swap3A_986], %swap3A_989 {strides = array<i32>} : memref<4x128xi32, #tpu.memory_space<vmem>>, vector<1x16xi32>,
    %get3A_990 = arith.constant 176 : index
    %get3A_991 = tpu.vector_load %arg11[%get3A_990] {strides = array<i32>} : memref<512xi32, #tpu.memory_space<vmem>>, vector<16xi32>,
    %get3A_992 = vector.shape_cast %get3A_991 : vector<16xi32> to vector<16xi32>
    %get3A_993 = arith.constant 176 : index
    %get3A_994 = tpu.vector_load %arg13[%get3A_993] {strides = array<i32>} : memref<512xi32, #tpu.memory_space<vmem>>, vector<16xi32>,
    %get3A_995 = vector.shape_cast %get3A_994 : vector<16xi32> to vector<16xi32>
    %lt3A_996 = arith.constant 0 : i32
    %lt3A_997 = vector.broadcast %lt3A_996 : i32 to vector<16xi32>
    %lt3A_998 = arith.cmpi slt, %get3A_992, %lt3A_997 : vector<16xi32>
    %add3A_999 = arith.constant 16 : i32
    %add3A_1000 = vector.broadcast %add3A_999 : i32 to vector<16xi32>
    %add3A_1001 = arith.addi %get3A_992, %add3A_1000 : vector<16xi32>
    %select_n3A_1002 = arith.select %lt3A_998, %add3A_1001, %get3A_992 : vector<16xi1>, vector<16xi32>
    %broadcast_in_dim3A_1003 = vector.shape_cast %select_n3A_1002 : vector<16xi32> to vector<16x1xi32>
    %gather3A_1004 = vector.shape_cast %broadcast_in_dim3A_1003 : vector<16x1xi32> to vector<16xi32>
    %gather3A_1005 = tpu.dynamic_gather %sub3A_97[%gather3A_1004] in [0] : vector<16xi32>, vector<16xi32> -> vector<16xi32>
    %add3A_1006 = arith.addi %get3A_995, %gather3A_1005 : vector<16xi32>
    %swap3A_1007 = arith.constant 1 : i32
    %swap3A_1008 = arith.index_cast %swap3A_1007 : i32 to index
    %swap3A_1009 = arith.constant 48 : index
    %swap3A_1010 = tpu.vector_load %arg14[%swap3A_1008, %swap3A_1009] {strides = array<i32>} : memref<4x128xi32, #tpu.memory_space<vmem>>, vector<1x16xi32>,
    %swap3A_1011 = vector.shape_cast %swap3A_1010 : vector<1x16xi32> to vector<16xi32>
    %swap3A_1012 = vector.shape_cast %add3A_1006 : vector<16xi32> to vector<1x16xi32>
    tpu.vector_store %arg14[%swap3A_1008, %swap3A_1009], %swap3A_1012 {strides = array<i32>} : memref<4x128xi32, #tpu.memory_space<vmem>>, vector<1x16xi32>,
    %add3A_1013 = arith.constant 176 : i32
    %add3A_1014 = arith.addi %mul3A_582, %add3A_1013 : i32
    %broadcast_in_dim3A_1015 = vector.broadcast %add3A_1014 : i32 to vector<16xi32>
    %add3A_1016 = arith.addi %broadcast_in_dim3A_1015, %iota3A : vector<16xi32>
    %shift_right_arithmetic3A_1017 = arith.constant 1 : i32
    %shift_right_arithmetic3A_1018 = vector.broadcast %shift_right_arithmetic3A_1017 : i32 to vector<16xi32>
    %shift_right_arithmetic3A_1019 = arith.shrsi %add3A_1016, %shift_right_arithmetic3A_1018 : vector<16xi32>
    %swap3A_1020 = arith.constant 1 : i32
    %swap3A_1021 = arith.index_cast %swap3A_1020 : i32 to index
    %swap3A_1022 = arith.constant 48 : index
    %swap3A_1023 = tpu.vector_load %arg15[%swap3A_1021, %swap3A_1022] {strides = array<i32>} : memref<4x128xi32, #tpu.memory_space<vmem>>, vector<1x16xi32>,
    %swap3A_1024 = vector.shape_cast %swap3A_1023 : vector<1x16xi32> to vector<16xi32>
    %swap3A_1025 = vector.shape_cast %shift_right_arithmetic3A_1019 : vector<16xi32> to vector<1x16xi32>
    tpu.vector_store %arg15[%swap3A_1021, %swap3A_1022], %swap3A_1025 {strides = array<i32>} : memref<4x128xi32, #tpu.memory_space<vmem>>, vector<1x16xi32>,
    %get3A_1026 = arith.constant 192 : index
    %get3A_1027 = tpu.vector_load %arg11[%get3A_1026] {strides = array<i32>} : memref<512xi32, #tpu.memory_space<vmem>>, vector<16xi32>,
    %get3A_1028 = vector.shape_cast %get3A_1027 : vector<16xi32> to vector<16xi32>
    %get3A_1029 = arith.constant 192 : index
    %get3A_1030 = tpu.vector_load %arg13[%get3A_1029] {strides = array<i32>} : memref<512xi32, #tpu.memory_space<vmem>>, vector<16xi32>,
    %get3A_1031 = vector.shape_cast %get3A_1030 : vector<16xi32> to vector<16xi32>
    %lt3A_1032 = arith.constant 0 : i32
    %lt3A_1033 = vector.broadcast %lt3A_1032 : i32 to vector<16xi32>
    %lt3A_1034 = arith.cmpi slt, %get3A_1028, %lt3A_1033 : vector<16xi32>
    %add3A_1035 = arith.constant 16 : i32
    %add3A_1036 = vector.broadcast %add3A_1035 : i32 to vector<16xi32>
    %add3A_1037 = arith.addi %get3A_1028, %add3A_1036 : vector<16xi32>
    %select_n3A_1038 = arith.select %lt3A_1034, %add3A_1037, %get3A_1028 : vector<16xi1>, vector<16xi32>
    %broadcast_in_dim3A_1039 = vector.shape_cast %select_n3A_1038 : vector<16xi32> to vector<16x1xi32>
    %gather3A_1040 = vector.shape_cast %broadcast_in_dim3A_1039 : vector<16x1xi32> to vector<16xi32>
    %gather3A_1041 = tpu.dynamic_gather %sub3A_97[%gather3A_1040] in [0] : vector<16xi32>, vector<16xi32> -> vector<16xi32>
    %add3A_1042 = arith.addi %get3A_1031, %gather3A_1041 : vector<16xi32>
    %swap3A_1043 = arith.constant 1 : i32
    %swap3A_1044 = arith.index_cast %swap3A_1043 : i32 to index
    %swap3A_1045 = arith.constant 64 : index
    %swap3A_1046 = tpu.vector_load %arg14[%swap3A_1044, %swap3A_1045] {strides = array<i32>} : memref<4x128xi32, #tpu.memory_space<vmem>>, vector<1x16xi32>,
    %swap3A_1047 = vector.shape_cast %swap3A_1046 : vector<1x16xi32> to vector<16xi32>
    %swap3A_1048 = vector.shape_cast %add3A_1042 : vector<16xi32> to vector<1x16xi32>
    tpu.vector_store %arg14[%swap3A_1044, %swap3A_1045], %swap3A_1048 {strides = array<i32>} : memref<4x128xi32, #tpu.memory_space<vmem>>, vector<1x16xi32>,
    %add3A_1049 = arith.constant 192 : i32
    %add3A_1050 = arith.addi %mul3A_582, %add3A_1049 : i32
    %broadcast_in_dim3A_1051 = vector.broadcast %add3A_1050 : i32 to vector<16xi32>
    %add3A_1052 = arith.addi %broadcast_in_dim3A_1051, %iota3A : vector<16xi32>
    %shift_right_arithmetic3A_1053 = arith.constant 1 : i32
    %shift_right_arithmetic3A_1054 = vector.broadcast %shift_right_arithmetic3A_1053 : i32 to vector<16xi32>
    %shift_right_arithmetic3A_1055 = arith.shrsi %add3A_1052, %shift_right_arithmetic3A_1054 : vector<16xi32>
    %swap3A_1056 = arith.constant 1 : i32
    %swap3A_1057 = arith.index_cast %swap3A_1056 : i32 to index
    %swap3A_1058 = arith.constant 64 : index
    %swap3A_1059 = tpu.vector_load %arg15[%swap3A_1057, %swap3A_1058] {strides = array<i32>} : memref<4x128xi32, #tpu.memory_space<vmem>>, vector<1x16xi32>,
    %swap3A_1060 = vector.shape_cast %swap3A_1059 : vector<1x16xi32> to vector<16xi32>
    %swap3A_1061 = vector.shape_cast %shift_right_arithmetic3A_1055 : vector<16xi32> to vector<1x16xi32>
    tpu.vector_store %arg15[%swap3A_1057, %swap3A_1058], %swap3A_1061 {strides = array<i32>} : memref<4x128xi32, #tpu.memory_space<vmem>>, vector<1x16xi32>,
    %get3A_1062 = arith.constant 208 : index
    %get3A_1063 = tpu.vector_load %arg11[%get3A_1062] {strides = array<i32>} : memref<512xi32, #tpu.memory_space<vmem>>, vector<16xi32>,
    %get3A_1064 = vector.shape_cast %get3A_1063 : vector<16xi32> to vector<16xi32>
    %get3A_1065 = arith.constant 208 : index
    %get3A_1066 = tpu.vector_load %arg13[%get3A_1065] {strides = array<i32>} : memref<512xi32, #tpu.memory_space<vmem>>, vector<16xi32>,
    %get3A_1067 = vector.shape_cast %get3A_1066 : vector<16xi32> to vector<16xi32>
    %lt3A_1068 = arith.constant 0 : i32
    %lt3A_1069 = vector.broadcast %lt3A_1068 : i32 to vector<16xi32>
    %lt3A_1070 = arith.cmpi slt, %get3A_1064, %lt3A_1069 : vector<16xi32>
    %add3A_1071 = arith.constant 16 : i32
    %add3A_1072 = vector.broadcast %add3A_1071 : i32 to vector<16xi32>
    %add3A_1073 = arith.addi %get3A_1064, %add3A_1072 : vector<16xi32>
    %select_n3A_1074 = arith.select %lt3A_1070, %add3A_1073, %get3A_1064 : vector<16xi1>, vector<16xi32>
    %broadcast_in_dim3A_1075 = vector.shape_cast %select_n3A_1074 : vector<16xi32> to vector<16x1xi32>
    %gather3A_1076 = vector.shape_cast %broadcast_in_dim3A_1075 : vector<16x1xi32> to vector<16xi32>
    %gather3A_1077 = tpu.dynamic_gather %sub3A_97[%gather3A_1076] in [0] : vector<16xi32>, vector<16xi32> -> vector<16xi32>
    %add3A_1078 = arith.addi %get3A_1067, %gather3A_1077 : vector<16xi32>
    %swap3A_1079 = arith.constant 1 : i32
    %swap3A_1080 = arith.index_cast %swap3A_1079 : i32 to index
    %swap3A_1081 = arith.constant 80 : index
    %swap3A_1082 = tpu.vector_load %arg14[%swap3A_1080, %swap3A_1081] {strides = array<i32>} : memref<4x128xi32, #tpu.memory_space<vmem>>, vector<1x16xi32>,
    %swap3A_1083 = vector.shape_cast %swap3A_1082 : vector<1x16xi32> to vector<16xi32>
    %swap3A_1084 = vector.shape_cast %add3A_1078 : vector<16xi32> to vector<1x16xi32>
    tpu.vector_store %arg14[%swap3A_1080, %swap3A_1081], %swap3A_1084 {strides = array<i32>} : memref<4x128xi32, #tpu.memory_space<vmem>>, vector<1x16xi32>,
    %add3A_1085 = arith.constant 208 : i32
    %add3A_1086 = arith.addi %mul3A_582, %add3A_1085 : i32
    %broadcast_in_dim3A_1087 = vector.broadcast %add3A_1086 : i32 to vector<16xi32>
    %add3A_1088 = arith.addi %broadcast_in_dim3A_1087, %iota3A : vector<16xi32>
    %shift_right_arithmetic3A_1089 = arith.constant 1 : i32
    %shift_right_arithmetic3A_1090 = vector.broadcast %shift_right_arithmetic3A_1089 : i32 to vector<16xi32>
    %shift_right_arithmetic3A_1091 = arith.shrsi %add3A_1088, %shift_right_arithmetic3A_1090 : vector<16xi32>
    %swap3A_1092 = arith.constant 1 : i32
    %swap3A_1093 = arith.index_cast %swap3A_1092 : i32 to index
    %swap3A_1094 = arith.constant 80 : index
    %swap3A_1095 = tpu.vector_load %arg15[%swap3A_1093, %swap3A_1094] {strides = array<i32>} : memref<4x128xi32, #tpu.memory_space<vmem>>, vector<1x16xi32>,
    %swap3A_1096 = vector.shape_cast %swap3A_1095 : vector<1x16xi32> to vector<16xi32>
    %swap3A_1097 = vector.shape_cast %shift_right_arithmetic3A_1091 : vector<16xi32> to vector<1x16xi32>
    tpu.vector_store %arg15[%swap3A_1093, %swap3A_1094], %swap3A_1097 {strides = array<i32>} : memref<4x128xi32, #tpu.memory_space<vmem>>, vector<1x16xi32>,
    %get3A_1098 = arith.constant 224 : index
    %get3A_1099 = tpu.vector_load %arg11[%get3A_1098] {strides = array<i32>} : memref<512xi32, #tpu.memory_space<vmem>>, vector<16xi32>,
    %get3A_1100 = vector.shape_cast %get3A_1099 : vector<16xi32> to vector<16xi32>
    %get3A_1101 = arith.constant 224 : index
    %get3A_1102 = tpu.vector_load %arg13[%get3A_1101] {strides = array<i32>} : memref<512xi32, #tpu.memory_space<vmem>>, vector<16xi32>,
    %get3A_1103 = vector.shape_cast %get3A_1102 : vector<16xi32> to vector<16xi32>
    %lt3A_1104 = arith.constant 0 : i32
    %lt3A_1105 = vector.broadcast %lt3A_1104 : i32 to vector<16xi32>
    %lt3A_1106 = arith.cmpi slt, %get3A_1100, %lt3A_1105 : vector<16xi32>
    %add3A_1107 = arith.constant 16 : i32
    %add3A_1108 = vector.broadcast %add3A_1107 : i32 to vector<16xi32>
    %add3A_1109 = arith.addi %get3A_1100, %add3A_1108 : vector<16xi32>
    %select_n3A_1110 = arith.select %lt3A_1106, %add3A_1109, %get3A_1100 : vector<16xi1>, vector<16xi32>
    %broadcast_in_dim3A_1111 = vector.shape_cast %select_n3A_1110 : vector<16xi32> to vector<16x1xi32>
    %gather3A_1112 = vector.shape_cast %broadcast_in_dim3A_1111 : vector<16x1xi32> to vector<16xi32>
    %gather3A_1113 = tpu.dynamic_gather %sub3A_97[%gather3A_1112] in [0] : vector<16xi32>, vector<16xi32> -> vector<16xi32>
    %add3A_1114 = arith.addi %get3A_1103, %gather3A_1113 : vector<16xi32>
    %swap3A_1115 = arith.constant 1 : i32
    %swap3A_1116 = arith.index_cast %swap3A_1115 : i32 to index
    %swap3A_1117 = arith.constant 96 : index
    %swap3A_1118 = tpu.vector_load %arg14[%swap3A_1116, %swap3A_1117] {strides = array<i32>} : memref<4x128xi32, #tpu.memory_space<vmem>>, vector<1x16xi32>,
    %swap3A_1119 = vector.shape_cast %swap3A_1118 : vector<1x16xi32> to vector<16xi32>
    %swap3A_1120 = vector.shape_cast %add3A_1114 : vector<16xi32> to vector<1x16xi32>
    tpu.vector_store %arg14[%swap3A_1116, %swap3A_1117], %swap3A_1120 {strides = array<i32>} : memref<4x128xi32, #tpu.memory_space<vmem>>, vector<1x16xi32>,
    %add3A_1121 = arith.constant 224 : i32
    %add3A_1122 = arith.addi %mul3A_582, %add3A_1121 : i32
    %broadcast_in_dim3A_1123 = vector.broadcast %add3A_1122 : i32 to vector<16xi32>
    %add3A_1124 = arith.addi %broadcast_in_dim3A_1123, %iota3A : vector<16xi32>
    %shift_right_arithmetic3A_1125 = arith.constant 1 : i32
    %shift_right_arithmetic3A_1126 = vector.broadcast %shift_right_arithmetic3A_1125 : i32 to vector<16xi32>
    %shift_right_arithmetic3A_1127 = arith.shrsi %add3A_1124, %shift_right_arithmetic3A_1126 : vector<16xi32>
    %swap3A_1128 = arith.constant 1 : i32
    %swap3A_1129 = arith.index_cast %swap3A_1128 : i32 to index
    %swap3A_1130 = arith.constant 96 : index
    %swap3A_1131 = tpu.vector_load %arg15[%swap3A_1129, %swap3A_1130] {strides = array<i32>} : memref<4x128xi32, #tpu.memory_space<vmem>>, vector<1x16xi32>,
    %swap3A_1132 = vector.shape_cast %swap3A_1131 : vector<1x16xi32> to vector<16xi32>
    %swap3A_1133 = vector.shape_cast %shift_right_arithmetic3A_1127 : vector<16xi32> to vector<1x16xi32>
    tpu.vector_store %arg15[%swap3A_1129, %swap3A_1130], %swap3A_1133 {strides = array<i32>} : memref<4x128xi32, #tpu.memory_space<vmem>>, vector<1x16xi32>,
    %get3A_1134 = arith.constant 240 : index
    %get3A_1135 = tpu.vector_load %arg11[%get3A_1134] {strides = array<i32>} : memref<512xi32, #tpu.memory_space<vmem>>, vector<16xi32>,
    %get3A_1136 = vector.shape_cast %get3A_1135 : vector<16xi32> to vector<16xi32>
    %get3A_1137 = arith.constant 240 : index
    %get3A_1138 = tpu.vector_load %arg13[%get3A_1137] {strides = array<i32>} : memref<512xi32, #tpu.memory_space<vmem>>, vector<16xi32>,
    %get3A_1139 = vector.shape_cast %get3A_1138 : vector<16xi32> to vector<16xi32>
    %lt3A_1140 = arith.constant 0 : i32
    %lt3A_1141 = vector.broadcast %lt3A_1140 : i32 to vector<16xi32>
    %lt3A_1142 = arith.cmpi slt, %get3A_1136, %lt3A_1141 : vector<16xi32>
    %add3A_1143 = arith.constant 16 : i32
    %add3A_1144 = vector.broadcast %add3A_1143 : i32 to vector<16xi32>
    %add3A_1145 = arith.addi %get3A_1136, %add3A_1144 : vector<16xi32>
    %select_n3A_1146 = arith.select %lt3A_1142, %add3A_1145, %get3A_1136 : vector<16xi1>, vector<16xi32>
    %broadcast_in_dim3A_1147 = vector.shape_cast %select_n3A_1146 : vector<16xi32> to vector<16x1xi32>
    %gather3A_1148 = vector.shape_cast %broadcast_in_dim3A_1147 : vector<16x1xi32> to vector<16xi32>
    %gather3A_1149 = tpu.dynamic_gather %sub3A_97[%gather3A_1148] in [0] : vector<16xi32>, vector<16xi32> -> vector<16xi32>
    %add3A_1150 = arith.addi %get3A_1139, %gather3A_1149 : vector<16xi32>
    %swap3A_1151 = arith.constant 1 : i32
    %swap3A_1152 = arith.index_cast %swap3A_1151 : i32 to index
    %swap3A_1153 = arith.constant 112 : index
    %swap3A_1154 = tpu.vector_load %arg14[%swap3A_1152, %swap3A_1153] {strides = array<i32>} : memref<4x128xi32, #tpu.memory_space<vmem>>, vector<1x16xi32>,
    %swap3A_1155 = vector.shape_cast %swap3A_1154 : vector<1x16xi32> to vector<16xi32>
    %swap3A_1156 = vector.shape_cast %add3A_1150 : vector<16xi32> to vector<1x16xi32>
    tpu.vector_store %arg14[%swap3A_1152, %swap3A_1153], %swap3A_1156 {strides = array<i32>} : memref<4x128xi32, #tpu.memory_space<vmem>>, vector<1x16xi32>,
    %add3A_1157 = arith.constant 240 : i32
    %add3A_1158 = arith.addi %mul3A_582, %add3A_1157 : i32
    %broadcast_in_dim3A_1159 = vector.broadcast %add3A_1158 : i32 to vector<16xi32>
    %add3A_1160 = arith.addi %broadcast_in_dim3A_1159, %iota3A : vector<16xi32>
    %shift_right_arithmetic3A_1161 = arith.constant 1 : i32
    %shift_right_arithmetic3A_1162 = vector.broadcast %shift_right_arithmetic3A_1161 : i32 to vector<16xi32>
    %shift_right_arithmetic3A_1163 = arith.shrsi %add3A_1160, %shift_right_arithmetic3A_1162 : vector<16xi32>
    %swap3A_1164 = arith.constant 1 : i32
    %swap3A_1165 = arith.index_cast %swap3A_1164 : i32 to index
    %swap3A_1166 = arith.constant 112 : index
    %swap3A_1167 = tpu.vector_load %arg15[%swap3A_1165, %swap3A_1166] {strides = array<i32>} : memref<4x128xi32, #tpu.memory_space<vmem>>, vector<1x16xi32>,
    %swap3A_1168 = vector.shape_cast %swap3A_1167 : vector<1x16xi32> to vector<16xi32>
    %swap3A_1169 = vector.shape_cast %shift_right_arithmetic3A_1163 : vector<16xi32> to vector<1x16xi32>
    tpu.vector_store %arg15[%swap3A_1165, %swap3A_1166], %swap3A_1169 {strides = array<i32>} : memref<4x128xi32, #tpu.memory_space<vmem>>, vector<1x16xi32>,
    %get3A_1170 = arith.constant 256 : index
    %get3A_1171 = tpu.vector_load %arg11[%get3A_1170] {strides = array<i32>} : memref<512xi32, #tpu.memory_space<vmem>>, vector<16xi32>,
    %get3A_1172 = vector.shape_cast %get3A_1171 : vector<16xi32> to vector<16xi32>
    %get3A_1173 = arith.constant 256 : index
    %get3A_1174 = tpu.vector_load %arg13[%get3A_1173] {strides = array<i32>} : memref<512xi32, #tpu.memory_space<vmem>>, vector<16xi32>,
    %get3A_1175 = vector.shape_cast %get3A_1174 : vector<16xi32> to vector<16xi32>
    %lt3A_1176 = arith.constant 0 : i32
    %lt3A_1177 = vector.broadcast %lt3A_1176 : i32 to vector<16xi32>
    %lt3A_1178 = arith.cmpi slt, %get3A_1172, %lt3A_1177 : vector<16xi32>
    %add3A_1179 = arith.constant 16 : i32
    %add3A_1180 = vector.broadcast %add3A_1179 : i32 to vector<16xi32>
    %add3A_1181 = arith.addi %get3A_1172, %add3A_1180 : vector<16xi32>
    %select_n3A_1182 = arith.select %lt3A_1178, %add3A_1181, %get3A_1172 : vector<16xi1>, vector<16xi32>
    %broadcast_in_dim3A_1183 = vector.shape_cast %select_n3A_1182 : vector<16xi32> to vector<16x1xi32>
    %gather3A_1184 = vector.shape_cast %broadcast_in_dim3A_1183 : vector<16x1xi32> to vector<16xi32>
    %gather3A_1185 = tpu.dynamic_gather %sub3A_97[%gather3A_1184] in [0] : vector<16xi32>, vector<16xi32> -> vector<16xi32>
    %add3A_1186 = arith.addi %get3A_1175, %gather3A_1185 : vector<16xi32>
    %swap3A_1187 = arith.constant 2 : i32
    %swap3A_1188 = arith.index_cast %swap3A_1187 : i32 to index
    %swap3A_1189 = arith.constant 0 : index
    %swap3A_1190 = tpu.vector_load %arg14[%swap3A_1188, %swap3A_1189] {strides = array<i32>} : memref<4x128xi32, #tpu.memory_space<vmem>>, vector<1x16xi32>,
    %swap3A_1191 = vector.shape_cast %swap3A_1190 : vector<1x16xi32> to vector<16xi32>
    %swap3A_1192 = vector.shape_cast %add3A_1186 : vector<16xi32> to vector<1x16xi32>
    tpu.vector_store %arg14[%swap3A_1188, %swap3A_1189], %swap3A_1192 {strides = array<i32>} : memref<4x128xi32, #tpu.memory_space<vmem>>, vector<1x16xi32>,
    %add3A_1193 = arith.constant 256 : i32
    %add3A_1194 = arith.addi %mul3A_582, %add3A_1193 : i32
    %broadcast_in_dim3A_1195 = vector.broadcast %add3A_1194 : i32 to vector<16xi32>
    %add3A_1196 = arith.addi %broadcast_in_dim3A_1195, %iota3A : vector<16xi32>
    %shift_right_arithmetic3A_1197 = arith.constant 1 : i32
    %shift_right_arithmetic3A_1198 = vector.broadcast %shift_right_arithmetic3A_1197 : i32 to vector<16xi32>
    %shift_right_arithmetic3A_1199 = arith.shrsi %add3A_1196, %shift_right_arithmetic3A_1198 : vector<16xi32>
    %swap3A_1200 = arith.constant 2 : i32
    %swap3A_1201 = arith.index_cast %swap3A_1200 : i32 to index
    %swap3A_1202 = arith.constant 0 : index
    %swap3A_1203 = tpu.vector_load %arg15[%swap3A_1201, %swap3A_1202] {strides = array<i32>} : memref<4x128xi32, #tpu.memory_space<vmem>>, vector<1x16xi32>,
    %swap3A_1204 = vector.shape_cast %swap3A_1203 : vector<1x16xi32> to vector<16xi32>
    %swap3A_1205 = vector.shape_cast %shift_right_arithmetic3A_1199 : vector<16xi32> to vector<1x16xi32>
    tpu.vector_store %arg15[%swap3A_1201, %swap3A_1202], %swap3A_1205 {strides = array<i32>} : memref<4x128xi32, #tpu.memory_space<vmem>>, vector<1x16xi32>,
    %get3A_1206 = arith.constant 272 : index
    %get3A_1207 = tpu.vector_load %arg11[%get3A_1206] {strides = array<i32>} : memref<512xi32, #tpu.memory_space<vmem>>, vector<16xi32>,
    %get3A_1208 = vector.shape_cast %get3A_1207 : vector<16xi32> to vector<16xi32>
    %get3A_1209 = arith.constant 272 : index
    %get3A_1210 = tpu.vector_load %arg13[%get3A_1209] {strides = array<i32>} : memref<512xi32, #tpu.memory_space<vmem>>, vector<16xi32>,
    %get3A_1211 = vector.shape_cast %get3A_1210 : vector<16xi32> to vector<16xi32>
    %lt3A_1212 = arith.constant 0 : i32
    %lt3A_1213 = vector.broadcast %lt3A_1212 : i32 to vector<16xi32>
    %lt3A_1214 = arith.cmpi slt, %get3A_1208, %lt3A_1213 : vector<16xi32>
    %add3A_1215 = arith.constant 16 : i32
    %add3A_1216 = vector.broadcast %add3A_1215 : i32 to vector<16xi32>
    %add3A_1217 = arith.addi %get3A_1208, %add3A_1216 : vector<16xi32>
    %select_n3A_1218 = arith.select %lt3A_1214, %add3A_1217, %get3A_1208 : vector<16xi1>, vector<16xi32>
    %broadcast_in_dim3A_1219 = vector.shape_cast %select_n3A_1218 : vector<16xi32> to vector<16x1xi32>
    %gather3A_1220 = vector.shape_cast %broadcast_in_dim3A_1219 : vector<16x1xi32> to vector<16xi32>
    %gather3A_1221 = tpu.dynamic_gather %sub3A_97[%gather3A_1220] in [0] : vector<16xi32>, vector<16xi32> -> vector<16xi32>
    %add3A_1222 = arith.addi %get3A_1211, %gather3A_1221 : vector<16xi32>
    %swap3A_1223 = arith.constant 2 : i32
    %swap3A_1224 = arith.index_cast %swap3A_1223 : i32 to index
    %swap3A_1225 = arith.constant 16 : index
    %swap3A_1226 = tpu.vector_load %arg14[%swap3A_1224, %swap3A_1225] {strides = array<i32>} : memref<4x128xi32, #tpu.memory_space<vmem>>, vector<1x16xi32>,
    %swap3A_1227 = vector.shape_cast %swap3A_1226 : vector<1x16xi32> to vector<16xi32>
    %swap3A_1228 = vector.shape_cast %add3A_1222 : vector<16xi32> to vector<1x16xi32>
    tpu.vector_store %arg14[%swap3A_1224, %swap3A_1225], %swap3A_1228 {strides = array<i32>} : memref<4x128xi32, #tpu.memory_space<vmem>>, vector<1x16xi32>,
    %add3A_1229 = arith.constant 272 : i32
    %add3A_1230 = arith.addi %mul3A_582, %add3A_1229 : i32
    %broadcast_in_dim3A_1231 = vector.broadcast %add3A_1230 : i32 to vector<16xi32>
    %add3A_1232 = arith.addi %broadcast_in_dim3A_1231, %iota3A : vector<16xi32>
    %shift_right_arithmetic3A_1233 = arith.constant 1 : i32
    %shift_right_arithmetic3A_1234 = vector.broadcast %shift_right_arithmetic3A_1233 : i32 to vector<16xi32>
    %shift_right_arithmetic3A_1235 = arith.shrsi %add3A_1232, %shift_right_arithmetic3A_1234 : vector<16xi32>
    %swap3A_1236 = arith.constant 2 : i32
    %swap3A_1237 = arith.index_cast %swap3A_1236 : i32 to index
    %swap3A_1238 = arith.constant 16 : index
    %swap3A_1239 = tpu.vector_load %arg15[%swap3A_1237, %swap3A_1238] {strides = array<i32>} : memref<4x128xi32, #tpu.memory_space<vmem>>, vector<1x16xi32>,
    %swap3A_1240 = vector.shape_cast %swap3A_1239 : vector<1x16xi32> to vector<16xi32>
    %swap3A_1241 = vector.shape_cast %shift_right_arithmetic3A_1235 : vector<16xi32> to vector<1x16xi32>
    tpu.vector_store %arg15[%swap3A_1237, %swap3A_1238], %swap3A_1241 {strides = array<i32>} : memref<4x128xi32, #tpu.memory_space<vmem>>, vector<1x16xi32>,
    %get3A_1242 = arith.constant 288 : index
    %get3A_1243 = tpu.vector_load %arg11[%get3A_1242] {strides = array<i32>} : memref<512xi32, #tpu.memory_space<vmem>>, vector<16xi32>,
    %get3A_1244 = vector.shape_cast %get3A_1243 : vector<16xi32> to vector<16xi32>
    %get3A_1245 = arith.constant 288 : index
    %get3A_1246 = tpu.vector_load %arg13[%get3A_1245] {strides = array<i32>} : memref<512xi32, #tpu.memory_space<vmem>>, vector<16xi32>,
    %get3A_1247 = vector.shape_cast %get3A_1246 : vector<16xi32> to vector<16xi32>
    %lt3A_1248 = arith.constant 0 : i32
    %lt3A_1249 = vector.broadcast %lt3A_1248 : i32 to vector<16xi32>
    %lt3A_1250 = arith.cmpi slt, %get3A_1244, %lt3A_1249 : vector<16xi32>
    %add3A_1251 = arith.constant 16 : i32
    %add3A_1252 = vector.broadcast %add3A_1251 : i32 to vector<16xi32>
    %add3A_1253 = arith.addi %get3A_1244, %add3A_1252 : vector<16xi32>
    %select_n3A_1254 = arith.select %lt3A_1250, %add3A_1253, %get3A_1244 : vector<16xi1>, vector<16xi32>
    %broadcast_in_dim3A_1255 = vector.shape_cast %select_n3A_1254 : vector<16xi32> to vector<16x1xi32>
    %gather3A_1256 = vector.shape_cast %broadcast_in_dim3A_1255 : vector<16x1xi32> to vector<16xi32>
    %gather3A_1257 = tpu.dynamic_gather %sub3A_97[%gather3A_1256] in [0] : vector<16xi32>, vector<16xi32> -> vector<16xi32>
    %add3A_1258 = arith.addi %get3A_1247, %gather3A_1257 : vector<16xi32>
    %swap3A_1259 = arith.constant 2 : i32
    %swap3A_1260 = arith.index_cast %swap3A_1259 : i32 to index
    %swap3A_1261 = arith.constant 32 : index
    %swap3A_1262 = tpu.vector_load %arg14[%swap3A_1260, %swap3A_1261] {strides = array<i32>} : memref<4x128xi32, #tpu.memory_space<vmem>>, vector<1x16xi32>,
    %swap3A_1263 = vector.shape_cast %swap3A_1262 : vector<1x16xi32> to vector<16xi32>
    %swap3A_1264 = vector.shape_cast %add3A_1258 : vector<16xi32> to vector<1x16xi32>
    tpu.vector_store %arg14[%swap3A_1260, %swap3A_1261], %swap3A_1264 {strides = array<i32>} : memref<4x128xi32, #tpu.memory_space<vmem>>, vector<1x16xi32>,
    %add3A_1265 = arith.constant 288 : i32
    %add3A_1266 = arith.addi %mul3A_582, %add3A_1265 : i32
    %broadcast_in_dim3A_1267 = vector.broadcast %add3A_1266 : i32 to vector<16xi32>
    %add3A_1268 = arith.addi %broadcast_in_dim3A_1267, %iota3A : vector<16xi32>
    %shift_right_arithmetic3A_1269 = arith.constant 1 : i32
    %shift_right_arithmetic3A_1270 = vector.broadcast %shift_right_arithmetic3A_1269 : i32 to vector<16xi32>
    %shift_right_arithmetic3A_1271 = arith.shrsi %add3A_1268, %shift_right_arithmetic3A_1270 : vector<16xi32>
    %swap3A_1272 = arith.constant 2 : i32
    %swap3A_1273 = arith.index_cast %swap3A_1272 : i32 to index
    %swap3A_1274 = arith.constant 32 : index
    %swap3A_1275 = tpu.vector_load %arg15[%swap3A_1273, %swap3A_1274] {strides = array<i32>} : memref<4x128xi32, #tpu.memory_space<vmem>>, vector<1x16xi32>,
    %swap3A_1276 = vector.shape_cast %swap3A_1275 : vector<1x16xi32> to vector<16xi32>
    %swap3A_1277 = vector.shape_cast %shift_right_arithmetic3A_1271 : vector<16xi32> to vector<1x16xi32>
    tpu.vector_store %arg15[%swap3A_1273, %swap3A_1274], %swap3A_1277 {strides = array<i32>} : memref<4x128xi32, #tpu.memory_space<vmem>>, vector<1x16xi32>,
    %get3A_1278 = arith.constant 304 : index
    %get3A_1279 = tpu.vector_load %arg11[%get3A_1278] {strides = array<i32>} : memref<512xi32, #tpu.memory_space<vmem>>, vector<16xi32>,
    %get3A_1280 = vector.shape_cast %get3A_1279 : vector<16xi32> to vector<16xi32>
    %get3A_1281 = arith.constant 304 : index
    %get3A_1282 = tpu.vector_load %arg13[%get3A_1281] {strides = array<i32>} : memref<512xi32, #tpu.memory_space<vmem>>, vector<16xi32>,
    %get3A_1283 = vector.shape_cast %get3A_1282 : vector<16xi32> to vector<16xi32>
    %lt3A_1284 = arith.constant 0 : i32
    %lt3A_1285 = vector.broadcast %lt3A_1284 : i32 to vector<16xi32>
    %lt3A_1286 = arith.cmpi slt, %get3A_1280, %lt3A_1285 : vector<16xi32>
    %add3A_1287 = arith.constant 16 : i32
    %add3A_1288 = vector.broadcast %add3A_1287 : i32 to vector<16xi32>
    %add3A_1289 = arith.addi %get3A_1280, %add3A_1288 : vector<16xi32>
    %select_n3A_1290 = arith.select %lt3A_1286, %add3A_1289, %get3A_1280 : vector<16xi1>, vector<16xi32>
    %broadcast_in_dim3A_1291 = vector.shape_cast %select_n3A_1290 : vector<16xi32> to vector<16x1xi32>
    %gather3A_1292 = vector.shape_cast %broadcast_in_dim3A_1291 : vector<16x1xi32> to vector<16xi32>
    %gather3A_1293 = tpu.dynamic_gather %sub3A_97[%gather3A_1292] in [0] : vector<16xi32>, vector<16xi32> -> vector<16xi32>
    %add3A_1294 = arith.addi %get3A_1283, %gather3A_1293 : vector<16xi32>
    %swap3A_1295 = arith.constant 2 : i32
    %swap3A_1296 = arith.index_cast %swap3A_1295 : i32 to index
    %swap3A_1297 = arith.constant 48 : index
    %swap3A_1298 = tpu.vector_load %arg14[%swap3A_1296, %swap3A_1297] {strides = array<i32>} : memref<4x128xi32, #tpu.memory_space<vmem>>, vector<1x16xi32>,
    %swap3A_1299 = vector.shape_cast %swap3A_1298 : vector<1x16xi32> to vector<16xi32>
    %swap3A_1300 = vector.shape_cast %add3A_1294 : vector<16xi32> to vector<1x16xi32>
    tpu.vector_store %arg14[%swap3A_1296, %swap3A_1297], %swap3A_1300 {strides = array<i32>} : memref<4x128xi32, #tpu.memory_space<vmem>>, vector<1x16xi32>,
    %add3A_1301 = arith.constant 304 : i32
    %add3A_1302 = arith.addi %mul3A_582, %add3A_1301 : i32
    %broadcast_in_dim3A_1303 = vector.broadcast %add3A_1302 : i32 to vector<16xi32>
    %add3A_1304 = arith.addi %broadcast_in_dim3A_1303, %iota3A : vector<16xi32>
    %shift_right_arithmetic3A_1305 = arith.constant 1 : i32
    %shift_right_arithmetic3A_1306 = vector.broadcast %shift_right_arithmetic3A_1305 : i32 to vector<16xi32>
    %shift_right_arithmetic3A_1307 = arith.shrsi %add3A_1304, %shift_right_arithmetic3A_1306 : vector<16xi32>
    %swap3A_1308 = arith.constant 2 : i32
    %swap3A_1309 = arith.index_cast %swap3A_1308 : i32 to index
    %swap3A_1310 = arith.constant 48 : index
    %swap3A_1311 = tpu.vector_load %arg15[%swap3A_1309, %swap3A_1310] {strides = array<i32>} : memref<4x128xi32, #tpu.memory_space<vmem>>, vector<1x16xi32>,
    %swap3A_1312 = vector.shape_cast %swap3A_1311 : vector<1x16xi32> to vector<16xi32>
    %swap3A_1313 = vector.shape_cast %shift_right_arithmetic3A_1307 : vector<16xi32> to vector<1x16xi32>
    tpu.vector_store %arg15[%swap3A_1309, %swap3A_1310], %swap3A_1313 {strides = array<i32>} : memref<4x128xi32, #tpu.memory_space<vmem>>, vector<1x16xi32>,
    %get3A_1314 = arith.constant 320 : index
    %get3A_1315 = tpu.vector_load %arg11[%get3A_1314] {strides = array<i32>} : memref<512xi32, #tpu.memory_space<vmem>>, vector<16xi32>,
    %get3A_1316 = vector.shape_cast %get3A_1315 : vector<16xi32> to vector<16xi32>
    %get3A_1317 = arith.constant 320 : index
    %get3A_1318 = tpu.vector_load %arg13[%get3A_1317] {strides = array<i32>} : memref<512xi32, #tpu.memory_space<vmem>>, vector<16xi32>,
    %get3A_1319 = vector.shape_cast %get3A_1318 : vector<16xi32> to vector<16xi32>
    %lt3A_1320 = arith.constant 0 : i32
    %lt3A_1321 = vector.broadcast %lt3A_1320 : i32 to vector<16xi32>
    %lt3A_1322 = arith.cmpi slt, %get3A_1316, %lt3A_1321 : vector<16xi32>
    %add3A_1323 = arith.constant 16 : i32
    %add3A_1324 = vector.broadcast %add3A_1323 : i32 to vector<16xi32>
    %add3A_1325 = arith.addi %get3A_1316, %add3A_1324 : vector<16xi32>
    %select_n3A_1326 = arith.select %lt3A_1322, %add3A_1325, %get3A_1316 : vector<16xi1>, vector<16xi32>
    %broadcast_in_dim3A_1327 = vector.shape_cast %select_n3A_1326 : vector<16xi32> to vector<16x1xi32>
    %gather3A_1328 = vector.shape_cast %broadcast_in_dim3A_1327 : vector<16x1xi32> to vector<16xi32>
    %gather3A_1329 = tpu.dynamic_gather %sub3A_97[%gather3A_1328] in [0] : vector<16xi32>, vector<16xi32> -> vector<16xi32>
    %add3A_1330 = arith.addi %get3A_1319, %gather3A_1329 : vector<16xi32>
    %swap3A_1331 = arith.constant 2 : i32
    %swap3A_1332 = arith.index_cast %swap3A_1331 : i32 to index
    %swap3A_1333 = arith.constant 64 : index
    %swap3A_1334 = tpu.vector_load %arg14[%swap3A_1332, %swap3A_1333] {strides = array<i32>} : memref<4x128xi32, #tpu.memory_space<vmem>>, vector<1x16xi32>,
    %swap3A_1335 = vector.shape_cast %swap3A_1334 : vector<1x16xi32> to vector<16xi32>
    %swap3A_1336 = vector.shape_cast %add3A_1330 : vector<16xi32> to vector<1x16xi32>
    tpu.vector_store %arg14[%swap3A_1332, %swap3A_1333], %swap3A_1336 {strides = array<i32>} : memref<4x128xi32, #tpu.memory_space<vmem>>, vector<1x16xi32>,
    %add3A_1337 = arith.constant 320 : i32
    %add3A_1338 = arith.addi %mul3A_582, %add3A_1337 : i32
    %broadcast_in_dim3A_1339 = vector.broadcast %add3A_1338 : i32 to vector<16xi32>
    %add3A_1340 = arith.addi %broadcast_in_dim3A_1339, %iota3A : vector<16xi32>
    %shift_right_arithmetic3A_1341 = arith.constant 1 : i32
    %shift_right_arithmetic3A_1342 = vector.broadcast %shift_right_arithmetic3A_1341 : i32 to vector<16xi32>
    %shift_right_arithmetic3A_1343 = arith.shrsi %add3A_1340, %shift_right_arithmetic3A_1342 : vector<16xi32>
    %swap3A_1344 = arith.constant 2 : i32
    %swap3A_1345 = arith.index_cast %swap3A_1344 : i32 to index
    %swap3A_1346 = arith.constant 64 : index
    %swap3A_1347 = tpu.vector_load %arg15[%swap3A_1345, %swap3A_1346] {strides = array<i32>} : memref<4x128xi32, #tpu.memory_space<vmem>>, vector<1x16xi32>,
    %swap3A_1348 = vector.shape_cast %swap3A_1347 : vector<1x16xi32> to vector<16xi32>
    %swap3A_1349 = vector.shape_cast %shift_right_arithmetic3A_1343 : vector<16xi32> to vector<1x16xi32>
    tpu.vector_store %arg15[%swap3A_1345, %swap3A_1346], %swap3A_1349 {strides = array<i32>} : memref<4x128xi32, #tpu.memory_space<vmem>>, vector<1x16xi32>,
    %get3A_1350 = arith.constant 336 : index
    %get3A_1351 = tpu.vector_load %arg11[%get3A_1350] {strides = array<i32>} : memref<512xi32, #tpu.memory_space<vmem>>, vector<16xi32>,
    %get3A_1352 = vector.shape_cast %get3A_1351 : vector<16xi32> to vector<16xi32>
    %get3A_1353 = arith.constant 336 : index
    %get3A_1354 = tpu.vector_load %arg13[%get3A_1353] {strides = array<i32>} : memref<512xi32, #tpu.memory_space<vmem>>, vector<16xi32>,
    %get3A_1355 = vector.shape_cast %get3A_1354 : vector<16xi32> to vector<16xi32>
    %lt3A_1356 = arith.constant 0 : i32
    %lt3A_1357 = vector.broadcast %lt3A_1356 : i32 to vector<16xi32>
    %lt3A_1358 = arith.cmpi slt, %get3A_1352, %lt3A_1357 : vector<16xi32>
    %add3A_1359 = arith.constant 16 : i32
    %add3A_1360 = vector.broadcast %add3A_1359 : i32 to vector<16xi32>
    %add3A_1361 = arith.addi %get3A_1352, %add3A_1360 : vector<16xi32>
    %select_n3A_1362 = arith.select %lt3A_1358, %add3A_1361, %get3A_1352 : vector<16xi1>, vector<16xi32>
    %broadcast_in_dim3A_1363 = vector.shape_cast %select_n3A_1362 : vector<16xi32> to vector<16x1xi32>
    %gather3A_1364 = vector.shape_cast %broadcast_in_dim3A_1363 : vector<16x1xi32> to vector<16xi32>
    %gather3A_1365 = tpu.dynamic_gather %sub3A_97[%gather3A_1364] in [0] : vector<16xi32>, vector<16xi32> -> vector<16xi32>
    %add3A_1366 = arith.addi %get3A_1355, %gather3A_1365 : vector<16xi32>
    %swap3A_1367 = arith.constant 2 : i32
    %swap3A_1368 = arith.index_cast %swap3A_1367 : i32 to index
    %swap3A_1369 = arith.constant 80 : index
    %swap3A_1370 = tpu.vector_load %arg14[%swap3A_1368, %swap3A_1369] {strides = array<i32>} : memref<4x128xi32, #tpu.memory_space<vmem>>, vector<1x16xi32>,
    %swap3A_1371 = vector.shape_cast %swap3A_1370 : vector<1x16xi32> to vector<16xi32>
    %swap3A_1372 = vector.shape_cast %add3A_1366 : vector<16xi32> to vector<1x16xi32>
    tpu.vector_store %arg14[%swap3A_1368, %swap3A_1369], %swap3A_1372 {strides = array<i32>} : memref<4x128xi32, #tpu.memory_space<vmem>>, vector<1x16xi32>,
    %add3A_1373 = arith.constant 336 : i32
    %add3A_1374 = arith.addi %mul3A_582, %add3A_1373 : i32
    %broadcast_in_dim3A_1375 = vector.broadcast %add3A_1374 : i32 to vector<16xi32>
    %add3A_1376 = arith.addi %broadcast_in_dim3A_1375, %iota3A : vector<16xi32>
    %shift_right_arithmetic3A_1377 = arith.constant 1 : i32
    %shift_right_arithmetic3A_1378 = vector.broadcast %shift_right_arithmetic3A_1377 : i32 to vector<16xi32>
    %shift_right_arithmetic3A_1379 = arith.shrsi %add3A_1376, %shift_right_arithmetic3A_1378 : vector<16xi32>
    %swap3A_1380 = arith.constant 2 : i32
    %swap3A_1381 = arith.index_cast %swap3A_1380 : i32 to index
    %swap3A_1382 = arith.constant 80 : index
    %swap3A_1383 = tpu.vector_load %arg15[%swap3A_1381, %swap3A_1382] {strides = array<i32>} : memref<4x128xi32, #tpu.memory_space<vmem>>, vector<1x16xi32>,
    %swap3A_1384 = vector.shape_cast %swap3A_1383 : vector<1x16xi32> to vector<16xi32>
    %swap3A_1385 = vector.shape_cast %shift_right_arithmetic3A_1379 : vector<16xi32> to vector<1x16xi32>
    tpu.vector_store %arg15[%swap3A_1381, %swap3A_1382], %swap3A_1385 {strides = array<i32>} : memref<4x128xi32, #tpu.memory_space<vmem>>, vector<1x16xi32>,
    %get3A_1386 = arith.constant 352 : index
    %get3A_1387 = tpu.vector_load %arg11[%get3A_1386] {strides = array<i32>} : memref<512xi32, #tpu.memory_space<vmem>>, vector<16xi32>,
    %get3A_1388 = vector.shape_cast %get3A_1387 : vector<16xi32> to vector<16xi32>
    %get3A_1389 = arith.constant 352 : index
    %get3A_1390 = tpu.vector_load %arg13[%get3A_1389] {strides = array<i32>} : memref<512xi32, #tpu.memory_space<vmem>>, vector<16xi32>,
    %get3A_1391 = vector.shape_cast %get3A_1390 : vector<16xi32> to vector<16xi32>
    %lt3A_1392 = arith.constant 0 : i32
    %lt3A_1393 = vector.broadcast %lt3A_1392 : i32 to vector<16xi32>
    %lt3A_1394 = arith.cmpi slt, %get3A_1388, %lt3A_1393 : vector<16xi32>
    %add3A_1395 = arith.constant 16 : i32
    %add3A_1396 = vector.broadcast %add3A_1395 : i32 to vector<16xi32>
    %add3A_1397 = arith.addi %get3A_1388, %add3A_1396 : vector<16xi32>
    %select_n3A_1398 = arith.select %lt3A_1394, %add3A_1397, %get3A_1388 : vector<16xi1>, vector<16xi32>
    %broadcast_in_dim3A_1399 = vector.shape_cast %select_n3A_1398 : vector<16xi32> to vector<16x1xi32>
    %gather3A_1400 = vector.shape_cast %broadcast_in_dim3A_1399 : vector<16x1xi32> to vector<16xi32>
    %gather3A_1401 = tpu.dynamic_gather %sub3A_97[%gather3A_1400] in [0] : vector<16xi32>, vector<16xi32> -> vector<16xi32>
    %add3A_1402 = arith.addi %get3A_1391, %gather3A_1401 : vector<16xi32>
    %swap3A_1403 = arith.constant 2 : i32
    %swap3A_1404 = arith.index_cast %swap3A_1403 : i32 to index
    %swap3A_1405 = arith.constant 96 : index
    %swap3A_1406 = tpu.vector_load %arg14[%swap3A_1404, %swap3A_1405] {strides = array<i32>} : memref<4x128xi32, #tpu.memory_space<vmem>>, vector<1x16xi32>,
    %swap3A_1407 = vector.shape_cast %swap3A_1406 : vector<1x16xi32> to vector<16xi32>
    %swap3A_1408 = vector.shape_cast %add3A_1402 : vector<16xi32> to vector<1x16xi32>
    tpu.vector_store %arg14[%swap3A_1404, %swap3A_1405], %swap3A_1408 {strides = array<i32>} : memref<4x128xi32, #tpu.memory_space<vmem>>, vector<1x16xi32>,
    %add3A_1409 = arith.constant 352 : i32
    %add3A_1410 = arith.addi %mul3A_582, %add3A_1409 : i32
    %broadcast_in_dim3A_1411 = vector.broadcast %add3A_1410 : i32 to vector<16xi32>
    %add3A_1412 = arith.addi %broadcast_in_dim3A_1411, %iota3A : vector<16xi32>
    %shift_right_arithmetic3A_1413 = arith.constant 1 : i32
    %shift_right_arithmetic3A_1414 = vector.broadcast %shift_right_arithmetic3A_1413 : i32 to vector<16xi32>
    %shift_right_arithmetic3A_1415 = arith.shrsi %add3A_1412, %shift_right_arithmetic3A_1414 : vector<16xi32>
    %swap3A_1416 = arith.constant 2 : i32
    %swap3A_1417 = arith.index_cast %swap3A_1416 : i32 to index
    %swap3A_1418 = arith.constant 96 : index
    %swap3A_1419 = tpu.vector_load %arg15[%swap3A_1417, %swap3A_1418] {strides = array<i32>} : memref<4x128xi32, #tpu.memory_space<vmem>>, vector<1x16xi32>,
    %swap3A_1420 = vector.shape_cast %swap3A_1419 : vector<1x16xi32> to vector<16xi32>
    %swap3A_1421 = vector.shape_cast %shift_right_arithmetic3A_1415 : vector<16xi32> to vector<1x16xi32>
    tpu.vector_store %arg15[%swap3A_1417, %swap3A_1418], %swap3A_1421 {strides = array<i32>} : memref<4x128xi32, #tpu.memory_space<vmem>>, vector<1x16xi32>,
    %get3A_1422 = arith.constant 368 : index
    %get3A_1423 = tpu.vector_load %arg11[%get3A_1422] {strides = array<i32>} : memref<512xi32, #tpu.memory_space<vmem>>, vector<16xi32>,
    %get3A_1424 = vector.shape_cast %get3A_1423 : vector<16xi32> to vector<16xi32>
    %get3A_1425 = arith.constant 368 : index
    %get3A_1426 = tpu.vector_load %arg13[%get3A_1425] {strides = array<i32>} : memref<512xi32, #tpu.memory_space<vmem>>, vector<16xi32>,
    %get3A_1427 = vector.shape_cast %get3A_1426 : vector<16xi32> to vector<16xi32>
    %lt3A_1428 = arith.constant 0 : i32
    %lt3A_1429 = vector.broadcast %lt3A_1428 : i32 to vector<16xi32>
    %lt3A_1430 = arith.cmpi slt, %get3A_1424, %lt3A_1429 : vector<16xi32>
    %add3A_1431 = arith.constant 16 : i32
    %add3A_1432 = vector.broadcast %add3A_1431 : i32 to vector<16xi32>
    %add3A_1433 = arith.addi %get3A_1424, %add3A_1432 : vector<16xi32>
    %select_n3A_1434 = arith.select %lt3A_1430, %add3A_1433, %get3A_1424 : vector<16xi1>, vector<16xi32>
    %broadcast_in_dim3A_1435 = vector.shape_cast %select_n3A_1434 : vector<16xi32> to vector<16x1xi32>
    %gather3A_1436 = vector.shape_cast %broadcast_in_dim3A_1435 : vector<16x1xi32> to vector<16xi32>
    %gather3A_1437 = tpu.dynamic_gather %sub3A_97[%gather3A_1436] in [0] : vector<16xi32>, vector<16xi32> -> vector<16xi32>
    %add3A_1438 = arith.addi %get3A_1427, %gather3A_1437 : vector<16xi32>
    %swap3A_1439 = arith.constant 2 : i32
    %swap3A_1440 = arith.index_cast %swap3A_1439 : i32 to index
    %swap3A_1441 = arith.constant 112 : index
    %swap3A_1442 = tpu.vector_load %arg14[%swap3A_1440, %swap3A_1441] {strides = array<i32>} : memref<4x128xi32, #tpu.memory_space<vmem>>, vector<1x16xi32>,
    %swap3A_1443 = vector.shape_cast %swap3A_1442 : vector<1x16xi32> to vector<16xi32>
    %swap3A_1444 = vector.shape_cast %add3A_1438 : vector<16xi32> to vector<1x16xi32>
    tpu.vector_store %arg14[%swap3A_1440, %swap3A_1441], %swap3A_1444 {strides = array<i32>} : memref<4x128xi32, #tpu.memory_space<vmem>>, vector<1x16xi32>,
    %add3A_1445 = arith.constant 368 : i32
    %add3A_1446 = arith.addi %mul3A_582, %add3A_1445 : i32
    %broadcast_in_dim3A_1447 = vector.broadcast %add3A_1446 : i32 to vector<16xi32>
    %add3A_1448 = arith.addi %broadcast_in_dim3A_1447, %iota3A : vector<16xi32>
    %shift_right_arithmetic3A_1449 = arith.constant 1 : i32
    %shift_right_arithmetic3A_1450 = vector.broadcast %shift_right_arithmetic3A_1449 : i32 to vector<16xi32>
    %shift_right_arithmetic3A_1451 = arith.shrsi %add3A_1448, %shift_right_arithmetic3A_1450 : vector<16xi32>
    %swap3A_1452 = arith.constant 2 : i32
    %swap3A_1453 = arith.index_cast %swap3A_1452 : i32 to index
    %swap3A_1454 = arith.constant 112 : index
    %swap3A_1455 = tpu.vector_load %arg15[%swap3A_1453, %swap3A_1454] {strides = array<i32>} : memref<4x128xi32, #tpu.memory_space<vmem>>, vector<1x16xi32>,
    %swap3A_1456 = vector.shape_cast %swap3A_1455 : vector<1x16xi32> to vector<16xi32>
    %swap3A_1457 = vector.shape_cast %shift_right_arithmetic3A_1451 : vector<16xi32> to vector<1x16xi32>
    tpu.vector_store %arg15[%swap3A_1453, %swap3A_1454], %swap3A_1457 {strides = array<i32>} : memref<4x128xi32, #tpu.memory_space<vmem>>, vector<1x16xi32>,
    %get3A_1458 = arith.constant 384 : index
    %get3A_1459 = tpu.vector_load %arg11[%get3A_1458] {strides = array<i32>} : memref<512xi32, #tpu.memory_space<vmem>>, vector<16xi32>,
    %get3A_1460 = vector.shape_cast %get3A_1459 : vector<16xi32> to vector<16xi32>
    %get3A_1461 = arith.constant 384 : index
    %get3A_1462 = tpu.vector_load %arg13[%get3A_1461] {strides = array<i32>} : memref<512xi32, #tpu.memory_space<vmem>>, vector<16xi32>,
    %get3A_1463 = vector.shape_cast %get3A_1462 : vector<16xi32> to vector<16xi32>
    %lt3A_1464 = arith.constant 0 : i32
    %lt3A_1465 = vector.broadcast %lt3A_1464 : i32 to vector<16xi32>
    %lt3A_1466 = arith.cmpi slt, %get3A_1460, %lt3A_1465 : vector<16xi32>
    %add3A_1467 = arith.constant 16 : i32
    %add3A_1468 = vector.broadcast %add3A_1467 : i32 to vector<16xi32>
    %add3A_1469 = arith.addi %get3A_1460, %add3A_1468 : vector<16xi32>
    %select_n3A_1470 = arith.select %lt3A_1466, %add3A_1469, %get3A_1460 : vector<16xi1>, vector<16xi32>
    %broadcast_in_dim3A_1471 = vector.shape_cast %select_n3A_1470 : vector<16xi32> to vector<16x1xi32>
    %gather3A_1472 = vector.shape_cast %broadcast_in_dim3A_1471 : vector<16x1xi32> to vector<16xi32>
    %gather3A_1473 = tpu.dynamic_gather %sub3A_97[%gather3A_1472] in [0] : vector<16xi32>, vector<16xi32> -> vector<16xi32>
    %add3A_1474 = arith.addi %get3A_1463, %gather3A_1473 : vector<16xi32>
    %swap3A_1475 = arith.constant 3 : i32
    %swap3A_1476 = arith.index_cast %swap3A_1475 : i32 to index
    %swap3A_1477 = arith.constant 0 : index
    %swap3A_1478 = tpu.vector_load %arg14[%swap3A_1476, %swap3A_1477] {strides = array<i32>} : memref<4x128xi32, #tpu.memory_space<vmem>>, vector<1x16xi32>,
    %swap3A_1479 = vector.shape_cast %swap3A_1478 : vector<1x16xi32> to vector<16xi32>
    %swap3A_1480 = vector.shape_cast %add3A_1474 : vector<16xi32> to vector<1x16xi32>
    tpu.vector_store %arg14[%swap3A_1476, %swap3A_1477], %swap3A_1480 {strides = array<i32>} : memref<4x128xi32, #tpu.memory_space<vmem>>, vector<1x16xi32>,
    %add3A_1481 = arith.constant 384 : i32
    %add3A_1482 = arith.addi %mul3A_582, %add3A_1481 : i32
    %broadcast_in_dim3A_1483 = vector.broadcast %add3A_1482 : i32 to vector<16xi32>
    %add3A_1484 = arith.addi %broadcast_in_dim3A_1483, %iota3A : vector<16xi32>
    %shift_right_arithmetic3A_1485 = arith.constant 1 : i32
    %shift_right_arithmetic3A_1486 = vector.broadcast %shift_right_arithmetic3A_1485 : i32 to vector<16xi32>
    %shift_right_arithmetic3A_1487 = arith.shrsi %add3A_1484, %shift_right_arithmetic3A_1486 : vector<16xi32>
    %swap3A_1488 = arith.constant 3 : i32
    %swap3A_1489 = arith.index_cast %swap3A_1488 : i32 to index
    %swap3A_1490 = arith.constant 0 : index
    %swap3A_1491 = tpu.vector_load %arg15[%swap3A_1489, %swap3A_1490] {strides = array<i32>} : memref<4x128xi32, #tpu.memory_space<vmem>>, vector<1x16xi32>,
    %swap3A_1492 = vector.shape_cast %swap3A_1491 : vector<1x16xi32> to vector<16xi32>
    %swap3A_1493 = vector.shape_cast %shift_right_arithmetic3A_1487 : vector<16xi32> to vector<1x16xi32>
    tpu.vector_store %arg15[%swap3A_1489, %swap3A_1490], %swap3A_1493 {strides = array<i32>} : memref<4x128xi32, #tpu.memory_space<vmem>>, vector<1x16xi32>,
    %get3A_1494 = arith.constant 400 : index
    %get3A_1495 = tpu.vector_load %arg11[%get3A_1494] {strides = array<i32>} : memref<512xi32, #tpu.memory_space<vmem>>, vector<16xi32>,
    %get3A_1496 = vector.shape_cast %get3A_1495 : vector<16xi32> to vector<16xi32>
    %get3A_1497 = arith.constant 400 : index
    %get3A_1498 = tpu.vector_load %arg13[%get3A_1497] {strides = array<i32>} : memref<512xi32, #tpu.memory_space<vmem>>, vector<16xi32>,
    %get3A_1499 = vector.shape_cast %get3A_1498 : vector<16xi32> to vector<16xi32>
    %lt3A_1500 = arith.constant 0 : i32
    %lt3A_1501 = vector.broadcast %lt3A_1500 : i32 to vector<16xi32>
    %lt3A_1502 = arith.cmpi slt, %get3A_1496, %lt3A_1501 : vector<16xi32>
    %add3A_1503 = arith.constant 16 : i32
    %add3A_1504 = vector.broadcast %add3A_1503 : i32 to vector<16xi32>
    %add3A_1505 = arith.addi %get3A_1496, %add3A_1504 : vector<16xi32>
    %select_n3A_1506 = arith.select %lt3A_1502, %add3A_1505, %get3A_1496 : vector<16xi1>, vector<16xi32>
    %broadcast_in_dim3A_1507 = vector.shape_cast %select_n3A_1506 : vector<16xi32> to vector<16x1xi32>
    %gather3A_1508 = vector.shape_cast %broadcast_in_dim3A_1507 : vector<16x1xi32> to vector<16xi32>
    %gather3A_1509 = tpu.dynamic_gather %sub3A_97[%gather3A_1508] in [0] : vector<16xi32>, vector<16xi32> -> vector<16xi32>
    %add3A_1510 = arith.addi %get3A_1499, %gather3A_1509 : vector<16xi32>
    %swap3A_1511 = arith.constant 3 : i32
    %swap3A_1512 = arith.index_cast %swap3A_1511 : i32 to index
    %swap3A_1513 = arith.constant 16 : index
    %swap3A_1514 = tpu.vector_load %arg14[%swap3A_1512, %swap3A_1513] {strides = array<i32>} : memref<4x128xi32, #tpu.memory_space<vmem>>, vector<1x16xi32>,
    %swap3A_1515 = vector.shape_cast %swap3A_1514 : vector<1x16xi32> to vector<16xi32>
    %swap3A_1516 = vector.shape_cast %add3A_1510 : vector<16xi32> to vector<1x16xi32>
    tpu.vector_store %arg14[%swap3A_1512, %swap3A_1513], %swap3A_1516 {strides = array<i32>} : memref<4x128xi32, #tpu.memory_space<vmem>>, vector<1x16xi32>,
    %add3A_1517 = arith.constant 400 : i32
    %add3A_1518 = arith.addi %mul3A_582, %add3A_1517 : i32
    %broadcast_in_dim3A_1519 = vector.broadcast %add3A_1518 : i32 to vector<16xi32>
    %add3A_1520 = arith.addi %broadcast_in_dim3A_1519, %iota3A : vector<16xi32>
    %shift_right_arithmetic3A_1521 = arith.constant 1 : i32
    %shift_right_arithmetic3A_1522 = vector.broadcast %shift_right_arithmetic3A_1521 : i32 to vector<16xi32>
    %shift_right_arithmetic3A_1523 = arith.shrsi %add3A_1520, %shift_right_arithmetic3A_1522 : vector<16xi32>
    %swap3A_1524 = arith.constant 3 : i32
    %swap3A_1525 = arith.index_cast %swap3A_1524 : i32 to index
    %swap3A_1526 = arith.constant 16 : index
    %swap3A_1527 = tpu.vector_load %arg15[%swap3A_1525, %swap3A_1526] {strides = array<i32>} : memref<4x128xi32, #tpu.memory_space<vmem>>, vector<1x16xi32>,
    %swap3A_1528 = vector.shape_cast %swap3A_1527 : vector<1x16xi32> to vector<16xi32>
    %swap3A_1529 = vector.shape_cast %shift_right_arithmetic3A_1523 : vector<16xi32> to vector<1x16xi32>
    tpu.vector_store %arg15[%swap3A_1525, %swap3A_1526], %swap3A_1529 {strides = array<i32>} : memref<4x128xi32, #tpu.memory_space<vmem>>, vector<1x16xi32>,
    %get3A_1530 = arith.constant 416 : index
    %get3A_1531 = tpu.vector_load %arg11[%get3A_1530] {strides = array<i32>} : memref<512xi32, #tpu.memory_space<vmem>>, vector<16xi32>,
    %get3A_1532 = vector.shape_cast %get3A_1531 : vector<16xi32> to vector<16xi32>
    %get3A_1533 = arith.constant 416 : index
    %get3A_1534 = tpu.vector_load %arg13[%get3A_1533] {strides = array<i32>} : memref<512xi32, #tpu.memory_space<vmem>>, vector<16xi32>,
    %get3A_1535 = vector.shape_cast %get3A_1534 : vector<16xi32> to vector<16xi32>
    %lt3A_1536 = arith.constant 0 : i32
    %lt3A_1537 = vector.broadcast %lt3A_1536 : i32 to vector<16xi32>
    %lt3A_1538 = arith.cmpi slt, %get3A_1532, %lt3A_1537 : vector<16xi32>
    %add3A_1539 = arith.constant 16 : i32
    %add3A_1540 = vector.broadcast %add3A_1539 : i32 to vector<16xi32>
    %add3A_1541 = arith.addi %get3A_1532, %add3A_1540 : vector<16xi32>
    %select_n3A_1542 = arith.select %lt3A_1538, %add3A_1541, %get3A_1532 : vector<16xi1>, vector<16xi32>
    %broadcast_in_dim3A_1543 = vector.shape_cast %select_n3A_1542 : vector<16xi32> to vector<16x1xi32>
    %gather3A_1544 = vector.shape_cast %broadcast_in_dim3A_1543 : vector<16x1xi32> to vector<16xi32>
    %gather3A_1545 = tpu.dynamic_gather %sub3A_97[%gather3A_1544] in [0] : vector<16xi32>, vector<16xi32> -> vector<16xi32>
    %add3A_1546 = arith.addi %get3A_1535, %gather3A_1545 : vector<16xi32>
    %swap3A_1547 = arith.constant 3 : i32
    %swap3A_1548 = arith.index_cast %swap3A_1547 : i32 to index
    %swap3A_1549 = arith.constant 32 : index
    %swap3A_1550 = tpu.vector_load %arg14[%swap3A_1548, %swap3A_1549] {strides = array<i32>} : memref<4x128xi32, #tpu.memory_space<vmem>>, vector<1x16xi32>,
    %swap3A_1551 = vector.shape_cast %swap3A_1550 : vector<1x16xi32> to vector<16xi32>
    %swap3A_1552 = vector.shape_cast %add3A_1546 : vector<16xi32> to vector<1x16xi32>
    tpu.vector_store %arg14[%swap3A_1548, %swap3A_1549], %swap3A_1552 {strides = array<i32>} : memref<4x128xi32, #tpu.memory_space<vmem>>, vector<1x16xi32>,
    %add3A_1553 = arith.constant 416 : i32
    %add3A_1554 = arith.addi %mul3A_582, %add3A_1553 : i32
    %broadcast_in_dim3A_1555 = vector.broadcast %add3A_1554 : i32 to vector<16xi32>
    %add3A_1556 = arith.addi %broadcast_in_dim3A_1555, %iota3A : vector<16xi32>
    %shift_right_arithmetic3A_1557 = arith.constant 1 : i32
    %shift_right_arithmetic3A_1558 = vector.broadcast %shift_right_arithmetic3A_1557 : i32 to vector<16xi32>
    %shift_right_arithmetic3A_1559 = arith.shrsi %add3A_1556, %shift_right_arithmetic3A_1558 : vector<16xi32>
    %swap3A_1560 = arith.constant 3 : i32
    %swap3A_1561 = arith.index_cast %swap3A_1560 : i32 to index
    %swap3A_1562 = arith.constant 32 : index
    %swap3A_1563 = tpu.vector_load %arg15[%swap3A_1561, %swap3A_1562] {strides = array<i32>} : memref<4x128xi32, #tpu.memory_space<vmem>>, vector<1x16xi32>,
    %swap3A_1564 = vector.shape_cast %swap3A_1563 : vector<1x16xi32> to vector<16xi32>
    %swap3A_1565 = vector.shape_cast %shift_right_arithmetic3A_1559 : vector<16xi32> to vector<1x16xi32>
    tpu.vector_store %arg15[%swap3A_1561, %swap3A_1562], %swap3A_1565 {strides = array<i32>} : memref<4x128xi32, #tpu.memory_space<vmem>>, vector<1x16xi32>,
    %get3A_1566 = arith.constant 432 : index
    %get3A_1567 = tpu.vector_load %arg11[%get3A_1566] {strides = array<i32>} : memref<512xi32, #tpu.memory_space<vmem>>, vector<16xi32>,
    %get3A_1568 = vector.shape_cast %get3A_1567 : vector<16xi32> to vector<16xi32>
    %get3A_1569 = arith.constant 432 : index
    %get3A_1570 = tpu.vector_load %arg13[%get3A_1569] {strides = array<i32>} : memref<512xi32, #tpu.memory_space<vmem>>, vector<16xi32>,
    %get3A_1571 = vector.shape_cast %get3A_1570 : vector<16xi32> to vector<16xi32>
    %lt3A_1572 = arith.constant 0 : i32
    %lt3A_1573 = vector.broadcast %lt3A_1572 : i32 to vector<16xi32>
    %lt3A_1574 = arith.cmpi slt, %get3A_1568, %lt3A_1573 : vector<16xi32>
    %add3A_1575 = arith.constant 16 : i32
    %add3A_1576 = vector.broadcast %add3A_1575 : i32 to vector<16xi32>
    %add3A_1577 = arith.addi %get3A_1568, %add3A_1576 : vector<16xi32>
    %select_n3A_1578 = arith.select %lt3A_1574, %add3A_1577, %get3A_1568 : vector<16xi1>, vector<16xi32>
    %broadcast_in_dim3A_1579 = vector.shape_cast %select_n3A_1578 : vector<16xi32> to vector<16x1xi32>
    %gather3A_1580 = vector.shape_cast %broadcast_in_dim3A_1579 : vector<16x1xi32> to vector<16xi32>
    %gather3A_1581 = tpu.dynamic_gather %sub3A_97[%gather3A_1580] in [0] : vector<16xi32>, vector<16xi32> -> vector<16xi32>
    %add3A_1582 = arith.addi %get3A_1571, %gather3A_1581 : vector<16xi32>
    %swap3A_1583 = arith.constant 3 : i32
    %swap3A_1584 = arith.index_cast %swap3A_1583 : i32 to index
    %swap3A_1585 = arith.constant 48 : index
    %swap3A_1586 = tpu.vector_load %arg14[%swap3A_1584, %swap3A_1585] {strides = array<i32>} : memref<4x128xi32, #tpu.memory_space<vmem>>, vector<1x16xi32>,
    %swap3A_1587 = vector.shape_cast %swap3A_1586 : vector<1x16xi32> to vector<16xi32>
    %swap3A_1588 = vector.shape_cast %add3A_1582 : vector<16xi32> to vector<1x16xi32>
    tpu.vector_store %arg14[%swap3A_1584, %swap3A_1585], %swap3A_1588 {strides = array<i32>} : memref<4x128xi32, #tpu.memory_space<vmem>>, vector<1x16xi32>,
    %add3A_1589 = arith.constant 432 : i32
    %add3A_1590 = arith.addi %mul3A_582, %add3A_1589 : i32
    %broadcast_in_dim3A_1591 = vector.broadcast %add3A_1590 : i32 to vector<16xi32>
    %add3A_1592 = arith.addi %broadcast_in_dim3A_1591, %iota3A : vector<16xi32>
    %shift_right_arithmetic3A_1593 = arith.constant 1 : i32
    %shift_right_arithmetic3A_1594 = vector.broadcast %shift_right_arithmetic3A_1593 : i32 to vector<16xi32>
    %shift_right_arithmetic3A_1595 = arith.shrsi %add3A_1592, %shift_right_arithmetic3A_1594 : vector<16xi32>
    %swap3A_1596 = arith.constant 3 : i32
    %swap3A_1597 = arith.index_cast %swap3A_1596 : i32 to index
    %swap3A_1598 = arith.constant 48 : index
    %swap3A_1599 = tpu.vector_load %arg15[%swap3A_1597, %swap3A_1598] {strides = array<i32>} : memref<4x128xi32, #tpu.memory_space<vmem>>, vector<1x16xi32>,
    %swap3A_1600 = vector.shape_cast %swap3A_1599 : vector<1x16xi32> to vector<16xi32>
    %swap3A_1601 = vector.shape_cast %shift_right_arithmetic3A_1595 : vector<16xi32> to vector<1x16xi32>
    tpu.vector_store %arg15[%swap3A_1597, %swap3A_1598], %swap3A_1601 {strides = array<i32>} : memref<4x128xi32, #tpu.memory_space<vmem>>, vector<1x16xi32>,
    %get3A_1602 = arith.constant 448 : index
    %get3A_1603 = tpu.vector_load %arg11[%get3A_1602] {strides = array<i32>} : memref<512xi32, #tpu.memory_space<vmem>>, vector<16xi32>,
    %get3A_1604 = vector.shape_cast %get3A_1603 : vector<16xi32> to vector<16xi32>
    %get3A_1605 = arith.constant 448 : index
    %get3A_1606 = tpu.vector_load %arg13[%get3A_1605] {strides = array<i32>} : memref<512xi32, #tpu.memory_space<vmem>>, vector<16xi32>,
    %get3A_1607 = vector.shape_cast %get3A_1606 : vector<16xi32> to vector<16xi32>
    %lt3A_1608 = arith.constant 0 : i32
    %lt3A_1609 = vector.broadcast %lt3A_1608 : i32 to vector<16xi32>
    %lt3A_1610 = arith.cmpi slt, %get3A_1604, %lt3A_1609 : vector<16xi32>
    %add3A_1611 = arith.constant 16 : i32
    %add3A_1612 = vector.broadcast %add3A_1611 : i32 to vector<16xi32>
    %add3A_1613 = arith.addi %get3A_1604, %add3A_1612 : vector<16xi32>
    %select_n3A_1614 = arith.select %lt3A_1610, %add3A_1613, %get3A_1604 : vector<16xi1>, vector<16xi32>
    %broadcast_in_dim3A_1615 = vector.shape_cast %select_n3A_1614 : vector<16xi32> to vector<16x1xi32>
    %gather3A_1616 = vector.shape_cast %broadcast_in_dim3A_1615 : vector<16x1xi32> to vector<16xi32>
    %gather3A_1617 = tpu.dynamic_gather %sub3A_97[%gather3A_1616] in [0] : vector<16xi32>, vector<16xi32> -> vector<16xi32>
    %add3A_1618 = arith.addi %get3A_1607, %gather3A_1617 : vector<16xi32>
    %swap3A_1619 = arith.constant 3 : i32
    %swap3A_1620 = arith.index_cast %swap3A_1619 : i32 to index
    %swap3A_1621 = arith.constant 64 : index
    %swap3A_1622 = tpu.vector_load %arg14[%swap3A_1620, %swap3A_1621] {strides = array<i32>} : memref<4x128xi32, #tpu.memory_space<vmem>>, vector<1x16xi32>,
    %swap3A_1623 = vector.shape_cast %swap3A_1622 : vector<1x16xi32> to vector<16xi32>
    %swap3A_1624 = vector.shape_cast %add3A_1618 : vector<16xi32> to vector<1x16xi32>
    tpu.vector_store %arg14[%swap3A_1620, %swap3A_1621], %swap3A_1624 {strides = array<i32>} : memref<4x128xi32, #tpu.memory_space<vmem>>, vector<1x16xi32>,
    %add3A_1625 = arith.constant 448 : i32
    %add3A_1626 = arith.addi %mul3A_582, %add3A_1625 : i32
    %broadcast_in_dim3A_1627 = vector.broadcast %add3A_1626 : i32 to vector<16xi32>
    %add3A_1628 = arith.addi %broadcast_in_dim3A_1627, %iota3A : vector<16xi32>
    %shift_right_arithmetic3A_1629 = arith.constant 1 : i32
    %shift_right_arithmetic3A_1630 = vector.broadcast %shift_right_arithmetic3A_1629 : i32 to vector<16xi32>
    %shift_right_arithmetic3A_1631 = arith.shrsi %add3A_1628, %shift_right_arithmetic3A_1630 : vector<16xi32>
    %swap3A_1632 = arith.constant 3 : i32
    %swap3A_1633 = arith.index_cast %swap3A_1632 : i32 to index
    %swap3A_1634 = arith.constant 64 : index
    %swap3A_1635 = tpu.vector_load %arg15[%swap3A_1633, %swap3A_1634] {strides = array<i32>} : memref<4x128xi32, #tpu.memory_space<vmem>>, vector<1x16xi32>,
    %swap3A_1636 = vector.shape_cast %swap3A_1635 : vector<1x16xi32> to vector<16xi32>
    %swap3A_1637 = vector.shape_cast %shift_right_arithmetic3A_1631 : vector<16xi32> to vector<1x16xi32>
    tpu.vector_store %arg15[%swap3A_1633, %swap3A_1634], %swap3A_1637 {strides = array<i32>} : memref<4x128xi32, #tpu.memory_space<vmem>>, vector<1x16xi32>,
    %get3A_1638 = arith.constant 464 : index
    %get3A_1639 = tpu.vector_load %arg11[%get3A_1638] {strides = array<i32>} : memref<512xi32, #tpu.memory_space<vmem>>, vector<16xi32>,
    %get3A_1640 = vector.shape_cast %get3A_1639 : vector<16xi32> to vector<16xi32>
    %get3A_1641 = arith.constant 464 : index
    %get3A_1642 = tpu.vector_load %arg13[%get3A_1641] {strides = array<i32>} : memref<512xi32, #tpu.memory_space<vmem>>, vector<16xi32>,
    %get3A_1643 = vector.shape_cast %get3A_1642 : vector<16xi32> to vector<16xi32>
    %lt3A_1644 = arith.constant 0 : i32
    %lt3A_1645 = vector.broadcast %lt3A_1644 : i32 to vector<16xi32>
    %lt3A_1646 = arith.cmpi slt, %get3A_1640, %lt3A_1645 : vector<16xi32>
    %add3A_1647 = arith.constant 16 : i32
    %add3A_1648 = vector.broadcast %add3A_1647 : i32 to vector<16xi32>
    %add3A_1649 = arith.addi %get3A_1640, %add3A_1648 : vector<16xi32>
    %select_n3A_1650 = arith.select %lt3A_1646, %add3A_1649, %get3A_1640 : vector<16xi1>, vector<16xi32>
    %broadcast_in_dim3A_1651 = vector.shape_cast %select_n3A_1650 : vector<16xi32> to vector<16x1xi32>
    %gather3A_1652 = vector.shape_cast %broadcast_in_dim3A_1651 : vector<16x1xi32> to vector<16xi32>
    %gather3A_1653 = tpu.dynamic_gather %sub3A_97[%gather3A_1652] in [0] : vector<16xi32>, vector<16xi32> -> vector<16xi32>
    %add3A_1654 = arith.addi %get3A_1643, %gather3A_1653 : vector<16xi32>
    %swap3A_1655 = arith.constant 3 : i32
    %swap3A_1656 = arith.index_cast %swap3A_1655 : i32 to index
    %swap3A_1657 = arith.constant 80 : index
    %swap3A_1658 = tpu.vector_load %arg14[%swap3A_1656, %swap3A_1657] {strides = array<i32>} : memref<4x128xi32, #tpu.memory_space<vmem>>, vector<1x16xi32>,
    %swap3A_1659 = vector.shape_cast %swap3A_1658 : vector<1x16xi32> to vector<16xi32>
    %swap3A_1660 = vector.shape_cast %add3A_1654 : vector<16xi32> to vector<1x16xi32>
    tpu.vector_store %arg14[%swap3A_1656, %swap3A_1657], %swap3A_1660 {strides = array<i32>} : memref<4x128xi32, #tpu.memory_space<vmem>>, vector<1x16xi32>,
    %add3A_1661 = arith.constant 464 : i32
    %add3A_1662 = arith.addi %mul3A_582, %add3A_1661 : i32
    %broadcast_in_dim3A_1663 = vector.broadcast %add3A_1662 : i32 to vector<16xi32>
    %add3A_1664 = arith.addi %broadcast_in_dim3A_1663, %iota3A : vector<16xi32>
    %shift_right_arithmetic3A_1665 = arith.constant 1 : i32
    %shift_right_arithmetic3A_1666 = vector.broadcast %shift_right_arithmetic3A_1665 : i32 to vector<16xi32>
    %shift_right_arithmetic3A_1667 = arith.shrsi %add3A_1664, %shift_right_arithmetic3A_1666 : vector<16xi32>
    %swap3A_1668 = arith.constant 3 : i32
    %swap3A_1669 = arith.index_cast %swap3A_1668 : i32 to index
    %swap3A_1670 = arith.constant 80 : index
    %swap3A_1671 = tpu.vector_load %arg15[%swap3A_1669, %swap3A_1670] {strides = array<i32>} : memref<4x128xi32, #tpu.memory_space<vmem>>, vector<1x16xi32>,
    %swap3A_1672 = vector.shape_cast %swap3A_1671 : vector<1x16xi32> to vector<16xi32>
    %swap3A_1673 = vector.shape_cast %shift_right_arithmetic3A_1667 : vector<16xi32> to vector<1x16xi32>
    tpu.vector_store %arg15[%swap3A_1669, %swap3A_1670], %swap3A_1673 {strides = array<i32>} : memref<4x128xi32, #tpu.memory_space<vmem>>, vector<1x16xi32>,
    %get3A_1674 = arith.constant 480 : index
    %get3A_1675 = tpu.vector_load %arg11[%get3A_1674] {strides = array<i32>} : memref<512xi32, #tpu.memory_space<vmem>>, vector<16xi32>,
    %get3A_1676 = vector.shape_cast %get3A_1675 : vector<16xi32> to vector<16xi32>
    %get3A_1677 = arith.constant 480 : index
    %get3A_1678 = tpu.vector_load %arg13[%get3A_1677] {strides = array<i32>} : memref<512xi32, #tpu.memory_space<vmem>>, vector<16xi32>,
    %get3A_1679 = vector.shape_cast %get3A_1678 : vector<16xi32> to vector<16xi32>
    %lt3A_1680 = arith.constant 0 : i32
    %lt3A_1681 = vector.broadcast %lt3A_1680 : i32 to vector<16xi32>
    %lt3A_1682 = arith.cmpi slt, %get3A_1676, %lt3A_1681 : vector<16xi32>
    %add3A_1683 = arith.constant 16 : i32
    %add3A_1684 = vector.broadcast %add3A_1683 : i32 to vector<16xi32>
    %add3A_1685 = arith.addi %get3A_1676, %add3A_1684 : vector<16xi32>
    %select_n3A_1686 = arith.select %lt3A_1682, %add3A_1685, %get3A_1676 : vector<16xi1>, vector<16xi32>
    %broadcast_in_dim3A_1687 = vector.shape_cast %select_n3A_1686 : vector<16xi32> to vector<16x1xi32>
    %gather3A_1688 = vector.shape_cast %broadcast_in_dim3A_1687 : vector<16x1xi32> to vector<16xi32>
    %gather3A_1689 = tpu.dynamic_gather %sub3A_97[%gather3A_1688] in [0] : vector<16xi32>, vector<16xi32> -> vector<16xi32>
    %add3A_1690 = arith.addi %get3A_1679, %gather3A_1689 : vector<16xi32>
    %swap3A_1691 = arith.constant 3 : i32
    %swap3A_1692 = arith.index_cast %swap3A_1691 : i32 to index
    %swap3A_1693 = arith.constant 96 : index
    %swap3A_1694 = tpu.vector_load %arg14[%swap3A_1692, %swap3A_1693] {strides = array<i32>} : memref<4x128xi32, #tpu.memory_space<vmem>>, vector<1x16xi32>,
    %swap3A_1695 = vector.shape_cast %swap3A_1694 : vector<1x16xi32> to vector<16xi32>
    %swap3A_1696 = vector.shape_cast %add3A_1690 : vector<16xi32> to vector<1x16xi32>
    tpu.vector_store %arg14[%swap3A_1692, %swap3A_1693], %swap3A_1696 {strides = array<i32>} : memref<4x128xi32, #tpu.memory_space<vmem>>, vector<1x16xi32>,
    %add3A_1697 = arith.constant 480 : i32
    %add3A_1698 = arith.addi %mul3A_582, %add3A_1697 : i32
    %broadcast_in_dim3A_1699 = vector.broadcast %add3A_1698 : i32 to vector<16xi32>
    %add3A_1700 = arith.addi %broadcast_in_dim3A_1699, %iota3A : vector<16xi32>
    %shift_right_arithmetic3A_1701 = arith.constant 1 : i32
    %shift_right_arithmetic3A_1702 = vector.broadcast %shift_right_arithmetic3A_1701 : i32 to vector<16xi32>
    %shift_right_arithmetic3A_1703 = arith.shrsi %add3A_1700, %shift_right_arithmetic3A_1702 : vector<16xi32>
    %swap3A_1704 = arith.constant 3 : i32
    %swap3A_1705 = arith.index_cast %swap3A_1704 : i32 to index
    %swap3A_1706 = arith.constant 96 : index
    %swap3A_1707 = tpu.vector_load %arg15[%swap3A_1705, %swap3A_1706] {strides = array<i32>} : memref<4x128xi32, #tpu.memory_space<vmem>>, vector<1x16xi32>,
    %swap3A_1708 = vector.shape_cast %swap3A_1707 : vector<1x16xi32> to vector<16xi32>
    %swap3A_1709 = vector.shape_cast %shift_right_arithmetic3A_1703 : vector<16xi32> to vector<1x16xi32>
    tpu.vector_store %arg15[%swap3A_1705, %swap3A_1706], %swap3A_1709 {strides = array<i32>} : memref<4x128xi32, #tpu.memory_space<vmem>>, vector<1x16xi32>,
    %get3A_1710 = arith.constant 496 : index
    %get3A_1711 = tpu.vector_load %arg11[%get3A_1710] {strides = array<i32>} : memref<512xi32, #tpu.memory_space<vmem>>, vector<16xi32>,
    %get3A_1712 = vector.shape_cast %get3A_1711 : vector<16xi32> to vector<16xi32>
    %get3A_1713 = arith.constant 496 : index
    %get3A_1714 = tpu.vector_load %arg13[%get3A_1713] {strides = array<i32>} : memref<512xi32, #tpu.memory_space<vmem>>, vector<16xi32>,
    %get3A_1715 = vector.shape_cast %get3A_1714 : vector<16xi32> to vector<16xi32>
    %lt3A_1716 = arith.constant 0 : i32
    %lt3A_1717 = vector.broadcast %lt3A_1716 : i32 to vector<16xi32>
    %lt3A_1718 = arith.cmpi slt, %get3A_1712, %lt3A_1717 : vector<16xi32>
    %add3A_1719 = arith.constant 16 : i32
    %add3A_1720 = vector.broadcast %add3A_1719 : i32 to vector<16xi32>
    %add3A_1721 = arith.addi %get3A_1712, %add3A_1720 : vector<16xi32>
    %select_n3A_1722 = arith.select %lt3A_1718, %add3A_1721, %get3A_1712 : vector<16xi1>, vector<16xi32>
    %broadcast_in_dim3A_1723 = vector.shape_cast %select_n3A_1722 : vector<16xi32> to vector<16x1xi32>
    %gather3A_1724 = vector.shape_cast %broadcast_in_dim3A_1723 : vector<16x1xi32> to vector<16xi32>
    %gather3A_1725 = tpu.dynamic_gather %sub3A_97[%gather3A_1724] in [0] : vector<16xi32>, vector<16xi32> -> vector<16xi32>
    %add3A_1726 = arith.addi %get3A_1715, %gather3A_1725 : vector<16xi32>
    %swap3A_1727 = arith.constant 3 : i32
    %swap3A_1728 = arith.index_cast %swap3A_1727 : i32 to index
    %swap3A_1729 = arith.constant 112 : index
    %swap3A_1730 = tpu.vector_load %arg14[%swap3A_1728, %swap3A_1729] {strides = array<i32>} : memref<4x128xi32, #tpu.memory_space<vmem>>, vector<1x16xi32>,
    %swap3A_1731 = vector.shape_cast %swap3A_1730 : vector<1x16xi32> to vector<16xi32>
    %swap3A_1732 = vector.shape_cast %add3A_1726 : vector<16xi32> to vector<1x16xi32>
    tpu.vector_store %arg14[%swap3A_1728, %swap3A_1729], %swap3A_1732 {strides = array<i32>} : memref<4x128xi32, #tpu.memory_space<vmem>>, vector<1x16xi32>,
    %add3A_1733 = arith.constant 496 : i32
    %add3A_1734 = arith.addi %mul3A_582, %add3A_1733 : i32
    %broadcast_in_dim3A_1735 = vector.broadcast %add3A_1734 : i32 to vector<16xi32>
    %add3A_1736 = arith.addi %broadcast_in_dim3A_1735, %iota3A : vector<16xi32>
    %shift_right_arithmetic3A_1737 = arith.constant 1 : i32
    %shift_right_arithmetic3A_1738 = vector.broadcast %shift_right_arithmetic3A_1737 : i32 to vector<16xi32>
    %shift_right_arithmetic3A_1739 = arith.shrsi %add3A_1736, %shift_right_arithmetic3A_1738 : vector<16xi32>
    %swap3A_1740 = arith.constant 3 : i32
    %swap3A_1741 = arith.index_cast %swap3A_1740 : i32 to index
    %swap3A_1742 = arith.constant 112 : index
    %swap3A_1743 = tpu.vector_load %arg15[%swap3A_1741, %swap3A_1742] {strides = array<i32>} : memref<4x128xi32, #tpu.memory_space<vmem>>, vector<1x16xi32>,
    %swap3A_1744 = vector.shape_cast %swap3A_1743 : vector<1x16xi32> to vector<16xi32>
    %swap3A_1745 = vector.shape_cast %shift_right_arithmetic3A_1739 : vector<16xi32> to vector<1x16xi32>
    tpu.vector_store %arg15[%swap3A_1741, %swap3A_1742], %swap3A_1745 {strides = array<i32>} : memref<4x128xi32, #tpu.memory_space<vmem>>, vector<1x16xi32>,
    %run_scoped3A_1746 = arith.constant 0 : i32
    %run_scoped3A_1747 = arith.constant 0 : i32
    "tpu.region"() ({
      %run_scoped3A_1813 = tpu.sem_alloc : memref<!tpu.dma_semaphore, #tpu.memory_space<semaphore_mem>>
      %dma_start3A_1814 = arith.constant 0 : i32
      %dma_start3A_1815 = tpu.memref_slice %arg15[%run_scoped3A_1746, %dma_start3A_1814] : memref<4x128xi32, #tpu.memory_space<vmem>> -> memref<1x128xi32, #tpu.memory_space<vmem>>
      %dma_start3A_1816 = tpu.memref_squeeze %dma_start3A_1815 : memref<1x128xi32, #tpu.memory_space<vmem>> -> memref<128xi32, #tpu.memory_space<vmem>>
      %dma_start3A_1817 = arith.constant 0 : i32
      %dma_start3A_1818 = tpu.memref_slice %arg14[%run_scoped3A_1747, %dma_start3A_1817] : memref<4x128xi32, #tpu.memory_space<vmem>> -> memref<1x128xi32, #tpu.memory_space<vmem>>
      %dma_start3A_1819 = tpu.memref_squeeze %dma_start3A_1818 : memref<1x128xi32, #tpu.memory_space<vmem>> -> memref<128xi32, #tpu.memory_space<vmem>>
      %dma_start3A_1820 = arith.constant 0 : i32
      %dma_start3A_1821 = tpu.memref_slice %arg22[%dma_start3A_1820] : memref<10240xi32, #tpu.memory_space<vmem_shared>> -> memref<10240xi32, #tpu.memory_space<vmem_shared>>
      tpu.enqueue_indirect_dma source(%dma_start3A_1816 : memref<128xi32, #tpu.memory_space<vmem>>) target(%dma_start3A_1821 : memref<10240xi32, #tpu.memory_space<vmem_shared>>) offsets(%dma_start3A_1819 : memref<128xi32, #tpu.memory_space<vmem>>) semaphore(%run_scoped3A_1813 : memref<!tpu.dma_semaphore, #tpu.memory_space<semaphore_mem>>)
      %dma_wait3A_1822 = arith.constant 0 : i32
      %dma_wait3A_1823 = tpu.memref_slice %arg15[%run_scoped3A_1746, %dma_wait3A_1822] : memref<4x128xi32, #tpu.memory_space<vmem>> -> memref<1x128xi32, #tpu.memory_space<vmem>>
      %dma_wait3A_1824 = tpu.memref_squeeze %dma_wait3A_1823 : memref<1x128xi32, #tpu.memory_space<vmem>> -> memref<128xi32, #tpu.memory_space<vmem>>
      %dma_wait3A_1825 = arith.constant 0 : i32
      %dma_wait3A_1826 = tpu.memref_slice %arg14[%run_scoped3A_1747, %dma_wait3A_1825] : memref<4x128xi32, #tpu.memory_space<vmem>> -> memref<1x128xi32, #tpu.memory_space<vmem>>
      %dma_wait3A_1827 = tpu.memref_squeeze %dma_wait3A_1826 : memref<1x128xi32, #tpu.memory_space<vmem>> -> memref<128xi32, #tpu.memory_space<vmem>>
      %dma_wait3A_1828 = arith.constant 0 : i32
      %dma_wait3A_1829 = tpu.memref_slice %arg22[%dma_wait3A_1828] : memref<10240xi32, #tpu.memory_space<vmem_shared>> -> memref<10240xi32, #tpu.memory_space<vmem_shared>>
      tpu.wait_indirect_dma semaphore(%run_scoped3A_1813 : memref<!tpu.dma_semaphore, #tpu.memory_space<semaphore_mem>>) src(%dma_wait3A_1824 : memref<128xi32, #tpu.memory_space<vmem>>) dst(%dma_wait3A_1829 : memref<10240xi32, #tpu.memory_space<vmem_shared>>)
      tpu.yield
    }) : () -> ()
    %run_scoped3A_1748 = arith.constant 0 : i32
    %run_scoped3A_1749 = arith.constant 0 : i32
    "tpu.region"() ({
      %run_scoped3A_1813 = tpu.sem_alloc : memref<!tpu.dma_semaphore, #tpu.memory_space<semaphore_mem>>
      %dma_start3A_1814 = arith.constant 0 : i32
      %dma_start3A_1815 = tpu.memref_slice %arg12[%run_scoped3A_1748, %dma_start3A_1814] : memref<4x128xf32, #tpu.memory_space<vmem>> -> memref<1x128xf32, #tpu.memory_space<vmem>>
      %dma_start3A_1816 = tpu.memref_squeeze %dma_start3A_1815 : memref<1x128xf32, #tpu.memory_space<vmem>> -> memref<128xf32, #tpu.memory_space<vmem>>
      %dma_start3A_1817 = arith.constant 0 : i32
      %dma_start3A_1818 = tpu.memref_slice %arg14[%run_scoped3A_1749, %dma_start3A_1817] : memref<4x128xi32, #tpu.memory_space<vmem>> -> memref<1x128xi32, #tpu.memory_space<vmem>>
      %dma_start3A_1819 = tpu.memref_squeeze %dma_start3A_1818 : memref<1x128xi32, #tpu.memory_space<vmem>> -> memref<128xi32, #tpu.memory_space<vmem>>
      %dma_start3A_1820 = arith.constant 0 : i32
      %dma_start3A_1821 = tpu.memref_slice %arg23[%dma_start3A_1820] : memref<10240xf32, #tpu.memory_space<vmem_shared>> -> memref<10240xf32, #tpu.memory_space<vmem_shared>>
      tpu.enqueue_indirect_dma source(%dma_start3A_1816 : memref<128xf32, #tpu.memory_space<vmem>>) target(%dma_start3A_1821 : memref<10240xf32, #tpu.memory_space<vmem_shared>>) offsets(%dma_start3A_1819 : memref<128xi32, #tpu.memory_space<vmem>>) semaphore(%run_scoped3A_1813 : memref<!tpu.dma_semaphore, #tpu.memory_space<semaphore_mem>>)
      %dma_wait3A_1822 = arith.constant 0 : i32
      %dma_wait3A_1823 = tpu.memref_slice %arg12[%run_scoped3A_1748, %dma_wait3A_1822] : memref<4x128xf32, #tpu.memory_space<vmem>> -> memref<1x128xf32, #tpu.memory_space<vmem>>
      %dma_wait3A_1824 = tpu.memref_squeeze %dma_wait3A_1823 : memref<1x128xf32, #tpu.memory_space<vmem>> -> memref<128xf32, #tpu.memory_space<vmem>>
      %dma_wait3A_1825 = arith.constant 0 : i32
      %dma_wait3A_1826 = tpu.memref_slice %arg14[%run_scoped3A_1749, %dma_wait3A_1825] : memref<4x128xi32, #tpu.memory_space<vmem>> -> memref<1x128xi32, #tpu.memory_space<vmem>>
      %dma_wait3A_1827 = tpu.memref_squeeze %dma_wait3A_1826 : memref<1x128xi32, #tpu.memory_space<vmem>> -> memref<128xi32, #tpu.memory_space<vmem>>
      %dma_wait3A_1828 = arith.constant 0 : i32
      %dma_wait3A_1829 = tpu.memref_slice %arg23[%dma_wait3A_1828] : memref<10240xf32, #tpu.memory_space<vmem_shared>> -> memref<10240xf32, #tpu.memory_space<vmem_shared>>
      tpu.wait_indirect_dma semaphore(%run_scoped3A_1813 : memref<!tpu.dma_semaphore, #tpu.memory_space<semaphore_mem>>) src(%dma_wait3A_1824 : memref<128xf32, #tpu.memory_space<vmem>>) dst(%dma_wait3A_1829 : memref<10240xf32, #tpu.memory_space<vmem_shared>>)
      tpu.yield
    }) : () -> ()
    %run_scoped3A_1750 = arith.constant 1 : i32
    %run_scoped3A_1751 = arith.constant 1 : i32
    "tpu.region"() ({
      %run_scoped3A_1813 = tpu.sem_alloc : memref<!tpu.dma_semaphore, #tpu.memory_space<semaphore_mem>>
      %dma_start3A_1814 = arith.constant 0 : i32
      %dma_start3A_1815 = tpu.memref_slice %arg15[%run_scoped3A_1750, %dma_start3A_1814] : memref<4x128xi32, #tpu.memory_space<vmem>> -> memref<1x128xi32, #tpu.memory_space<vmem>>
      %dma_start3A_1816 = tpu.memref_squeeze %dma_start3A_1815 : memref<1x128xi32, #tpu.memory_space<vmem>> -> memref<128xi32, #tpu.memory_space<vmem>>
      %dma_start3A_1817 = arith.constant 0 : i32
      %dma_start3A_1818 = tpu.memref_slice %arg14[%run_scoped3A_1751, %dma_start3A_1817] : memref<4x128xi32, #tpu.memory_space<vmem>> -> memref<1x128xi32, #tpu.memory_space<vmem>>
      %dma_start3A_1819 = tpu.memref_squeeze %dma_start3A_1818 : memref<1x128xi32, #tpu.memory_space<vmem>> -> memref<128xi32, #tpu.memory_space<vmem>>
      %dma_start3A_1820 = arith.constant 0 : i32
      %dma_start3A_1821 = tpu.memref_slice %arg22[%dma_start3A_1820] : memref<10240xi32, #tpu.memory_space<vmem_shared>> -> memref<10240xi32, #tpu.memory_space<vmem_shared>>
      tpu.enqueue_indirect_dma source(%dma_start3A_1816 : memref<128xi32, #tpu.memory_space<vmem>>) target(%dma_start3A_1821 : memref<10240xi32, #tpu.memory_space<vmem_shared>>) offsets(%dma_start3A_1819 : memref<128xi32, #tpu.memory_space<vmem>>) semaphore(%run_scoped3A_1813 : memref<!tpu.dma_semaphore, #tpu.memory_space<semaphore_mem>>)
      %dma_wait3A_1822 = arith.constant 0 : i32
      %dma_wait3A_1823 = tpu.memref_slice %arg15[%run_scoped3A_1750, %dma_wait3A_1822] : memref<4x128xi32, #tpu.memory_space<vmem>> -> memref<1x128xi32, #tpu.memory_space<vmem>>
      %dma_wait3A_1824 = tpu.memref_squeeze %dma_wait3A_1823 : memref<1x128xi32, #tpu.memory_space<vmem>> -> memref<128xi32, #tpu.memory_space<vmem>>
      %dma_wait3A_1825 = arith.constant 0 : i32
      %dma_wait3A_1826 = tpu.memref_slice %arg14[%run_scoped3A_1751, %dma_wait3A_1825] : memref<4x128xi32, #tpu.memory_space<vmem>> -> memref<1x128xi32, #tpu.memory_space<vmem>>
      %dma_wait3A_1827 = tpu.memref_squeeze %dma_wait3A_1826 : memref<1x128xi32, #tpu.memory_space<vmem>> -> memref<128xi32, #tpu.memory_space<vmem>>
      %dma_wait3A_1828 = arith.constant 0 : i32
      %dma_wait3A_1829 = tpu.memref_slice %arg22[%dma_wait3A_1828] : memref<10240xi32, #tpu.memory_space<vmem_shared>> -> memref<10240xi32, #tpu.memory_space<vmem_shared>>
      tpu.wait_indirect_dma semaphore(%run_scoped3A_1813 : memref<!tpu.dma_semaphore, #tpu.memory_space<semaphore_mem>>) src(%dma_wait3A_1824 : memref<128xi32, #tpu.memory_space<vmem>>) dst(%dma_wait3A_1829 : memref<10240xi32, #tpu.memory_space<vmem_shared>>)
      tpu.yield
    }) : () -> ()
    %run_scoped3A_1752 = arith.constant 1 : i32
    %run_scoped3A_1753 = arith.constant 1 : i32
    "tpu.region"() ({
      %run_scoped3A_1813 = tpu.sem_alloc : memref<!tpu.dma_semaphore, #tpu.memory_space<semaphore_mem>>
      %dma_start3A_1814 = arith.constant 0 : i32
      %dma_start3A_1815 = tpu.memref_slice %arg12[%run_scoped3A_1752, %dma_start3A_1814] : memref<4x128xf32, #tpu.memory_space<vmem>> -> memref<1x128xf32, #tpu.memory_space<vmem>>
      %dma_start3A_1816 = tpu.memref_squeeze %dma_start3A_1815 : memref<1x128xf32, #tpu.memory_space<vmem>> -> memref<128xf32, #tpu.memory_space<vmem>>
      %dma_start3A_1817 = arith.constant 0 : i32
      %dma_start3A_1818 = tpu.memref_slice %arg14[%run_scoped3A_1753, %dma_start3A_1817] : memref<4x128xi32, #tpu.memory_space<vmem>> -> memref<1x128xi32, #tpu.memory_space<vmem>>
      %dma_start3A_1819 = tpu.memref_squeeze %dma_start3A_1818 : memref<1x128xi32, #tpu.memory_space<vmem>> -> memref<128xi32, #tpu.memory_space<vmem>>
      %dma_start3A_1820 = arith.constant 0 : i32
      %dma_start3A_1821 = tpu.memref_slice %arg23[%dma_start3A_1820] : memref<10240xf32, #tpu.memory_space<vmem_shared>> -> memref<10240xf32, #tpu.memory_space<vmem_shared>>
      tpu.enqueue_indirect_dma source(%dma_start3A_1816 : memref<128xf32, #tpu.memory_space<vmem>>) target(%dma_start3A_1821 : memref<10240xf32, #tpu.memory_space<vmem_shared>>) offsets(%dma_start3A_1819 : memref<128xi32, #tpu.memory_space<vmem>>) semaphore(%run_scoped3A_1813 : memref<!tpu.dma_semaphore, #tpu.memory_space<semaphore_mem>>)
      %dma_wait3A_1822 = arith.constant 0 : i32
      %dma_wait3A_1823 = tpu.memref_slice %arg12[%run_scoped3A_1752, %dma_wait3A_1822] : memref<4x128xf32, #tpu.memory_space<vmem>> -> memref<1x128xf32, #tpu.memory_space<vmem>>
      %dma_wait3A_1824 = tpu.memref_squeeze %dma_wait3A_1823 : memref<1x128xf32, #tpu.memory_space<vmem>> -> memref<128xf32, #tpu.memory_space<vmem>>
      %dma_wait3A_1825 = arith.constant 0 : i32
      %dma_wait3A_1826 = tpu.memref_slice %arg14[%run_scoped3A_1753, %dma_wait3A_1825] : memref<4x128xi32, #tpu.memory_space<vmem>> -> memref<1x128xi32, #tpu.memory_space<vmem>>
      %dma_wait3A_1827 = tpu.memref_squeeze %dma_wait3A_1826 : memref<1x128xi32, #tpu.memory_space<vmem>> -> memref<128xi32, #tpu.memory_space<vmem>>
      %dma_wait3A_1828 = arith.constant 0 : i32
      %dma_wait3A_1829 = tpu.memref_slice %arg23[%dma_wait3A_1828] : memref<10240xf32, #tpu.memory_space<vmem_shared>> -> memref<10240xf32, #tpu.memory_space<vmem_shared>>
      tpu.wait_indirect_dma semaphore(%run_scoped3A_1813 : memref<!tpu.dma_semaphore, #tpu.memory_space<semaphore_mem>>) src(%dma_wait3A_1824 : memref<128xf32, #tpu.memory_space<vmem>>) dst(%dma_wait3A_1829 : memref<10240xf32, #tpu.memory_space<vmem_shared>>)
      tpu.yield
    }) : () -> ()
    %run_scoped3A_1754 = arith.constant 2 : i32
    %run_scoped3A_1755 = arith.constant 2 : i32
    "tpu.region"() ({
      %run_scoped3A_1813 = tpu.sem_alloc : memref<!tpu.dma_semaphore, #tpu.memory_space<semaphore_mem>>
      %dma_start3A_1814 = arith.constant 0 : i32
      %dma_start3A_1815 = tpu.memref_slice %arg15[%run_scoped3A_1754, %dma_start3A_1814] : memref<4x128xi32, #tpu.memory_space<vmem>> -> memref<1x128xi32, #tpu.memory_space<vmem>>
      %dma_start3A_1816 = tpu.memref_squeeze %dma_start3A_1815 : memref<1x128xi32, #tpu.memory_space<vmem>> -> memref<128xi32, #tpu.memory_space<vmem>>
      %dma_start3A_1817 = arith.constant 0 : i32
      %dma_start3A_1818 = tpu.memref_slice %arg14[%run_scoped3A_1755, %dma_start3A_1817] : memref<4x128xi32, #tpu.memory_space<vmem>> -> memref<1x128xi32, #tpu.memory_space<vmem>>
      %dma_start3A_1819 = tpu.memref_squeeze %dma_start3A_1818 : memref<1x128xi32, #tpu.memory_space<vmem>> -> memref<128xi32, #tpu.memory_space<vmem>>
      %dma_start3A_1820 = arith.constant 0 : i32
      %dma_start3A_1821 = tpu.memref_slice %arg22[%dma_start3A_1820] : memref<10240xi32, #tpu.memory_space<vmem_shared>> -> memref<10240xi32, #tpu.memory_space<vmem_shared>>
      tpu.enqueue_indirect_dma source(%dma_start3A_1816 : memref<128xi32, #tpu.memory_space<vmem>>) target(%dma_start3A_1821 : memref<10240xi32, #tpu.memory_space<vmem_shared>>) offsets(%dma_start3A_1819 : memref<128xi32, #tpu.memory_space<vmem>>) semaphore(%run_scoped3A_1813 : memref<!tpu.dma_semaphore, #tpu.memory_space<semaphore_mem>>)
      %dma_wait3A_1822 = arith.constant 0 : i32
      %dma_wait3A_1823 = tpu.memref_slice %arg15[%run_scoped3A_1754, %dma_wait3A_1822] : memref<4x128xi32, #tpu.memory_space<vmem>> -> memref<1x128xi32, #tpu.memory_space<vmem>>
      %dma_wait3A_1824 = tpu.memref_squeeze %dma_wait3A_1823 : memref<1x128xi32, #tpu.memory_space<vmem>> -> memref<128xi32, #tpu.memory_space<vmem>>
      %dma_wait3A_1825 = arith.constant 0 : i32
      %dma_wait3A_1826 = tpu.memref_slice %arg14[%run_scoped3A_1755, %dma_wait3A_1825] : memref<4x128xi32, #tpu.memory_space<vmem>> -> memref<1x128xi32, #tpu.memory_space<vmem>>
      %dma_wait3A_1827 = tpu.memref_squeeze %dma_wait3A_1826 : memref<1x128xi32, #tpu.memory_space<vmem>> -> memref<128xi32, #tpu.memory_space<vmem>>
      %dma_wait3A_1828 = arith.constant 0 : i32
      %dma_wait3A_1829 = tpu.memref_slice %arg22[%dma_wait3A_1828] : memref<10240xi32, #tpu.memory_space<vmem_shared>> -> memref<10240xi32, #tpu.memory_space<vmem_shared>>
      tpu.wait_indirect_dma semaphore(%run_scoped3A_1813 : memref<!tpu.dma_semaphore, #tpu.memory_space<semaphore_mem>>) src(%dma_wait3A_1824 : memref<128xi32, #tpu.memory_space<vmem>>) dst(%dma_wait3A_1829 : memref<10240xi32, #tpu.memory_space<vmem_shared>>)
      tpu.yield
    }) : () -> ()
    %run_scoped3A_1756 = arith.constant 2 : i32
    %run_scoped3A_1757 = arith.constant 2 : i32
    "tpu.region"() ({
      %run_scoped3A_1813 = tpu.sem_alloc : memref<!tpu.dma_semaphore, #tpu.memory_space<semaphore_mem>>
      %dma_start3A_1814 = arith.constant 0 : i32
      %dma_start3A_1815 = tpu.memref_slice %arg12[%run_scoped3A_1756, %dma_start3A_1814] : memref<4x128xf32, #tpu.memory_space<vmem>> -> memref<1x128xf32, #tpu.memory_space<vmem>>
      %dma_start3A_1816 = tpu.memref_squeeze %dma_start3A_1815 : memref<1x128xf32, #tpu.memory_space<vmem>> -> memref<128xf32, #tpu.memory_space<vmem>>
      %dma_start3A_1817 = arith.constant 0 : i32
      %dma_start3A_1818 = tpu.memref_slice %arg14[%run_scoped3A_1757, %dma_start3A_1817] : memref<4x128xi32, #tpu.memory_space<vmem>> -> memref<1x128xi32, #tpu.memory_space<vmem>>
      %dma_start3A_1819 = tpu.memref_squeeze %dma_start3A_1818 : memref<1x128xi32, #tpu.memory_space<vmem>> -> memref<128xi32, #tpu.memory_space<vmem>>
      %dma_start3A_1820 = arith.constant 0 : i32
      %dma_start3A_1821 = tpu.memref_slice %arg23[%dma_start3A_1820] : memref<10240xf32, #tpu.memory_space<vmem_shared>> -> memref<10240xf32, #tpu.memory_space<vmem_shared>>
      tpu.enqueue_indirect_dma source(%dma_start3A_1816 : memref<128xf32, #tpu.memory_space<vmem>>) target(%dma_start3A_1821 : memref<10240xf32, #tpu.memory_space<vmem_shared>>) offsets(%dma_start3A_1819 : memref<128xi32, #tpu.memory_space<vmem>>) semaphore(%run_scoped3A_1813 : memref<!tpu.dma_semaphore, #tpu.memory_space<semaphore_mem>>)
      %dma_wait3A_1822 = arith.constant 0 : i32
      %dma_wait3A_1823 = tpu.memref_slice %arg12[%run_scoped3A_1756, %dma_wait3A_1822] : memref<4x128xf32, #tpu.memory_space<vmem>> -> memref<1x128xf32, #tpu.memory_space<vmem>>
      %dma_wait3A_1824 = tpu.memref_squeeze %dma_wait3A_1823 : memref<1x128xf32, #tpu.memory_space<vmem>> -> memref<128xf32, #tpu.memory_space<vmem>>
      %dma_wait3A_1825 = arith.constant 0 : i32
      %dma_wait3A_1826 = tpu.memref_slice %arg14[%run_scoped3A_1757, %dma_wait3A_1825] : memref<4x128xi32, #tpu.memory_space<vmem>> -> memref<1x128xi32, #tpu.memory_space<vmem>>
      %dma_wait3A_1827 = tpu.memref_squeeze %dma_wait3A_1826 : memref<1x128xi32, #tpu.memory_space<vmem>> -> memref<128xi32, #tpu.memory_space<vmem>>
      %dma_wait3A_1828 = arith.constant 0 : i32
      %dma_wait3A_1829 = tpu.memref_slice %arg23[%dma_wait3A_1828] : memref<10240xf32, #tpu.memory_space<vmem_shared>> -> memref<10240xf32, #tpu.memory_space<vmem_shared>>
      tpu.wait_indirect_dma semaphore(%run_scoped3A_1813 : memref<!tpu.dma_semaphore, #tpu.memory_space<semaphore_mem>>) src(%dma_wait3A_1824 : memref<128xf32, #tpu.memory_space<vmem>>) dst(%dma_wait3A_1829 : memref<10240xf32, #tpu.memory_space<vmem_shared>>)
      tpu.yield
    }) : () -> ()
    %run_scoped3A_1758 = arith.constant 3 : i32
    %run_scoped3A_1759 = arith.constant 3 : i32
    "tpu.region"() ({
      %run_scoped3A_1813 = tpu.sem_alloc : memref<!tpu.dma_semaphore, #tpu.memory_space<semaphore_mem>>
      %dma_start3A_1814 = arith.constant 0 : i32
      %dma_start3A_1815 = tpu.memref_slice %arg15[%run_scoped3A_1758, %dma_start3A_1814] : memref<4x128xi32, #tpu.memory_space<vmem>> -> memref<1x128xi32, #tpu.memory_space<vmem>>
      %dma_start3A_1816 = tpu.memref_squeeze %dma_start3A_1815 : memref<1x128xi32, #tpu.memory_space<vmem>> -> memref<128xi32, #tpu.memory_space<vmem>>
      %dma_start3A_1817 = arith.constant 0 : i32
      %dma_start3A_1818 = tpu.memref_slice %arg14[%run_scoped3A_1759, %dma_start3A_1817] : memref<4x128xi32, #tpu.memory_space<vmem>> -> memref<1x128xi32, #tpu.memory_space<vmem>>
      %dma_start3A_1819 = tpu.memref_squeeze %dma_start3A_1818 : memref<1x128xi32, #tpu.memory_space<vmem>> -> memref<128xi32, #tpu.memory_space<vmem>>
      %dma_start3A_1820 = arith.constant 0 : i32
      %dma_start3A_1821 = tpu.memref_slice %arg22[%dma_start3A_1820] : memref<10240xi32, #tpu.memory_space<vmem_shared>> -> memref<10240xi32, #tpu.memory_space<vmem_shared>>
      tpu.enqueue_indirect_dma source(%dma_start3A_1816 : memref<128xi32, #tpu.memory_space<vmem>>) target(%dma_start3A_1821 : memref<10240xi32, #tpu.memory_space<vmem_shared>>) offsets(%dma_start3A_1819 : memref<128xi32, #tpu.memory_space<vmem>>) semaphore(%run_scoped3A_1813 : memref<!tpu.dma_semaphore, #tpu.memory_space<semaphore_mem>>)
      %dma_wait3A_1822 = arith.constant 0 : i32
      %dma_wait3A_1823 = tpu.memref_slice %arg15[%run_scoped3A_1758, %dma_wait3A_1822] : memref<4x128xi32, #tpu.memory_space<vmem>> -> memref<1x128xi32, #tpu.memory_space<vmem>>
      %dma_wait3A_1824 = tpu.memref_squeeze %dma_wait3A_1823 : memref<1x128xi32, #tpu.memory_space<vmem>> -> memref<128xi32, #tpu.memory_space<vmem>>
      %dma_wait3A_1825 = arith.constant 0 : i32
      %dma_wait3A_1826 = tpu.memref_slice %arg14[%run_scoped3A_1759, %dma_wait3A_1825] : memref<4x128xi32, #tpu.memory_space<vmem>> -> memref<1x128xi32, #tpu.memory_space<vmem>>
      %dma_wait3A_1827 = tpu.memref_squeeze %dma_wait3A_1826 : memref<1x128xi32, #tpu.memory_space<vmem>> -> memref<128xi32, #tpu.memory_space<vmem>>
      %dma_wait3A_1828 = arith.constant 0 : i32
      %dma_wait3A_1829 = tpu.memref_slice %arg22[%dma_wait3A_1828] : memref<10240xi32, #tpu.memory_space<vmem_shared>> -> memref<10240xi32, #tpu.memory_space<vmem_shared>>
      tpu.wait_indirect_dma semaphore(%run_scoped3A_1813 : memref<!tpu.dma_semaphore, #tpu.memory_space<semaphore_mem>>) src(%dma_wait3A_1824 : memref<128xi32, #tpu.memory_space<vmem>>) dst(%dma_wait3A_1829 : memref<10240xi32, #tpu.memory_space<vmem_shared>>)
      tpu.yield
    }) : () -> ()
    %run_scoped3A_1760 = arith.constant 3 : i32
    %run_scoped3A_1761 = arith.constant 3 : i32
    "tpu.region"() ({
      %run_scoped3A_1813 = tpu.sem_alloc : memref<!tpu.dma_semaphore, #tpu.memory_space<semaphore_mem>>
      %dma_start3A_1814 = arith.constant 0 : i32
      %dma_start3A_1815 = tpu.memref_slice %arg12[%run_scoped3A_1760, %dma_start3A_1814] : memref<4x128xf32, #tpu.memory_space<vmem>> -> memref<1x128xf32, #tpu.memory_space<vmem>>
      %dma_start3A_1816 = tpu.memref_squeeze %dma_start3A_1815 : memref<1x128xf32, #tpu.memory_space<vmem>> -> memref<128xf32, #tpu.memory_space<vmem>>
      %dma_start3A_1817 = arith.constant 0 : i32
      %dma_start3A_1818 = tpu.memref_slice %arg14[%run_scoped3A_1761, %dma_start3A_1817] : memref<4x128xi32, #tpu.memory_space<vmem>> -> memref<1x128xi32, #tpu.memory_space<vmem>>
      %dma_start3A_1819 = tpu.memref_squeeze %dma_start3A_1818 : memref<1x128xi32, #tpu.memory_space<vmem>> -> memref<128xi32, #tpu.memory_space<vmem>>
      %dma_start3A_1820 = arith.constant 0 : i32
      %dma_start3A_1821 = tpu.memref_slice %arg23[%dma_start3A_1820] : memref<10240xf32, #tpu.memory_space<vmem_shared>> -> memref<10240xf32, #tpu.memory_space<vmem_shared>>
      tpu.enqueue_indirect_dma source(%dma_start3A_1816 : memref<128xf32, #tpu.memory_space<vmem>>) target(%dma_start3A_1821 : memref<10240xf32, #tpu.memory_space<vmem_shared>>) offsets(%dma_start3A_1819 : memref<128xi32, #tpu.memory_space<vmem>>) semaphore(%run_scoped3A_1813 : memref<!tpu.dma_semaphore, #tpu.memory_space<semaphore_mem>>)
      %dma_wait3A_1822 = arith.constant 0 : i32
      %dma_wait3A_1823 = tpu.memref_slice %arg12[%run_scoped3A_1760, %dma_wait3A_1822] : memref<4x128xf32, #tpu.memory_space<vmem>> -> memref<1x128xf32, #tpu.memory_space<vmem>>
      %dma_wait3A_1824 = tpu.memref_squeeze %dma_wait3A_1823 : memref<1x128xf32, #tpu.memory_space<vmem>> -> memref<128xf32, #tpu.memory_space<vmem>>
      %dma_wait3A_1825 = arith.constant 0 : i32
      %dma_wait3A_1826 = tpu.memref_slice %arg14[%run_scoped3A_1761, %dma_wait3A_1825] : memref<4x128xi32, #tpu.memory_space<vmem>> -> memref<1x128xi32, #tpu.memory_space<vmem>>
      %dma_wait3A_1827 = tpu.memref_squeeze %dma_wait3A_1826 : memref<1x128xi32, #tpu.memory_space<vmem>> -> memref<128xi32, #tpu.memory_space<vmem>>
      %dma_wait3A_1828 = arith.constant 0 : i32
      %dma_wait3A_1829 = tpu.memref_slice %arg23[%dma_wait3A_1828] : memref<10240xf32, #tpu.memory_space<vmem_shared>> -> memref<10240xf32, #tpu.memory_space<vmem_shared>>
      tpu.wait_indirect_dma semaphore(%run_scoped3A_1813 : memref<!tpu.dma_semaphore, #tpu.memory_space<semaphore_mem>>) src(%dma_wait3A_1824 : memref<128xf32, #tpu.memory_space<vmem>>) dst(%dma_wait3A_1829 : memref<10240xf32, #tpu.memory_space<vmem_shared>>)
      tpu.yield
    }) : () -> ()
    %barrier3A_1762 = arith.constant 0 : index
    tpu.barrier barrier_id(%barrier3A_1762)
    %mul3A_1763 = arith.constant 320 : i32
    %mul3A_1764 = arith.muli %add3A, %mul3A_1763 : i32
    "tpu.region"() ({
      %run_scoped3A_1813 = tpu.sem_alloc : memref<!tpu.dma_semaphore, #tpu.memory_space<semaphore_mem>>
      %dma_start3A_1814 = tpu.memref_slice %arg22[%mul3A_1764] : memref<10240xi32, #tpu.memory_space<vmem_shared>> -> memref<320xi32, #tpu.memory_space<vmem_shared>>
      %dma_start3A_1815 = tpu.memref_slice %arg22[%mul3A_1764] : memref<10240xi32, #tpu.memory_space<vmem_shared>> -> memref<320xi32, #tpu.memory_space<vmem_shared>>
      tpu.enqueue_dma source(%dma_start3A_1815 : memref<320xi32, #tpu.memory_space<vmem_shared>>) target(%arg16 : memref<320xi32, #tpu.memory_space<vmem>>) target_semaphore(%run_scoped3A_1813 : memref<!tpu.dma_semaphore, #tpu.memory_space<semaphore_mem>>)
      %dma_wait3A_1816 = tpu.memref_slice %arg22[%mul3A_1764] : memref<10240xi32, #tpu.memory_space<vmem_shared>> -> memref<320xi32, #tpu.memory_space<vmem_shared>>
      %dma_wait3A_1817 = tpu.memref_slice %arg22[%mul3A_1764] : memref<10240xi32, #tpu.memory_space<vmem_shared>> -> memref<320xi32, #tpu.memory_space<vmem_shared>>
      tpu.wait_dma2 semaphore(%run_scoped3A_1813 : memref<!tpu.dma_semaphore, #tpu.memory_space<semaphore_mem>>) src(%dma_wait3A_1817 : memref<320xi32, #tpu.memory_space<vmem_shared>>) dst(%arg16 : memref<320xi32, #tpu.memory_space<vmem>>)
      tpu.yield
    }) : () -> ()
    "tpu.region"() ({
      %run_scoped3A_1813 = tpu.sem_alloc : memref<!tpu.dma_semaphore, #tpu.memory_space<semaphore_mem>>
      %dma_start3A_1814 = tpu.memref_slice %arg23[%mul3A_1764] : memref<10240xf32, #tpu.memory_space<vmem_shared>> -> memref<320xf32, #tpu.memory_space<vmem_shared>>
      %dma_start3A_1815 = tpu.memref_slice %arg23[%mul3A_1764] : memref<10240xf32, #tpu.memory_space<vmem_shared>> -> memref<320xf32, #tpu.memory_space<vmem_shared>>
      tpu.enqueue_dma source(%dma_start3A_1815 : memref<320xf32, #tpu.memory_space<vmem_shared>>) target(%arg17 : memref<320xf32, #tpu.memory_space<vmem>>) target_semaphore(%run_scoped3A_1813 : memref<!tpu.dma_semaphore, #tpu.memory_space<semaphore_mem>>)
      %dma_wait3A_1816 = tpu.memref_slice %arg23[%mul3A_1764] : memref<10240xf32, #tpu.memory_space<vmem_shared>> -> memref<320xf32, #tpu.memory_space<vmem_shared>>
      %dma_wait3A_1817 = tpu.memref_slice %arg23[%mul3A_1764] : memref<10240xf32, #tpu.memory_space<vmem_shared>> -> memref<320xf32, #tpu.memory_space<vmem_shared>>
      tpu.wait_dma2 semaphore(%run_scoped3A_1813 : memref<!tpu.dma_semaphore, #tpu.memory_space<semaphore_mem>>) src(%dma_wait3A_1817 : memref<320xf32, #tpu.memory_space<vmem_shared>>) dst(%arg17 : memref<320xf32, #tpu.memory_space<vmem>>)
      tpu.yield
    }) : () -> ()
    "tpu.region"() ({
      %run_scoped3A_1813 = tpu.sem_alloc : memref<!tpu.dma_semaphore, #tpu.memory_space<semaphore_mem>>
      %dma_start3A_1814 = tpu.memref_slice %arg7[%mul3A_1764] : memref<10240xi32, #tpu.memory_space<hbm>> -> memref<320xi32, #tpu.memory_space<hbm>>
      %dma_start3A_1815 = tpu.memref_slice %arg7[%mul3A_1764] : memref<10240xi32, #tpu.memory_space<hbm>> -> memref<320xi32, #tpu.memory_space<hbm>>
      tpu.enqueue_dma source(%arg16 : memref<320xi32, #tpu.memory_space<vmem>>) target(%dma_start3A_1815 : memref<320xi32, #tpu.memory_space<hbm>>) target_semaphore(%run_scoped3A_1813 : memref<!tpu.dma_semaphore, #tpu.memory_space<semaphore_mem>>)
      %dma_wait3A_1816 = tpu.memref_slice %arg7[%mul3A_1764] : memref<10240xi32, #tpu.memory_space<hbm>> -> memref<320xi32, #tpu.memory_space<hbm>>
      %dma_wait3A_1817 = tpu.memref_slice %arg7[%mul3A_1764] : memref<10240xi32, #tpu.memory_space<hbm>> -> memref<320xi32, #tpu.memory_space<hbm>>
      tpu.wait_dma2 semaphore(%run_scoped3A_1813 : memref<!tpu.dma_semaphore, #tpu.memory_space<semaphore_mem>>) src(%arg16 : memref<320xi32, #tpu.memory_space<vmem>>) dst(%dma_wait3A_1817 : memref<320xi32, #tpu.memory_space<hbm>>)
      tpu.yield
    }) : () -> ()
    "tpu.region"() ({
      %run_scoped3A_1813 = tpu.sem_alloc : memref<!tpu.dma_semaphore, #tpu.memory_space<semaphore_mem>>
      %dma_start3A_1814 = tpu.memref_slice %arg8[%mul3A_1764] : memref<10240xf32, #tpu.memory_space<hbm>> -> memref<320xf32, #tpu.memory_space<hbm>>
      %dma_start3A_1815 = tpu.memref_slice %arg8[%mul3A_1764] : memref<10240xf32, #tpu.memory_space<hbm>> -> memref<320xf32, #tpu.memory_space<hbm>>
      tpu.enqueue_dma source(%arg17 : memref<320xf32, #tpu.memory_space<vmem>>) target(%dma_start3A_1815 : memref<320xf32, #tpu.memory_space<hbm>>) target_semaphore(%run_scoped3A_1813 : memref<!tpu.dma_semaphore, #tpu.memory_space<semaphore_mem>>)
      %dma_wait3A_1816 = tpu.memref_slice %arg8[%mul3A_1764] : memref<10240xf32, #tpu.memory_space<hbm>> -> memref<320xf32, #tpu.memory_space<hbm>>
      %dma_wait3A_1817 = tpu.memref_slice %arg8[%mul3A_1764] : memref<10240xf32, #tpu.memory_space<hbm>> -> memref<320xf32, #tpu.memory_space<hbm>>
      tpu.wait_dma2 semaphore(%run_scoped3A_1813 : memref<!tpu.dma_semaphore, #tpu.memory_space<semaphore_mem>>) src(%arg17 : memref<320xf32, #tpu.memory_space<vmem>>) dst(%dma_wait3A_1817 : memref<320xf32, #tpu.memory_space<hbm>>)
      tpu.yield
    }) : () -> ()
    %add3A_1765 = arith.constant 0 : i32
    %add3A_1766 = arith.addi %mul3A_1764, %add3A_1765 : i32
    "tpu.region"() ({
      %run_scoped3A_1813 = tpu.sem_alloc : memref<!tpu.dma_semaphore, #tpu.memory_space<semaphore_mem>>
      %dma_start3A_1814 = tpu.memref_slice %arg22[%add3A_1766] : memref<10240xi32, #tpu.memory_space<vmem_shared>> -> memref<64xi32, #tpu.memory_space<vmem_shared>>
      %dma_start3A_1815 = tpu.memref_slice %arg22[%add3A_1766] : memref<10240xi32, #tpu.memory_space<vmem_shared>> -> memref<64xi32, #tpu.memory_space<vmem_shared>>
      tpu.enqueue_dma source(%dma_start3A_1815 : memref<64xi32, #tpu.memory_space<vmem_shared>>) target(%arg18 : memref<64xi32, #tpu.memory_space<vmem>>) target_semaphore(%run_scoped3A_1813 : memref<!tpu.dma_semaphore, #tpu.memory_space<semaphore_mem>>)
      %dma_wait3A_1816 = tpu.memref_slice %arg22[%add3A_1766] : memref<10240xi32, #tpu.memory_space<vmem_shared>> -> memref<64xi32, #tpu.memory_space<vmem_shared>>
      %dma_wait3A_1817 = tpu.memref_slice %arg22[%add3A_1766] : memref<10240xi32, #tpu.memory_space<vmem_shared>> -> memref<64xi32, #tpu.memory_space<vmem_shared>>
      tpu.wait_dma2 semaphore(%run_scoped3A_1813 : memref<!tpu.dma_semaphore, #tpu.memory_space<semaphore_mem>>) src(%dma_wait3A_1817 : memref<64xi32, #tpu.memory_space<vmem_shared>>) dst(%arg18 : memref<64xi32, #tpu.memory_space<vmem>>)
      tpu.yield
    }) : () -> ()
    %dma_start3A = arith.constant 0 : i32
    %dma_start3A_1767 = arith.constant 0 : i32
    %dma_start3A_1768 = tpu.memref_slice %arg6[%dma_start3A, %dma_start3A_1767] : memref<4096x768xf32, #tpu.memory_space<hbm>> -> memref<4096x768xf32, #tpu.memory_space<hbm>>
    tpu.enqueue_indirect_dma source(%dma_start3A_1768 : memref<4096x768xf32, #tpu.memory_space<hbm>>) target(%arg19 : memref<64x768xf32, #tpu.memory_space<vmem>>) offsets(%arg18 : memref<64xi32, #tpu.memory_space<vmem>>) semaphore(%arg24 : memref<!tpu.dma_semaphore, #tpu.memory_space<semaphore_mem>>)
    %dma_wait3A = arith.constant 0 : i32
    %dma_wait3A_1769 = arith.constant 0 : i32
    %dma_wait3A_1770 = tpu.memref_slice %arg6[%dma_wait3A, %dma_wait3A_1769] : memref<4096x768xf32, #tpu.memory_space<hbm>> -> memref<4096x768xf32, #tpu.memory_space<hbm>>
    tpu.wait_indirect_dma semaphore(%arg24 : memref<!tpu.dma_semaphore, #tpu.memory_space<semaphore_mem>>) src(%dma_wait3A_1770 : memref<4096x768xf32, #tpu.memory_space<hbm>>) dst(%arg19 : memref<64x768xf32, #tpu.memory_space<vmem>>)
    %add3A_1771 = arith.constant 0 : i32
    %add3A_1772 = arith.addi %mul3A_1764, %add3A_1771 : i32
    "tpu.region"() ({
      %run_scoped3A_1813 = tpu.sem_alloc : memref<!tpu.dma_semaphore, #tpu.memory_space<semaphore_mem>>
      %dma_start3A_1814 = arith.constant 0 : i32
      %dma_start3A_1815 = tpu.memref_slice %arg9[%add3A_1772, %dma_start3A_1814] : memref<10240x768xf32, #tpu.memory_space<hbm>> -> memref<64x768xf32, #tpu.memory_space<hbm>>
      %dma_start3A_1816 = arith.constant 0 : i32
      %dma_start3A_1817 = tpu.memref_slice %arg9[%add3A_1772, %dma_start3A_1816] : memref<10240x768xf32, #tpu.memory_space<hbm>> -> memref<64x768xf32, #tpu.memory_space<hbm>>
      tpu.enqueue_dma source(%arg19 : memref<64x768xf32, #tpu.memory_space<vmem>>) target(%dma_start3A_1817 : memref<64x768xf32, #tpu.memory_space<hbm>>) target_semaphore(%run_scoped3A_1813 : memref<!tpu.dma_semaphore, #tpu.memory_space<semaphore_mem>>)
      %dma_wait3A_1818 = arith.constant 0 : i32
      %dma_wait3A_1819 = tpu.memref_slice %arg9[%add3A_1772, %dma_wait3A_1818] : memref<10240x768xf32, #tpu.memory_space<hbm>> -> memref<64x768xf32, #tpu.memory_space<hbm>>
      %dma_wait3A_1820 = arith.constant 0 : i32
      %dma_wait3A_1821 = tpu.memref_slice %arg9[%add3A_1772, %dma_wait3A_1820] : memref<10240x768xf32, #tpu.memory_space<hbm>> -> memref<64x768xf32, #tpu.memory_space<hbm>>
      tpu.wait_dma2 semaphore(%run_scoped3A_1813 : memref<!tpu.dma_semaphore, #tpu.memory_space<semaphore_mem>>) src(%arg19 : memref<64x768xf32, #tpu.memory_space<vmem>>) dst(%dma_wait3A_1821 : memref<64x768xf32, #tpu.memory_space<hbm>>)
      tpu.yield
    }) : () -> ()
    %add3A_1773 = arith.constant 64 : i32
    %add3A_1774 = arith.addi %mul3A_1764, %add3A_1773 : i32
    "tpu.region"() ({
      %run_scoped3A_1813 = tpu.sem_alloc : memref<!tpu.dma_semaphore, #tpu.memory_space<semaphore_mem>>
      %dma_start3A_1814 = tpu.memref_slice %arg22[%add3A_1774] : memref<10240xi32, #tpu.memory_space<vmem_shared>> -> memref<64xi32, #tpu.memory_space<vmem_shared>>
      %dma_start3A_1815 = tpu.memref_slice %arg22[%add3A_1774] : memref<10240xi32, #tpu.memory_space<vmem_shared>> -> memref<64xi32, #tpu.memory_space<vmem_shared>>
      tpu.enqueue_dma source(%dma_start3A_1815 : memref<64xi32, #tpu.memory_space<vmem_shared>>) target(%arg18 : memref<64xi32, #tpu.memory_space<vmem>>) target_semaphore(%run_scoped3A_1813 : memref<!tpu.dma_semaphore, #tpu.memory_space<semaphore_mem>>)
      %dma_wait3A_1816 = tpu.memref_slice %arg22[%add3A_1774] : memref<10240xi32, #tpu.memory_space<vmem_shared>> -> memref<64xi32, #tpu.memory_space<vmem_shared>>
      %dma_wait3A_1817 = tpu.memref_slice %arg22[%add3A_1774] : memref<10240xi32, #tpu.memory_space<vmem_shared>> -> memref<64xi32, #tpu.memory_space<vmem_shared>>
      tpu.wait_dma2 semaphore(%run_scoped3A_1813 : memref<!tpu.dma_semaphore, #tpu.memory_space<semaphore_mem>>) src(%dma_wait3A_1817 : memref<64xi32, #tpu.memory_space<vmem_shared>>) dst(%arg18 : memref<64xi32, #tpu.memory_space<vmem>>)
      tpu.yield
    }) : () -> ()
    %dma_start3A_1775 = arith.constant 0 : i32
    %dma_start3A_1776 = arith.constant 0 : i32
    %dma_start3A_1777 = tpu.memref_slice %arg6[%dma_start3A_1775, %dma_start3A_1776] : memref<4096x768xf32, #tpu.memory_space<hbm>> -> memref<4096x768xf32, #tpu.memory_space<hbm>>
    tpu.enqueue_indirect_dma source(%dma_start3A_1777 : memref<4096x768xf32, #tpu.memory_space<hbm>>) target(%arg19 : memref<64x768xf32, #tpu.memory_space<vmem>>) offsets(%arg18 : memref<64xi32, #tpu.memory_space<vmem>>) semaphore(%arg24 : memref<!tpu.dma_semaphore, #tpu.memory_space<semaphore_mem>>)
    %dma_wait3A_1778 = arith.constant 0 : i32
    %dma_wait3A_1779 = arith.constant 0 : i32
    %dma_wait3A_1780 = tpu.memref_slice %arg6[%dma_wait3A_1778, %dma_wait3A_1779] : memref<4096x768xf32, #tpu.memory_space<hbm>> -> memref<4096x768xf32, #tpu.memory_space<hbm>>
    tpu.wait_indirect_dma semaphore(%arg24 : memref<!tpu.dma_semaphore, #tpu.memory_space<semaphore_mem>>) src(%dma_wait3A_1780 : memref<4096x768xf32, #tpu.memory_space<hbm>>) dst(%arg19 : memref<64x768xf32, #tpu.memory_space<vmem>>)
    %add3A_1781 = arith.constant 64 : i32
    %add3A_1782 = arith.addi %mul3A_1764, %add3A_1781 : i32
    "tpu.region"() ({
      %run_scoped3A_1813 = tpu.sem_alloc : memref<!tpu.dma_semaphore, #tpu.memory_space<semaphore_mem>>
      %dma_start3A_1814 = arith.constant 0 : i32
      %dma_start3A_1815 = tpu.memref_slice %arg9[%add3A_1782, %dma_start3A_1814] : memref<10240x768xf32, #tpu.memory_space<hbm>> -> memref<64x768xf32, #tpu.memory_space<hbm>>
      %dma_start3A_1816 = arith.constant 0 : i32
      %dma_start3A_1817 = tpu.memref_slice %arg9[%add3A_1782, %dma_start3A_1816] : memref<10240x768xf32, #tpu.memory_space<hbm>> -> memref<64x768xf32, #tpu.memory_space<hbm>>
      tpu.enqueue_dma source(%arg19 : memref<64x768xf32, #tpu.memory_space<vmem>>) target(%dma_start3A_1817 : memref<64x768xf32, #tpu.memory_space<hbm>>) target_semaphore(%run_scoped3A_1813 : memref<!tpu.dma_semaphore, #tpu.memory_space<semaphore_mem>>)
      %dma_wait3A_1818 = arith.constant 0 : i32
      %dma_wait3A_1819 = tpu.memref_slice %arg9[%add3A_1782, %dma_wait3A_1818] : memref<10240x768xf32, #tpu.memory_space<hbm>> -> memref<64x768xf32, #tpu.memory_space<hbm>>
      %dma_wait3A_1820 = arith.constant 0 : i32
      %dma_wait3A_1821 = tpu.memref_slice %arg9[%add3A_1782, %dma_wait3A_1820] : memref<10240x768xf32, #tpu.memory_space<hbm>> -> memref<64x768xf32, #tpu.memory_space<hbm>>
      tpu.wait_dma2 semaphore(%run_scoped3A_1813 : memref<!tpu.dma_semaphore, #tpu.memory_space<semaphore_mem>>) src(%arg19 : memref<64x768xf32, #tpu.memory_space<vmem>>) dst(%dma_wait3A_1821 : memref<64x768xf32, #tpu.memory_space<hbm>>)
      tpu.yield
    }) : () -> ()
    %add3A_1783 = arith.constant 128 : i32
    %add3A_1784 = arith.addi %mul3A_1764, %add3A_1783 : i32
    "tpu.region"() ({
      %run_scoped3A_1813 = tpu.sem_alloc : memref<!tpu.dma_semaphore, #tpu.memory_space<semaphore_mem>>
      %dma_start3A_1814 = tpu.memref_slice %arg22[%add3A_1784] : memref<10240xi32, #tpu.memory_space<vmem_shared>> -> memref<64xi32, #tpu.memory_space<vmem_shared>>
      %dma_start3A_1815 = tpu.memref_slice %arg22[%add3A_1784] : memref<10240xi32, #tpu.memory_space<vmem_shared>> -> memref<64xi32, #tpu.memory_space<vmem_shared>>
      tpu.enqueue_dma source(%dma_start3A_1815 : memref<64xi32, #tpu.memory_space<vmem_shared>>) target(%arg18 : memref<64xi32, #tpu.memory_space<vmem>>) target_semaphore(%run_scoped3A_1813 : memref<!tpu.dma_semaphore, #tpu.memory_space<semaphore_mem>>)
      %dma_wait3A_1816 = tpu.memref_slice %arg22[%add3A_1784] : memref<10240xi32, #tpu.memory_space<vmem_shared>> -> memref<64xi32, #tpu.memory_space<vmem_shared>>
      %dma_wait3A_1817 = tpu.memref_slice %arg22[%add3A_1784] : memref<10240xi32, #tpu.memory_space<vmem_shared>> -> memref<64xi32, #tpu.memory_space<vmem_shared>>
      tpu.wait_dma2 semaphore(%run_scoped3A_1813 : memref<!tpu.dma_semaphore, #tpu.memory_space<semaphore_mem>>) src(%dma_wait3A_1817 : memref<64xi32, #tpu.memory_space<vmem_shared>>) dst(%arg18 : memref<64xi32, #tpu.memory_space<vmem>>)
      tpu.yield
    }) : () -> ()
    %dma_start3A_1785 = arith.constant 0 : i32
    %dma_start3A_1786 = arith.constant 0 : i32
    %dma_start3A_1787 = tpu.memref_slice %arg6[%dma_start3A_1785, %dma_start3A_1786] : memref<4096x768xf32, #tpu.memory_space<hbm>> -> memref<4096x768xf32, #tpu.memory_space<hbm>>
    tpu.enqueue_indirect_dma source(%dma_start3A_1787 : memref<4096x768xf32, #tpu.memory_space<hbm>>) target(%arg19 : memref<64x768xf32, #tpu.memory_space<vmem>>) offsets(%arg18 : memref<64xi32, #tpu.memory_space<vmem>>) semaphore(%arg24 : memref<!tpu.dma_semaphore, #tpu.memory_space<semaphore_mem>>)
    %dma_wait3A_1788 = arith.constant 0 : i32
    %dma_wait3A_1789 = arith.constant 0 : i32
    %dma_wait3A_1790 = tpu.memref_slice %arg6[%dma_wait3A_1788, %dma_wait3A_1789] : memref<4096x768xf32, #tpu.memory_space<hbm>> -> memref<4096x768xf32, #tpu.memory_space<hbm>>
    tpu.wait_indirect_dma semaphore(%arg24 : memref<!tpu.dma_semaphore, #tpu.memory_space<semaphore_mem>>) src(%dma_wait3A_1790 : memref<4096x768xf32, #tpu.memory_space<hbm>>) dst(%arg19 : memref<64x768xf32, #tpu.memory_space<vmem>>)
    %add3A_1791 = arith.constant 128 : i32
    %add3A_1792 = arith.addi %mul3A_1764, %add3A_1791 : i32
    "tpu.region"() ({
      %run_scoped3A_1813 = tpu.sem_alloc : memref<!tpu.dma_semaphore, #tpu.memory_space<semaphore_mem>>
      %dma_start3A_1814 = arith.constant 0 : i32
      %dma_start3A_1815 = tpu.memref_slice %arg9[%add3A_1792, %dma_start3A_1814] : memref<10240x768xf32, #tpu.memory_space<hbm>> -> memref<64x768xf32, #tpu.memory_space<hbm>>
      %dma_start3A_1816 = arith.constant 0 : i32
      %dma_start3A_1817 = tpu.memref_slice %arg9[%add3A_1792, %dma_start3A_1816] : memref<10240x768xf32, #tpu.memory_space<hbm>> -> memref<64x768xf32, #tpu.memory_space<hbm>>
      tpu.enqueue_dma source(%arg19 : memref<64x768xf32, #tpu.memory_space<vmem>>) target(%dma_start3A_1817 : memref<64x768xf32, #tpu.memory_space<hbm>>) target_semaphore(%run_scoped3A_1813 : memref<!tpu.dma_semaphore, #tpu.memory_space<semaphore_mem>>)
      %dma_wait3A_1818 = arith.constant 0 : i32
      %dma_wait3A_1819 = tpu.memref_slice %arg9[%add3A_1792, %dma_wait3A_1818] : memref<10240x768xf32, #tpu.memory_space<hbm>> -> memref<64x768xf32, #tpu.memory_space<hbm>>
      %dma_wait3A_1820 = arith.constant 0 : i32
      %dma_wait3A_1821 = tpu.memref_slice %arg9[%add3A_1792, %dma_wait3A_1820] : memref<10240x768xf32, #tpu.memory_space<hbm>> -> memref<64x768xf32, #tpu.memory_space<hbm>>
      tpu.wait_dma2 semaphore(%run_scoped3A_1813 : memref<!tpu.dma_semaphore, #tpu.memory_space<semaphore_mem>>) src(%arg19 : memref<64x768xf32, #tpu.memory_space<vmem>>) dst(%dma_wait3A_1821 : memref<64x768xf32, #tpu.memory_space<hbm>>)
      tpu.yield
    }) : () -> ()
    %add3A_1793 = arith.constant 192 : i32
    %add3A_1794 = arith.addi %mul3A_1764, %add3A_1793 : i32
    "tpu.region"() ({
      %run_scoped3A_1813 = tpu.sem_alloc : memref<!tpu.dma_semaphore, #tpu.memory_space<semaphore_mem>>
      %dma_start3A_1814 = tpu.memref_slice %arg22[%add3A_1794] : memref<10240xi32, #tpu.memory_space<vmem_shared>> -> memref<64xi32, #tpu.memory_space<vmem_shared>>
      %dma_start3A_1815 = tpu.memref_slice %arg22[%add3A_1794] : memref<10240xi32, #tpu.memory_space<vmem_shared>> -> memref<64xi32, #tpu.memory_space<vmem_shared>>
      tpu.enqueue_dma source(%dma_start3A_1815 : memref<64xi32, #tpu.memory_space<vmem_shared>>) target(%arg18 : memref<64xi32, #tpu.memory_space<vmem>>) target_semaphore(%run_scoped3A_1813 : memref<!tpu.dma_semaphore, #tpu.memory_space<semaphore_mem>>)
      %dma_wait3A_1816 = tpu.memref_slice %arg22[%add3A_1794] : memref<10240xi32, #tpu.memory_space<vmem_shared>> -> memref<64xi32, #tpu.memory_space<vmem_shared>>
      %dma_wait3A_1817 = tpu.memref_slice %arg22[%add3A_1794] : memref<10240xi32, #tpu.memory_space<vmem_shared>> -> memref<64xi32, #tpu.memory_space<vmem_shared>>
      tpu.wait_dma2 semaphore(%run_scoped3A_1813 : memref<!tpu.dma_semaphore, #tpu.memory_space<semaphore_mem>>) src(%dma_wait3A_1817 : memref<64xi32, #tpu.memory_space<vmem_shared>>) dst(%arg18 : memref<64xi32, #tpu.memory_space<vmem>>)
      tpu.yield
    }) : () -> ()
    %dma_start3A_1795 = arith.constant 0 : i32
    %dma_start3A_1796 = arith.constant 0 : i32
    %dma_start3A_1797 = tpu.memref_slice %arg6[%dma_start3A_1795, %dma_start3A_1796] : memref<4096x768xf32, #tpu.memory_space<hbm>> -> memref<4096x768xf32, #tpu.memory_space<hbm>>
    tpu.enqueue_indirect_dma source(%dma_start3A_1797 : memref<4096x768xf32, #tpu.memory_space<hbm>>) target(%arg19 : memref<64x768xf32, #tpu.memory_space<vmem>>) offsets(%arg18 : memref<64xi32, #tpu.memory_space<vmem>>) semaphore(%arg24 : memref<!tpu.dma_semaphore, #tpu.memory_space<semaphore_mem>>)
    %dma_wait3A_1798 = arith.constant 0 : i32
    %dma_wait3A_1799 = arith.constant 0 : i32
    %dma_wait3A_1800 = tpu.memref_slice %arg6[%dma_wait3A_1798, %dma_wait3A_1799] : memref<4096x768xf32, #tpu.memory_space<hbm>> -> memref<4096x768xf32, #tpu.memory_space<hbm>>
    tpu.wait_indirect_dma semaphore(%arg24 : memref<!tpu.dma_semaphore, #tpu.memory_space<semaphore_mem>>) src(%dma_wait3A_1800 : memref<4096x768xf32, #tpu.memory_space<hbm>>) dst(%arg19 : memref<64x768xf32, #tpu.memory_space<vmem>>)
    %add3A_1801 = arith.constant 192 : i32
    %add3A_1802 = arith.addi %mul3A_1764, %add3A_1801 : i32
    "tpu.region"() ({
      %run_scoped3A_1813 = tpu.sem_alloc : memref<!tpu.dma_semaphore, #tpu.memory_space<semaphore_mem>>
      %dma_start3A_1814 = arith.constant 0 : i32
      %dma_start3A_1815 = tpu.memref_slice %arg9[%add3A_1802, %dma_start3A_1814] : memref<10240x768xf32, #tpu.memory_space<hbm>> -> memref<64x768xf32, #tpu.memory_space<hbm>>
      %dma_start3A_1816 = arith.constant 0 : i32
      %dma_start3A_1817 = tpu.memref_slice %arg9[%add3A_1802, %dma_start3A_1816] : memref<10240x768xf32, #tpu.memory_space<hbm>> -> memref<64x768xf32, #tpu.memory_space<hbm>>
      tpu.enqueue_dma source(%arg19 : memref<64x768xf32, #tpu.memory_space<vmem>>) target(%dma_start3A_1817 : memref<64x768xf32, #tpu.memory_space<hbm>>) target_semaphore(%run_scoped3A_1813 : memref<!tpu.dma_semaphore, #tpu.memory_space<semaphore_mem>>)
      %dma_wait3A_1818 = arith.constant 0 : i32
      %dma_wait3A_1819 = tpu.memref_slice %arg9[%add3A_1802, %dma_wait3A_1818] : memref<10240x768xf32, #tpu.memory_space<hbm>> -> memref<64x768xf32, #tpu.memory_space<hbm>>
      %dma_wait3A_1820 = arith.constant 0 : i32
      %dma_wait3A_1821 = tpu.memref_slice %arg9[%add3A_1802, %dma_wait3A_1820] : memref<10240x768xf32, #tpu.memory_space<hbm>> -> memref<64x768xf32, #tpu.memory_space<hbm>>
      tpu.wait_dma2 semaphore(%run_scoped3A_1813 : memref<!tpu.dma_semaphore, #tpu.memory_space<semaphore_mem>>) src(%arg19 : memref<64x768xf32, #tpu.memory_space<vmem>>) dst(%dma_wait3A_1821 : memref<64x768xf32, #tpu.memory_space<hbm>>)
      tpu.yield
    }) : () -> ()
    %add3A_1803 = arith.constant 256 : i32
    %add3A_1804 = arith.addi %mul3A_1764, %add3A_1803 : i32
    "tpu.region"() ({
      %run_scoped3A_1813 = tpu.sem_alloc : memref<!tpu.dma_semaphore, #tpu.memory_space<semaphore_mem>>
      %dma_start3A_1814 = tpu.memref_slice %arg22[%add3A_1804] : memref<10240xi32, #tpu.memory_space<vmem_shared>> -> memref<64xi32, #tpu.memory_space<vmem_shared>>
      %dma_start3A_1815 = tpu.memref_slice %arg22[%add3A_1804] : memref<10240xi32, #tpu.memory_space<vmem_shared>> -> memref<64xi32, #tpu.memory_space<vmem_shared>>
      tpu.enqueue_dma source(%dma_start3A_1815 : memref<64xi32, #tpu.memory_space<vmem_shared>>) target(%arg18 : memref<64xi32, #tpu.memory_space<vmem>>) target_semaphore(%run_scoped3A_1813 : memref<!tpu.dma_semaphore, #tpu.memory_space<semaphore_mem>>)
      %dma_wait3A_1816 = tpu.memref_slice %arg22[%add3A_1804] : memref<10240xi32, #tpu.memory_space<vmem_shared>> -> memref<64xi32, #tpu.memory_space<vmem_shared>>
      %dma_wait3A_1817 = tpu.memref_slice %arg22[%add3A_1804] : memref<10240xi32, #tpu.memory_space<vmem_shared>> -> memref<64xi32, #tpu.memory_space<vmem_shared>>
      tpu.wait_dma2 semaphore(%run_scoped3A_1813 : memref<!tpu.dma_semaphore, #tpu.memory_space<semaphore_mem>>) src(%dma_wait3A_1817 : memref<64xi32, #tpu.memory_space<vmem_shared>>) dst(%arg18 : memref<64xi32, #tpu.memory_space<vmem>>)
      tpu.yield
    }) : () -> ()
    %dma_start3A_1805 = arith.constant 0 : i32
    %dma_start3A_1806 = arith.constant 0 : i32
    %dma_start3A_1807 = tpu.memref_slice %arg6[%dma_start3A_1805, %dma_start3A_1806] : memref<4096x768xf32, #tpu.memory_space<hbm>> -> memref<4096x768xf32, #tpu.memory_space<hbm>>
    tpu.enqueue_indirect_dma source(%dma_start3A_1807 : memref<4096x768xf32, #tpu.memory_space<hbm>>) target(%arg19 : memref<64x768xf32, #tpu.memory_space<vmem>>) offsets(%arg18 : memref<64xi32, #tpu.memory_space<vmem>>) semaphore(%arg24 : memref<!tpu.dma_semaphore, #tpu.memory_space<semaphore_mem>>)
    %dma_wait3A_1808 = arith.constant 0 : i32
    %dma_wait3A_1809 = arith.constant 0 : i32
    %dma_wait3A_1810 = tpu.memref_slice %arg6[%dma_wait3A_1808, %dma_wait3A_1809] : memref<4096x768xf32, #tpu.memory_space<hbm>> -> memref<4096x768xf32, #tpu.memory_space<hbm>>
    tpu.wait_indirect_dma semaphore(%arg24 : memref<!tpu.dma_semaphore, #tpu.memory_space<semaphore_mem>>) src(%dma_wait3A_1810 : memref<4096x768xf32, #tpu.memory_space<hbm>>) dst(%arg19 : memref<64x768xf32, #tpu.memory_space<vmem>>)
    %add3A_1811 = arith.constant 256 : i32
    %add3A_1812 = arith.addi %mul3A_1764, %add3A_1811 : i32
    "tpu.region"() ({
      %run_scoped3A_1813 = tpu.sem_alloc : memref<!tpu.dma_semaphore, #tpu.memory_space<semaphore_mem>>
      %dma_start3A_1814 = arith.constant 0 : i32
      %dma_start3A_1815 = tpu.memref_slice %arg9[%add3A_1812, %dma_start3A_1814] : memref<10240x768xf32, #tpu.memory_space<hbm>> -> memref<64x768xf32, #tpu.memory_space<hbm>>
      %dma_start3A_1816 = arith.constant 0 : i32
      %dma_start3A_1817 = tpu.memref_slice %arg9[%add3A_1812, %dma_start3A_1816] : memref<10240x768xf32, #tpu.memory_space<hbm>> -> memref<64x768xf32, #tpu.memory_space<hbm>>
      tpu.enqueue_dma source(%arg19 : memref<64x768xf32, #tpu.memory_space<vmem>>) target(%dma_start3A_1817 : memref<64x768xf32, #tpu.memory_space<hbm>>) target_semaphore(%run_scoped3A_1813 : memref<!tpu.dma_semaphore, #tpu.memory_space<semaphore_mem>>)
      %dma_wait3A_1818 = arith.constant 0 : i32
      %dma_wait3A_1819 = tpu.memref_slice %arg9[%add3A_1812, %dma_wait3A_1818] : memref<10240x768xf32, #tpu.memory_space<hbm>> -> memref<64x768xf32, #tpu.memory_space<hbm>>
      %dma_wait3A_1820 = arith.constant 0 : i32
      %dma_wait3A_1821 = tpu.memref_slice %arg9[%add3A_1812, %dma_wait3A_1820] : memref<10240x768xf32, #tpu.memory_space<hbm>> -> memref<64x768xf32, #tpu.memory_space<hbm>>
      tpu.wait_dma2 semaphore(%run_scoped3A_1813 : memref<!tpu.dma_semaphore, #tpu.memory_space<semaphore_mem>>) src(%arg19 : memref<64x768xf32, #tpu.memory_space<vmem>>) dst(%dma_wait3A_1821 : memref<64x768xf32, #tpu.memory_space<hbm>>)
      tpu.yield
    }) : () -> ()
    return
  }
}

module attributes {stable_mosaic.version = 14 : i64} {
  func.func @_gate_body(%arg0: i32, %arg1: memref<2048x768xf32, #tpu.memory_space<vmem>>, %arg2: memref<768x8xf32, #tpu.memory_space<vmem>>, %arg3: memref<2048x2xi32, #tpu.memory_space<vmem>>, %arg4: memref<2048x2xf32, #tpu.memory_space<vmem>>, %arg5: memref<2048x2xi32, #tpu.memory_space<vmem>>, %arg6: memref<1x16xi32, #tpu.memory_space<vmem>>, %arg7: memref<48x1xi32, #tpu.memory_space<vmem>>, %arg8: memref<1x1x8xf32, #tpu.memory_space<vmem>>, %arg9: memref<1x1x8xf32, #tpu.memory_space<vmem>>, %arg10: memref<1x8xi32, #tpu.memory_space<vmem>>) attributes {dimension_semantics = [#tpu.dimension_semantics<arbitrary>], iteration_bounds = array<i64: 2>, scalar_prefetch = 0 : i64, scratch_operands = 1 : i64, tpu.core_type = #tpu.core_type<tc>, window_params = [{transform_indices = @transform_0, window_bounds = array<i64: 2048, 768>}, {pipeline_mode = #tpu.pipeline_mode<synchronous>, transform_indices = @transform_1, window_bounds = array<i64: 768, 8>}, {transform_indices = @transform_2, window_bounds = array<i64: 2048, 2>}, {transform_indices = @transform_3, window_bounds = array<i64: 2048, 2>}, {transform_indices = @transform_4, window_bounds = array<i64: 2048, 2>}, {pipeline_mode = #tpu.pipeline_mode<synchronous>, transform_indices = @transform_5, window_bounds = array<i64: 1, 16>}, {pipeline_mode = #tpu.pipeline_mode<synchronous>, transform_indices = @transform_6, window_bounds = array<i64: 48, 1>}, {transform_indices = @transform_7, window_bounds = array<i64: 1, 1, 8>}, {transform_indices = @transform_8, window_bounds = array<i64: 1, 1, 8>}]} {
    %get3A = arith.constant 0 : index
    %get3A_0 = arith.constant 0 : index
    %get3A_1 = vector.load %arg1[%get3A, %get3A_0] : memref<2048x768xf32, #tpu.memory_space<vmem>>, vector<2048x768xf32>
    %convert_element_type3A = arith.truncf %get3A_1 : vector<2048x768xf32> to vector<2048x768xbf16>
    %get3A_2 = arith.constant 0 : index
    %get3A_3 = arith.constant 0 : index
    %get3A_4 = vector.load %arg2[%get3A_2, %get3A_3] : memref<768x8xf32, #tpu.memory_space<vmem>>, vector<768x8xf32>
    %convert_element_type3A_5 = arith.truncf %get3A_4 : vector<768x8xf32> to vector<768x8xbf16>
    %dot_general3A = arith.constant dense<0.000000e+00> : vector<2048x8xf32>
    %dot_general3A_6 = tpu.matmul %convert_element_type3A, %convert_element_type3A_5, %dot_general3A {dimension_numbers = #tpu.dot_dimension_numbers<[1], [0], [0], [1], [0, 0, 1, 1], [], []>, transpose_lhs_hint = false} : vector<2048x768xbf16>, vector<768x8xbf16>, vector<2048x8xf32> -> vector<2048x8xf32>
    %iota3A = tpu.iota {dimensions = array<i32: 1>} : vector<2048x8xi32>
    %reduce_max3A = arith.constant dense<0xFF800000> : vector<2048xf32>
    %reduce_max3A_7 = vector.multi_reduction <maximumf>, %dot_general3A_6, %reduce_max3A [1] : vector<2048x8xf32> to vector<2048xf32>
    %broadcast_in_dim3A = vector.shape_cast %reduce_max3A_7 : vector<2048xf32> to vector<2048x1xf32>
    %eq3A = vector.broadcast %broadcast_in_dim3A : vector<2048x1xf32> to vector<2048x8xf32>
    %eq3A_8 = arith.cmpf oeq, %dot_general3A_6, %eq3A : vector<2048x8xf32>
    %jit3A = arith.constant 8 : i32
    %broadcast_in_dim3A_9 = vector.broadcast %jit3A : i32 to vector<2048x8xi32>
    %select_n3A = arith.select %eq3A_8, %iota3A, %broadcast_in_dim3A_9 : vector<2048x8xi1>, vector<2048x8xi32>
    %reduce_min3A = arith.constant dense<2147483647> : vector<2048xi32>
    %reduce_min3A_10 = vector.multi_reduction <minsi>, %select_n3A, %reduce_min3A [1] : vector<2048x8xi32> to vector<2048xi32>
    %broadcast_in_dim3A_11 = vector.shape_cast %reduce_min3A_10 : vector<2048xi32> to vector<2048x1xi32>
    %eq3A_12 = vector.broadcast %broadcast_in_dim3A_11 : vector<2048x1xi32> to vector<2048x8xi32>
    %eq3A_13 = arith.cmpi eq, %iota3A, %eq3A_12 : vector<2048x8xi32>
    %jit3A_14 = arith.constant 0xFF800000 : f32
    %broadcast_in_dim3A_15 = vector.broadcast %jit3A_14 : f32 to vector<2048x8xf32>
    %select_n3A_16 = arith.select %eq3A_13, %broadcast_in_dim3A_15, %dot_general3A_6 : vector<2048x8xi1>, vector<2048x8xf32>
    %reduce_max3A_17 = arith.constant dense<0xFF800000> : vector<2048xf32>
    %reduce_max3A_18 = vector.multi_reduction <maximumf>, %select_n3A_16, %reduce_max3A_17 [1] : vector<2048x8xf32> to vector<2048xf32>
    %broadcast_in_dim3A_19 = vector.shape_cast %reduce_max3A_18 : vector<2048xf32> to vector<2048x1xf32>
    %eq3A_20 = vector.broadcast %broadcast_in_dim3A_19 : vector<2048x1xf32> to vector<2048x8xf32>
    %eq3A_21 = arith.cmpf oeq, %select_n3A_16, %eq3A_20 : vector<2048x8xf32>
    %jit3A_22 = arith.constant 8 : i32
    %broadcast_in_dim3A_23 = vector.broadcast %jit3A_22 : i32 to vector<2048x8xi32>
    %select_n3A_24 = arith.select %eq3A_21, %iota3A, %broadcast_in_dim3A_23 : vector<2048x8xi1>, vector<2048x8xi32>
    %reduce_min3A_25 = arith.constant dense<2147483647> : vector<2048xi32>
    %reduce_min3A_26 = vector.multi_reduction <minsi>, %select_n3A_24, %reduce_min3A_25 [1] : vector<2048x8xi32> to vector<2048xi32>
    %broadcast_in_dim3A_27 = vector.shape_cast %reduce_min3A_26 : vector<2048xi32> to vector<2048x1xi32>
    %sub3A = arith.subf %broadcast_in_dim3A_19, %broadcast_in_dim3A : vector<2048x1xf32>
    %exp3A = math.exp %sub3A : vector<2048x1xf32>
    %add3A = arith.constant 1.000000e+00 : f32
    %add3A_28 = vector.broadcast %add3A : f32 to vector<2048x1xf32>
    %add3A_29 = arith.addf %add3A_28, %exp3A : vector<2048x1xf32>
    %div3A = arith.constant 1.000000e+00 : f32
    %div3A_30 = vector.broadcast %div3A : f32 to vector<2048x1xf32>
    %div3A_31 = arith.divf %div3A_30, %add3A_29 : vector<2048x1xf32>
    %add3A_32 = arith.constant 1.000000e+00 : f32
    %add3A_33 = vector.broadcast %add3A_32 : f32 to vector<2048x1xf32>
    %add3A_34 = arith.addf %add3A_33, %exp3A : vector<2048x1xf32>
    %div3A_35 = arith.divf %exp3A, %add3A_34 : vector<2048x1xf32>
    %eq3A_36 = vector.broadcast %broadcast_in_dim3A_11 : vector<2048x1xi32> to vector<2048x8xi32>
    %eq3A_37 = arith.cmpi eq, %iota3A, %eq3A_36 : vector<2048x8xi32>
    %jit3A_38 = arith.constant 0.000000e+00 : f32
    %broadcast_in_dim3A_39 = vector.shape_cast %div3A_31 : vector<2048x1xf32> to vector<2048x1xf32>
    %broadcast_in_dim3A_40 = vector.broadcast %broadcast_in_dim3A_39 : vector<2048x1xf32> to vector<2048x8xf32>
    %broadcast_in_dim3A_41 = vector.broadcast %jit3A_38 : f32 to vector<2048x8xf32>
    %select_n3A_42 = arith.select %eq3A_37, %broadcast_in_dim3A_40, %broadcast_in_dim3A_41 : vector<2048x8xi1>, vector<2048x8xf32>
    %eq3A_43 = vector.broadcast %broadcast_in_dim3A_27 : vector<2048x1xi32> to vector<2048x8xi32>
    %eq3A_44 = arith.cmpi eq, %iota3A, %eq3A_43 : vector<2048x8xi32>
    %jit3A_45 = arith.constant 0.000000e+00 : f32
    %broadcast_in_dim3A_46 = vector.shape_cast %div3A_35 : vector<2048x1xf32> to vector<2048x1xf32>
    %broadcast_in_dim3A_47 = vector.broadcast %broadcast_in_dim3A_46 : vector<2048x1xf32> to vector<2048x8xf32>
    %broadcast_in_dim3A_48 = vector.broadcast %jit3A_45 : f32 to vector<2048x8xf32>
    %select_n3A_49 = arith.select %eq3A_44, %broadcast_in_dim3A_47, %broadcast_in_dim3A_48 : vector<2048x8xi1>, vector<2048x8xf32>
    %add3A_50 = arith.addf %select_n3A_42, %select_n3A_49 : vector<2048x8xf32>
    %reduce_sum3A = arith.constant dense<0.000000e+00> : vector<8xf32>
    %reduce_sum3A_51 = vector.multi_reduction <add>, %add3A_50, %reduce_sum3A [0] : vector<2048x8xf32> to vector<8xf32>
    %swap3A = arith.constant 0 : index
    %swap3A_52 = arith.constant 0 : index
    %swap3A_53 = arith.constant 0 : index
    %swap3A_54 = vector.load %arg8[%swap3A, %swap3A_52, %swap3A_53] : memref<1x1x8xf32, #tpu.memory_space<vmem>>, vector<1x1x8xf32>
    %swap3A_55 = vector.shape_cast %swap3A_54 : vector<1x1x8xf32> to vector<8xf32>
    %swap3A_56 = vector.shape_cast %reduce_sum3A_51 : vector<8xf32> to vector<1x1x8xf32>
    tpu.vector_store %arg8[%swap3A, %swap3A_52, %swap3A_53], %swap3A_56 {strides = array<i32>} : memref<1x1x8xf32, #tpu.memory_space<vmem>>, vector<1x1x8xf32>,
    %gt3A = arith.constant 0.000000e+00 : f32
    %gt3A_57 = vector.broadcast %gt3A : f32 to vector<2048x8xf32>
    %gt3A_58 = arith.cmpf ogt, %add3A_50, %gt3A_57 : vector<2048x8xf32>
    %convert_element_type3A_59 = arith.extui %gt3A_58 : vector<2048x8xi1> to vector<2048x8xi32>
    %convert_element_type3A_60 = arith.sitofp %convert_element_type3A_59 : vector<2048x8xi32> to vector<2048x8xf32>
    %reduce_sum3A_61 = arith.constant dense<0.000000e+00> : vector<8xf32>
    %reduce_sum3A_62 = vector.multi_reduction <add>, %convert_element_type3A_60, %reduce_sum3A_61 [0] : vector<2048x8xf32> to vector<8xf32>
    %swap3A_63 = arith.constant 0 : index
    %swap3A_64 = arith.constant 0 : index
    %swap3A_65 = arith.constant 0 : index
    %swap3A_66 = vector.load %arg9[%swap3A_63, %swap3A_64, %swap3A_65] : memref<1x1x8xf32, #tpu.memory_space<vmem>>, vector<1x1x8xf32>
    %swap3A_67 = vector.shape_cast %swap3A_66 : vector<1x1x8xf32> to vector<8xf32>
    %swap3A_68 = vector.shape_cast %reduce_sum3A_62 : vector<8xf32> to vector<1x1x8xf32>
    tpu.vector_store %arg9[%swap3A_63, %swap3A_64, %swap3A_65], %swap3A_68 {strides = array<i32>} : memref<1x1x8xf32, #tpu.memory_space<vmem>>, vector<1x1x8xf32>,
    %eq3A_69 = arith.constant 0 : i32
    %eq3A_70 = arith.cmpi eq, %arg0, %eq3A_69 : i32
    %convert_element_type3A_71 = arith.extui %eq3A_70 : i1 to i32
    %cond3A = arith.constant 0 : i32
    %cond3A_72 = arith.cmpi ne, %convert_element_type3A_71, %cond3A : i32
    scf.if %cond3A_72 {
      %broadcast_in_dim3A_180 = arith.constant 0 : i32
      %broadcast_in_dim3A_181 = vector.broadcast %broadcast_in_dim3A_180 : i32 to vector<1x8xi32>
      %swap3A_182 = arith.constant 0 : index
      %swap3A_183 = arith.constant 0 : index
      %swap3A_184 = vector.load %arg10[%swap3A_182, %swap3A_183] : memref<1x8xi32, #tpu.memory_space<vmem>>, vector<1x8xi32>
      tpu.vector_store %arg10[%swap3A_182, %swap3A_183], %broadcast_in_dim3A_181 {strides = array<i32>} : memref<1x8xi32, #tpu.memory_space<vmem>>, vector<1x8xi32>,
    } else {
    }
    %eq3A_73 = vector.broadcast %broadcast_in_dim3A_11 : vector<2048x1xi32> to vector<2048x8xi32>
    %eq3A_74 = arith.cmpi eq, %iota3A, %eq3A_73 : vector<2048x8xi32>
    %eq3A_75 = vector.broadcast %broadcast_in_dim3A_27 : vector<2048x1xi32> to vector<2048x8xi32>
    %eq3A_76 = arith.cmpi eq, %iota3A, %eq3A_75 : vector<2048x8xi32>
    %or3A = arith.ori %eq3A_74, %eq3A_76 : vector<2048x8xi1>
    %convert_element_type3A_77 = arith.extui %or3A : vector<2048x8xi1> to vector<2048x8xi32>
    %broadcast_in_dim3A_78 = arith.constant 0 : i32
    %broadcast_in_dim3A_79 = vector.broadcast %broadcast_in_dim3A_78 : i32 to vector<1x8xi32>
    %slice3A = vector.extract_strided_slice %convert_element_type3A_77 {offsets = [0, 0], sizes = [2047, 8], strides = [1, 1]} : vector<2048x8xi32> to vector<2047x8xi32>
    %concatenate3A = tpu.concatenate %broadcast_in_dim3A_79, %slice3A in 0 : vector<1x8xi32>, vector<2047x8xi32> -> vector<2048x8xi32>
    %add3A_80 = arith.addi %convert_element_type3A_77, %concatenate3A : vector<2048x8xi32>
    %broadcast_in_dim3A_81 = arith.constant 0 : i32
    %broadcast_in_dim3A_82 = vector.broadcast %broadcast_in_dim3A_81 : i32 to vector<2x8xi32>
    %slice3A_83 = vector.extract_strided_slice %add3A_80 {offsets = [0, 0], sizes = [2046, 8], strides = [1, 1]} : vector<2048x8xi32> to vector<2046x8xi32>
    %concatenate3A_84 = tpu.concatenate %broadcast_in_dim3A_82, %slice3A_83 in 0 : vector<2x8xi32>, vector<2046x8xi32> -> vector<2048x8xi32>
    %add3A_85 = arith.addi %add3A_80, %concatenate3A_84 : vector<2048x8xi32>
    %broadcast_in_dim3A_86 = arith.constant 0 : i32
    %broadcast_in_dim3A_87 = vector.broadcast %broadcast_in_dim3A_86 : i32 to vector<4x8xi32>
    %slice3A_88 = vector.extract_strided_slice %add3A_85 {offsets = [0, 0], sizes = [2044, 8], strides = [1, 1]} : vector<2048x8xi32> to vector<2044x8xi32>
    %concatenate3A_89 = tpu.concatenate %broadcast_in_dim3A_87, %slice3A_88 in 0 : vector<4x8xi32>, vector<2044x8xi32> -> vector<2048x8xi32>
    %add3A_90 = arith.addi %add3A_85, %concatenate3A_89 : vector<2048x8xi32>
    %broadcast_in_dim3A_91 = arith.constant 0 : i32
    %broadcast_in_dim3A_92 = vector.broadcast %broadcast_in_dim3A_91 : i32 to vector<8x8xi32>
    %slice3A_93 = vector.extract_strided_slice %add3A_90 {offsets = [0, 0], sizes = [2040, 8], strides = [1, 1]} : vector<2048x8xi32> to vector<2040x8xi32>
    %concatenate3A_94 = tpu.concatenate %broadcast_in_dim3A_92, %slice3A_93 in 0 : vector<8x8xi32>, vector<2040x8xi32> -> vector<2048x8xi32>
    %add3A_95 = arith.addi %add3A_90, %concatenate3A_94 : vector<2048x8xi32>
    %broadcast_in_dim3A_96 = arith.constant 0 : i32
    %broadcast_in_dim3A_97 = vector.broadcast %broadcast_in_dim3A_96 : i32 to vector<16x8xi32>
    %slice3A_98 = vector.extract_strided_slice %add3A_95 {offsets = [0, 0], sizes = [2032, 8], strides = [1, 1]} : vector<2048x8xi32> to vector<2032x8xi32>
    %concatenate3A_99 = tpu.concatenate %broadcast_in_dim3A_97, %slice3A_98 in 0 : vector<16x8xi32>, vector<2032x8xi32> -> vector<2048x8xi32>
    %add3A_100 = arith.addi %add3A_95, %concatenate3A_99 : vector<2048x8xi32>
    %broadcast_in_dim3A_101 = arith.constant 0 : i32
    %broadcast_in_dim3A_102 = vector.broadcast %broadcast_in_dim3A_101 : i32 to vector<32x8xi32>
    %slice3A_103 = vector.extract_strided_slice %add3A_100 {offsets = [0, 0], sizes = [2016, 8], strides = [1, 1]} : vector<2048x8xi32> to vector<2016x8xi32>
    %concatenate3A_104 = tpu.concatenate %broadcast_in_dim3A_102, %slice3A_103 in 0 : vector<32x8xi32>, vector<2016x8xi32> -> vector<2048x8xi32>
    %add3A_105 = arith.addi %add3A_100, %concatenate3A_104 : vector<2048x8xi32>
    %broadcast_in_dim3A_106 = arith.constant 0 : i32
    %broadcast_in_dim3A_107 = vector.broadcast %broadcast_in_dim3A_106 : i32 to vector<64x8xi32>
    %slice3A_108 = vector.extract_strided_slice %add3A_105 {offsets = [0, 0], sizes = [1984, 8], strides = [1, 1]} : vector<2048x8xi32> to vector<1984x8xi32>
    %concatenate3A_109 = tpu.concatenate %broadcast_in_dim3A_107, %slice3A_108 in 0 : vector<64x8xi32>, vector<1984x8xi32> -> vector<2048x8xi32>
    %add3A_110 = arith.addi %add3A_105, %concatenate3A_109 : vector<2048x8xi32>
    %broadcast_in_dim3A_111 = arith.constant 0 : i32
    %broadcast_in_dim3A_112 = vector.broadcast %broadcast_in_dim3A_111 : i32 to vector<128x8xi32>
    %slice3A_113 = vector.extract_strided_slice %add3A_110 {offsets = [0, 0], sizes = [1920, 8], strides = [1, 1]} : vector<2048x8xi32> to vector<1920x8xi32>
    %concatenate3A_114 = tpu.concatenate %broadcast_in_dim3A_112, %slice3A_113 in 0 : vector<128x8xi32>, vector<1920x8xi32> -> vector<2048x8xi32>
    %add3A_115 = arith.addi %add3A_110, %concatenate3A_114 : vector<2048x8xi32>
    %broadcast_in_dim3A_116 = arith.constant 0 : i32
    %broadcast_in_dim3A_117 = vector.broadcast %broadcast_in_dim3A_116 : i32 to vector<256x8xi32>
    %slice3A_118 = vector.extract_strided_slice %add3A_115 {offsets = [0, 0], sizes = [1792, 8], strides = [1, 1]} : vector<2048x8xi32> to vector<1792x8xi32>
    %concatenate3A_119 = tpu.concatenate %broadcast_in_dim3A_117, %slice3A_118 in 0 : vector<256x8xi32>, vector<1792x8xi32> -> vector<2048x8xi32>
    %add3A_120 = arith.addi %add3A_115, %concatenate3A_119 : vector<2048x8xi32>
    %broadcast_in_dim3A_121 = arith.constant 0 : i32
    %broadcast_in_dim3A_122 = vector.broadcast %broadcast_in_dim3A_121 : i32 to vector<512x8xi32>
    %slice3A_123 = vector.extract_strided_slice %add3A_120 {offsets = [0, 0], sizes = [1536, 8], strides = [1, 1]} : vector<2048x8xi32> to vector<1536x8xi32>
    %concatenate3A_124 = tpu.concatenate %broadcast_in_dim3A_122, %slice3A_123 in 0 : vector<512x8xi32>, vector<1536x8xi32> -> vector<2048x8xi32>
    %add3A_125 = arith.addi %add3A_120, %concatenate3A_124 : vector<2048x8xi32>
    %broadcast_in_dim3A_126 = arith.constant 0 : i32
    %broadcast_in_dim3A_127 = vector.broadcast %broadcast_in_dim3A_126 : i32 to vector<1024x8xi32>
    %slice3A_128 = vector.extract_strided_slice %add3A_125 {offsets = [0, 0], sizes = [1024, 8], strides = [1, 1]} : vector<2048x8xi32> to vector<1024x8xi32>
    %concatenate3A_129 = tpu.concatenate %broadcast_in_dim3A_127, %slice3A_128 in 0 : vector<1024x8xi32>, vector<1024x8xi32> -> vector<2048x8xi32>
    %add3A_130 = arith.addi %add3A_125, %concatenate3A_129 : vector<2048x8xi32>
    %sub3A_131 = arith.subi %add3A_130, %convert_element_type3A_77 : vector<2048x8xi32>
    %get3A_132 = arith.constant 0 : index
    %get3A_133 = arith.constant 0 : index
    %get3A_134 = vector.load %arg10[%get3A_132, %get3A_133] : memref<1x8xi32, #tpu.memory_space<vmem>>, vector<1x8xi32>
    %add3A_135 = vector.broadcast %get3A_134 : vector<1x8xi32> to vector<2048x8xi32>
    %add3A_136 = arith.addi %sub3A_131, %add3A_135 : vector<2048x8xi32>
    %eq3A_137 = vector.broadcast %broadcast_in_dim3A_11 : vector<2048x1xi32> to vector<2048x8xi32>
    %eq3A_138 = arith.cmpi eq, %iota3A, %eq3A_137 : vector<2048x8xi32>
    %jit3A_139 = arith.constant 0 : i32
    %broadcast_in_dim3A_140 = vector.broadcast %jit3A_139 : i32 to vector<2048x8xi32>
    %select_n3A_141 = arith.select %eq3A_138, %add3A_136, %broadcast_in_dim3A_140 : vector<2048x8xi1>, vector<2048x8xi32>
    %reduce_sum3A_142 = arith.constant dense<0> : vector<2048xi32>
    %reduce_sum3A_143 = vector.multi_reduction <add>, %select_n3A_141, %reduce_sum3A_142 [1] : vector<2048x8xi32> to vector<2048xi32>
    %broadcast_in_dim3A_144 = vector.shape_cast %reduce_sum3A_143 : vector<2048xi32> to vector<2048x1xi32>
    %eq3A_145 = vector.broadcast %broadcast_in_dim3A_27 : vector<2048x1xi32> to vector<2048x8xi32>
    %eq3A_146 = arith.cmpi eq, %iota3A, %eq3A_145 : vector<2048x8xi32>
    %jit3A_147 = arith.constant 0 : i32
    %broadcast_in_dim3A_148 = vector.broadcast %jit3A_147 : i32 to vector<2048x8xi32>
    %select_n3A_149 = arith.select %eq3A_146, %add3A_136, %broadcast_in_dim3A_148 : vector<2048x8xi1>, vector<2048x8xi32>
    %reduce_sum3A_150 = arith.constant dense<0> : vector<2048xi32>
    %reduce_sum3A_151 = vector.multi_reduction <add>, %select_n3A_149, %reduce_sum3A_150 [1] : vector<2048x8xi32> to vector<2048xi32>
    %broadcast_in_dim3A_152 = vector.shape_cast %reduce_sum3A_151 : vector<2048xi32> to vector<2048x1xi32>
    %concatenate3A_153 = tpu.concatenate %broadcast_in_dim3A_11, %broadcast_in_dim3A_27 in 1 : vector<2048x1xi32>, vector<2048x1xi32> -> vector<2048x2xi32>
    %swap3A_154 = arith.constant 0 : index
    %swap3A_155 = arith.constant 0 : index
    %swap3A_156 = vector.load %arg3[%swap3A_154, %swap3A_155] : memref<2048x2xi32, #tpu.memory_space<vmem>>, vector<2048x2xi32>
    tpu.vector_store %arg3[%swap3A_154, %swap3A_155], %concatenate3A_153 {strides = array<i32>} : memref<2048x2xi32, #tpu.memory_space<vmem>>, vector<2048x2xi32>,
    %concatenate3A_157 = tpu.concatenate %div3A_31, %div3A_35 in 1 : vector<2048x1xf32>, vector<2048x1xf32> -> vector<2048x2xf32>
    %swap3A_158 = arith.constant 0 : index
    %swap3A_159 = arith.constant 0 : index
    %swap3A_160 = vector.load %arg4[%swap3A_158, %swap3A_159] : memref<2048x2xf32, #tpu.memory_space<vmem>>, vector<2048x2xf32>
    tpu.vector_store %arg4[%swap3A_158, %swap3A_159], %concatenate3A_157 {strides = array<i32>} : memref<2048x2xf32, #tpu.memory_space<vmem>>, vector<2048x2xf32>,
    %concatenate3A_161 = tpu.concatenate %broadcast_in_dim3A_144, %broadcast_in_dim3A_152 in 1 : vector<2048x1xi32>, vector<2048x1xi32> -> vector<2048x2xi32>
    %swap3A_162 = arith.constant 0 : index
    %swap3A_163 = arith.constant 0 : index
    %swap3A_164 = vector.load %arg5[%swap3A_162, %swap3A_163] : memref<2048x2xi32, #tpu.memory_space<vmem>>, vector<2048x2xi32>
    tpu.vector_store %arg5[%swap3A_162, %swap3A_163], %concatenate3A_161 {strides = array<i32>} : memref<2048x2xi32, #tpu.memory_space<vmem>>, vector<2048x2xi32>,
    %get3A_165 = arith.constant 0 : index
    %get3A_166 = arith.constant 0 : index
    %get3A_167 = vector.load %arg10[%get3A_165, %get3A_166] : memref<1x8xi32, #tpu.memory_space<vmem>>, vector<1x8xi32>
    %reduce_sum3A_168 = arith.constant dense<0> : vector<8xi32>
    %reduce_sum3A_169 = vector.multi_reduction <add>, %convert_element_type3A_77, %reduce_sum3A_168 [0] : vector<2048x8xi32> to vector<8xi32>
    %broadcast_in_dim3A_170 = vector.shape_cast %reduce_sum3A_169 : vector<8xi32> to vector<1x8xi32>
    %add3A_171 = arith.addi %get3A_167, %broadcast_in_dim3A_170 : vector<1x8xi32>
    %swap3A_172 = arith.constant 0 : index
    %swap3A_173 = arith.constant 0 : index
    %swap3A_174 = vector.load %arg10[%swap3A_172, %swap3A_173] : memref<1x8xi32, #tpu.memory_space<vmem>>, vector<1x8xi32>
    tpu.vector_store %arg10[%swap3A_172, %swap3A_173], %add3A_171 {strides = array<i32>} : memref<1x8xi32, #tpu.memory_space<vmem>>, vector<1x8xi32>,
    %eq3A_175 = arith.constant 1 : i32
    %eq3A_176 = arith.cmpi eq, %arg0, %eq3A_175 : i32
    %convert_element_type3A_177 = arith.extui %eq3A_176 : i1 to i32
    %cond3A_178 = arith.constant 0 : i32
    %cond3A_179 = arith.cmpi ne, %convert_element_type3A_177, %cond3A_178 : i32
    scf.if %cond3A_179 {
      %broadcast_in_dim3A_180 = arith.constant 0 : i32
      %broadcast_in_dim3A_181 = vector.broadcast %broadcast_in_dim3A_180 : i32 to vector<1x8xi32>
      %concatenate3A_182 = tpu.concatenate %add3A_171, %broadcast_in_dim3A_181 in 1 : vector<1x8xi32>, vector<1x8xi32> -> vector<1x16xi32>
      %swap3A_183 = arith.constant 0 : index
      %swap3A_184 = arith.constant 0 : index
      %swap3A_185 = vector.load %arg6[%swap3A_183, %swap3A_184] : memref<1x16xi32, #tpu.memory_space<vmem>>, vector<1x16xi32>
      tpu.vector_store %arg6[%swap3A_183, %swap3A_184], %concatenate3A_182 {strides = array<i32>} : memref<1x16xi32, #tpu.memory_space<vmem>>, vector<1x16xi32>,
      %add3A_186 = arith.constant 255 : i32
      %add3A_187 = vector.broadcast %add3A_186 : i32 to vector<1x8xi32>
      %add3A_188 = arith.addi %add3A_171, %add3A_187 : vector<1x8xi32>
      %shift_right_arithmetic3A = arith.constant 8 : i32
      %shift_right_arithmetic3A_189 = vector.broadcast %shift_right_arithmetic3A : i32 to vector<1x8xi32>
      %shift_right_arithmetic3A_190 = arith.shrsi %add3A_188, %shift_right_arithmetic3A_189 : vector<1x8xi32>
      %shift_left3A = arith.constant 8 : i32
      %shift_left3A_191 = vector.broadcast %shift_left3A : i32 to vector<1x8xi32>
      %shift_left3A_192 = arith.shli %shift_right_arithmetic3A_190, %shift_left3A_191 : vector<1x8xi32>
      %max3A = arith.constant 256 : i32
      %max3A_193 = vector.broadcast %max3A : i32 to vector<1x8xi32>
      %max3A_194 = arith.maxsi %shift_left3A_192, %max3A_193 : vector<1x8xi32>
      %slice3A_195 = vector.extract_strided_slice %max3A_194 {offsets = [0, 0], sizes = [1, 1], strides = [1, 1]} : vector<1x8xi32> to vector<1x1xi32>
      %reduce_sum3A_196 = arith.constant dense<0> : vector<1xi32>
      %reduce_sum3A_197 = vector.multi_reduction <add>, %slice3A_195, %reduce_sum3A_196 [1] : vector<1x1xi32> to vector<1xi32>
      %broadcast_in_dim3A_198 = vector.shape_cast %reduce_sum3A_197 : vector<1xi32> to vector<1x1xi32>
      %slice3A_199 = vector.extract_strided_slice %max3A_194 {offsets = [0, 0], sizes = [1, 2], strides = [1, 1]} : vector<1x8xi32> to vector<1x2xi32>
      %reduce_sum3A_200 = arith.constant dense<0> : vector<1xi32>
      %reduce_sum3A_201 = vector.multi_reduction <add>, %slice3A_199, %reduce_sum3A_200 [1] : vector<1x2xi32> to vector<1xi32>
      %broadcast_in_dim3A_202 = vector.shape_cast %reduce_sum3A_201 : vector<1xi32> to vector<1x1xi32>
      %slice3A_203 = vector.extract_strided_slice %max3A_194 {offsets = [0, 0], sizes = [1, 3], strides = [1, 1]} : vector<1x8xi32> to vector<1x3xi32>
      %reduce_sum3A_204 = arith.constant dense<0> : vector<1xi32>
      %reduce_sum3A_205 = vector.multi_reduction <add>, %slice3A_203, %reduce_sum3A_204 [1] : vector<1x3xi32> to vector<1xi32>
      %broadcast_in_dim3A_206 = vector.shape_cast %reduce_sum3A_205 : vector<1xi32> to vector<1x1xi32>
      %slice3A_207 = vector.extract_strided_slice %max3A_194 {offsets = [0, 0], sizes = [1, 4], strides = [1, 1]} : vector<1x8xi32> to vector<1x4xi32>
      %reduce_sum3A_208 = arith.constant dense<0> : vector<1xi32>
      %reduce_sum3A_209 = vector.multi_reduction <add>, %slice3A_207, %reduce_sum3A_208 [1] : vector<1x4xi32> to vector<1xi32>
      %broadcast_in_dim3A_210 = vector.shape_cast %reduce_sum3A_209 : vector<1xi32> to vector<1x1xi32>
      %slice3A_211 = vector.extract_strided_slice %max3A_194 {offsets = [0, 0], sizes = [1, 5], strides = [1, 1]} : vector<1x8xi32> to vector<1x5xi32>
      %reduce_sum3A_212 = arith.constant dense<0> : vector<1xi32>
      %reduce_sum3A_213 = vector.multi_reduction <add>, %slice3A_211, %reduce_sum3A_212 [1] : vector<1x5xi32> to vector<1xi32>
      %broadcast_in_dim3A_214 = vector.shape_cast %reduce_sum3A_213 : vector<1xi32> to vector<1x1xi32>
      %slice3A_215 = vector.extract_strided_slice %max3A_194 {offsets = [0, 0], sizes = [1, 6], strides = [1, 1]} : vector<1x8xi32> to vector<1x6xi32>
      %reduce_sum3A_216 = arith.constant dense<0> : vector<1xi32>
      %reduce_sum3A_217 = vector.multi_reduction <add>, %slice3A_215, %reduce_sum3A_216 [1] : vector<1x6xi32> to vector<1xi32>
      %broadcast_in_dim3A_218 = vector.shape_cast %reduce_sum3A_217 : vector<1xi32> to vector<1x1xi32>
      %slice3A_219 = vector.extract_strided_slice %max3A_194 {offsets = [0, 0], sizes = [1, 7], strides = [1, 1]} : vector<1x8xi32> to vector<1x7xi32>
      %reduce_sum3A_220 = arith.constant dense<0> : vector<1xi32>
      %reduce_sum3A_221 = vector.multi_reduction <add>, %slice3A_219, %reduce_sum3A_220 [1] : vector<1x7xi32> to vector<1xi32>
      %broadcast_in_dim3A_222 = vector.shape_cast %reduce_sum3A_221 : vector<1xi32> to vector<1x1xi32>
      %reduce_sum3A_223 = arith.constant dense<0> : vector<1xi32>
      %reduce_sum3A_224 = vector.multi_reduction <add>, %max3A_194, %reduce_sum3A_223 [1] : vector<1x8xi32> to vector<1xi32>
      %broadcast_in_dim3A_225 = vector.shape_cast %reduce_sum3A_224 : vector<1xi32> to vector<1x1xi32>
      %concatenate3A_226 = tpu.concatenate %broadcast_in_dim3A_198, %broadcast_in_dim3A_202, %broadcast_in_dim3A_206, %broadcast_in_dim3A_210, %broadcast_in_dim3A_214, %broadcast_in_dim3A_218, %broadcast_in_dim3A_222, %broadcast_in_dim3A_225 in 1 : vector<1x1xi32>, vector<1x1xi32>, vector<1x1xi32>, vector<1x1xi32>, vector<1x1xi32>, vector<1x1xi32>, vector<1x1xi32>, vector<1x1xi32> -> vector<1x8xi32>
      %iota3A_227 = tpu.iota {dimensions = array<i32: 0>} : vector<48x8xi32>
      %mul3A = arith.constant 256 : i32
      %mul3A_228 = vector.broadcast %mul3A : i32 to vector<48x8xi32>
      %mul3A_229 = arith.muli %iota3A_227, %mul3A_228 : vector<48x8xi32>
      %ge3A = vector.broadcast %concatenate3A_226 : vector<1x8xi32> to vector<48x8xi32>
      %ge3A_230 = arith.cmpi sge, %mul3A_229, %ge3A : vector<48x8xi32>
      %convert_element_type3A_231 = arith.extui %ge3A_230 : vector<48x8xi1> to vector<48x8xi32>
      %reduce_sum3A_232 = arith.constant dense<0> : vector<48xi32>
      %reduce_sum3A_233 = vector.multi_reduction <add>, %convert_element_type3A_231, %reduce_sum3A_232 [1] : vector<48x8xi32> to vector<48xi32>
      %broadcast_in_dim3A_234 = vector.shape_cast %reduce_sum3A_233 : vector<48xi32> to vector<48x1xi32>
      %min3A = arith.constant 7 : i32
      %min3A_235 = vector.broadcast %min3A : i32 to vector<48x1xi32>
      %min3A_236 = arith.minsi %broadcast_in_dim3A_234, %min3A_235 : vector<48x1xi32>
      %swap3A_237 = arith.constant 0 : index
      %swap3A_238 = arith.constant 0 : index
      %swap3A_239 = vector.load %arg7[%swap3A_237, %swap3A_238] : memref<48x1xi32, #tpu.memory_space<vmem>>, vector<48x1xi32>
      tpu.vector_store %arg7[%swap3A_237, %swap3A_238], %min3A_236 {strides = array<i32>} : memref<48x1xi32, #tpu.memory_space<vmem>>, vector<48x1xi32>,
    } else {
    }
    return
  }
  func.func @transform_0(%arg0: i32) -> (i32, i32) {
    %c0_i32 = arith.constant 0 : i32
    %c0_i32_0 = arith.constant 0 : i32
    return %arg0, %c0_i32 : i32, i32
  }
  func.func @transform_1(%arg0: i32) -> (i32, i32) {
    %c0_i32 = arith.constant 0 : i32
    %c0_i32_0 = arith.constant 0 : i32
    %c0_i32_1 = arith.constant 0 : i32
    return %c0_i32, %c0_i32_0 : i32, i32
  }
  func.func @transform_2(%arg0: i32) -> (i32, i32) {
    %c0_i32 = arith.constant 0 : i32
    %c0_i32_0 = arith.constant 0 : i32
    return %arg0, %c0_i32 : i32, i32
  }
  func.func @transform_3(%arg0: i32) -> (i32, i32) {
    %c0_i32 = arith.constant 0 : i32
    %c0_i32_0 = arith.constant 0 : i32
    return %arg0, %c0_i32 : i32, i32
  }
  func.func @transform_4(%arg0: i32) -> (i32, i32) {
    %c0_i32 = arith.constant 0 : i32
    %c0_i32_0 = arith.constant 0 : i32
    return %arg0, %c0_i32 : i32, i32
  }
  func.func @transform_5(%arg0: i32) -> (i32, i32) {
    %c0_i32 = arith.constant 0 : i32
    %c0_i32_0 = arith.constant 0 : i32
    %c0_i32_1 = arith.constant 0 : i32
    return %c0_i32, %c0_i32_0 : i32, i32
  }
  func.func @transform_6(%arg0: i32) -> (i32, i32) {
    %c0_i32 = arith.constant 0 : i32
    %c0_i32_0 = arith.constant 0 : i32
    %c0_i32_1 = arith.constant 0 : i32
    return %c0_i32, %c0_i32_0 : i32, i32
  }
  func.func @transform_7(%arg0: i32) -> (i32, i32, i32) {
    %c0_i32 = arith.constant 0 : i32
    %c0_i32_0 = arith.constant 0 : i32
    %c0_i32_1 = arith.constant 0 : i32
    return %arg0, %c0_i32, %c0_i32_0 : i32, i32, i32
  }
  func.func @transform_8(%arg0: i32) -> (i32, i32, i32) {
    %c0_i32 = arith.constant 0 : i32
    %c0_i32_0 = arith.constant 0 : i32
    %c0_i32_1 = arith.constant 0 : i32
    return %arg0, %c0_i32, %c0_i32_0 : i32, i32, i32
  }
}

module attributes {stable_mosaic.version = 14 : i64} {
  func.func @_group_fc1_body(%arg0: i32, %arg1: memref<40xi32, #tpu.memory_space<smem>>, %arg2: memref<256x768xf32, #tpu.memory_space<vmem>>, %arg3: memref<1x768x768xf32, #tpu.memory_space<vmem>>, %arg4: memref<1x1x768xf32, #tpu.memory_space<vmem>>, %arg5: memref<256x1xi32, #tpu.memory_space<vmem>>, %arg6: memref<256x1xf32, #tpu.memory_space<vmem>>, %arg7: memref<1x2x768xf32, #tpu.memory_space<vmem>>) attributes {dimension_semantics = [#tpu.dimension_semantics<arbitrary>], iteration_bounds = array<i64: 40>, scalar_prefetch = 1 : i64, scratch_operands = 0 : i64, tpu.core_type = #tpu.core_type<tc>, window_params = [{transform_indices = @transform_0, window_bounds = array<i64: 256, 768>}, {transform_indices = @transform_1, window_bounds = array<i64: 1, 768, 768>}, {transform_indices = @transform_2, window_bounds = array<i64: 1, 1, 768>}, {transform_indices = @transform_3, window_bounds = array<i64: 256, 1>}, {transform_indices = @transform_4, window_bounds = array<i64: 256, 1>}, {transform_indices = @transform_5, window_bounds = array<i64: 1, 2, 768>}]} {
    %sub3A = arith.constant 1 : i32
    %sub3A_0 = arith.subi %arg0, %sub3A : i32
    %max3A = arith.constant 0 : i32
    %max3A_1 = arith.maxsi %sub3A_0, %max3A : i32
    %get3A = arith.index_cast %max3A_1 : i32 to index
    %get3A_2 = memref.load %arg1[%get3A] : memref<40xi32, #tpu.memory_space<smem>>
    %eq3A = arith.constant 0 : i32
    %eq3A_3 = arith.cmpi eq, %arg0, %eq3A : i32
    %get3A_4 = arith.index_cast %arg0 : i32 to index
    %get3A_5 = memref.load %arg1[%get3A_4] : memref<40xi32, #tpu.memory_space<smem>>
    %ne3A = arith.cmpi ne, %get3A_5, %get3A_2 : i32
    %or3A = arith.ori %eq3A_3, %ne3A : i1
    %get3A_6 = arith.constant 0 : index
    %get3A_7 = arith.constant 0 : index
    %get3A_8 = vector.load %arg2[%get3A_6, %get3A_7] : memref<256x768xf32, #tpu.memory_space<vmem>>, vector<256x768xf32>
    %get3A_9 = arith.constant 0 : index
    %get3A_10 = arith.constant 0 : index
    %get3A_11 = arith.constant 0 : index
    %get3A_12 = vector.load %arg3[%get3A_9, %get3A_10, %get3A_11] : memref<1x768x768xf32, #tpu.memory_space<vmem>>, vector<1x768x768xf32>
    %get3A_13 = vector.shape_cast %get3A_12 : vector<1x768x768xf32> to vector<768x768xf32>
    %dot_general3A = arith.constant dense<0.000000e+00> : vector<256x768xf32>
    %dot_general3A_14 = tpu.matmul %get3A_8, %get3A_13, %dot_general3A {dimension_numbers = #tpu.dot_dimension_numbers<[1], [0], [0], [1], [0, 0, 1, 1], [], []>, transpose_lhs_hint = false} : vector<256x768xf32>, vector<768x768xf32>, vector<256x768xf32> -> vector<256x768xf32>
    %get3A_15 = arith.constant 0 : index
    %get3A_16 = arith.constant 0 : index
    %get3A_17 = arith.constant 0 : index
    %get3A_18 = vector.load %arg4[%get3A_15, %get3A_16, %get3A_17] : memref<1x1x768xf32, #tpu.memory_space<vmem>>, vector<1x1x768xf32>
    %get3A_19 = vector.shape_cast %get3A_18 : vector<1x1x768xf32> to vector<1x768xf32>
    %add3A = vector.broadcast %get3A_19 : vector<1x768xf32> to vector<256x768xf32>
    %add3A_20 = arith.addf %dot_general3A_14, %add3A : vector<256x768xf32>
    %max3A_21 = arith.constant 0.000000e+00 : f32
    %max3A_22 = vector.broadcast %max3A_21 : f32 to vector<256x768xf32>
    %max3A_23 = arith.maximumf %add3A_20, %max3A_22 : vector<256x768xf32>
    %get3A_24 = arith.constant 0 : index
    %get3A_25 = arith.constant 0 : index
    %get3A_26 = vector.load %arg6[%get3A_24, %get3A_25] : memref<256x1xf32, #tpu.memory_space<vmem>>, vector<256x1xf32>
    %get3A_27 = arith.constant 0 : index
    %get3A_28 = arith.constant 0 : index
    %get3A_29 = vector.load %arg5[%get3A_27, %get3A_28] : memref<256x1xi32, #tpu.memory_space<vmem>>, vector<256x1xi32>
    %ge3A = arith.constant 2048 : i32
    %ge3A_30 = vector.broadcast %ge3A : i32 to vector<256x1xi32>
    %ge3A_31 = arith.cmpi sge, %get3A_29, %ge3A_30 : vector<256x1xi32>
    %jit3A = arith.constant 0.000000e+00 : f32
    %broadcast_in_dim3A = vector.broadcast %jit3A : f32 to vector<256x1xf32>
    %select_n3A = arith.select %ge3A_31, %broadcast_in_dim3A, %get3A_26 : vector<256x1xi1>, vector<256x1xf32>
    %jit3A_32 = arith.constant 0.000000e+00 : f32
    %broadcast_in_dim3A_33 = vector.broadcast %jit3A_32 : f32 to vector<256x1xf32>
    %select_n3A_34 = arith.select %ge3A_31, %get3A_26, %broadcast_in_dim3A_33 : vector<256x1xi1>, vector<256x1xf32>
    %mul3A = vector.broadcast %select_n3A : vector<256x1xf32> to vector<256x768xf32>
    %mul3A_35 = arith.mulf %max3A_23, %mul3A : vector<256x768xf32>
    %reduce_sum3A = arith.constant dense<0.000000e+00> : vector<768xf32>
    %reduce_sum3A_36 = vector.multi_reduction <add>, %mul3A_35, %reduce_sum3A [0] : vector<256x768xf32> to vector<768xf32>
    %mul3A_37 = vector.broadcast %select_n3A_34 : vector<256x1xf32> to vector<256x768xf32>
    %mul3A_38 = arith.mulf %max3A_23, %mul3A_37 : vector<256x768xf32>
    %reduce_sum3A_39 = arith.constant dense<0.000000e+00> : vector<768xf32>
    %reduce_sum3A_40 = vector.multi_reduction <add>, %mul3A_38, %reduce_sum3A_39 [0] : vector<256x768xf32> to vector<768xf32>
    %broadcast_in_dim3A_41 = vector.shape_cast %reduce_sum3A_36 : vector<768xf32> to vector<1x768xf32>
    %broadcast_in_dim3A_42 = vector.shape_cast %reduce_sum3A_40 : vector<768xf32> to vector<1x768xf32>
    %concatenate3A = tpu.concatenate %broadcast_in_dim3A_41, %broadcast_in_dim3A_42 in 0 : vector<1x768xf32>, vector<1x768xf32> -> vector<2x768xf32>
    %broadcast_in_dim3A_43 = vector.shape_cast %concatenate3A : vector<2x768xf32> to vector<1x2x768xf32>
    %convert_element_type3A = arith.extui %or3A : i1 to i32
    %cond3A = arith.constant 0 : i32
    %cond3A_44 = arith.cmpi ne, %convert_element_type3A, %cond3A : i32
    scf.if %cond3A_44 {
      %swap3A = arith.constant 0 : index
      %swap3A_49 = arith.constant 0 : index
      %swap3A_50 = arith.constant 0 : index
      %swap3A_51 = vector.load %arg7[%swap3A, %swap3A_49, %swap3A_50] : memref<1x2x768xf32, #tpu.memory_space<vmem>>, vector<1x2x768xf32>
      tpu.vector_store %arg7[%swap3A, %swap3A_49, %swap3A_50], %broadcast_in_dim3A_43 {strides = array<i32>} : memref<1x2x768xf32, #tpu.memory_space<vmem>>, vector<1x2x768xf32>,
    } else {
    }
    %not3A = arith.constant true
    %not3A_45 = arith.xori %or3A, %not3A : i1
    %convert_element_type3A_46 = arith.extui %not3A_45 : i1 to i32
    %cond3A_47 = arith.constant 0 : i32
    %cond3A_48 = arith.cmpi ne, %convert_element_type3A_46, %cond3A_47 : i32
    scf.if %cond3A_48 {
      %get3A_49 = arith.constant 0 : index
      %get3A_50 = arith.constant 0 : index
      %get3A_51 = arith.constant 0 : index
      %get3A_52 = vector.load %arg7[%get3A_49, %get3A_50, %get3A_51] : memref<1x2x768xf32, #tpu.memory_space<vmem>>, vector<1x2x768xf32>
      %add3A_53 = arith.addf %get3A_52, %broadcast_in_dim3A_43 : vector<1x2x768xf32>
      %swap3A = arith.constant 0 : index
      %swap3A_54 = arith.constant 0 : index
      %swap3A_55 = arith.constant 0 : index
      %swap3A_56 = vector.load %arg7[%swap3A, %swap3A_54, %swap3A_55] : memref<1x2x768xf32, #tpu.memory_space<vmem>>, vector<1x2x768xf32>
      tpu.vector_store %arg7[%swap3A, %swap3A_54, %swap3A_55], %add3A_53 {strides = array<i32>} : memref<1x2x768xf32, #tpu.memory_space<vmem>>, vector<1x2x768xf32>,
    } else {
    }
    return
  }
  func.func @transform_0(%arg0: i32, %arg1: memref<40xi32, #tpu.memory_space<smem>>) -> (i32, i32) {
    %c0_i32 = arith.constant 0 : i32
    %c0_i32_0 = arith.constant 0 : i32
    return %arg0, %c0_i32 : i32, i32
  }
  func.func @transform_1(%arg0: i32, %arg1: memref<40xi32, #tpu.memory_space<smem>>) -> (i32, i32, i32) {
    %get3A = arith.index_cast %arg0 : i32 to index
    %get3A_0 = memref.load %arg1[%get3A] : memref<40xi32, #tpu.memory_space<smem>>
    %c0_i32 = arith.constant 0 : i32
    %c0_i32_1 = arith.constant 0 : i32
    %c0_i32_2 = arith.constant 0 : i32
    return %get3A_0, %c0_i32, %c0_i32_1 : i32, i32, i32
  }
  func.func @transform_2(%arg0: i32, %arg1: memref<40xi32, #tpu.memory_space<smem>>) -> (i32, i32, i32) {
    %get3A = arith.index_cast %arg0 : i32 to index
    %get3A_0 = memref.load %arg1[%get3A] : memref<40xi32, #tpu.memory_space<smem>>
    %c0_i32 = arith.constant 0 : i32
    %c0_i32_1 = arith.constant 0 : i32
    %c0_i32_2 = arith.constant 0 : i32
    return %get3A_0, %c0_i32, %c0_i32_1 : i32, i32, i32
  }
  func.func @transform_3(%arg0: i32, %arg1: memref<40xi32, #tpu.memory_space<smem>>) -> (i32, i32) {
    %c0_i32 = arith.constant 0 : i32
    %c0_i32_0 = arith.constant 0 : i32
    return %arg0, %c0_i32 : i32, i32
  }
  func.func @transform_4(%arg0: i32, %arg1: memref<40xi32, #tpu.memory_space<smem>>) -> (i32, i32) {
    %c0_i32 = arith.constant 0 : i32
    %c0_i32_0 = arith.constant 0 : i32
    return %arg0, %c0_i32 : i32, i32
  }
  func.func @transform_5(%arg0: i32, %arg1: memref<40xi32, #tpu.memory_space<smem>>) -> (i32, i32, i32) {
    %get3A = arith.index_cast %arg0 : i32 to index
    %get3A_0 = memref.load %arg1[%get3A] : memref<40xi32, #tpu.memory_space<smem>>
    %c0_i32 = arith.constant 0 : i32
    %c0_i32_1 = arith.constant 0 : i32
    %c0_i32_2 = arith.constant 0 : i32
    return %get3A_0, %c0_i32, %c0_i32_1 : i32, i32, i32
  }
}

module attributes {stable_mosaic.version = 14 : i64} {
  func.func @_final_body(%arg0: i32, %arg1: memref<1x2x768xf32, #tpu.memory_space<vmem>>, %arg2: memref<1x768x768xf32, #tpu.memory_space<vmem>>, %arg3: memref<8x768xf32, #tpu.memory_space<vmem>>, %arg4: memref<2x1x8xf32, #tpu.memory_space<vmem>>, %arg5: memref<2x1x8xf32, #tpu.memory_space<vmem>>, %arg6: memref<2x1xf32, #tpu.memory_space<vmem>>, %arg7: memref<768x1xf32, #tpu.memory_space<vmem>>, %arg8: memref<1x1xf32, #tpu.memory_space<vmem>>, %arg9: memref<1x768xf32, #tpu.memory_space<vmem>>, %arg10: memref<1x768xf32, #tpu.memory_space<vmem>>, %arg11: memref<2x1xf32, #tpu.memory_space<vmem>>, %arg12: memref<1x1xf32, #tpu.memory_space<vmem>>, %arg13: memref<1x1xf32, #tpu.memory_space<vmem>>, %arg14: memref<8x768xf32, #tpu.memory_space<vmem>>) attributes {dimension_semantics = [#tpu.dimension_semantics<arbitrary>], iteration_bounds = array<i64: 8>, scalar_prefetch = 0 : i64, scratch_operands = 1 : i64, tpu.core_type = #tpu.core_type<tc>, window_params = [{transform_indices = @transform_0, window_bounds = array<i64: 1, 2, 768>}, {transform_indices = @transform_1, window_bounds = array<i64: 1, 768, 768>}, {pipeline_mode = #tpu.pipeline_mode<synchronous>, transform_indices = @transform_2, window_bounds = array<i64: 8, 768>}, {pipeline_mode = #tpu.pipeline_mode<synchronous>, transform_indices = @transform_3, window_bounds = array<i64: 2, 1, 8>}, {pipeline_mode = #tpu.pipeline_mode<synchronous>, transform_indices = @transform_4, window_bounds = array<i64: 2, 1, 8>}, {pipeline_mode = #tpu.pipeline_mode<synchronous>, transform_indices = @transform_5, window_bounds = array<i64: 2, 1>}, {pipeline_mode = #tpu.pipeline_mode<synchronous>, transform_indices = @transform_6, window_bounds = array<i64: 768, 1>}, {pipeline_mode = #tpu.pipeline_mode<synchronous>, transform_indices = @transform_7, window_bounds = array<i64: 1, 1>}, {pipeline_mode = #tpu.pipeline_mode<synchronous>, transform_indices = @transform_8, window_bounds = array<i64: 1, 768>}, {pipeline_mode = #tpu.pipeline_mode<synchronous>, transform_indices = @transform_9, window_bounds = array<i64: 1, 768>}, {pipeline_mode = #tpu.pipeline_mode<synchronous>, transform_indices = @transform_10, window_bounds = array<i64: 2, 1>}, {pipeline_mode = #tpu.pipeline_mode<synchronous>, transform_indices = @transform_11, window_bounds = array<i64: 1, 1>}, {pipeline_mode = #tpu.pipeline_mode<synchronous>, transform_indices = @transform_12, window_bounds = array<i64: 1, 1>}]} {
    %eq3A = arith.constant 0 : i32
    %eq3A_0 = arith.cmpi eq, %arg0, %eq3A : i32
    %convert_element_type3A = arith.extui %eq3A_0 : i1 to i32
    %cond3A = arith.constant 0 : i32
    %cond3A_1 = arith.cmpi ne, %convert_element_type3A, %cond3A : i32
    scf.if %cond3A_1 {
      %broadcast_in_dim3A = arith.constant 0.000000e+00 : f32
      %broadcast_in_dim3A_22 = vector.broadcast %broadcast_in_dim3A : f32 to vector<8x768xf32>
      %swap3A_23 = arith.constant 0 : index
      %swap3A_24 = arith.constant 0 : index
      %swap3A_25 = vector.load %arg14[%swap3A_23, %swap3A_24] : memref<8x768xf32, #tpu.memory_space<vmem>>, vector<8x768xf32>
      tpu.vector_store %arg14[%swap3A_23, %swap3A_24], %broadcast_in_dim3A_22 {strides = array<i32>} : memref<8x768xf32, #tpu.memory_space<vmem>>, vector<8x768xf32>,
    } else {
    }
    %get3A = arith.constant 0 : index
    %get3A_2 = arith.constant 0 : index
    %get3A_3 = vector.load %arg14[%get3A, %get3A_2] : memref<8x768xf32, #tpu.memory_space<vmem>>, vector<2x768xf32>
    %get3A_4 = arith.constant 0 : index
    %get3A_5 = arith.constant 0 : index
    %get3A_6 = arith.constant 0 : index
    %get3A_7 = vector.load %arg1[%get3A_4, %get3A_5, %get3A_6] : memref<1x2x768xf32, #tpu.memory_space<vmem>>, vector<1x2x768xf32>
    %get3A_8 = vector.shape_cast %get3A_7 : vector<1x2x768xf32> to vector<2x768xf32>
    %get3A_9 = arith.constant 0 : index
    %get3A_10 = arith.constant 0 : index
    %get3A_11 = arith.constant 0 : index
    %get3A_12 = vector.load %arg2[%get3A_9, %get3A_10, %get3A_11] : memref<1x768x768xf32, #tpu.memory_space<vmem>>, vector<1x768x768xf32>
    %get3A_13 = vector.shape_cast %get3A_12 : vector<1x768x768xf32> to vector<768x768xf32>
    %dot_general3A = arith.constant dense<0.000000e+00> : vector<2x768xf32>
    %dot_general3A_14 = tpu.matmul %get3A_8, %get3A_13, %dot_general3A {dimension_numbers = #tpu.dot_dimension_numbers<[1], [0], [0], [1], [0, 0, 1, 1], [], []>, transpose_lhs_hint = false} : vector<2x768xf32>, vector<768x768xf32>, vector<2x768xf32> -> vector<2x768xf32>
    %add3A = arith.addf %get3A_3, %dot_general3A_14 : vector<2x768xf32>
    %swap3A = arith.constant 0 : index
    %swap3A_15 = arith.constant 0 : index
    %swap3A_16 = vector.load %arg14[%swap3A, %swap3A_15] : memref<8x768xf32, #tpu.memory_space<vmem>>, vector<2x768xf32>
    tpu.vector_store %arg14[%swap3A, %swap3A_15], %add3A {strides = array<i32>} : memref<8x768xf32, #tpu.memory_space<vmem>>, vector<2x768xf32>,
    %eq3A_17 = arith.constant 7 : i32
    %eq3A_18 = arith.cmpi eq, %arg0, %eq3A_17 : i32
    %convert_element_type3A_19 = arith.extui %eq3A_18 : i1 to i32
    %cond3A_20 = arith.constant 0 : i32
    %cond3A_21 = arith.cmpi ne, %convert_element_type3A_19, %cond3A_20 : i32
    scf.if %cond3A_21 {
      %get3A_22 = arith.constant 0 : index
      %get3A_23 = arith.constant 0 : index
      %get3A_24 = arith.constant 0 : index
      %get3A_25 = vector.load %arg4[%get3A_22, %get3A_23, %get3A_24] : memref<2x1x8xf32, #tpu.memory_space<vmem>>, vector<2x1x8xf32>
      %get3A_26 = vector.shape_cast %get3A_25 : vector<2x1x8xf32> to vector<2x8xf32>
      %get3A_27 = arith.constant 0 : index
      %get3A_28 = arith.constant 0 : index
      %get3A_29 = arith.constant 0 : index
      %get3A_30 = vector.load %arg5[%get3A_27, %get3A_28, %get3A_29] : memref<2x1x8xf32, #tpu.memory_space<vmem>>, vector<2x1x8xf32>
      %get3A_31 = vector.shape_cast %get3A_30 : vector<2x1x8xf32> to vector<2x8xf32>
      %reshape3A = vector.shape_cast %get3A_26 : vector<2x8xf32> to vector<2x1x8xf32>
      %reduce_sum3A = arith.constant dense<0.000000e+00> : vector<2x8xf32>
      %reduce_sum3A_32 = vector.multi_reduction <add>, %reshape3A, %reduce_sum3A [1] : vector<2x1x8xf32> to vector<2x8xf32>
      %reduce_sum3A_33 = arith.constant dense<0.000000e+00> : vector<8xf32>
      %reduce_sum3A_34 = vector.multi_reduction <add>, %get3A_26, %reduce_sum3A_33 [0] : vector<2x8xf32> to vector<8xf32>
      %reduce_sum3A_35 = arith.constant dense<0.000000e+00> : vector<8xf32>
      %reduce_sum3A_36 = vector.multi_reduction <add>, %get3A_31, %reduce_sum3A_35 [0] : vector<2x8xf32> to vector<8xf32>
      %reduce_sum3A_37 = vector.shape_cast %reduce_sum3A_34 : vector<8xf32> to vector<1x8xf32>
      %reduce_sum3A_38 = arith.constant dense<0.000000e+00> : vector<1xf32>
      %reduce_sum3A_39 = vector.multi_reduction <add>, %reduce_sum3A_37, %reduce_sum3A_38 [1] : vector<1x8xf32> to vector<1xf32>
      %reduce_sum3A_40 = vector.shape_cast %reduce_sum3A_39 : vector<1xf32> to vector<1x1xf32>
      %reduce_sum3A_41 = vector.extract %reduce_sum3A_40[0, 0] : f32 from vector<1x1xf32>
      %div3A = arith.constant 8.000000e+00 : f32
      %div3A_42 = arith.divf %reduce_sum3A_41, %div3A : f32
      %sub3A = vector.broadcast %div3A_42 : f32 to vector<8xf32>
      %sub3A_43 = arith.subf %reduce_sum3A_34, %sub3A : vector<8xf32>
      %integer_pow3A = arith.mulf %sub3A_43, %sub3A_43 : vector<8xf32>
      %reduce_sum3A_44 = vector.shape_cast %integer_pow3A : vector<8xf32> to vector<1x8xf32>
      %reduce_sum3A_45 = arith.constant dense<0.000000e+00> : vector<1xf32>
      %reduce_sum3A_46 = vector.multi_reduction <add>, %reduce_sum3A_44, %reduce_sum3A_45 [1] : vector<1x8xf32> to vector<1xf32>
      %reduce_sum3A_47 = vector.shape_cast %reduce_sum3A_46 : vector<1xf32> to vector<1x1xf32>
      %reduce_sum3A_48 = vector.extract %reduce_sum3A_47[0, 0] : f32 from vector<1x1xf32>
      %div3A_49 = arith.constant 7.000000e+00 : f32
      %div3A_50 = arith.divf %reduce_sum3A_48, %div3A_49 : f32
      %mul3A = arith.mulf %div3A_42, %div3A_42 : f32
      %add3A_51 = arith.constant 1.000000e-10 : f32
      %add3A_52 = arith.addf %mul3A, %add3A_51 : f32
      %div3A_53 = arith.divf %div3A_50, %add3A_52 : f32
      %reduce_sum3A_54 = vector.shape_cast %reduce_sum3A_36 : vector<8xf32> to vector<1x8xf32>
      %reduce_sum3A_55 = arith.constant dense<0.000000e+00> : vector<1xf32>
      %reduce_sum3A_56 = vector.multi_reduction <add>, %reduce_sum3A_54, %reduce_sum3A_55 [1] : vector<1x8xf32> to vector<1xf32>
      %reduce_sum3A_57 = vector.shape_cast %reduce_sum3A_56 : vector<1xf32> to vector<1x1xf32>
      %reduce_sum3A_58 = vector.extract %reduce_sum3A_57[0, 0] : f32 from vector<1x1xf32>
      %div3A_59 = arith.constant 8.000000e+00 : f32
      %div3A_60 = arith.divf %reduce_sum3A_58, %div3A_59 : f32
      %sub3A_61 = vector.broadcast %div3A_60 : f32 to vector<8xf32>
      %sub3A_62 = arith.subf %reduce_sum3A_36, %sub3A_61 : vector<8xf32>
      %integer_pow3A_63 = arith.mulf %sub3A_62, %sub3A_62 : vector<8xf32>
      %reduce_sum3A_64 = vector.shape_cast %integer_pow3A_63 : vector<8xf32> to vector<1x8xf32>
      %reduce_sum3A_65 = arith.constant dense<0.000000e+00> : vector<1xf32>
      %reduce_sum3A_66 = vector.multi_reduction <add>, %reduce_sum3A_64, %reduce_sum3A_65 [1] : vector<1x8xf32> to vector<1xf32>
      %reduce_sum3A_67 = vector.shape_cast %reduce_sum3A_66 : vector<1xf32> to vector<1x1xf32>
      %reduce_sum3A_68 = vector.extract %reduce_sum3A_67[0, 0] : f32 from vector<1x1xf32>
      %div3A_69 = arith.constant 7.000000e+00 : f32
      %div3A_70 = arith.divf %reduce_sum3A_68, %div3A_69 : f32
      %mul3A_71 = arith.mulf %div3A_60, %div3A_60 : f32
      %add3A_72 = arith.constant 1.000000e-10 : f32
      %add3A_73 = arith.addf %mul3A_71, %add3A_72 : f32
      %div3A_74 = arith.divf %div3A_70, %add3A_73 : f32
      %add3A_75 = arith.addf %div3A_53, %div3A_74 : f32
      %mul3A_76 = arith.constant 0.00999999977 : f32
      %mul3A_77 = arith.mulf %add3A_75, %mul3A_76 : f32
      %reshape3A_78 = vector.broadcast %mul3A_77 : f32 to vector<1x1xf32>
      %swap3A_79 = arith.constant 0 : index
      %swap3A_80 = arith.constant 0 : index
      %swap3A_81 = vector.load %arg12[%swap3A_79, %swap3A_80] : memref<1x1xf32, #tpu.memory_space<vmem>>, vector<1x1xf32>
      tpu.vector_store %arg12[%swap3A_79, %swap3A_80], %reshape3A_78 {strides = array<i32>} : memref<1x1xf32, #tpu.memory_space<vmem>>, vector<1x1xf32>,
      %get3A_82 = arith.constant 0 : index
      %get3A_83 = arith.constant 0 : index
      %get3A_84 = vector.load %arg14[%get3A_82, %get3A_83] : memref<8x768xf32, #tpu.memory_space<vmem>>, vector<2x768xf32>
      %get3A_85 = arith.constant 0 : index
      %get3A_86 = arith.constant 0 : index
      %get3A_87 = vector.load %arg3[%get3A_85, %get3A_86] : memref<8x768xf32, #tpu.memory_space<vmem>>, vector<8x768xf32>
      %dot_general3A_88 = arith.constant dense<0.000000e+00> : vector<2x768xf32>
      %dot_general3A_89 = tpu.matmul %reduce_sum3A_32, %get3A_87, %dot_general3A_88 {dimension_numbers = #tpu.dot_dimension_numbers<[1], [0], [0], [1], [0, 0, 1, 1], [], []>, precision = #tpu.contract_precision<fp32>, transpose_lhs_hint = false} : vector<2x8xf32>, vector<8x768xf32>, vector<2x768xf32> -> vector<2x768xf32>
      %add3A_90 = arith.addf %get3A_84, %dot_general3A_89 : vector<2x768xf32>
      %reduce_sum3A_91 = arith.constant dense<0.000000e+00> : vector<2xf32>
      %reduce_sum3A_92 = vector.multi_reduction <add>, %add3A_90, %reduce_sum3A_91 [1] : vector<2x768xf32> to vector<2xf32>
      %broadcast_in_dim3A = vector.shape_cast %reduce_sum3A_92 : vector<2xf32> to vector<2x1xf32>
      %div3A_93 = arith.constant 7.680000e+02 : f32
      %div3A_94 = vector.broadcast %div3A_93 : f32 to vector<2x1xf32>
      %div3A_95 = arith.divf %broadcast_in_dim3A, %div3A_94 : vector<2x1xf32>
      %sub3A_96 = vector.broadcast %div3A_95 : vector<2x1xf32> to vector<2x768xf32>
      %sub3A_97 = arith.subf %add3A_90, %sub3A_96 : vector<2x768xf32>
      %integer_pow3A_98 = arith.mulf %sub3A_97, %sub3A_97 : vector<2x768xf32>
      %reduce_sum3A_99 = arith.constant dense<0.000000e+00> : vector<2xf32>
      %reduce_sum3A_100 = vector.multi_reduction <add>, %integer_pow3A_98, %reduce_sum3A_99 [1] : vector<2x768xf32> to vector<2xf32>
      %broadcast_in_dim3A_101 = vector.shape_cast %reduce_sum3A_100 : vector<2xf32> to vector<2x1xf32>
      %div3A_102 = arith.constant 7.680000e+02 : f32
      %div3A_103 = vector.broadcast %div3A_102 : f32 to vector<2x1xf32>
      %div3A_104 = arith.divf %broadcast_in_dim3A_101, %div3A_103 : vector<2x1xf32>
      %sub3A_105 = vector.broadcast %div3A_95 : vector<2x1xf32> to vector<2x768xf32>
      %sub3A_106 = arith.subf %add3A_90, %sub3A_105 : vector<2x768xf32>
      %add3A_107 = arith.constant 9.99999974E-6 : f32
      %add3A_108 = vector.broadcast %add3A_107 : f32 to vector<2x1xf32>
      %add3A_109 = arith.addf %div3A_104, %add3A_108 : vector<2x1xf32>
      %rsqrt3A = math.rsqrt %add3A_109 : vector<2x1xf32>
      %mul3A_110 = vector.broadcast %rsqrt3A : vector<2x1xf32> to vector<2x768xf32>
      %mul3A_111 = arith.mulf %sub3A_106, %mul3A_110 : vector<2x768xf32>
      %get3A_112 = arith.constant 0 : index
      %get3A_113 = arith.constant 0 : index
      %get3A_114 = vector.load %arg9[%get3A_112, %get3A_113] : memref<1x768xf32, #tpu.memory_space<vmem>>, vector<1x768xf32>
      %mul3A_115 = vector.broadcast %get3A_114 : vector<1x768xf32> to vector<2x768xf32>
      %mul3A_116 = arith.mulf %mul3A_111, %mul3A_115 : vector<2x768xf32>
      %get3A_117 = arith.constant 0 : index
      %get3A_118 = arith.constant 0 : index
      %get3A_119 = vector.load %arg10[%get3A_117, %get3A_118] : memref<1x768xf32, #tpu.memory_space<vmem>>, vector<1x768xf32>
      %add3A_120 = vector.broadcast %get3A_119 : vector<1x768xf32> to vector<2x768xf32>
      %add3A_121 = arith.addf %mul3A_116, %add3A_120 : vector<2x768xf32>
      %get3A_122 = arith.constant 0 : index
      %get3A_123 = arith.constant 0 : index
      %get3A_124 = vector.load %arg7[%get3A_122, %get3A_123] : memref<768x1xf32, #tpu.memory_space<vmem>>, vector<768x1xf32>
      %dot_general3A_125 = arith.constant dense<0.000000e+00> : vector<2x1xf32>
      %dot_general3A_126 = tpu.matmul %add3A_121, %get3A_124, %dot_general3A_125 {dimension_numbers = #tpu.dot_dimension_numbers<[1], [0], [0], [1], [0, 0, 1, 1], [], []>, precision = #tpu.contract_precision<fp32>, transpose_lhs_hint = false} : vector<2x768xf32>, vector<768x1xf32>, vector<2x1xf32> -> vector<2x1xf32>
      %get3A_127 = arith.constant 0 : index
      %get3A_128 = arith.constant 0 : index
      %get3A_129 = vector.load %arg8[%get3A_127, %get3A_128] : memref<1x1xf32, #tpu.memory_space<vmem>>, vector<1x1xf32>
      %add3A_130 = vector.broadcast %get3A_129 : vector<1x1xf32> to vector<2x1xf32>
      %add3A_131 = arith.addf %dot_general3A_126, %add3A_130 : vector<2x1xf32>
      %logistic3A = arith.negf %add3A_131 : vector<2x1xf32>
      %logistic3A_132 = math.exp %logistic3A : vector<2x1xf32>
      %logistic3A_133 = arith.constant 1.000000e+00 : f32
      %logistic3A_134 = vector.broadcast %logistic3A_133 : f32 to vector<2x1xf32>
      %logistic3A_135 = arith.addf %logistic3A_134, %logistic3A_132 : vector<2x1xf32>
      %logistic3A_136 = arith.divf %logistic3A_134, %logistic3A_135 : vector<2x1xf32>
      %swap3A_137 = arith.constant 0 : index
      %swap3A_138 = arith.constant 0 : index
      %swap3A_139 = vector.load %arg11[%swap3A_137, %swap3A_138] : memref<2x1xf32, #tpu.memory_space<vmem>>, vector<2x1xf32>
      tpu.vector_store %arg11[%swap3A_137, %swap3A_138], %logistic3A_136 {strides = array<i32>} : memref<2x1xf32, #tpu.memory_space<vmem>>, vector<2x1xf32>,
      %get3A_140 = arith.constant 0 : index
      %get3A_141 = arith.constant 0 : index
      %get3A_142 = vector.load %arg6[%get3A_140, %get3A_141] : memref<2x1xf32, #tpu.memory_space<vmem>>, vector<2x1xf32>
      %sub3A_143 = arith.subf %logistic3A_136, %get3A_142 : vector<2x1xf32>
      %integer_pow3A_144 = arith.mulf %sub3A_143, %sub3A_143 : vector<2x1xf32>
      %reduce_sum3A_145 = vector.shape_cast %integer_pow3A_144 : vector<2x1xf32> to vector<1x2x1xf32>
      %reduce_sum3A_146 = arith.constant dense<0.000000e+00> : vector<1xf32>
      %reduce_sum3A_147 = vector.multi_reduction <add>, %reduce_sum3A_145, %reduce_sum3A_146 [1, 2] : vector<1x2x1xf32> to vector<1xf32>
      %reduce_sum3A_148 = vector.shape_cast %reduce_sum3A_147 : vector<1xf32> to vector<1x1x1xf32>
      %reduce_sum3A_149 = vector.extract %reduce_sum3A_148[0, 0, 0] : f32 from vector<1x1x1xf32>
      %div3A_150 = arith.constant 2.000000e+00 : f32
      %div3A_151 = arith.divf %reduce_sum3A_149, %div3A_150 : f32
      %reshape3A_152 = vector.broadcast %div3A_151 : f32 to vector<1x1xf32>
      %swap3A_153 = arith.constant 0 : index
      %swap3A_154 = arith.constant 0 : index
      %swap3A_155 = vector.load %arg13[%swap3A_153, %swap3A_154] : memref<1x1xf32, #tpu.memory_space<vmem>>, vector<1x1xf32>
      tpu.vector_store %arg13[%swap3A_153, %swap3A_154], %reshape3A_152 {strides = array<i32>} : memref<1x1xf32, #tpu.memory_space<vmem>>, vector<1x1xf32>,
    } else {
    }
    return
  }
  func.func @transform_0(%arg0: i32) -> (i32, i32, i32) {
    %c0_i32 = arith.constant 0 : i32
    %c0_i32_0 = arith.constant 0 : i32
    %c0_i32_1 = arith.constant 0 : i32
    return %arg0, %c0_i32, %c0_i32_0 : i32, i32, i32
  }
  func.func @transform_1(%arg0: i32) -> (i32, i32, i32) {
    %c0_i32 = arith.constant 0 : i32
    %c0_i32_0 = arith.constant 0 : i32
    %c0_i32_1 = arith.constant 0 : i32
    return %arg0, %c0_i32, %c0_i32_0 : i32, i32, i32
  }
  func.func @transform_2(%arg0: i32) -> (i32, i32) {
    %c0_i32 = arith.constant 0 : i32
    %c0_i32_0 = arith.constant 0 : i32
    %c0_i32_1 = arith.constant 0 : i32
    return %c0_i32, %c0_i32_0 : i32, i32
  }
  func.func @transform_3(%arg0: i32) -> (i32, i32, i32) {
    %c0_i32 = arith.constant 0 : i32
    %c0_i32_0 = arith.constant 0 : i32
    %c0_i32_1 = arith.constant 0 : i32
    %c0_i32_2 = arith.constant 0 : i32
    return %c0_i32, %c0_i32_0, %c0_i32_1 : i32, i32, i32
  }
  func.func @transform_4(%arg0: i32) -> (i32, i32, i32) {
    %c0_i32 = arith.constant 0 : i32
    %c0_i32_0 = arith.constant 0 : i32
    %c0_i32_1 = arith.constant 0 : i32
    %c0_i32_2 = arith.constant 0 : i32
    return %c0_i32, %c0_i32_0, %c0_i32_1 : i32, i32, i32
  }
  func.func @transform_5(%arg0: i32) -> (i32, i32) {
    %c0_i32 = arith.constant 0 : i32
    %c0_i32_0 = arith.constant 0 : i32
    %c0_i32_1 = arith.constant 0 : i32
    return %c0_i32, %c0_i32_0 : i32, i32
  }
  func.func @transform_6(%arg0: i32) -> (i32, i32) {
    %c0_i32 = arith.constant 0 : i32
    %c0_i32_0 = arith.constant 0 : i32
    %c0_i32_1 = arith.constant 0 : i32
    return %c0_i32, %c0_i32_0 : i32, i32
  }
  func.func @transform_7(%arg0: i32) -> (i32, i32) {
    %c0_i32 = arith.constant 0 : i32
    %c0_i32_0 = arith.constant 0 : i32
    %c0_i32_1 = arith.constant 0 : i32
    return %c0_i32, %c0_i32_0 : i32, i32
  }
  func.func @transform_8(%arg0: i32) -> (i32, i32) {
    %c0_i32 = arith.constant 0 : i32
    %c0_i32_0 = arith.constant 0 : i32
    %c0_i32_1 = arith.constant 0 : i32
    return %c0_i32, %c0_i32_0 : i32, i32
  }
  func.func @transform_9(%arg0: i32) -> (i32, i32) {
    %c0_i32 = arith.constant 0 : i32
    %c0_i32_0 = arith.constant 0 : i32
    %c0_i32_1 = arith.constant 0 : i32
    return %c0_i32, %c0_i32_0 : i32, i32
  }
  func.func @transform_10(%arg0: i32) -> (i32, i32) {
    %c0_i32 = arith.constant 0 : i32
    %c0_i32_0 = arith.constant 0 : i32
    %c0_i32_1 = arith.constant 0 : i32
    return %c0_i32, %c0_i32_0 : i32, i32
  }
  func.func @transform_11(%arg0: i32) -> (i32, i32) {
    %c0_i32 = arith.constant 0 : i32
    %c0_i32_0 = arith.constant 0 : i32
    %c0_i32_1 = arith.constant 0 : i32
    return %c0_i32, %c0_i32_0 : i32, i32
  }
  func.func @transform_12(%arg0: i32) -> (i32, i32) {
    %c0_i32 = arith.constant 0 : i32
    %c0_i32_0 = arith.constant 0 : i32
    %c0_i32_1 = arith.constant 0 : i32
    return %c0_i32, %c0_i32_0 : i32, i32
  }
}

</mosaic_0001>

<sc_bundles>
// kernel: kernel.6.cloned.1.call-start
scs
__scs_entry_jumppad:
0x0: {  	(pc) =	sbr.rel $0x88, $3  }
0x1: {  	(tag) =	ssettag $0x0;
	lr =	simm.s32 $0x1  }
0x2: {  	[smem:$0x3F96] =	sst lr;
	_ =	strace $0xD0000000  }
0x3: {  	_ = 	snop  }
0x4: {  	_ = 	snop  }
0x5: {  	_ = 	snop  }
0x6: {  	_ = 	snop  }
0x7: {  	_ = 	snop  }
__scs_overlays_trampoline_lowered:
0x8: {  	[smem:$0x3FA5] =	sst s0  }
0x9: {  	[smem:$0x3FA6] =	sst s1  }
0xa: {  	[smem:$0x3FA7] =	sst s2  }
0xb: {  	[smem:$0x3FA8] =	sst s3  }
0xc: {  	[smem:$0x3FA9] =	sst s4  }
0xd: {  	[smem:$0x3FAA] =	sst s5  }
0xe: {  	[smem:$0x3FAB] =	sst s6  }
0xf: {  	[smem:$0x3FAC] =	sst s7  }
0x10: {  	[smem:$0x3FAD] =	sst s8  }
0x11: {  	[smem:$0x3FAE] =	sst s9;
	s0 =	simm.s32 @!p0 $0x0  }
0x12: {  	s1 =	sld [smem:$0x3F94];
	s0 =	simm.s32 @p0 $0x1  }
0x13: {  	[smem:$0x3FAF] =	sst s0;
	s0 =	simm.s32 @!p1 $0x0  }
0x14: {  	s2 =	sld [smem:$0x3F93];
	s0 =	simm.s32 @p1 $0x1  }
0x15: {  	[smem:$0x3FB0] =	sst s0;
	s0 =	simm.s32 @!p2 $0x0  }
0x16: {  	s3 =	sld [smem:$0x3FDB];
	s0 =	simm.s32 @p2 $0x1  }
0x17: {  	s4 =	simm.s32 $0x1BF5;
	[smem:$0x3FB2] =	sst s0  }
0x18: {  	s0 =	sld [smem:$0x3F95];
	_ =	swait.ge [sflag:s4], $0x0  }
0x19: {  	s7 =	sld [smem:$0x3F96]  }
0x1a: {  	s8 =	sadd.s32 $0xFFFFE003, lr  }
0x1b: {  	s9 =	sadd.s32 $0xFFFFFEF7, lr;
	s5 =	simm.s32 $0xFFFFFFFF;
	p2 =	slt.u32 s8, $0xFFFFF086  }
0x1c: {  	p1 =	slt.u32 s9, $0xF7A;
	s5 =	simm.s32 @!p2 $0x0  }
0x1d: {  	s5 =	simm.s32 @p1 $0x1;
	p0 =	seq.s32 s7, s2  }
0x1e: {  	s7 =	smul.u32 @!p0 $0xF7A, s2;
	p2 =	seq.s32 @!p0 s5, $0x0  }
0x1f: {  	s9 =	smul.u32 $0xF7A, s1;
	s8 =	simm.s32 @!p0 $0x1BF5;
	p2 =	por !p2, p0  }
0x20: {  	[sflag:s8] =	ssyncset.s32 @!p0 $0xFFFFF086;
	s6 =	sadd.s32 @!p0 s3, s7;
	s7 =	simm.s32 @!p0 $0x108  }
0x21: {  	s3 =	sadd.s32 s3, s9;
	s6 =	sadd.s32 @!p0 $0x88, s6;
	s7 =	simm.s32 @p2 $0x1082  }
0x22: {  	[simem:s7], [sflag:s8] =	dma.local @!p0 [hbm:s6], $0xF7A  }
0x23: {  	s9 =	sor.u32 $0xD0000000, s2;
	s6 =	simm.s32 $0x108;
	_ =	swait.ge @!p0 [sflag:s8], $0x0  }
0x24: {  	s3 =	sadd.s32 $0x88, s3;
	s6 =	simm.s32 @!p1 $0x1082;
	[sflag:s4] =	ssyncset.s32 $0xFFFFF086  }
0x25: {  	[simem:s6], [sflag:s4] =	dma.local [hbm:s3], $0xF7A  }
0x26: {  	[smem:$0x3F96] =	sst s1;
	(tag) =	ssettag s2;
	_ =	strace s9  }
0x27: {  	s1 =	sld [smem:$0x3FA6]  }
0x28: {  	s2 =	sld [smem:$0x3FA7]  }
0x29: {  	s4 =	sld [smem:$0x3FA9]  }
0x2a: {  	p0 =	seq.s32 s5, $0x0;
	s5 =	sld [smem:$0x3FAA]  }
0x2b: {  	s6 =	sld [smem:$0x3FAB]  }
0x2c: {  	s7 =	sld [smem:$0x3FAC]  }
0x2d: {  	s3 =	simm.s32 $0x108;
	s8 =	sld [smem:$0x3FAD]  }
0x2e: {  	s3 =	simm.s32 @!p0 $0x1082;
	s9 =	sld [smem:$0x3FAE]  }
0x2f: {  	lr =	sadd.s32 s0, s3;
	s0 =	sld [smem:$0x3FA5]  }
0x30: {  	s3 =	sld [smem:$0x3FA8]  }
0x31: {  	[smem:$0x3FB1] =	sst s10  }
0x32: {  	s10 =	sld [smem:$0x3FAF];
	_ =	sdelay $0x3  }
0x33: {  	p0 =	seq.s32 s10, $0x1;
	s10 =	sld [smem:$0x3FB1];
	_ =	sdelay $0x3  }
0x34: {  	[smem:$0x3FB1] =	sst s10  }
0x35: {  	s10 =	sld [smem:$0x3FB0];
	_ =	sdelay $0x3  }
0x36: {  	p1 =	seq.s32 s10, $0x1;
	s10 =	sld [smem:$0x3FB1];
	_ =	sdelay $0x3  }
0x37: {  	[smem:$0x3FB1] =	sst s10  }
0x38: {  	s10 =	sld [smem:$0x3FB2]  }
0x39: {  	_ = 	snop;
	(pc) =	sbr.ind lr, $3  }
0x3a: {  	_ = 	snop  }
0x3b: {  	_ = 	snop  }
0x3c: {  	p2 =	seq.s32 s10, $0x1;
	s10 =	sld [smem:$0x3FB1]  }
0x3d: {  	_ =	shalt  }
0x3e: {  	_ =	shalt  }
0x3f: {  	_ =	shalt  }
0x40: {  	_ =	shalt  }
0x41: {  	_ =	shalt  }
0x42: {  	_ =	shalt  }
0x43: {  	_ =	shalt  }
0x44: {  	_ =	shalt  }
0x45: {  	_ =	shalt  }
0x46: {  	_ =	shalt  }
0x47: {  	_ =	shalt  }
0x48: {  	_ =	shalt  }
0x49: {  	_ =	shalt  }
0x4a: {  	_ =	shalt  }
0x4b: {  	_ =	shalt  }
0x4c: {  	_ =	shalt  }
0x4d: {  	_ =	shalt  }
0x4e: {  	_ =	shalt  }
0x4f: {  	_ =	shalt  }
0x50: {  	_ =	shalt  }
0x51: {  	_ =	shalt  }
0x52: {  	_ =	shalt  }
0x53: {  	_ =	shalt  }
0x54: {  	_ =	shalt  }
0x55: {  	_ =	shalt  }
0x56: {  	_ =	shalt  }
0x57: {  	_ =	shalt  }
0x58: {  	_ =	shalt  }
0x59: {  	_ =	shalt  }
0x5a: {  	_ =	shalt  }
0x5b: {  	_ =	shalt  }
0x5c: {  	_ =	shalt  }
0x5d: {  	_ =	shalt  }
0x5e: {  	_ =	shalt  }
0x5f: {  	_ =	shalt  }
0x60: {  	_ =	shalt  }
0x61: {  	_ =	shalt  }
0x62: {  	_ =	shalt  }
0x63: {  	_ =	shalt  }
0x64: {  	_ =	shalt  }
0x65: {  	_ =	shalt  }
0x66: {  	_ =	shalt  }
0x67: {  	_ =	shalt  }
0x68: {  	_ =	shalt  }
0x69: {  	_ =	shalt  }
0x6a: {  	_ =	shalt  }
0x6b: {  	_ =	shalt  }
0x6c: {  	_ =	shalt  }
0x6d: {  	_ =	shalt  }
0x6e: {  	_ =	shalt  }
0x6f: {  	_ =	shalt  }
0x70: {  	_ =	shalt  }
0x71: {  	_ =	shalt  }
0x72: {  	_ =	shalt  }
0x73: {  	_ =	shalt  }
0x74: {  	_ =	shalt  }
0x75: {  	_ =	shalt  }
0x76: {  	_ =	shalt  }
0x77: {  	_ =	shalt  }
0x78: {  	_ =	shalt  }
0x79: {  	_ =	shalt  }
0x7a: {  	_ =	shalt  }
0x7b: {  	_ =	shalt  }
0x7c: {  	_ =	shalt  }
0x7d: {  	_ =	shalt  }
0x7e: {  	_ =	shalt  }
0x7f: {  	_ =	shalt  }
0x80: {  	_ =	shalt  }
0x81: {  	_ =	shalt  }
0x82: {  	_ =	shalt  }
0x83: {  	_ =	shalt  }
0x84: {  	_ =	shalt  }
0x85: {  	_ =	shalt  }
0x86: {  	_ =	shalt  }
0x87: {  	_ =	shalt  }
.Lfunc_end0:
.L_simem_size_0:
called_computation_lowered:
.L_overlay_start_0:
0x88: {  	s2 =	sld [smem:$0x3FD9]  }
0x89: {  	s3 =	sld [smem:$0x3FFE];
	_ =	sdelay $0x1  }
0x8a: {  	s1 =	srdreg.scid  }
0x8b: {  	s0 =	sand.u32 $0x1, s1  }
0x8c: {  	s14 =	sshll.u32 s0, $0xA;
	s2 =	sadd.s32 s3, s2  }
0x8d: {  	s2 =	sadd.s32 s2, s14  }
0x8e: {  	[smem:$0x3FBD] =	sst s2  }
0x8f: {  	_ = 	snop  }
0x90: {  	s2 =	sld [smem:$0x3FD0];
	_ =	sdelay $0x2  }
0x91: {  	s4 =	simm.s32 $0xA;
	s5 =	simm.s32 $0x10;
	s15 =	sld [smem:$0x3FC9]  }
0x92: {  	[smem:s5], [sflag:s4] =	dma.local [hbm:s2], $0x1  }
0x93: {  	_ =	swait.eq [sflag:s4], $0x1  }
0x94: {  	[sflag:s4] =	ssyncset.done $0x0  }
0x95: {  	[sflag:s4] =	ssyncadd.s32 $0xFFFFFFFF  }
0x96: {  	s16 =	sld [smem:$0x10];
	(tm) =	ssettm $0x1  }
0x97: {  	s17 =	sld [smem:$0x3FFB];
	_ =	sdelay $0x3  }
0x98: {  	_ =	strace s17  }
0x99: {  	s4 =	sld [smem:$0x3FFC];
	_ =	sdelay $0x3  }
0x9a: {  	_ =	strace s4  }
0x9b: {  	s4 =	sld [smem:$0x3FFD];
	_ =	sdelay $0x3  }
0x9c: {  	_ =	strace s4  }
0x9d: {  	_ =	strace $0x8FFFFFFF  }
0x9e: {  	s18 =	sld [smem:$0x3FDB];
	_ =	sdelay $0x1  }
0x9f: {  	s19 =	simm.s32 $_scs_section_size  }
0xa0: {  	s6 =	simm.s32 $_size__tile_overlayer_lowered;
	s7 =	simm.s32 $_tile_overlayer_lowered  }
0xa1: {  	s22 =	simm.s32 $0x1BFF;
	s21 =	sshll.u32 s7, $0x1;
	s4 =	sadd.s32 s19, s18  }
0xa2: {  	s8 =	simm.s32 $0x0;
	s20 =	sshll.u32 s6, $0x1;
	s6 =	sadd.s32 s21, s4  }
0xa3: {  	[timem:s8], [sflag:s22] =	dma.local [hbm:s6], s20  }
0xa4: {  	_ =	swait.ge [sflag:s22], s20  }
0xa5: {  	s5 =	ssub.s32 $0x0, s20;
	[sflag:s22] =	ssyncset.done $0x0  }
0xa6: {  	[sflag:s22] =	ssyncadd.s32 s5;
	_ =	sdelay $0x1  }
0xa7: {  	s23 =	simm.s32 $0x1B8B  }
0xa8: {  	_ =	swait.ge [sflag:s23], $0x1  }
0xa9: {  	[sflag:s23] =	ssyncset.done $0x0  }
0xaa: {  	s25 =	simm.s32 $0x1B8E;
	s24 =	sld [smem:$0x3FFE];
	[sflag:s23] =	ssyncadd.s32 $0xFFFFFFFF  }
0xab: {  	s26 =	simm.s32 $execute0_lowered;
	[smem:$0x3FD2] =	sst s25  }
0xac: {  	s6 =	sshll.u32 s26, $0x1;
	_ =	strace $0x80000046;
	[dreg:$0x1] =	wrdreg $0xFFFFFFFF  }
0xad: {  	s28 =	simm.s32 $_size_execute0_lowered;
	s4 =	sadd.s32 s4, s6;
	[dreg:$0x0] =	wrdreg $0x0  }
0xae: {  	s6 =	sshll.u32 s28, $0x1;
	[dreg:$0x2] =	wrdreg s4  }
0xaf: {  	[dreg:$0x3] =	wrdreg s6  }
0xb0: {  	[dreg:$0x4] =	wrdreg $0xC0  }
0xb1: {  	_ =	task [dreg:s8], $0x5FFFF  }
0xb2: {  	[dreg:$0x1] =	wrdreg $0xFFFFFFFF  }
0xb3: {  	[dreg:$0x0] =	wrdreg $0x60  }
0xb4: {  	[dreg:$0x2] =	wrdreg s24  }
0xb5: {  	[dreg:$0x3] =	wrdreg s16  }
0xb6: {  	[dreg:$0x4] =	wrdreg s15  }
0xb7: {  	[dreg:$0x5] =	wrdreg $0xD3000  }
0xb8: {  	[dreg:$0x6] =	wrdreg $0xD5800  }
0xb9: {  	[dreg:$0x7] =	wrdreg $0x9  }
0xba: {  	_ =	task.clear_ibuf [dreg:s8], $0x8FFFF;
	_ =	strace $0x90000046  }
0xbb: {  	s29 =	simm.s32 $0x9;
	_ =	strace $0x80000048  }
0xbc: {  	_ =	swait.ge [sflag:s29], $0x1  }
0xbd: {  	[sflag:s29] =	ssyncadd.s32 $0xFFFFFFFF  }
0xbe: {  	_ =	strace $0x90000048  }
0xbf: {  	_ =	sfence  }
0xc0: {  	s30 =	sld [smem:$0x0];
	_ =	sdelay $0x2  }
0xc1: {  	s31 =	sshll.u32 s1, $0xD;
	s1 =	sshrl.u32 s1, $0x2  }
0xc2: {  	s3 =	sand.u32 $0x4000, s31;
	s1 =	sadd.s32 s1, s30  }
0xc3: {  	s0 =	sor.u32 s3, s0;
	s1 =	sshll.u32 s1, $0x11  }
0xc4: {  	s0 =	sor.u32 s1, s0  }
0xc5: {  	s0 =	sadd.s32 $0x8F2B, s0  }
0xc6: {  	[sflag:s0] =	ssyncadd.remote.s32 $0x1  }
0xc7: {  	_ =	sfence.sel $0xFFFF  }
0xc8: {  	[dreg:$0x0] =	wrdreg $0xFFFFFFFF;
	(pc) =	sbr.abs _section_cstart, $3  }
0xc9: {  	[dreg:$0x1] =	wrdreg $0xFFFFFFFF  }
0xca: {  	_ =	task.clear_ibuf [dreg:s8], $0x2FFFF;
	_ =	strace $0x9FFFFFFF  }
0xcb: {  	(tm) =	ssettm $0x7FFFFFFF  }
tec
execute0_lowered:
.L_overlay_start_1:
0x0: {  	(tag) =	ssettag $0x1  }
0x1: {  	s0 =	rddreg [dreg:$0x0]  }
0x2: {  	s1 =	rddreg [dreg:$0x1]  }
0x3: {  	s30 =	rddreg [dreg:$0x3]  }
0x4: {  	s11 =	stileid.u32;
	s31 =	rddreg [dreg:$0x4]  }
0x5: {  	s2 =	srdreg.scid;
	s5 =	simm.s32 $0x0;
	[dreg:$0x6] =	wrdreg s1  }
0x6: {  	s1 =	rddreg [dreg:$0x2];
	s3 =	sand.u32 $0x1, s2;
	s20 =	sshll.u32 s11, $0x1  }
0x7: {  	s4 =	smul.u32 $0x280, s11;
	s8 =	sadd.s32 $0x2000, s0;
	s9 =	sshll.u32 s11, $0x6  }
0x8: {  	[smem:$0x7FF] =	sst s5;
	s2 =	sor.u32 s3, s20;
	s23 =	sadd.s32 s8, s9  }
0x9: {  	_ =	strace $0x80000047;
	s6 =	sadd.s32 s4, s30;
	[dreg:$0xb] =	wrdreg s23  }
0xa: {  	s10 =	sadd.s32 s9, s0;
	s4 =	sadd.s32 s4, s31;
	[dreg:$0x7] =	wrdreg s6  }
0xb: {  	s3 =	ssub.s32 $0x2, s3;
	s21 =	sadd.s32 $0x1C00, s10;
	[dreg:$0x8] =	wrdreg s4  }
0xc: {  	v0 =	vlaneseq.u32;
	v33 =	vimm.s32 $0x65432100;
	v34 =	vimm.s32 $0xEDCBA987;
	s2 =	smul.u32 $0x140, s2;
	s22 =	sadd.s32 $0x2400, s10;
	[dreg:$0x9] =	wrdreg s21  }
0xd: {  	v35 =	vimm.s32 $0xDCBA9876;
	v36 =	vimm.s32 $0x54321000;
	v37 =	vimm.s32 $0xBA987654;
	s12 =	sshrl.u32 s3, $0x1;
	s6 =	sshll.u32 s11, $0x9;
	[dreg:$0xa] =	wrdreg s22  }
0xe: {  	v38 =	vimm.s32 $0xE40000;
	v39 =	vimm.s32 $0x32100000;
	v61 =	vimm.s32 $0x7060504;
	s3 =	ssub.s32 s3, s12;
	s7 =	sshrl.u32 s2, $0x3;
	s9 =	sor.u32 $0x80, s6  }
0xf: {  	vm0 =	vmmov $0x3;
	vm1 =	vmmov $0xf;
	vm2 =	vcmask $0x3F30;
	s14 =	sor.u32 $0x100, s6;
	s4 =	sor.u32 $0x180, s6;
	s11 =	sor.u32 $0x10, s6  }
0x10: {  	vm3 =	vmmov $0xffff;
	v33 =	vunpack.c.l.s4.s8 v33;
	v34 =	vunpack.c.l.s4.s8 v34;
	s12 =	sor.u32 $0x20, s6;
	s16 =	sor.u32 $0x30, s6;
	s17 =	sor.u32 $0x40, s6  }
0x11: {  	v35 =	vunpack.c.l.s4.s8 v35;
	v36 =	vunpack.c.l.s4.s8 v36;
	v37 =	vunpack.c.l.s4.s8 v37;
	s15 =	sor.u32 $0x50, s6;
	s18 =	sor.u32 $0x60, s6;
	s21 =	sor.u32 $0x70, s6  }
0x12: {  	v38 =	vunpack.c.l.s2.s4 v38;
	v39 =	vunpack.c.l.s4.s8 v39;
	v40 =	vshrl.u32 v0, $0x3;
	s22 =	sor.u32 $0x90, s6;
	s23 =	sor.u32 $0xA0, s6;
	s19 =	sor.u32 $0x110, s6  }
0x13: {  	v62 =	vunpack.c.0.s8.s32 v61;
	v41 =	vor.u32 $0x8, v0;
	v40 =	vmul.u32 $0x8, v40;
	s20 =	sor.u32 $0x120, s6;
	s10 =	sor.u32 $0x160, s6;
	s13 =	sadd.s32 s7, s0  }
0x14: {  	v33 =	vunpack.c.0.s8.s32 v33;
	v34 =	vunpack.c.0.s8.s32 v34;
	v35 =	vunpack.c.0.s8.s32 v35;
	s0 =	sadd.s32 $0x3400, s0;
	s24 =	sshrl.u32 s9, $0x3;
	s26 =	sshrl.u32 s14, $0x3  }
0x15: {  	v36 =	vunpack.c.0.s8.s32 v36;
	s29 =	sshrl.u32 s4, $0x3;
	v4 =	vor.u32 s16, v0;
	v6 =	vor.u32 s15, v0;
	s15 =	sor.u32 $0x130, s6;
	s16 =	sor.u32 $0x140, s6  }
0x16: {  	v2 =	vor.u32 s11, v0;
	v5 =	vor.u32 s17, v0;
	s17 =	sor.u32 $0x150, s6;
	v8 =	vor.u32 s21, v0;
	s11 =	sor.u32 $0x170, s6;
	s21 =	sadd.s32 s2, s31  }
0x17: {  	v37 =	vunpack.c.0.s8.s32 v37;
	v3 =	vor.u32 s12, v0;
	v9 =	vor.u32 s9, v0;
	s9 =	sor.u32 $0x1A0, s6;
	s12 =	sor.u32 $0x1B0, s6;
	s7 =	smul.u32 $0x300, s7  }
0x18: {  	v38 =	vunpack.c.l.s4.s8 v38;
	v59 =	vunpack.c.0.s8.s32 v39;
	v17 =	vor.u32 s14, v0;
	s14 =	sor.u32 $0x1D0, s6;
	s25 =	sadd.s32 s8, s24;
	[dreg:$0xf] =	wrdreg s21  }
0x19: {  	v39 =	vand.u32 $0x7, v0;
	v1 =	vor.u32 s6, v0;
	v7 =	vor.u32 s18, v0;
	s18 =	sor.u32 $0x1E0, s6;
	s28 =	sadd.s32 s8, s26;
	[dreg:$0xc] =	wrdreg s25  }
0x1a: {  	v34 =	vand.u32 $0xF, v34;
	v35 =	vand.u32 $0xF, v35;
	v60 =	vand.u32 $0xF, v37;
	s8 =	sadd.s32 s8, s29;
	s24 =	sor.u32 $0xB0, s6;
	[dreg:$0xd] =	wrdreg s28  }
0x1b: {  	v38 =	vunpack.c.0.s8.s32 v38;
	v37 =	vimm.s32 $0x0;
	s26 =	sor.u32 $0xD0, s6;
	[dreg:$0xe] =	wrdreg s8;
	v12 =	vor.u32 s24, v0;
	s24 =	sadd.s32 $0x2800, s13  }
0x1c: {  	v10 =	vor.u32 s22, v0;
	v11 =	vor.u32 s23, v0;
	s29 =	sor.u32 $0xF0, s6;
	v14 =	vor.u32 s26, v0;
	s26 =	sadd.s32 $0x2E00, s13;
	[dreg:$0x10] =	wrdreg s24  }
0x1d: {  	v1 =	vshrl.u32 v1, $0x1;
	v18 =	vor.u32 s19, v0;
	v19 =	vor.u32 s20, v0;
	s28 =	sor.u32 $0xE0, s6;
	s7 =	sadd.s32 s0, s7;
	[dreg:$0x11] =	wrdreg s26  }
0x1e: {  	v23 =	vor.u32 s10, v0;
	v25 =	vor.u32 s4, v0;
	s25 =	sor.u32 $0xC0, s6;
	v15 =	vor.u32 s28, v0;
	s28 =	sadd.s32 $0x40, s2;
	[dreg:$0x12] =	wrdreg s7  }
0x1f: {  	v33 =	vcombine.low v33, v34;
	v34 =	vcombine.low v36, v35;
	v16 =	vor.u32 s29, v0;
	s24 =	sadd.s32 $0x80, s2;
	s29 =	sshrl.u32 s28, $0x3;
	s21 =	sadd.s32 s28, s30  }
0x20: {  	v35 =	vcombine.low v59, v60;
	v2 =	vshrl.u32 v2, $0x1;
	v13 =	vor.u32 s25, v0;
	s25 =	sshrl.u32 s24, $0x3;
	s26 =	sadd.s32 s24, s30;
	[dreg:$0x13] =	wrdreg s21  }
0x21: {  	v3 =	vshrl.u32 v3, $0x1;
	v4 =	vshrl.u32 v4, $0x1;
	v5 =	vshrl.u32 v5, $0x1;
	s28 =	sadd.s32 $0xC0, s2;
	s24 =	simm.s32 $0xCE00;
	[dreg:$0x15] =	wrdreg s26  }
0x22: {  	v6 =	vshrl.u32 v6, $0x1;
	v7 =	vshrl.u32 v7, $0x1;
	v8 =	vshrl.u32 v8, $0x1;
	s31 =	smul.u32 $0x300, s29;
	s29 =	sadd.s32 s2, s30;
	[dreg:$0x1b] =	wrdreg s24  }
0x23: {  	s10 =	simm.s32 $0x2;
	v9 =	vshrl.u32 v9, $0x1;
	v10 =	vshrl.u32 v10, $0x1;
	v11 =	vshrl.u32 v11, $0x1;
	s20 =	sadd.s32 s28, s30;
	[smem:$0x7FB] =	sst s29  }
0x24: {  	v17 =	vshrl.u32 v17, $0x1;
	v18 =	vshrl.u32 v18, $0x1;
	v19 =	vshrl.u32 v19, $0x1;
	s7 =	smul.u32 $0x300, s25;
	s25 =	simm.s32 $0xD080;
	[dreg:$0x17] =	wrdreg s20  }
0x25: {  	v20 =	vor.u32 s15, v0;
	v21 =	vor.u32 s16, v0;
	v22 =	vor.u32 s17, v0;
	s2 =	sadd.s32 $0x100, s2;
	s26 =	simm.s32 $0x480;
	[dreg:$0x1c] =	wrdreg s25  }
0x26: {  	v24 =	vor.u32 s11, v0;
	v23 =	vshrl.u32 v23, $0x1;
	v25 =	vshrl.u32 v25, $0x1;
	s21 =	sshrl.u32 s2, $0x3;
	s2 =	sadd.s32 s2, s30;
	[dreg:$0x1d] =	wrdreg s26  }
0x27: {  	v27 =	vor.u32 s9, v0;
	v28 =	vor.u32 s12, v0;
	v30 =	vor.u32 s14, v0;
	s9 =	simm.s32 $0xE00;
	s29 =	simm.s32 $0x900;
	[dreg:$0x19] =	wrdreg s2  }
0x28: {  	v31 =	vor.u32 s18, v0;
	v63 =	vand.u32 $0x3, v38;
	v38 =	vimm.f32 $0.0e+00;
	s8 =	sor.u32 $0x190, s6;
	s30 =	simm.s32 $0x980;
	[dreg:$0x1f] =	wrdreg s29  }
0x29: {  	s13 =	sor.u32 $0x1C0, s6;
	v20 =	vshrl.u32 v20, $0x1;
	v21 =	vshrl.u32 v21, $0x1;
	v22 =	vshrl.u32 v22, $0x1;
	s23 =	sadd.s32 s0, s31;
	[smem:$0x7FC] =	sst s30  }
0x2a: {  	v24 =	vshrl.u32 v24, $0x1;
	v27 =	vshrl.u32 v27, $0x1;
	v28 =	vshrl.u32 v28, $0x1;
	s31 =	sshrl.u32 s28, $0x3;
	s7 =	sadd.s32 s0, s7;
	[dreg:$0x14] =	wrdreg s23  }
0x2b: {  	v30 =	vshrl.u32 v30, $0x1;
	v31 =	vshrl.u32 v31, $0x1;
	v36 =	vsel vm2, v62, v63;
	s28 =	simm.s32 $0x880;
	s19 =	smul.u32 $0x300, s31;
	[dreg:$0x16] =	wrdreg s7  }
0x2c: {  	vm2 =	vmmov $0xff;
	v12 =	vshrl.u32 v12, $0x1;
	v14 =	vshrl.u32 v14, $0x1;
	s23 =	smul.u32 $0x300, s21;
	[dreg:$0x1e] =	wrdreg s28;
	s31 =	simm.s32 $0xA00  }
0x2d: {  	s6 =	sor.u32 $0x1F0, s6;
	v16 =	vshrl.u32 v16, $0x1;
	v26 =	vor.u32 s8, v0;
	v29 =	vor.u32 s13, v0;
	[smem:$0x7FD] =	sst s31;
	s22 =	sadd.s32 s0, s19  }
0x2e: {  	s8 =	sadd.s32 $0x200, s1;
	v32 =	vor.u32 s6, v0;
	v13 =	vshrl.u32 v13, $0x1;
	v15 =	vshrl.u32 v15, $0x1;
	s0 =	sadd.s32 s0, s23;
	[dreg:$0x18] =	wrdreg s22  }
0x2f: {  	v26 =	vshrl.u32 v26, $0x1;
	v29 =	vshrl.u32 v29, $0x1;
	v32 =	vshrl.u32 v32, $0x1;
	s2 =	smax.u32 s3, $0x1;
	s7 =	sadd.s32 $0x100, s1;
	[dreg:$0x1a] =	wrdreg s0  }
.LBB2_1:
0x30: {  	[smem:$0x7FA] =	sst s2  }
0x31: {  	s25 =	rddreg [dreg:$0x6]  }
0x32: {  	[tilespmem:s5], [sflag:$0x2] =	stream.linear.gather [hbm4b:s25+s5], $0x80, $0x38;
	[tilespmem:$0xD800] =	vst v63  }
0x33: {  	_ =	swait.ge [sflag:s10], $0x80  }
0x34: {  	[sflag:s10] =	ssyncset.done $0x0  }
0x35: {  	[sflag:s10] =	ssyncadd.s32 $0xFFFFFF80  }
0x36: {  	[tilespmem:$0xCE00] =	vst v37  }
0x37: {  	[tilespmem:$0xD080] =	vst v38  }
0x38: {  	[tilespmem:$0xCE10] =	vst v37  }
0x39: {  	[tilespmem:$0xD090] =	vst v38  }
0x3a: {  	[tilespmem:$0xCE20] =	vst v37  }
0x3b: {  	[tilespmem:$0xD0A0] =	vst v38  }
0x3c: {  	[tilespmem:$0xCE30] =	vst v37  }
0x3d: {  	[tilespmem:$0xD0B0] =	vst v38  }
0x3e: {  	[tilespmem:$0xCE40] =	vst v37  }
0x3f: {  	[tilespmem:$0xD0C0] =	vst v38  }
0x40: {  	[tilespmem:$0xCE50] =	vst v37  }
0x41: {  	[tilespmem:$0xD0D0] =	vst v38  }
0x42: {  	[tilespmem:$0xCE60] =	vst v37  }
0x43: {  	[tilespmem:$0xD0E0] =	vst v38  }
0x44: {  	[tilespmem:$0xCE70] =	vst v37  }
0x45: {  	[tilespmem:$0xD0F0] =	vst v38  }
0x46: {  	[tilespmem:$0xCE80] =	vst v37  }
0x47: {  	[tilespmem:$0xD100] =	vst v38  }
0x48: {  	[tilespmem:$0xCE90] =	vst v37  }
0x49: {  	[tilespmem:$0xD110] =	vst v38  }
0x4a: {  	[tilespmem:$0xCEA0] =	vst v37  }
0x4b: {  	[tilespmem:$0xD120] =	vst v38  }
0x4c: {  	[tilespmem:$0xCEB0] =	vst v37  }
0x4d: {  	[tilespmem:$0xD130] =	vst v38  }
0x4e: {  	[tilespmem:$0xCEC0] =	vst v37  }
0x4f: {  	[tilespmem:$0xD140] =	vst v38  }
0x50: {  	[tilespmem:$0xCED0] =	vst v37  }
0x51: {  	[tilespmem:$0xD150] =	vst v38  }
0x52: {  	[tilespmem:$0xCEE0] =	vst v37  }
0x53: {  	[tilespmem:$0xD160] =	vst v38  }
0x54: {  	[tilespmem:$0xCEF0] =	vst v37  }
0x55: {  	[tilespmem:$0xD170] =	vst v38  }
0x56: {  	[tilespmem:$0xCF00] =	vst v37  }
0x57: {  	[tilespmem:$0xD180] =	vst v38  }
0x58: {  	[tilespmem:$0xCF10] =	vst v37  }
0x59: {  	[tilespmem:$0xD190] =	vst v38  }
0x5a: {  	[tilespmem:$0xCF20] =	vst v37  }
0x5b: {  	[tilespmem:$0xD1A0] =	vst v38  }
0x5c: {  	[tilespmem:$0xCF30] =	vst v37  }
0x5d: {  	[tilespmem:$0xD1B0] =	vst v38  }
0x5e: {  	[tilespmem:$0xCF40] =	vst v37  }
0x5f: {  	[tilespmem:$0xD1C0] =	vst v38  }
0x60: {  	[tilespmem:$0xCF50] =	vst v37  }
0x61: {  	[tilespmem:$0xD1D0] =	vst v38  }
0x62: {  	[tilespmem:$0xCF60] =	vst v37  }
0x63: {  	[tilespmem:$0xD1E0] =	vst v38  }
0x64: {  	[tilespmem:$0xCF70] =	vst v37  }
0x65: {  	[tilespmem:$0xD1F0] =	vst v38  }
0x66: {  	[tilespmem:$0xCF80] =	vst v37  }
0x67: {  	[tilespmem:$0xD200] =	vst v38  }
0x68: {  	[tilespmem:$0xCF90] =	vst v37  }
0x69: {  	[tilespmem:$0xD210] =	vst v38  }
0x6a: {  	[tilespmem:$0xCFA0] =	vst v37  }
0x6b: {  	[tilespmem:$0xD220] =	vst v38  }
0x6c: {  	[tilespmem:$0xCFB0] =	vst v37  }
0x6d: {  	[tilespmem:$0xD230] =	vst v38  }
0x6e: {  	[tilespmem:$0xCFC0] =	vst v37  }
0x6f: {  	[tilespmem:$0xD240] =	vst v38  }
0x70: {  	[tilespmem:$0xCFD0] =	vst v37  }
0x71: {  	[tilespmem:$0xD250] =	vst v38  }
0x72: {  	[tilespmem:$0xCFE0] =	vst v37  }
0x73: {  	[tilespmem:$0xD260] =	vst v38  }
0x74: {  	[tilespmem:$0xCFF0] =	vst v37  }
0x75: {  	[tilespmem:$0xD270] =	vst v38  }
0x76: {  	[tilespmem:$0xD000] =	vst v37  }
0x77: {  	[tilespmem:$0xD280] =	vst v38  }
0x78: {  	[tilespmem:$0xD010] =	vst v37  }
0x79: {  	[tilespmem:$0xD290] =	vst v38  }
0x7a: {  	[tilespmem:$0xD020] =	vst v37  }
0x7b: {  	[tilespmem:$0xD2A0] =	vst v38  }
0x7c: {  	[tilespmem:$0xD030] =	vst v37  }
0x7d: {  	[tilespmem:$0xD2B0] =	vst v38  }
0x7e: {  	[tilespmem:$0xD040] =	vst v37  }
0x7f: {  	[tilespmem:$0xD2C0] =	vst v38  }
0x80: {  	[tilespmem:$0xD050] =	vst v37  }
0x81: {  	[tilespmem:$0xD2D0] =	vst v38  }
0x82: {  	[tilespmem:$0xD060] =	vst v37  }
0x83: {  	[tilespmem:$0xD2E0] =	vst v38  }
0x84: {  	s4 =	rddreg [dreg:$0x7];
	[tilespmem:$0xD070] =	vst v37  }
0x85: {  	s26 =	rddreg [dreg:$0x1b];
	[tilespmem:$0xD2F0] =	vst v38  }
0x86: {  	v42 =	vld [tilespmem:$0x0];
	[spmem:s4] =	stream.linear.scatter [tilespmem:s26], [sflag:$0x2], $0x280, $0x38  }
0x87: {  	_ =	swait.ge [sflag:s10], $0x280  }
0x88: {  	s6 =	rddreg [dreg:$0x8];
	[sflag:s10] =	ssyncset.done $0x0  }
0x89: {  	s11 =	rddreg [dreg:$0x1c];
	[sflag:s10] =	ssyncadd.s32 $0xFFFFFD80  }
0x8a: {  	[spmem:s6] =	stream.linear.scatter [tilespmem:s11], [sflag:$0x2], $0x280, $0x38;
	[tilespmem:$0xD800] =	vst v63  }
0x8b: {  	_ =	swait.ge [sflag:s10], $0x280  }
0x8c: {  	[sflag:s10] =	ssyncset.done $0x0  }
0x8d: {  	[sflag:s10] =	ssyncadd.s32 $0xFFFFFD80  }
0x8e: {  	[bflag:$0x0] =	sbarrier.arrive $0xFFFF  }
0x8f: {  	s3 =	simm.s32 $0x80;
	s12 =	rddreg [dreg:$0x9]  }
0x90: {  	[tilespmem:s3], [sflag:$0x2] =	stream.linear.gather [hbm4b:s12+s5], $0x200, $0x38;
	[tilespmem:$0xD800] =	vst v63  }
0x91: {  	_ =	swait.ge [sflag:s10], $0x200  }
0x92: {  	s13 =	rddreg [dreg:$0xa];
	[sflag:s10] =	ssyncset.done $0x0  }
0x93: {  	s14 =	rddreg [dreg:$0x1d];
	[sflag:s10] =	ssyncadd.s32 $0xFFFFFE00  }
0x94: {  	[tilespmem:s14], [sflag:$0x2] =	stream.linear.gather [hbm4b:s13+s5], $0x200, $0x38;
	[tilespmem:$0xD800] =	vst v63  }
0x95: {  	_ =	swait.ge [sflag:s10], $0x200  }
0x96: {  	[sflag:s10] =	ssyncset.done $0x0  }
0x97: {  	s4 =	simm.s32 $0x280;
	s15 =	rddreg [dreg:$0xb];
	[sflag:s10] =	ssyncadd.s32 $0xFFFFFE00  }
0x98: {  	[tilespmem:s4], [sflag:$0x2] =	stream.linear.gather [hbm4b:s15+s5], $0x80, $0x38;
	[tilespmem:$0xD800] =	vst v63  }
0x99: {  	_ =	swait.ge [sflag:s10], $0x80  }
0x9a: {  	[sflag:s10] =	ssyncset.done $0x0  }
0x9b: {  	s30 =	simm.s32 $0x300;
	s16 =	rddreg [dreg:$0xc];
	[sflag:s10] =	ssyncadd.s32 $0xFFFFFF80  }
0x9c: {  	[tilespmem:s30], [sflag:$0x2] =	stream.linear.gather [hbm4b:s16+s5], $0x80, $0x38;
	[tilespmem:$0xD800] =	vst v63  }
0x9d: {  	_ =	swait.ge [sflag:s10], $0x80  }
0x9e: {  	[sflag:s10] =	ssyncset.done $0x0  }
0x9f: {  	s6 =	simm.s32 $0x380;
	s17 =	rddreg [dreg:$0xd];
	[sflag:s10] =	ssyncadd.s32 $0xFFFFFF80  }
0xa0: {  	[tilespmem:s6], [sflag:$0x2] =	stream.linear.gather [hbm4b:s17+s5], $0x80, $0x38;
	[tilespmem:$0xD800] =	vst v63  }
0xa1: {  	v42 =	vadd.s32 $0xFF, v42;
	_ =	swait.ge [sflag:s10], $0x80  }
0xa2: {  	v42 =	vand.u32 $0xFFFFFF00, v42;
	[sflag:s10] =	ssyncset.done $0x0  }
0xa3: {  	s19 =	simm.s32 $0x400;
	vm4 =	vgt.s32 v42, $0x100;
	s18 =	rddreg [dreg:$0xe];
	[sflag:s10] =	ssyncadd.s32 $0xFFFFFF80  }
0xa4: {  	v42 =	vnsel vm4, $0x100, v42;
	[tilespmem:s19], [sflag:$0x2] =	stream.linear.gather [hbm4b:s18+s5], $0x80, $0x38;
	[tilespmem:$0xD800] =	vst v63  }
0xa5: {  	v43 =	vperm.xlane v42, v33;
	_ =	swait.ge [sflag:s10], $0x80  }
0xa6: {  	vm4 =	veq.s32 v0, $0x0;
	[sflag:s10] =	ssyncset.done $0x0  }
0xa7: {  	v43 =	vsel vm4, $0x0, v43;
	[sflag:s10] =	ssyncadd.s32 $0xFFFFFF80  }
0xa8: {  	v43 =	vadd.s32 v43, v42;
	v45 =	vld [tilespmem:$0x80]  }
0xa9: {  	v44 =	vperm.xlane v43, v34;
	v57 =	vld [tilespmem:$0x480]  }
0xaa: {  	v47 =	vld [tilespmem:$0x90]  }
0xab: {  	v44 =	vsel vm0, $0x0, v44;
	v48 =	vld [tilespmem:$0x490]  }
0xac: {  	v43 =	vadd.s32 v44, v43;
	v49 =	vld [tilespmem:$0xA0]  }
0xad: {  	v44 =	vperm.xlane v43, v35;
	v58 =	vld [tilespmem:$0x4A0]  }
0xae: {  	v59 =	vld [tilespmem:$0xB0];
	[tilespmem:$0x880] =	vst v1  }
0xaf: {  	v44 =	vsel vm1, $0x0, v44;
	v50 =	vld [tilespmem:$0x4B0];
	[tilespmem:$0x890] =	vst v2  }
0xb0: {  	v43 =	vadd.s32 v44, v43;
	v51 =	vld [tilespmem:$0xC0];
	[tilespmem:$0x8A0] =	vst v3  }
0xb1: {  	v46 =	vperm.xlane v43, v36;
	v61 =	vld [tilespmem:$0x4C0];
	[tilespmem:$0x8B0] =	vst v4  }
0xb2: {  	v63 =	vld [tilespmem:$0xD0];
	[tilespmem:$0x8C0] =	vst v5  }
0xb3: {  	v46 =	vsel vm2, $0x0, v46;
	v52 =	vld [tilespmem:$0x4D0];
	[tilespmem:$0x8D0] =	vst v6  }
0xb4: {  	v42 =	vsub.s32 v46, v42;
	v53 =	vld [tilespmem:$0xE0];
	[tilespmem:$0x8E0] =	vst v7  }
0xb5: {  	v42 =	vadd.s32 v43, v42;
	v55 =	vld [tilespmem:$0x4E0];
	[tilespmem:$0x8F0] =	vst v8  }
0xb6: {  	v56 =	vld [tilespmem:$0xF0];
	[tilespmem:$0x900] =	vst v9;
	v45 =	vperm.xlane v42, v45;
	v47 =	vperm.xlane v42, v47  }
0xb7: {  	[tilespmem:$0x910] =	vst v10;
	v60 =	vperm.xlane v42, v49;
	v43 =	vperm.xlane v42, v59;
	v59 =	vld [tilespmem:$0x500]  }
0xb8: {  	[tilespmem:$0x920] =	vst v11;
	v44 =	vadd.s32 v57, v45;
	v57 =	vld [tilespmem:$0x4F0]  }
0xb9: {  	[tilespmem:$0x930] =	vst v12;
	v54 =	vperm.xlane v42, v51;
	v62 =	vadd.s32 v48, v47;
	v48 =	vadd.s32 v58, v60;
	v58 =	vld [tilespmem:$0x100]  }
0xba: {  	[tilespmem:$0x940] =	vst v13;
	v60 =	vld [tilespmem:$0x110]  }
0xbb: {  	[tilespmem:$0x950] =	vst v14;
	v46 =	vadd.s32 v61, v54;
	v61 =	vld [tilespmem:$0x510]  }
0xbc: {  	[tilespmem:$0x960] =	vst v15;
	v47 =	vperm.xlane v42, v63;
	v63 =	vld [tilespmem:$0x520]  }
0xbd: {  	[tilespmem:$0x970] =	vst v16;
	v54 =	vld [tilespmem:$0x140]  }
0xbe: {  	[tilespmem:$0x690] =	vst v62;
	v62 =	vld [tilespmem:$0x120]  }
0xbf: {  	v43 =	vadd.s32 v50, v43;
	[tilespmem:$0x680] =	vst v44;
	v44 =	vperm.xlane v42, v53;
	v53 =	vld [tilespmem:$0x530]  }
0xc0: {  	[tilespmem:$0x6B0] =	vst v43;
	v43 =	vperm.xlane v42, v56;
	v56 =	vld [tilespmem:$0x150]  }
0xc1: {  	[tilespmem:$0x980] =	vst v17;
	v45 =	vadd.s32 v52, v47;
	v52 =	vld [tilespmem:$0x130]  }
0xc2: {  	[tilespmem:$0x990] =	vst v18;
	v44 =	vadd.s32 v55, v44;
	v55 =	vld [tilespmem:$0x540]  }
0xc3: {  	[tilespmem:$0x9A0] =	vst v19;
	v43 =	vadd.s32 v57, v43;
	v57 =	vld [tilespmem:$0x550]  }
0xc4: {  	[tilespmem:$0x6C0] =	vst v46;
	v46 =	vperm.xlane v42, v58;
	v58 =	vld [tilespmem:$0x160]  }
0xc5: {  	[tilespmem:$0x6D0] =	vst v45;
	v45 =	vperm.xlane v42, v60;
	v60 =	vld [tilespmem:$0x170]  }
0xc6: {  	[tilespmem:$0x6E0] =	vst v44;
	v44 =	vperm.xlane v42, v62;
	v62 =	vld [tilespmem:$0x180]  }
0xc7: {  	[tilespmem:$0x9B0] =	vst v20;
	v46 =	vadd.s32 v59, v46;
	v59 =	vld [tilespmem:$0x560]  }
0xc8: {  	[tilespmem:$0x9C0] =	vst v21;
	v45 =	vadd.s32 v61, v45;
	v61 =	vld [tilespmem:$0x570]  }
0xc9: {  	[tilespmem:$0x6F0] =	vst v43;
	v43 =	vperm.xlane v42, v52;
	v52 =	vld [tilespmem:$0x190]  }
0xca: {  	[tilespmem:$0x9D0] =	vst v22;
	v44 =	vadd.s32 v63, v44;
	v63 =	vld [tilespmem:$0x580]  }
0xcb: {  	[tilespmem:$0x700] =	vst v46;
	v46 =	vperm.xlane v42, v54;
	v54 =	vld [tilespmem:$0x1A0]  }
0xcc: {  	[tilespmem:$0x710] =	vst v45;
	v45 =	vperm.xlane v42, v56;
	v56 =	vld [tilespmem:$0x1B0]  }
0xcd: {  	[tilespmem:$0x9E0] =	vst v23;
	v43 =	vadd.s32 v53, v43;
	v53 =	vld [tilespmem:$0x590]  }
0xce: {  	[tilespmem:$0x9F0] =	vst v24;
	v46 =	vadd.s32 v55, v46;
	v55 =	vld [tilespmem:$0x5A0]  }
0xcf: {  	[tilespmem:$0xA00] =	vst v25;
	v45 =	vadd.s32 v57, v45;
	v57 =	vld [tilespmem:$0x5B0]  }
0xd0: {  	[tilespmem:$0x720] =	vst v44;
	v44 =	vperm.xlane v42, v58;
	v58 =	vld [tilespmem:$0x1C0]  }
0xd1: {  	[tilespmem:$0x730] =	vst v43;
	v43 =	vperm.xlane v42, v60;
	v60 =	vld [tilespmem:$0x1D0]  }
0xd2: {  	[tilespmem:$0x740] =	vst v46;
	v46 =	vperm.xlane v42, v62;
	v62 =	vld [tilespmem:$0x1E0]  }
0xd3: {  	[tilespmem:$0xA10] =	vst v26;
	v44 =	vadd.s32 v59, v44;
	v59 =	vld [tilespmem:$0x5C0]  }
0xd4: {  	[tilespmem:$0xA20] =	vst v27;
	v43 =	vadd.s32 v61, v43;
	v61 =	vld [tilespmem:$0x5D0]  }
0xd5: {  	[tilespmem:$0x750] =	vst v45;
	v45 =	vperm.xlane v42, v52;
	v52 =	vld [tilespmem:$0x1F0]  }
0xd6: {  	[tilespmem:$0xA30] =	vst v28;
	v46 =	vadd.s32 v63, v46;
	v63 =	vld [tilespmem:$0x5E0]  }
0xd7: {  	[tilespmem:$0x760] =	vst v44;
	v44 =	vperm.xlane v42, v54;
	v54 =	vld [tilespmem:$0x200]  }
0xd8: {  	[tilespmem:$0x770] =	vst v43;
	v43 =	vperm.xlane v42, v56;
	v56 =	vld [tilespmem:$0x210]  }
0xd9: {  	[tilespmem:$0xA40] =	vst v29;
	v45 =	vadd.s32 v53, v45;
	v53 =	vld [tilespmem:$0x5F0]  }
0xda: {  	[tilespmem:$0xA50] =	vst v30;
	v44 =	vadd.s32 v55, v44;
	v55 =	vld [tilespmem:$0x600]  }
0xdb: {  	[tilespmem:$0xA60] =	vst v31;
	v43 =	vadd.s32 v57, v43;
	v57 =	vld [tilespmem:$0x610]  }
0xdc: {  	[tilespmem:$0x780] =	vst v46;
	v46 =	vperm.xlane v42, v58;
	v58 =	vld [tilespmem:$0x220]  }
0xdd: {  	[tilespmem:$0x790] =	vst v45;
	v45 =	vperm.xlane v42, v60;
	v60 =	vld [tilespmem:$0x230]  }
0xde: {  	[tilespmem:$0x7A0] =	vst v44;
	v44 =	vperm.xlane v42, v62;
	v62 =	vld [tilespmem:$0x240]  }
0xdf: {  	[tilespmem:$0xA70] =	vst v32;
	v46 =	vadd.s32 v59, v46;
	v59 =	vld [tilespmem:$0x620]  }
0xe0: {  	[tilespmem:$0x6A0] =	vst v48;
	v45 =	vadd.s32 v61, v45;
	v61 =	vld [tilespmem:$0x630]  }
0xe1: {  	[tilespmem:$0x7B0] =	vst v43;
	v43 =	vperm.xlane v42, v52;
	v52 =	vld [tilespmem:$0x250]  }
0xe2: {  	[tilespmem:$0x7C0] =	vst v46;
	v44 =	vadd.s32 v63, v44;
	v63 =	vld [tilespmem:$0x640]  }
0xe3: {  	[tilespmem:$0x7D0] =	vst v45;
	v46 =	vperm.xlane v42, v54;
	v54 =	vld [tilespmem:$0x260]  }
0xe4: {  	v45 =	vperm.xlane v42, v56;
	v56 =	vld [tilespmem:$0x270];
	[tilespmem:$0x7E0] =	vst v44;
	v43 =	vadd.s32 v53, v43  }
0xe5: {  	v53 =	vld [tilespmem:$0x650];
	[tilespmem:$0x7F0] =	vst v43;
	v46 =	vadd.s32 v55, v46;
	v44 =	vperm.xlane v42, v58  }
0xe6: {  	v45 =	vadd.s32 v57, v45;
	v43 =	vperm.xlane v42, v60;
	v55 =	vld [tilespmem:$0x660];
	[tilespmem:$0x800] =	vst v46  }
0xe7: {  	v57 =	vld [tilespmem:$0x670];
	[tilespmem:$0x810] =	vst v45;
	v46 =	vperm.xlane v42, v62;
	v44 =	vadd.s32 v59, v44  }
0xe8: {  	v43 =	vadd.s32 v61, v43;
	v45 =	vperm.xlane v42, v52;
	[tilespmem:$0x820] =	vst v44  }
0xe9: {  	[tilespmem:$0x830] =	vst v43;
	v46 =	vadd.s32 v63, v46;
	v43 =	vperm.xlane v42, v54  }
0xea: {  	v42 =	vperm.xlane v42, v56;
	[tilespmem:$0x840] =	vst v46;
	v44 =	vadd.s32 v53, v45  }
0xeb: {  	[tilespmem:$0x850] =	vst v44;
	v43 =	vadd.s32 v55, v43  }
0xec: {  	s20 =	rddreg [dreg:$0x1e];
	v42 =	vadd.s32 v57, v42;
	[tilespmem:$0x860] =	vst v43  }
0xed: {  	s0 =	simm.s32 $0x680;
	s21 =	rddreg [dreg:$0x3];
	[tilespmem:$0x870] =	vst v42  }
0xee: {  	[spmem:s21] =	stream.indirect.scatter [tilespmem:s20], [sflag:$0x2], $0x1, s0, s3, $0xb8;
	[tilespmem:$0xD800] =	vst v63  }
0xef: {  	_ =	swait.ge [sflag:s10], $0x80  }
0xf0: {  	[sflag:s10] =	ssyncset.done $0x0  }
0xf1: {  	[sflag:s10] =	ssyncadd.s32 $0xFFFFFF80  }
0xf2: {  	s28 =	rddreg [dreg:$0x4]  }
0xf3: {  	[spmem:s28] =	stream.indirect.scatter [tilespmem:s4], [sflag:$0x2], $0x1, s0, s3, $0xb8;
	[tilespmem:$0xD800] =	vst v63  }
0xf4: {  	_ =	swait.ge [sflag:s10], $0x80  }
0xf5: {  	[sflag:s10] =	ssyncset.done $0x0  }
0xf6: {  	s23 =	simm.s32 $0x700;
	s22 =	rddreg [dreg:$0x1f];
	[sflag:s10] =	ssyncadd.s32 $0xFFFFFF80  }
0xf7: {  	[spmem:s21] =	stream.indirect.scatter [tilespmem:s22], [sflag:$0x2], $0x1, s23, s3, $0xb8;
	[tilespmem:$0xD800] =	vst v63  }
0xf8: {  	_ =	swait.ge [sflag:s10], $0x80  }
0xf9: {  	[sflag:s10] =	ssyncset.done $0x0  }
0xfa: {  	[sflag:s10] =	ssyncadd.s32 $0xFFFFFF80  }
0xfb: {  	[spmem:s28] =	stream.indirect.scatter [tilespmem:s30], [sflag:$0x2], $0x1, s23, s3, $0xb8;
	[tilespmem:$0xD800] =	vst v63  }
0xfc: {  	_ =	swait.ge [sflag:s10], $0x80  }
0xfd: {  	s24 =	sld [smem:$0x7FC]  }
0xfe: {  	[sflag:s10] =	ssyncset.done $0x0  }
0xff: {  	s29 =	simm.s32 $0x780;
	[sflag:s10] =	ssyncadd.s32 $0xFFFFFF80  }
0x100: {  	[spmem:s21] =	stream.indirect.scatter [tilespmem:s24], [sflag:$0x2], $0x1, s29, s3, $0xb8;
	[tilespmem:$0xD800] =	vst v63  }
0x101: {  	_ =	swait.ge [sflag:s10], $0x80  }
0x102: {  	[sflag:s10] =	ssyncset.done $0x0  }
0x103: {  	[sflag:s10] =	ssyncadd.s32 $0xFFFFFF80  }
0x104: {  	[spmem:s28] =	stream.indirect.scatter [tilespmem:s6], [sflag:$0x2], $0x1, s29, s3, $0xb8;
	[tilespmem:$0xD800] =	vst v63  }
0x105: {  	_ =	swait.ge [sflag:s10], $0x80  }
0x106: {  	s30 =	sld [smem:$0x7FD]  }
0x107: {  	[sflag:s10] =	ssyncset.done $0x0  }
0x108: {  	s31 =	simm.s32 $0x800;
	[sflag:s10] =	ssyncadd.s32 $0xFFFFFF80  }
0x109: {  	[spmem:s21] =	stream.indirect.scatter [tilespmem:s30], [sflag:$0x2], $0x1, s31, s3, $0xb8;
	[tilespmem:$0xD800] =	vst v63  }
0x10a: {  	_ =	swait.ge [sflag:s10], $0x80  }
0x10b: {  	[sflag:s10] =	ssyncset.done $0x0  }
0x10c: {  	[sflag:s10] =	ssyncadd.s32 $0xFFFFFF80  }
0x10d: {  	[spmem:s28] =	stream.indirect.scatter [tilespmem:s19], [sflag:$0x2], $0x1, s31, s3, $0xb8;
	[tilespmem:$0xD800] =	vst v63  }
0x10e: {  	_ =	swait.ge [sflag:s10], $0x80  }
0x10f: {  	[sflag:s10] =	ssyncset.done $0x0  }
0x110: {  	[sflag:s10] =	ssyncadd.s32 $0xFFFFFF80  }
0x111: {  	[bflag:$0x0] =	sbarrier.arrive $0xFFFF  }
0x112: {  	s4 =	sld [smem:$0x7FB];
	_ =	sdelay $0x1  }
0x113: {  	s6 =	simm.s32 $0xA80  }
0x114: {  	[tilespmem:s6], [sflag:$0x2] =	stream.linear.gather [spmem:s4], $0x140, $0x38;
	[tilespmem:$0xD800] =	vst v63  }
0x115: {  	_ =	swait.ge [sflag:s10], $0x140  }
0x116: {  	[sflag:s10] =	ssyncset.done $0x0  }
0x117: {  	s12 =	simm.s32 $0xC00;
	s11 =	rddreg [dreg:$0xf];
	[sflag:s10] =	ssyncadd.s32 $0xFFFFFEC0  }
0x118: {  	[tilespmem:s12], [sflag:$0x2] =	stream.linear.gather [spmem:s11], $0x140, $0x38;
	[tilespmem:$0xD800] =	vst v63  }
0x119: {  	_ =	swait.ge [sflag:s10], $0x140  }
0x11a: {  	[sflag:s10] =	ssyncset.done $0x0  }
0x11b: {  	s13 =	rddreg [dreg:$0x10];
	[sflag:s10] =	ssyncadd.s32 $0xFFFFFEC0  }
0x11c: {  	[hbm4b:s13+s5] =	stream.linear.scatter [tilespmem:s6], [sflag:$0x2], $0x140, $0x38;
	[tilespmem:$0xD800] =	vst v63  }
0x11d: {  	_ =	swait.ge [sflag:s10], $0x140  }
0x11e: {  	[sflag:s10] =	ssyncset.done $0x0  }
0x11f: {  	s14 =	rddreg [dreg:$0x11];
	[sflag:s10] =	ssyncadd.s32 $0xFFFFFEC0  }
0x120: {  	[hbm4b:s14+s5] =	stream.linear.scatter [tilespmem:s12], [sflag:$0x2], $0x140, $0x38;
	[tilespmem:$0xD800] =	vst v63  }
0x121: {  	_ =	swait.ge [sflag:s10], $0x140  }
0x122: {  	[sflag:s10] =	ssyncset.done $0x0  }
0x123: {  	s15 =	simm.s32 $0xD80;
	[sflag:s10] =	ssyncadd.s32 $0xFFFFFEC0  }
0x124: {  	[tilespmem:s15], [sflag:$0x2] =	stream.linear.gather [spmem:s4], $0x40, $0x38;
	[tilespmem:$0xD800] =	vst v63  }
0x125: {  	_ =	swait.ge [sflag:s10], $0x40  }
0x126: {  	[sflag:s10] =	ssyncset.done $0x0  }
0x127: {  	[sflag:s10] =	ssyncadd.s32 $0xFFFFFFC0  }
0x128: {  	v58 =	vld [tilespmem:$0xD80];
	_ =	sdelay $0x4  }
0x129: {  	v59 =	vshrl.u32 v58, $0x3  }
0x12a: {  	v43 =	vmul.u32 $0x30, v59  }
0x12b: {  	v42 =	vand.u32 $0x7, v58  }
0x12c: {  	v42 =	vor.u32 v42, v43  }
0x12d: {  	v43 =	vperm.xlane v42, v39;
	_ =	sdelay $0x1  }
0x12e: {  	v43 =	vadd.s32 v40, v43;
	_ =	sdelay $0x3  }
0x12f: {  	v42 =	vperm.xlane v42, v41  }
0x130: {  	[tilespmem:s9], [sflag:$0x1] =	stream.indirect_vreg.gather [hbm4b:s1+s5], $0x80, v43, vm3, $0xb8;
	[tilespmem:$0xD800] =	vst v63  }
0x131: {  	s16 =	simm.s32 $0x1600;
	v42 =	vadd.s32 v40, v42  }
0x132: {  	[tilespmem:s16], [sflag:$0x1] =	stream.indirect_vreg.gather [hbm4b:s7+s5], $0x80, v43, vm3, $0xb8;
	[tilespmem:$0xD800] =	vst v63  }
0x133: {  	s17 =	simm.s32 $0x1E00  }
0x134: {  	[tilespmem:s17], [sflag:$0x1] =	stream.indirect_vreg.gather [hbm4b:s8+s5], $0x80, v43, vm3, $0xb8;
	[tilespmem:$0xD800] =	vst v63  }
0x135: {  	s18 =	simm.s32 $0x2600  }
0x136: {  	[tilespmem:s18], [sflag:$0x1] =	stream.indirect_vreg.gather [hbm4b:s1+s5], $0x80, v42, vm3, $0xb8;
	[tilespmem:$0xD800] =	vst v63  }
0x137: {  	s19 =	simm.s32 $0x2E00  }
0x138: {  	[tilespmem:s19], [sflag:$0x1] =	stream.indirect_vreg.gather [hbm4b:s7+s5], $0x80, v42, vm3, $0xb8;
	[tilespmem:$0xD800] =	vst v63  }
0x139: {  	s20 =	simm.s32 $0x3600  }
0x13a: {  	[tilespmem:s20], [sflag:$0x1] =	stream.indirect_vreg.gather [hbm4b:s8+s5], $0x80, v42, vm3, $0xb8;
	[tilespmem:$0xD800] =	vst v63  }
0x13b: {  	v42 =	vld [tilespmem:$0xD90];
	_ =	sdelay $0x4  }
0x13c: {  	v60 =	vshrl.u32 v42, $0x3  }
0x13d: {  	v43 =	vmul.u32 $0x30, v60  }
0x13e: {  	v42 =	vand.u32 $0x7, v42  }
0x13f: {  	v42 =	vor.u32 v42, v43  }
0x140: {  	v43 =	vperm.xlane v42, v39;
	_ =	sdelay $0x1  }
0x141: {  	v43 =	vadd.s32 v40, v43;
	_ =	sdelay $0x3  }
0x142: {  	s21 =	simm.s32 $0x3E00;
	v42 =	vperm.xlane v42, v41  }
0x143: {  	[tilespmem:s21], [sflag:$0x1] =	stream.indirect_vreg.gather [hbm4b:s1+s5], $0x80, v43, vm3, $0xb8;
	[tilespmem:$0xD800] =	vst v63  }
0x144: {  	s22 =	simm.s32 $0x4600;
	v42 =	vadd.s32 v40, v42  }
0x145: {  	[tilespmem:s22], [sflag:$0x1] =	stream.indirect_vreg.gather [hbm4b:s7+s5], $0x80, v43, vm3, $0xb8;
	[tilespmem:$0xD800] =	vst v63  }
0x146: {  	s23 =	simm.s32 $0x4E00  }
0x147: {  	[tilespmem:s23], [sflag:$0x1] =	stream.indirect_vreg.gather [hbm4b:s8+s5], $0x80, v43, vm3, $0xb8;
	[tilespmem:$0xD800] =	vst v63  }
0x148: {  	s24 =	simm.s32 $0x5600  }
0x149: {  	[tilespmem:s24], [sflag:$0x1] =	stream.indirect_vreg.gather [hbm4b:s1+s5], $0x80, v42, vm3, $0xb8;
	[tilespmem:$0xD800] =	vst v63  }
0x14a: {  	s25 =	simm.s32 $0x5E00  }
0x14b: {  	[tilespmem:s25], [sflag:$0x1] =	stream.indirect_vreg.gather [hbm4b:s7+s5], $0x80, v42, vm3, $0xb8;
	[tilespmem:$0xD800] =	vst v63  }
0x14c: {  	s26 =	simm.s32 $0x6600  }
0x14d: {  	[tilespmem:s26], [sflag:$0x1] =	stream.indirect_vreg.gather [hbm4b:s8+s5], $0x80, v42, vm3, $0xb8;
	[tilespmem:$0xD800] =	vst v63  }
0x14e: {  	v42 =	vld [tilespmem:$0xDA0];
	_ =	sdelay $0x4  }
0x14f: {  	v61 =	vshrl.u32 v42, $0x3  }
0x150: {  	v43 =	vmul.u32 $0x30, v61  }
0x151: {  	v42 =	vand.u32 $0x7, v42  }
0x152: {  	v42 =	vor.u32 v42, v43  }
0x153: {  	v43 =	vperm.xlane v42, v39;
	_ =	sdelay $0x1  }
0x154: {  	v43 =	vadd.s32 v40, v43;
	_ =	sdelay $0x3  }
0x155: {  	s28 =	simm.s32 $0x6E00;
	v42 =	vperm.xlane v42, v41  }
0x156: {  	[tilespmem:s28], [sflag:$0x1] =	stream.indirect_vreg.gather [hbm4b:s1+s5], $0x80, v43, vm3, $0xb8;
	[tilespmem:$0xD800] =	vst v63  }
0x157: {  	s29 =	simm.s32 $0x7600;
	v42 =	vadd.s32 v40, v42  }
0x158: {  	[tilespmem:s29], [sflag:$0x1] =	stream.indirect_vreg.gather [hbm4b:s7+s5], $0x80, v43, vm3, $0xb8;
	[tilespmem:$0xD800] =	vst v63  }
0x159: {  	s30 =	simm.s32 $0x7E00  }
0x15a: {  	[tilespmem:s30], [sflag:$0x1] =	stream.indirect_vreg.gather [hbm4b:s8+s5], $0x80, v43, vm3, $0xb8;
	[tilespmem:$0xD800] =	vst v63  }
0x15b: {  	s31 =	simm.s32 $0x8600  }
0x15c: {  	[tilespmem:s31], [sflag:$0x1] =	stream.indirect_vreg.gather [hbm4b:s1+s5], $0x80, v42, vm3, $0xb8;
	[tilespmem:$0xD800] =	vst v63  }
0x15d: {  	s4 =	simm.s32 $0x8E00  }
0x15e: {  	[tilespmem:s4], [sflag:$0x1] =	stream.indirect_vreg.gather [hbm4b:s7+s5], $0x80, v42, vm3, $0xb8;
	[tilespmem:$0xD800] =	vst v63  }
0x15f: {  	s6 =	simm.s32 $0x9600  }
0x160: {  	[tilespmem:s6], [sflag:$0x1] =	stream.indirect_vreg.gather [hbm4b:s8+s5], $0x80, v42, vm3, $0xb8;
	[tilespmem:$0xD800] =	vst v63  }
0x161: {  	v42 =	vld [tilespmem:$0xDB0];
	_ =	sdelay $0x4  }
0x162: {  	v62 =	vshrl.u32 v42, $0x3  }
0x163: {  	v43 =	vmul.u32 $0x30, v62  }
0x164: {  	v42 =	vand.u32 $0x7, v42  }
0x165: {  	v42 =	vor.u32 v42, v43  }
0x166: {  	v43 =	vperm.xlane v42, v39;
	_ =	sdelay $0x1  }
0x167: {  	v43 =	vadd.s32 v40, v43;
	_ =	sdelay $0x3  }
0x168: {  	s12 =	simm.s32 $0x9E00;
	v42 =	vperm.xlane v42, v41  }
0x169: {  	[tilespmem:s12], [sflag:$0x1] =	stream.indirect_vreg.gather [hbm4b:s1+s5], $0x80, v43, vm3, $0xb8;
	[tilespmem:$0xD800] =	vst v63  }
0x16a: {  	s17 =	simm.s32 $0xA600;
	v42 =	vadd.s32 v40, v42  }
0x16b: {  	[tilespmem:s17], [sflag:$0x1] =	stream.indirect_vreg.gather [hbm4b:s7+s5], $0x80, v43, vm3, $0xb8;
	[tilespmem:$0xD800] =	vst v63  }
0x16c: {  	s18 =	simm.s32 $0xAE00  }
0x16d: {  	[tilespmem:s18], [sflag:$0x1] =	stream.indirect_vreg.gather [hbm4b:s8+s5], $0x80, v43, vm3, $0xb8;
	[tilespmem:$0xD800] =	vst v63  }
0x16e: {  	s19 =	simm.s32 $0xB600  }
0x16f: {  	[tilespmem:s19], [sflag:$0x1] =	stream.indirect_vreg.gather [hbm4b:s1+s5], $0x80, v42, vm3, $0xb8;
	[tilespmem:$0xD800] =	vst v63  }
0x170: {  	s20 =	simm.s32 $0xBE00  }
0x171: {  	[tilespmem:s20], [sflag:$0x1] =	stream.indirect_vreg.gather [hbm4b:s7+s5], $0x80, v42, vm3, $0xb8;
	[tilespmem:$0xD800] =	vst v63  }
0x172: {  	s0 =	simm.s32 $0x1;
	s21 =	simm.s32 $0xC600  }
0x173: {  	[tilespmem:s21], [sflag:$0x1] =	stream.indirect_vreg.gather [hbm4b:s8+s5], $0x80, v42, vm3, $0xb8;
	[tilespmem:$0xD800] =	vst v63  }
0x174: {  	_ =	swait.ge [sflag:s0], $0xC000  }
0x175: {  	[sflag:s0] =	ssyncset.done $0x0  }
0x176: {  	s22 =	rddreg [dreg:$0x12];
	[sflag:s0] =	ssyncadd.s32 $0xFFFF4000  }
0x177: {  	[hbm4b:s22+s5] =	stream.linear.scatter [tilespmem:s9], [sflag:$0x2], $0xC000, $0x38;
	[tilespmem:$0xD800] =	vst v63  }
0x178: {  	_ =	swait.ge [sflag:s10], $0xC000  }
0x179: {  	[sflag:s10] =	ssyncset.done $0x0  }
0x17a: {  	s3 =	simm.s32 $0xD80;
	s23 =	rddreg [dreg:$0x13];
	[sflag:s10] =	ssyncadd.s32 $0xFFFF4000  }
0x17b: {  	[tilespmem:s3], [sflag:$0x2] =	stream.linear.gather [spmem:s23], $0x40, $0x38;
	[tilespmem:$0xD800] =	vst v63  }
0x17c: {  	_ =	swait.ge [sflag:s10], $0x40  }
0x17d: {  	[sflag:s10] =	ssyncset.done $0x0  }
0x17e: {  	[sflag:s10] =	ssyncadd.s32 $0xFFFFFFC0  }
0x17f: {  	v63 =	vld [tilespmem:$0xD80];
	_ =	sdelay $0x4  }
0x180: {  	v45 =	vshrl.u32 v63, $0x3  }
0x181: {  	v43 =	vmul.u32 $0x30, v45  }
0x182: {  	v42 =	vand.u32 $0x7, v63  }
0x183: {  	v42 =	vor.u32 v42, v43  }
0x184: {  	v43 =	vperm.xlane v42, v39;
	_ =	sdelay $0x1  }
0x185: {  	v43 =	vadd.s32 v40, v43;
	_ =	sdelay $0x3  }
0x186: {  	v42 =	vperm.xlane v42, v41  }
0x187: {  	[tilespmem:s9], [sflag:$0x1] =	stream.indirect_vreg.gather [hbm4b:s1+s5], $0x80, v43, vm3, $0xb8;
	[tilespmem:$0xD800] =	vst v63  }
0x188: {  	s2 =	simm.s32 $0x1600;
	v42 =	vadd.s32 v40, v42  }
0x189: {  	[tilespmem:s2], [sflag:$0x1] =	stream.indirect_vreg.gather [hbm4b:s7+s5], $0x80, v43, vm3, $0xb8;
	[tilespmem:$0xD800] =	vst v63  }
0x18a: {  	s14 =	simm.s32 $0x1E00  }
0x18b: {  	[tilespmem:s14], [sflag:$0x1] =	stream.indirect_vreg.gather [hbm4b:s8+s5], $0x80, v43, vm3, $0xb8;
	[tilespmem:$0xD800] =	vst v63  }
0x18c: {  	s11 =	simm.s32 $0x2600  }
0x18d: {  	[tilespmem:s11], [sflag:$0x1] =	stream.indirect_vreg.gather [hbm4b:s1+s5], $0x80, v42, vm3, $0xb8;
	[tilespmem:$0xD800] =	vst v63  }
0x18e: {  	s13 =	simm.s32 $0x2E00  }
0x18f: {  	[tilespmem:s13], [sflag:$0x1] =	stream.indirect_vreg.gather [hbm4b:s7+s5], $0x80, v42, vm3, $0xb8;
	[tilespmem:$0xD800] =	vst v63  }
0x190: {  	s15 =	simm.s32 $0x3600  }
0x191: {  	[tilespmem:s15], [sflag:$0x1] =	stream.indirect_vreg.gather [hbm4b:s8+s5], $0x80, v42, vm3, $0xb8;
	[tilespmem:$0xD800] =	vst v63  }
0x192: {  	v42 =	vld [tilespmem:$0xD90];
	_ =	sdelay $0x4  }
0x193: {  	v46 =	vshrl.u32 v42, $0x3  }
0x194: {  	v43 =	vmul.u32 $0x30, v46  }
0x195: {  	v42 =	vand.u32 $0x7, v42  }
0x196: {  	v42 =	vor.u32 v42, v43  }
0x197: {  	v43 =	vperm.xlane v42, v39;
	_ =	sdelay $0x1  }
0x198: {  	v43 =	vadd.s32 v40, v43;
	_ =	sdelay $0x3  }
0x199: {  	s16 =	simm.s32 $0x3E00;
	v42 =	vperm.xlane v42, v41  }
0x19a: {  	[tilespmem:s16], [sflag:$0x1] =	stream.indirect_vreg.gather [hbm4b:s1+s5], $0x80, v43, vm3, $0xb8;
	[tilespmem:$0xD800] =	vst v63  }
0x19b: {  	s11 =	simm.s32 $0x4600;
	v42 =	vadd.s32 v40, v42  }
0x19c: {  	[tilespmem:s11], [sflag:$0x1] =	stream.indirect_vreg.gather [hbm4b:s7+s5], $0x80, v43, vm3, $0xb8;
	[tilespmem:$0xD800] =	vst v63  }
0x19d: {  	s13 =	simm.s32 $0x4E00  }
0x19e: {  	[tilespmem:s13], [sflag:$0x1] =	stream.indirect_vreg.gather [hbm4b:s8+s5], $0x80, v43, vm3, $0xb8;
	[tilespmem:$0xD800] =	vst v63  }
0x19f: {  	s14 =	simm.s32 $0x5600  }
0x1a0: {  	[tilespmem:s14], [sflag:$0x1] =	stream.indirect_vreg.gather [hbm4b:s1+s5], $0x80, v42, vm3, $0xb8;
	[tilespmem:$0xD800] =	vst v63  }
0x1a1: {  	s15 =	simm.s32 $0x5E00  }
0x1a2: {  	[tilespmem:s15], [sflag:$0x1] =	stream.indirect_vreg.gather [hbm4b:s7+s5], $0x80, v42, vm3, $0xb8;
	[tilespmem:$0xD800] =	vst v63  }
0x1a3: {  	s16 =	simm.s32 $0x6600  }
0x1a4: {  	[tilespmem:s16], [sflag:$0x1] =	stream.indirect_vreg.gather [hbm4b:s8+s5], $0x80, v42, vm3, $0xb8;
	[tilespmem:$0xD800] =	vst v63  }
0x1a5: {  	v42 =	vld [tilespmem:$0xDA0];
	_ =	sdelay $0x4  }
0x1a6: {  	v47 =	vshrl.u32 v42, $0x3  }
0x1a7: {  	v43 =	vmul.u32 $0x30, v47  }
0x1a8: {  	v42 =	vand.u32 $0x7, v42  }
0x1a9: {  	v42 =	vor.u32 v42, v43  }
0x1aa: {  	v43 =	vperm.xlane v42, v39;
	_ =	sdelay $0x1  }
0x1ab: {  	v43 =	vadd.s32 v40, v43;
	_ =	sdelay $0x3  }
0x1ac: {  	s17 =	simm.s32 $0x6E00;
	v42 =	vperm.xlane v42, v41  }
0x1ad: {  	[tilespmem:s17], [sflag:$0x1] =	stream.indirect_vreg.gather [hbm4b:s1+s5], $0x80, v43, vm3, $0xb8;
	[tilespmem:$0xD800] =	vst v63  }
0x1ae: {  	s18 =	simm.s32 $0x7600;
	v42 =	vadd.s32 v40, v42  }
0x1af: {  	[tilespmem:s18], [sflag:$0x1] =	stream.indirect_vreg.gather [hbm4b:s7+s5], $0x80, v43, vm3, $0xb8;
	[tilespmem:$0xD800] =	vst v63  }
0x1b0: {  	s19 =	simm.s32 $0x7E00  }
0x1b1: {  	[tilespmem:s19], [sflag:$0x1] =	stream.indirect_vreg.gather [hbm4b:s8+s5], $0x80, v43, vm3, $0xb8;
	[tilespmem:$0xD800] =	vst v63  }
0x1b2: {  	s20 =	simm.s32 $0x8600  }
0x1b3: {  	[tilespmem:s20], [sflag:$0x1] =	stream.indirect_vreg.gather [hbm4b:s1+s5], $0x80, v42, vm3, $0xb8;
	[tilespmem:$0xD800] =	vst v63  }
0x1b4: {  	s21 =	simm.s32 $0x8E00  }
0x1b5: {  	[tilespmem:s21], [sflag:$0x1] =	stream.indirect_vreg.gather [hbm4b:s7+s5], $0x80, v42, vm3, $0xb8;
	[tilespmem:$0xD800] =	vst v63  }
0x1b6: {  	s2 =	simm.s32 $0x9600  }
0x1b7: {  	[tilespmem:s2], [sflag:$0x1] =	stream.indirect_vreg.gather [hbm4b:s8+s5], $0x80, v42, vm3, $0xb8;
	[tilespmem:$0xD800] =	vst v63  }
0x1b8: {  	v42 =	vld [tilespmem:$0xDB0];
	_ =	sdelay $0x4  }
0x1b9: {  	v48 =	vshrl.u32 v42, $0x3  }
0x1ba: {  	v43 =	vmul.u32 $0x30, v48  }
0x1bb: {  	v42 =	vand.u32 $0x7, v42  }
0x1bc: {  	v42 =	vor.u32 v42, v43  }
0x1bd: {  	v43 =	vperm.xlane v42, v39;
	_ =	sdelay $0x1  }
0x1be: {  	v43 =	vadd.s32 v40, v43;
	_ =	sdelay $0x3  }
0x1bf: {  	s24 =	simm.s32 $0x9E00;
	v42 =	vperm.xlane v42, v41  }
0x1c0: {  	[tilespmem:s24], [sflag:$0x1] =	stream.indirect_vreg.gather [hbm4b:s1+s5], $0x80, v43, vm3, $0xb8;
	[tilespmem:$0xD800] =	vst v63  }
0x1c1: {  	s4 =	simm.s32 $0xA600;
	v42 =	vadd.s32 v40, v42  }
0x1c2: {  	[tilespmem:s4], [sflag:$0x1] =	stream.indirect_vreg.gather [hbm4b:s7+s5], $0x80, v43, vm3, $0xb8;
	[tilespmem:$0xD800] =	vst v63  }
0x1c3: {  	s22 =	simm.s32 $0xAE00  }
0x1c4: {  	[tilespmem:s22], [sflag:$0x1] =	stream.indirect_vreg.gather [hbm4b:s8+s5], $0x80, v43, vm3, $0xb8;
	[tilespmem:$0xD800] =	vst v63  }
0x1c5: {  	s6 =	simm.s32 $0xB600  }
0x1c6: {  	[tilespmem:s6], [sflag:$0x1] =	stream.indirect_vreg.gather [hbm4b:s1+s5], $0x80, v42, vm3, $0xb8;
	[tilespmem:$0xD800] =	vst v63  }
0x1c7: {  	s12 =	simm.s32 $0xBE00  }
0x1c8: {  	[tilespmem:s12], [sflag:$0x1] =	stream.indirect_vreg.gather [hbm4b:s7+s5], $0x80, v42, vm3, $0xb8;
	[tilespmem:$0xD800] =	vst v63  }
0x1c9: {  	s25 =	simm.s32 $0xC600  }
0x1ca: {  	[tilespmem:s25], [sflag:$0x1] =	stream.indirect_vreg.gather [hbm4b:s8+s5], $0x80, v42, vm3, $0xb8;
	[tilespmem:$0xD800] =	vst v63  }
0x1cb: {  	_ =	swait.ge [sflag:s0], $0xC000  }
0x1cc: {  	[sflag:s0] =	ssyncset.done $0x0  }
0x1cd: {  	s3 =	rddreg [dreg:$0x14];
	[sflag:s0] =	ssyncadd.s32 $0xFFFF4000  }
0x1ce: {  	[hbm4b:s3+s5] =	stream.linear.scatter [tilespmem:s9], [sflag:$0x2], $0xC000, $0x38;
	[tilespmem:$0xD800] =	vst v63  }
0x1cf: {  	_ =	swait.ge [sflag:s10], $0xC000  }
0x1d0: {  	[sflag:s10] =	ssyncset.done $0x0  }
0x1d1: {  	s3 =	simm.s32 $0xD80;
	s25 =	rddreg [dreg:$0x15];
	[sflag:s10] =	ssyncadd.s32 $0xFFFF4000  }
0x1d2: {  	[tilespmem:s3], [sflag:$0x2] =	stream.linear.gather [spmem:s25], $0x40, $0x38;
	[tilespmem:$0xD800] =	vst v63  }
0x1d3: {  	_ =	swait.ge [sflag:s10], $0x40  }
0x1d4: {  	[sflag:s10] =	ssyncset.done $0x0  }
0x1d5: {  	[sflag:s10] =	ssyncadd.s32 $0xFFFFFFC0  }
0x1d6: {  	v49 =	vld [tilespmem:$0xD80];
	_ =	sdelay $0x4  }
0x1d7: {  	v50 =	vshrl.u32 v49, $0x3  }
0x1d8: {  	v43 =	vmul.u32 $0x30, v50  }
0x1d9: {  	v42 =	vand.u32 $0x7, v49  }
0x1da: {  	v42 =	vor.u32 v42, v43  }
0x1db: {  	v43 =	vperm.xlane v42, v39;
	_ =	sdelay $0x1  }
0x1dc: {  	v43 =	vadd.s32 v40, v43;
	_ =	sdelay $0x3  }
0x1dd: {  	v42 =	vperm.xlane v42, v41  }
0x1de: {  	[tilespmem:s9], [sflag:$0x1] =	stream.indirect_vreg.gather [hbm4b:s1+s5], $0x80, v43, vm3, $0xb8;
	[tilespmem:$0xD800] =	vst v63  }
0x1df: {  	s25 =	simm.s32 $0x1600;
	v42 =	vadd.s32 v40, v42  }
0x1e0: {  	[tilespmem:s25], [sflag:$0x1] =	stream.indirect_vreg.gather [hbm4b:s7+s5], $0x80, v43, vm3, $0xb8;
	[tilespmem:$0xD800] =	vst v63  }
0x1e1: {  	s29 =	simm.s32 $0x1E00  }
0x1e2: {  	[tilespmem:s29], [sflag:$0x1] =	stream.indirect_vreg.gather [hbm4b:s8+s5], $0x80, v43, vm3, $0xb8;
	[tilespmem:$0xD800] =	vst v63  }
0x1e3: {  	s26 =	simm.s32 $0x2600  }
0x1e4: {  	[tilespmem:s26], [sflag:$0x1] =	stream.indirect_vreg.gather [hbm4b:s1+s5], $0x80, v42, vm3, $0xb8;
	[tilespmem:$0xD800] =	vst v63  }
0x1e5: {  	s28 =	simm.s32 $0x2E00  }
0x1e6: {  	[tilespmem:s28], [sflag:$0x1] =	stream.indirect_vreg.gather [hbm4b:s7+s5], $0x80, v42, vm3, $0xb8;
	[tilespmem:$0xD800] =	vst v63  }
0x1e7: {  	s30 =	simm.s32 $0x3600  }
0x1e8: {  	[tilespmem:s30], [sflag:$0x1] =	stream.indirect_vreg.gather [hbm4b:s8+s5], $0x80, v42, vm3, $0xb8;
	[tilespmem:$0xD800] =	vst v63  }
0x1e9: {  	v42 =	vld [tilespmem:$0xD90];
	_ =	sdelay $0x4  }
0x1ea: {  	v51 =	vshrl.u32 v42, $0x3  }
0x1eb: {  	v43 =	vmul.u32 $0x30, v51  }
0x1ec: {  	v42 =	vand.u32 $0x7, v42  }
0x1ed: {  	v42 =	vor.u32 v42, v43  }
0x1ee: {  	v43 =	vperm.xlane v42, v39;
	_ =	sdelay $0x1  }
0x1ef: {  	v43 =	vadd.s32 v40, v43;
	_ =	sdelay $0x3  }
0x1f0: {  	s31 =	simm.s32 $0x3E00;
	v42 =	vperm.xlane v42, v41  }
0x1f1: {  	[tilespmem:s31], [sflag:$0x1] =	stream.indirect_vreg.gather [hbm4b:s1+s5], $0x80, v43, vm3, $0xb8;
	[tilespmem:$0xD800] =	vst v63  }
0x1f2: {  	v42 =	vadd.s32 v40, v42  }
0x1f3: {  	[tilespmem:s11], [sflag:$0x1] =	stream.indirect_vreg.gather [hbm4b:s7+s5], $0x80, v43, vm3, $0xb8;
	[tilespmem:$0xD800] =	vst v63  }
0x1f4: {  	_ = 	snop  }
0x1f5: {  	[tilespmem:s13], [sflag:$0x1] =	stream.indirect_vreg.gather [hbm4b:s8+s5], $0x80, v43, vm3, $0xb8;
	[tilespmem:$0xD800] =	vst v63  }
0x1f6: {  	_ = 	snop  }
0x1f7: {  	[tilespmem:s14], [sflag:$0x1] =	stream.indirect_vreg.gather [hbm4b:s1+s5], $0x80, v42, vm3, $0xb8;
	[tilespmem:$0xD800] =	vst v63  }
0x1f8: {  	_ = 	snop  }
0x1f9: {  	[tilespmem:s15], [sflag:$0x1] =	stream.indirect_vreg.gather [hbm4b:s7+s5], $0x80, v42, vm3, $0xb8;
	[tilespmem:$0xD800] =	vst v63  }
0x1fa: {  	_ = 	snop  }
0x1fb: {  	[tilespmem:s16], [sflag:$0x1] =	stream.indirect_vreg.gather [hbm4b:s8+s5], $0x80, v42, vm3, $0xb8;
	[tilespmem:$0xD800] =	vst v63  }
0x1fc: {  	v42 =	vld [tilespmem:$0xDA0];
	_ =	sdelay $0x4  }
0x1fd: {  	v52 =	vshrl.u32 v42, $0x3  }
0x1fe: {  	v43 =	vmul.u32 $0x30, v52  }
0x1ff: {  	v42 =	vand.u32 $0x7, v42  }
0x200: {  	v42 =	vor.u32 v42, v43  }
0x201: {  	v43 =	vperm.xlane v42, v39;
	_ =	sdelay $0x1  }
0x202: {  	v43 =	vadd.s32 v40, v43;
	_ =	sdelay $0x3  }
0x203: {  	v42 =	vperm.xlane v42, v41  }
0x204: {  	[tilespmem:s17], [sflag:$0x1] =	stream.indirect_vreg.gather [hbm4b:s1+s5], $0x80, v43, vm3, $0xb8;
	[tilespmem:$0xD800] =	vst v63  }
0x205: {  	v42 =	vadd.s32 v40, v42  }
0x206: {  	[tilespmem:s18], [sflag:$0x1] =	stream.indirect_vreg.gather [hbm4b:s7+s5], $0x80, v43, vm3, $0xb8;
	[tilespmem:$0xD800] =	vst v63  }
0x207: {  	_ = 	snop  }
0x208: {  	[tilespmem:s19], [sflag:$0x1] =	stream.indirect_vreg.gather [hbm4b:s8+s5], $0x80, v43, vm3, $0xb8;
	[tilespmem:$0xD800] =	vst v63  }
0x209: {  	_ = 	snop  }
0x20a: {  	[tilespmem:s20], [sflag:$0x1] =	stream.indirect_vreg.gather [hbm4b:s1+s5], $0x80, v42, vm3, $0xb8;
	[tilespmem:$0xD800] =	vst v63  }
0x20b: {  	_ = 	snop  }
0x20c: {  	[tilespmem:s21], [sflag:$0x1] =	stream.indirect_vreg.gather [hbm4b:s7+s5], $0x80, v42, vm3, $0xb8;
	[tilespmem:$0xD800] =	vst v63  }
0x20d: {  	_ = 	snop  }
0x20e: {  	[tilespmem:s2], [sflag:$0x1] =	stream.indirect_vreg.gather [hbm4b:s8+s5], $0x80, v42, vm3, $0xb8;
	[tilespmem:$0xD800] =	vst v63  }
0x20f: {  	v42 =	vld [tilespmem:$0xDB0];
	_ =	sdelay $0x4  }
0x210: {  	v53 =	vshrl.u32 v42, $0x3  }
0x211: {  	v43 =	vmul.u32 $0x30, v53  }
0x212: {  	v42 =	vand.u32 $0x7, v42  }
0x213: {  	v42 =	vor.u32 v42, v43  }
0x214: {  	v43 =	vperm.xlane v42, v39;
	_ =	sdelay $0x1  }
0x215: {  	v43 =	vadd.s32 v40, v43;
	_ =	sdelay $0x3  }
0x216: {  	s23 =	simm.s32 $0x9E00;
	v42 =	vperm.xlane v42, v41  }
0x217: {  	[tilespmem:s23], [sflag:$0x1] =	stream.indirect_vreg.gather [hbm4b:s1+s5], $0x80, v43, vm3, $0xb8;
	[tilespmem:$0xD800] =	vst v63  }
0x218: {  	s4 =	simm.s32 $0xA600;
	v42 =	vadd.s32 v40, v42  }
0x219: {  	[tilespmem:s4], [sflag:$0x1] =	stream.indirect_vreg.gather [hbm4b:s7+s5], $0x80, v43, vm3, $0xb8;
	[tilespmem:$0xD800] =	vst v63  }
0x21a: {  	_ = 	snop  }
0x21b: {  	[tilespmem:s22], [sflag:$0x1] =	stream.indirect_vreg.gather [hbm4b:s8+s5], $0x80, v43, vm3, $0xb8;
	[tilespmem:$0xD800] =	vst v63  }
0x21c: {  	s6 =	simm.s32 $0xB600  }
0x21d: {  	[tilespmem:s6], [sflag:$0x1] =	stream.indirect_vreg.gather [hbm4b:s1+s5], $0x80, v42, vm3, $0xb8;
	[tilespmem:$0xD800] =	vst v63  }
0x21e: {  	s12 =	simm.s32 $0xBE00  }
0x21f: {  	[tilespmem:s12], [sflag:$0x1] =	stream.indirect_vreg.gather [hbm4b:s7+s5], $0x80, v42, vm3, $0xb8;
	[tilespmem:$0xD800] =	vst v63  }
0x220: {  	s24 =	simm.s32 $0xC600  }
0x221: {  	[tilespmem:s24], [sflag:$0x1] =	stream.indirect_vreg.gather [hbm4b:s8+s5], $0x80, v42, vm3, $0xb8;
	[tilespmem:$0xD800] =	vst v63  }
0x222: {  	_ =	swait.ge [sflag:s0], $0xC000  }
0x223: {  	[sflag:s0] =	ssyncset.done $0x0  }
0x224: {  	s21 =	rddreg [dreg:$0x16];
	[sflag:s0] =	ssyncadd.s32 $0xFFFF4000  }
0x225: {  	[hbm4b:s21+s5] =	stream.linear.scatter [tilespmem:s9], [sflag:$0x2], $0xC000, $0x38;
	[tilespmem:$0xD800] =	vst v63  }
0x226: {  	_ =	swait.ge [sflag:s10], $0xC000  }
0x227: {  	[sflag:s10] =	ssyncset.done $0x0  }
0x228: {  	s24 =	simm.s32 $0xD80;
	s22 =	rddreg [dreg:$0x17];
	[sflag:s10] =	ssyncadd.s32 $0xFFFF4000  }
0x229: {  	[tilespmem:s24], [sflag:$0x2] =	stream.linear.gather [spmem:s22], $0x40, $0x38;
	[tilespmem:$0xD800] =	vst v63  }
0x22a: {  	_ =	swait.ge [sflag:s10], $0x40  }
0x22b: {  	[sflag:s10] =	ssyncset.done $0x0  }
0x22c: {  	[sflag:s10] =	ssyncadd.s32 $0xFFFFFFC0  }
0x22d: {  	v54 =	vld [tilespmem:$0xD80];
	_ =	sdelay $0x4  }
0x22e: {  	v55 =	vshrl.u32 v54, $0x3  }
0x22f: {  	v43 =	vmul.u32 $0x30, v55  }
0x230: {  	v42 =	vand.u32 $0x7, v54  }
0x231: {  	v42 =	vor.u32 v42, v43  }
0x232: {  	v43 =	vperm.xlane v42, v39;
	_ =	sdelay $0x1  }
0x233: {  	v43 =	vadd.s32 v40, v43;
	_ =	sdelay $0x3  }
0x234: {  	v42 =	vperm.xlane v42, v41  }
0x235: {  	[tilespmem:s9], [sflag:$0x1] =	stream.indirect_vreg.gather [hbm4b:s1+s5], $0x80, v43, vm3, $0xb8;
	[tilespmem:$0xD800] =	vst v63  }
0x236: {  	s3 =	simm.s32 $0x1600;
	v42 =	vadd.s32 v40, v42  }
0x237: {  	[tilespmem:s3], [sflag:$0x1] =	stream.indirect_vreg.gather [hbm4b:s7+s5], $0x80, v43, vm3, $0xb8;
	[tilespmem:$0xD800] =	vst v63  }
0x238: {  	s25 =	simm.s32 $0x1E00  }
0x239: {  	[tilespmem:s25], [sflag:$0x1] =	stream.indirect_vreg.gather [hbm4b:s8+s5], $0x80, v43, vm3, $0xb8;
	[tilespmem:$0xD800] =	vst v63  }
0x23a: {  	s26 =	simm.s32 $0x2600  }
0x23b: {  	[tilespmem:s26], [sflag:$0x1] =	stream.indirect_vreg.gather [hbm4b:s1+s5], $0x80, v42, vm3, $0xb8;
	[tilespmem:$0xD800] =	vst v63  }
0x23c: {  	s29 =	simm.s32 $0x2E00  }
0x23d: {  	[tilespmem:s29], [sflag:$0x1] =	stream.indirect_vreg.gather [hbm4b:s7+s5], $0x80, v42, vm3, $0xb8;
	[tilespmem:$0xD800] =	vst v63  }
0x23e: {  	s12 =	simm.s32 $0x3600  }
0x23f: {  	[tilespmem:s12], [sflag:$0x1] =	stream.indirect_vreg.gather [hbm4b:s8+s5], $0x80, v42, vm3, $0xb8;
	[tilespmem:$0xD800] =	vst v63  }
0x240: {  	v42 =	vld [tilespmem:$0xD90];
	_ =	sdelay $0x4  }
0x241: {  	v56 =	vshrl.u32 v42, $0x3  }
0x242: {  	v43 =	vmul.u32 $0x30, v56  }
0x243: {  	v42 =	vand.u32 $0x7, v42  }
0x244: {  	v42 =	vor.u32 v42, v43  }
0x245: {  	v43 =	vperm.xlane v42, v39;
	_ =	sdelay $0x1  }
0x246: {  	v43 =	vadd.s32 v40, v43;
	_ =	sdelay $0x3  }
0x247: {  	s24 =	simm.s32 $0x3E00;
	v42 =	vperm.xlane v42, v41  }
0x248: {  	[tilespmem:s24], [sflag:$0x1] =	stream.indirect_vreg.gather [hbm4b:s1+s5], $0x80, v43, vm3, $0xb8;
	[tilespmem:$0xD800] =	vst v63  }
0x249: {  	s25 =	simm.s32 $0x4600;
	v42 =	vadd.s32 v40, v42  }
0x24a: {  	[tilespmem:s25], [sflag:$0x1] =	stream.indirect_vreg.gather [hbm4b:s7+s5], $0x80, v43, vm3, $0xb8;
	[tilespmem:$0xD800] =	vst v63  }
0x24b: {  	s11 =	simm.s32 $0x4E00  }
0x24c: {  	[tilespmem:s11], [sflag:$0x1] =	stream.indirect_vreg.gather [hbm4b:s8+s5], $0x80, v43, vm3, $0xb8;
	[tilespmem:$0xD800] =	vst v63  }
0x24d: {  	s13 =	simm.s32 $0x5600  }
0x24e: {  	[tilespmem:s13], [sflag:$0x1] =	stream.indirect_vreg.gather [hbm4b:s1+s5], $0x80, v42, vm3, $0xb8;
	[tilespmem:$0xD800] =	vst v63  }
0x24f: {  	s14 =	simm.s32 $0x5E00  }
0x250: {  	[tilespmem:s14], [sflag:$0x1] =	stream.indirect_vreg.gather [hbm4b:s7+s5], $0x80, v42, vm3, $0xb8;
	[tilespmem:$0xD800] =	vst v63  }
0x251: {  	s15 =	simm.s32 $0x6600  }
0x252: {  	[tilespmem:s15], [sflag:$0x1] =	stream.indirect_vreg.gather [hbm4b:s8+s5], $0x80, v42, vm3, $0xb8;
	[tilespmem:$0xD800] =	vst v63  }
0x253: {  	v42 =	vld [tilespmem:$0xDA0];
	_ =	sdelay $0x4  }
0x254: {  	v57 =	vshrl.u32 v42, $0x3  }
0x255: {  	v43 =	vmul.u32 $0x30, v57  }
0x256: {  	v42 =	vand.u32 $0x7, v42  }
0x257: {  	v42 =	vor.u32 v42, v43  }
0x258: {  	v43 =	vperm.xlane v42, v39;
	_ =	sdelay $0x1  }
0x259: {  	v43 =	vadd.s32 v40, v43;
	_ =	sdelay $0x3  }
0x25a: {  	s16 =	simm.s32 $0x6E00;
	v42 =	vperm.xlane v42, v41  }
0x25b: {  	[tilespmem:s16], [sflag:$0x1] =	stream.indirect_vreg.gather [hbm4b:s1+s5], $0x80, v43, vm3, $0xb8;
	[tilespmem:$0xD800] =	vst v63  }
0x25c: {  	s17 =	simm.s32 $0x7600;
	v42 =	vadd.s32 v40, v42  }
0x25d: {  	[tilespmem:s17], [sflag:$0x1] =	stream.indirect_vreg.gather [hbm4b:s7+s5], $0x80, v43, vm3, $0xb8;
	[tilespmem:$0xD800] =	vst v63  }
0x25e: {  	s18 =	simm.s32 $0x7E00  }
0x25f: {  	[tilespmem:s18], [sflag:$0x1] =	stream.indirect_vreg.gather [hbm4b:s8+s5], $0x80, v43, vm3, $0xb8;
	[tilespmem:$0xD800] =	vst v63  }
0x260: {  	s19 =	simm.s32 $0x8600  }
0x261: {  	[tilespmem:s19], [sflag:$0x1] =	stream.indirect_vreg.gather [hbm4b:s1+s5], $0x80, v42, vm3, $0xb8;
	[tilespmem:$0xD800] =	vst v63  }
0x262: {  	s20 =	simm.s32 $0x8E00  }
0x263: {  	[tilespmem:s20], [sflag:$0x1] =	stream.indirect_vreg.gather [hbm4b:s7+s5], $0x80, v42, vm3, $0xb8;
	[tilespmem:$0xD800] =	vst v63  }
0x264: {  	s31 =	simm.s32 $0x9600  }
0x265: {  	[tilespmem:s31], [sflag:$0x1] =	stream.indirect_vreg.gather [hbm4b:s8+s5], $0x80, v42, vm3, $0xb8;
	[tilespmem:$0xD800] =	vst v63  }
0x266: {  	v42 =	vld [tilespmem:$0xDB0];
	_ =	sdelay $0x4  }
0x267: {  	v58 =	vshrl.u32 v42, $0x3  }
0x268: {  	v43 =	vmul.u32 $0x30, v58  }
0x269: {  	v42 =	vand.u32 $0x7, v42  }
0x26a: {  	v42 =	vor.u32 v42, v43  }
0x26b: {  	v43 =	vperm.xlane v42, v39;
	_ =	sdelay $0x1  }
0x26c: {  	v43 =	vadd.s32 v40, v43;
	_ =	sdelay $0x3  }
0x26d: {  	s23 =	simm.s32 $0x9E00;
	v42 =	vperm.xlane v42, v41  }
0x26e: {  	[tilespmem:s23], [sflag:$0x1] =	stream.indirect_vreg.gather [hbm4b:s1+s5], $0x80, v43, vm3, $0xb8;
	[tilespmem:$0xD800] =	vst v63  }
0x26f: {  	s28 =	simm.s32 $0xA600;
	v42 =	vadd.s32 v40, v42  }
0x270: {  	[tilespmem:s28], [sflag:$0x1] =	stream.indirect_vreg.gather [hbm4b:s7+s5], $0x80, v43, vm3, $0xb8;
	[tilespmem:$0xD800] =	vst v63  }
0x271: {  	s4 =	simm.s32 $0xAE00  }
0x272: {  	[tilespmem:s4], [sflag:$0x1] =	stream.indirect_vreg.gather [hbm4b:s8+s5], $0x80, v43, vm3, $0xb8;
	[tilespmem:$0xD800] =	vst v63  }
0x273: {  	s6 =	simm.s32 $0xB600  }
0x274: {  	[tilespmem:s6], [sflag:$0x1] =	stream.indirect_vreg.gather [hbm4b:s1+s5], $0x80, v42, vm3, $0xb8;
	[tilespmem:$0xD800] =	vst v63  }
0x275: {  	s30 =	simm.s32 $0xBE00  }
0x276: {  	[tilespmem:s30], [sflag:$0x1] =	stream.indirect_vreg.gather [hbm4b:s7+s5], $0x80, v42, vm3, $0xb8;
	[tilespmem:$0xD800] =	vst v63  }
0x277: {  	s28 =	simm.s32 $0xC600  }
0x278: {  	[tilespmem:s28], [sflag:$0x1] =	stream.indirect_vreg.gather [hbm4b:s8+s5], $0x80, v42, vm3, $0xb8;
	[tilespmem:$0xD800] =	vst v63  }
0x279: {  	_ =	swait.ge [sflag:s0], $0xC000  }
0x27a: {  	[sflag:s0] =	ssyncset.done $0x0  }
0x27b: {  	s30 =	rddreg [dreg:$0x18];
	[sflag:s0] =	ssyncadd.s32 $0xFFFF4000  }
0x27c: {  	[hbm4b:s30+s5] =	stream.linear.scatter [tilespmem:s9], [sflag:$0x2], $0xC000, $0x38;
	[tilespmem:$0xD800] =	vst v63  }
0x27d: {  	_ =	swait.ge [sflag:s10], $0xC000  }
0x27e: {  	[sflag:s10] =	ssyncset.done $0x0  }
0x27f: {  	s31 =	simm.s32 $0xD80;
	s25 =	rddreg [dreg:$0x19];
	[sflag:s10] =	ssyncadd.s32 $0xFFFF4000  }
0x280: {  	[tilespmem:s31], [sflag:$0x2] =	stream.linear.gather [spmem:s25], $0x40, $0x38;
	[tilespmem:$0xD800] =	vst v63  }
0x281: {  	_ =	swait.ge [sflag:s10], $0x40  }
0x282: {  	[sflag:s10] =	ssyncset.done $0x0  }
0x283: {  	[sflag:s10] =	ssyncadd.s32 $0xFFFFFFC0  }
0x284: {  	v59 =	vld [tilespmem:$0xD80];
	_ =	sdelay $0x4  }
0x285: {  	v60 =	vshrl.u32 v59, $0x3  }
0x286: {  	v43 =	vmul.u32 $0x30, v60  }
0x287: {  	v42 =	vand.u32 $0x7, v59  }
0x288: {  	v42 =	vor.u32 v42, v43  }
0x289: {  	v43 =	vperm.xlane v42, v39;
	_ =	sdelay $0x1  }
0x28a: {  	v43 =	vadd.s32 v40, v43;
	_ =	sdelay $0x3  }
0x28b: {  	v42 =	vperm.xlane v42, v41  }
0x28c: {  	[tilespmem:s9], [sflag:$0x1] =	stream.indirect_vreg.gather [hbm4b:s1+s5], $0x80, v43, vm3, $0xb8;
	[tilespmem:$0xD800] =	vst v63  }
0x28d: {  	s2 =	simm.s32 $0x1600;
	v42 =	vadd.s32 v40, v42  }
0x28e: {  	[tilespmem:s2], [sflag:$0x1] =	stream.indirect_vreg.gather [hbm4b:s7+s5], $0x80, v43, vm3, $0xb8;
	[tilespmem:$0xD800] =	vst v63  }
0x28f: {  	s22 =	simm.s32 $0x1E00  }
0x290: {  	[tilespmem:s22], [sflag:$0x1] =	stream.indirect_vreg.gather [hbm4b:s8+s5], $0x80, v43, vm3, $0xb8;
	[tilespmem:$0xD800] =	vst v63  }
0x291: {  	s21 =	simm.s32 $0x2600  }
0x292: {  	[tilespmem:s21], [sflag:$0x1] =	stream.indirect_vreg.gather [hbm4b:s1+s5], $0x80, v42, vm3, $0xb8;
	[tilespmem:$0xD800] =	vst v63  }
0x293: {  	s26 =	simm.s32 $0x2E00  }
0x294: {  	[tilespmem:s26], [sflag:$0x1] =	stream.indirect_vreg.gather [hbm4b:s7+s5], $0x80, v42, vm3, $0xb8;
	[tilespmem:$0xD800] =	vst v63  }
0x295: {  	s26 =	simm.s32 $0x3600  }
0x296: {  	[tilespmem:s26], [sflag:$0x1] =	stream.indirect_vreg.gather [hbm4b:s8+s5], $0x80, v42, vm3, $0xb8;
	[tilespmem:$0xD800] =	vst v63  }
0x297: {  	v42 =	vld [tilespmem:$0xD90];
	_ =	sdelay $0x4  }
0x298: {  	v61 =	vshrl.u32 v42, $0x3  }
0x299: {  	v43 =	vmul.u32 $0x30, v61  }
0x29a: {  	v42 =	vand.u32 $0x7, v42  }
0x29b: {  	v42 =	vor.u32 v42, v43  }
0x29c: {  	v43 =	vperm.xlane v42, v39;
	_ =	sdelay $0x1  }
0x29d: {  	v43 =	vadd.s32 v40, v43;
	_ =	sdelay $0x3  }
0x29e: {  	s30 =	simm.s32 $0x3E00;
	v42 =	vperm.xlane v42, v41  }
0x29f: {  	[tilespmem:s30], [sflag:$0x1] =	stream.indirect_vreg.gather [hbm4b:s1+s5], $0x80, v43, vm3, $0xb8;
	[tilespmem:$0xD800] =	vst v63  }
0x2a0: {  	s24 =	simm.s32 $0x4600;
	v42 =	vadd.s32 v40, v42  }
0x2a1: {  	[tilespmem:s24], [sflag:$0x1] =	stream.indirect_vreg.gather [hbm4b:s7+s5], $0x80, v43, vm3, $0xb8;
	[tilespmem:$0xD800] =	vst v63  }
0x2a2: {  	s3 =	simm.s32 $0x4E00  }
0x2a3: {  	[tilespmem:s3], [sflag:$0x1] =	stream.indirect_vreg.gather [hbm4b:s8+s5], $0x80, v43, vm3, $0xb8;
	[tilespmem:$0xD800] =	vst v63  }
0x2a4: {  	s11 =	simm.s32 $0x5600  }
0x2a5: {  	[tilespmem:s11], [sflag:$0x1] =	stream.indirect_vreg.gather [hbm4b:s1+s5], $0x80, v42, vm3, $0xb8;
	[tilespmem:$0xD800] =	vst v63  }
0x2a6: {  	s12 =	simm.s32 $0x5E00  }
0x2a7: {  	[tilespmem:s12], [sflag:$0x1] =	stream.indirect_vreg.gather [hbm4b:s7+s5], $0x80, v42, vm3, $0xb8;
	[tilespmem:$0xD800] =	vst v63  }
0x2a8: {  	s13 =	simm.s32 $0x6600  }
0x2a9: {  	[tilespmem:s13], [sflag:$0x1] =	stream.indirect_vreg.gather [hbm4b:s8+s5], $0x80, v42, vm3, $0xb8;
	[tilespmem:$0xD800] =	vst v63  }
0x2aa: {  	v42 =	vld [tilespmem:$0xDA0];
	_ =	sdelay $0x4  }
0x2ab: {  	v62 =	vshrl.u32 v42, $0x3  }
0x2ac: {  	v43 =	vmul.u32 $0x30, v62  }
0x2ad: {  	v42 =	vand.u32 $0x7, v42  }
0x2ae: {  	v42 =	vor.u32 v42, v43  }
0x2af: {  	v43 =	vperm.xlane v42, v39;
	_ =	sdelay $0x1  }
0x2b0: {  	v43 =	vadd.s32 v40, v43;
	_ =	sdelay $0x3  }
0x2b1: {  	s14 =	simm.s32 $0x6E00;
	v42 =	vperm.xlane v42, v41  }
0x2b2: {  	[tilespmem:s14], [sflag:$0x1] =	stream.indirect_vreg.gather [hbm4b:s1+s5], $0x80, v43, vm3, $0xb8;
	[tilespmem:$0xD800] =	vst v63  }
0x2b3: {  	s15 =	simm.s32 $0x7600;
	v42 =	vadd.s32 v40, v42  }
0x2b4: {  	[tilespmem:s15], [sflag:$0x1] =	stream.indirect_vreg.gather [hbm4b:s7+s5], $0x80, v43, vm3, $0xb8;
	[tilespmem:$0xD800] =	vst v63  }
0x2b5: {  	s16 =	simm.s32 $0x7E00  }
0x2b6: {  	[tilespmem:s16], [sflag:$0x1] =	stream.indirect_vreg.gather [hbm4b:s8+s5], $0x80, v43, vm3, $0xb8;
	[tilespmem:$0xD800] =	vst v63  }
0x2b7: {  	s17 =	simm.s32 $0x8600  }
0x2b8: {  	[tilespmem:s17], [sflag:$0x1] =	stream.indirect_vreg.gather [hbm4b:s1+s5], $0x80, v42, vm3, $0xb8;
	[tilespmem:$0xD800] =	vst v63  }
0x2b9: {  	s18 =	simm.s32 $0x8E00  }
0x2ba: {  	[tilespmem:s18], [sflag:$0x1] =	stream.indirect_vreg.gather [hbm4b:s7+s5], $0x80, v42, vm3, $0xb8;
	[tilespmem:$0xD800] =	vst v63  }
0x2bb: {  	s29 =	simm.s32 $0x9600  }
0x2bc: {  	[tilespmem:s29], [sflag:$0x1] =	stream.indirect_vreg.gather [hbm4b:s8+s5], $0x80, v42, vm3, $0xb8;
	[tilespmem:$0xD800] =	vst v63  }
0x2bd: {  	v42 =	vld [tilespmem:$0xDB0];
	_ =	sdelay $0x4  }
0x2be: {  	v63 =	vshrl.u32 v42, $0x3  }
0x2bf: {  	v43 =	vmul.u32 $0x30, v63  }
0x2c0: {  	v42 =	vand.u32 $0x7, v42  }
0x2c1: {  	v42 =	vor.u32 v42, v43  }
0x2c2: {  	v43 =	vperm.xlane v42, v39;
	_ =	sdelay $0x1  }
0x2c3: {  	v43 =	vadd.s32 v40, v43;
	_ =	sdelay $0x3  }
0x2c4: {  	s20 =	simm.s32 $0x9E00;
	v42 =	vperm.xlane v42, v41  }
0x2c5: {  	[tilespmem:s20], [sflag:$0x1] =	stream.indirect_vreg.gather [hbm4b:s1+s5], $0x80, v43, vm3, $0xb8;
	[tilespmem:$0xD800] =	vst v63  }
0x2c6: {  	s23 =	simm.s32 $0xA600;
	v42 =	vadd.s32 v40, v42  }
0x2c7: {  	[tilespmem:s23], [sflag:$0x1] =	stream.indirect_vreg.gather [hbm4b:s7+s5], $0x80, v43, vm3, $0xb8;
	[tilespmem:$0xD800] =	vst v63  }
0x2c8: {  	s19 =	simm.s32 $0xAE00  }
0x2c9: {  	[tilespmem:s19], [sflag:$0x1] =	stream.indirect_vreg.gather [hbm4b:s8+s5], $0x80, v43, vm3, $0xb8;
	[tilespmem:$0xD800] =	vst v63  }
0x2ca: {  	s4 =	simm.s32 $0xB600  }
0x2cb: {  	[tilespmem:s4], [sflag:$0x1] =	stream.indirect_vreg.gather [hbm4b:s1+s5], $0x80, v42, vm3, $0xb8;
	[tilespmem:$0xD800] =	vst v63  }
0x2cc: {  	s6 =	simm.s32 $0xBE00  }
0x2cd: {  	[tilespmem:s6], [sflag:$0x1] =	stream.indirect_vreg.gather [hbm4b:s7+s5], $0x80, v42, vm3, $0xb8;
	[tilespmem:$0xD800] =	vst v63  }
0x2ce: {  	s28 =	simm.s32 $0xC600;
	s2 =	sld [smem:$0x7FA]  }
0x2cf: {  	[tilespmem:s28], [sflag:$0x1] =	stream.indirect_vreg.gather [hbm4b:s8+s5], $0x80, v42, vm3, $0xb8;
	[tilespmem:$0xD800] =	vst v63  }
0x2d0: {  	_ =	swait.ge [sflag:s0], $0xC000  }
0x2d1: {  	p0 =	sne.s32 s2, $0x1;
	[sflag:s0] =	ssyncset.done $0x0  }
.Ltmp0:
0x2d2: {  	s31 =	rddreg [dreg:$0x1a];
	[sflag:s0] =	ssyncadd.s32 $0xFFFF4000;
	(pc) =	sbr.rel @p0 .LBB2_1-.Ltmp0, $4  }
0x2d3: {  	[hbm4b:s31+s5] =	stream.linear.scatter [tilespmem:s9], [sflag:$0x2], $0xC000, $0x38;
	[tilespmem:$0xD800] =	vst v63  }
0x2d4: {  	_ =	swait.ge [sflag:s10], $0xC000  }
0x2d5: {  	[sflag:s10] =	ssyncset.done $0x0  }
0x2d6: {  	s2 =	sadd.s32 $0xFFFFFFFF, s2;
	[sflag:s10] =	ssyncadd.s32 $0xFFFF4000  }
0x2d7: {  	_ =	sfence.sel $0x180000  }
0x2d8: {  	[bflag:$0x0] =	sbarrier.arrive $0xFFFF  }
0x2d9: {  	_ =	strace $0x90000047  }
0x2da: {  	s0 =	stileid.u32;
	[bflag:$0x2] =	sbarrier.arrive $0xFFFF  }
0x2db: {  	p0 =	sne.s32 s0, $0x0;
	s0 =	rddreg [dreg:$0x5]  }
0x2dc: {  	s0 =	sadd.s32 @!p0 $0x100000, s0  }
0x2dd: {  	[sflag:s0] =	ssyncadd.tile.s32 @!p0 $0x1;
	_ =	shalt  }
.Lfunc_end2:
_tile_overlayer_lowered:
.L_overlay_start_2:
0x2de: {  	(tag) =	ssettag $0x2  }
0x2df: {  	s0 =	rddreg [dreg:$0x0];
	s2 =	stileid.u32  }
0x2e0: {  	s1 =	rddreg [dreg:$0x1];
	p0 =	sne.s32 s2, $0x0  }
0x2e1: {  	s3 =	rddreg [dreg:$0x2];
	[bflag:$0x3] =	sbarrier.arrive $0xFFFF;
	s2 =	simm.s32 @!p0 $0x1C02  }
0x2e2: {  	[timem:s3], [sflag:s2] =	dma.local @!p0 [hbm:s0], s1  }
0x2e3: {  	s0 =	simm.s32 @!p0 $0x2  }
0x2e4: {  	_ =	swait.ge @!p0 [sflag:s0], s1  }
0x2e5: {  	s1 =	ssub.s32 @!p0 $0x0, s1;
	[sflag:s0] =	ssyncset.done @!p0 $0x0  }
0x2e6: {  	[sflag:s0] =	ssyncadd.s32 @!p0 s1  }
0x2e7: {  	[bflag:$0x3] =	sbarrier.arrive $0xFFFF  }
0x2e8: {  	_ =	shalt  }

</sc_bundles>
